<compile_context>
chip_gen: v7x
topology: tpu7x:2x2x1
jax: 0.10.2.dev20260603
libtpu: 0.0.44.dev20260713+nightly
codegen_flags: <defaults>
</compile_context>

<pallas_src>
import functools

import jax
import jax.numpy as jnp
from jax import lax
from jax.experimental import pallas as pl
from jax.experimental.pallas import tpu as pltpu
from jax.experimental.pallas import tpu_sc as plsc

B = 4
N_IMG = 576
IN_CH = 1024
D = 2048
MAXLEN = 2048
N_IMG_BLK = N_IMG + 2

NC = 2
NS = 16
NW = NC * NS
LANES = 16

ROWS = B * MAXLEN
ROWS_PER_W = ROWS // NW
CHUNK = 16
N_CHUNKS = ROWS_PER_W // CHUNK


def _round_up(n, m):
    return (n + m - 1) // m * m


def _sc_gather_body(table, inst, ans, cu, pad16, out,
                    rows0, rows1, rows2, inst_v, ans_v, cu_v,
                    sem0, sem1, sem2, sem3, sem4, sem5):
    cid = lax.axis_index("c")
    sid = lax.axis_index("s")
    b = cid * 2 + sid // 8
    sub8 = sid % 8
    po = sub8 * ROWS_PER_W
    base = b * MAXLEN + po

    pltpu.sync_copy(inst, inst_v)
    pltpu.sync_copy(ans, ans_v)
    pltpu.sync_copy(cu, cu_v)

    bvec = jnp.full((LANES,), b, dtype=jnp.int32)
    cu_i_b = plsc.load_gather(cu_v, [bvec])
    cu_i_b1 = plsc.load_gather(cu_v, [bvec + 1])
    cu_a_b = plsc.load_gather(cu_v, [bvec + 8])
    cu_a_b1 = plsc.load_gather(cu_v, [bvec + 9])
    li = cu_i_b1 - cu_i_b
    la = cu_a_b1 - cu_a_b
    ni = inst_v.shape[0]
    na = ans_v.shape[0]
    lane = lax.iota(jnp.int32, LANES)

    def tok_for(c):
        p = jnp.full((LANES,), po + c * LANES, dtype=jnp.int32) + lane
        inst_addr = jnp.clip(cu_i_b + p, 0, ni - 1)
        aoff = p - li - N_IMG_BLK
        ans_addr = jnp.clip(cu_a_b + aoff, 0, na - 1)
        ti = plsc.load_gather(inst_v, [inst_addr])
        ta = plsc.load_gather(ans_v, [ans_addr])
        is_inst = p < li
        is_ans = jnp.logical_and(aoff >= 0, aoff < la)
        return jnp.where(is_inst, ti, jnp.where(is_ans, ta, 0))

    bufs = (rows0, rows1)
    pad_rows = rows2
    gsems = (sem0, sem1)
    ssems = (sem3, sem4)

    pltpu.sync_copy(pad16, pad_rows)
    li_s = jnp.max(li)
    te_s = jnp.max(li + la) + N_IMG_BLK

    sh = [None, None]
    pend = [None, None]
    for c in range(N_CHUNKS):
        s = c % 2
        if sh[s] is not None:
            @pl.when(pend[s])
            def _(h=sh[s]):
                h.wait()
        p0 = po + c * CHUNK
        dst = out.at[pl.ds(base + c * CHUNK, CHUNK)]
        in_img = jnp.logical_and(p0 >= li_s, p0 + CHUNK <= li_s + N_IMG_BLK)
        tail_pad = p0 >= te_s

        @pl.when(tail_pad)
        def _():
            sh[s] = pltpu.async_copy(pad_rows, dst, ssems[s])

        @pl.when(jnp.logical_not(jnp.logical_or(in_img, tail_pad)))
        def _():
            pltpu.async_copy(table.at[tok_for(c)], bufs[s], gsems[s]).wait()
            sh[s] = pltpu.async_copy(bufs[s], dst, ssems[s])
        pend[s] = jnp.logical_not(in_img)
    for s in range(2):
        @pl.when(pend[s])
        def _(h=sh[s]):
            h.wait()


def _sc_gather(table, inst_p, ans_p, cu16, pad16):
    ni = inst_p.shape[0]
    na = ans_p.shape[0]
    mesh = plsc.VectorSubcoreMesh(core_axis_name="c", subcore_axis_name="s")
    return pl.kernel(
        _sc_gather_body,
        out_type=jax.ShapeDtypeStruct((ROWS, D), jnp.float32),
        mesh=mesh,
        compiler_params=pltpu.CompilerParams(needs_layout_passes=False),
        scratch_types=[
            pltpu.VMEM((CHUNK, D), jnp.float32),
            pltpu.VMEM((CHUNK, D), jnp.float32),
            pltpu.VMEM((CHUNK, D), jnp.float32),
            pltpu.VMEM((ni,), jnp.int32),
            pltpu.VMEM((na,), jnp.int32),
            pltpu.VMEM((16,), jnp.int32),
            pltpu.SemaphoreType.DMA,
            pltpu.SemaphoreType.DMA,
            pltpu.SemaphoreType.DMA,
            pltpu.SemaphoreType.DMA,
            pltpu.SemaphoreType.DMA,
            pltpu.SemaphoreType.DMA,
        ],
    )(table, inst_p, ans_p, cu16, pad16)


def _mlp_body(x_ref, w1_ref, b1_ref, w2_ref, b2_ref, vs_ref, ve_ref, out_ref):
    x = x_ref[0]
    h = jnp.dot(x, w1_ref[...], preferred_element_type=jnp.float32)
    h = jax.nn.gelu(h + b1_ref[...])
    p = jnp.dot(h, w2_ref[...], preferred_element_type=jnp.float32)
    p = p + b2_ref[...]
    out_ref[0] = jnp.concatenate([vs_ref[...], p, ve_ref[...]], axis=0)


def _mlp(img_tokens, W1, b1, W2, b2, vstart, vend):
    return pl.pallas_call(
        _mlp_body,
        grid=(B,),
        in_specs=[
            pl.BlockSpec((1, N_IMG, IN_CH), lambda i: (i, 0, 0)),
            pl.BlockSpec((IN_CH, D), lambda i: (0, 0)),
            pl.BlockSpec((1, D), lambda i: (0, 0)),
            pl.BlockSpec((D, D), lambda i: (0, 0)),
            pl.BlockSpec((1, D), lambda i: (0, 0)),
            pl.BlockSpec((1, D), lambda i: (0, 0)),
            pl.BlockSpec((1, D), lambda i: (0, 0)),
        ],
        out_specs=pl.BlockSpec((1, N_IMG_BLK, D), lambda i: (i, 0, 0)),
        out_shape=jax.ShapeDtypeStruct((B, N_IMG_BLK, D), jnp.float32),
        compiler_params=pltpu.CompilerParams(
            dimension_semantics=("arbitrary",),
        ),
    )(img_tokens, W1, b1.reshape(1, D), W2, b2.reshape(1, D),
      vstart.reshape(1, D), vend.reshape(1, D))


def _scatter_body(li_ref, img_ref, out_in_ref, out_ref,
                  swin_ref, hwin_ref, twin_ref, sem_h, sem_t, sem_i):
    b = pl.program_id(0)
    li = li_ref[b]
    a = (li // 8) * 8
    base = b * MAXLEN
    for r in range(8):
        off = (8 - r) % 8
        ilen = (N_IMG_BLK - off) // 8 * 8
        trem = N_IMG_BLK - off - ilen

        @pl.when(li % 8 == r)
        def _(r=r, off=off, ilen=ilen, trem=trem):
            idst = out_ref.at[pl.ds(pl.multiple_of(base + li + off, 8), ilen)]
            if off == 0:
                ic = pltpu.make_async_copy(
                    img_ref.at[0, pl.ds(0, ilen)], idst, sem_i)
            else:
                swin_ref[0:ilen] = img_ref[0, off:off + ilen]
                ic = pltpu.make_async_copy(
                    swin_ref.at[pl.ds(0, ilen)], idst, sem_i)
            ic.start()
            if r > 0:
                hslc = out_ref.at[pl.ds(pl.multiple_of(base + a, 8), 8)]
                hrd = pltpu.make_async_copy(hslc, hwin_ref, sem_h)
                hrd.start()
                hrd.wait()
                hwin_ref[r:8] = img_ref[0, 0:off]
                hwr = pltpu.make_async_copy(hwin_ref, hslc, sem_h)
                hwr.start()
                hwr.wait()
            if trem > 0:
                td = li + off + ilen
                tslc = out_ref.at[pl.ds(pl.multiple_of(base + td, 8), 8)]
                trd = pltpu.make_async_copy(tslc, twin_ref, sem_t)
                trd.start()
                trd.wait()
                twin_ref[0:trem] = img_ref[0, off + ilen:N_IMG_BLK]
                twr = pltpu.make_async_copy(twin_ref, tslc, sem_t)
                twr.start()
                twr.wait()
            ic.wait()


def _scatter(inst_len, img_block, out_flat):
    return pl.pallas_call(
        _scatter_body,
        grid=(B,),
        in_specs=[
            pl.BlockSpec(memory_space=pltpu.SMEM),
            pl.BlockSpec((1, N_IMG_BLK, D), lambda i: (i, 0, 0)),
            pl.BlockSpec(memory_space=pl.ANY),
        ],
        out_specs=pl.BlockSpec(memory_space=pl.ANY),
        out_shape=jax.ShapeDtypeStruct((ROWS, D), jnp.float32),
        input_output_aliases={2: 0},
        scratch_shapes=[
            pltpu.VMEM((N_IMG_BLK - 2, D), jnp.float32),
            pltpu.VMEM((8, D), jnp.float32),
            pltpu.VMEM((8, D), jnp.float32),
            pltpu.SemaphoreType.DMA,
            pltpu.SemaphoreType.DMA,
            pltpu.SemaphoreType.DMA,
        ],
        compiler_params=pltpu.CompilerParams(
            dimension_semantics=("arbitrary",),
        ),
    )(inst_len, img_block, out_flat)


def kernel(img_tokens, W1, b1, W2, b2, vstart, vend, table,
           inst_ids, ans_ids, cu_inst, cu_ans):
    ni_pad = _round_up(inst_ids.shape[0], 16)
    na_pad = _round_up(ans_ids.shape[0], 16)
    inst_p = jnp.pad(inst_ids, (0, ni_pad - inst_ids.shape[0]))
    ans_p = jnp.pad(ans_ids, (0, na_pad - ans_ids.shape[0]))
    cu16 = jnp.zeros((16,), jnp.int32)
    cu16 = cu16.at[0:B + 1].set(cu_inst)
    cu16 = cu16.at[8:8 + B + 1].set(cu_ans)

    inst_len = cu_inst[1:] - cu_inst[:-1]
    img_block = _mlp(img_tokens, W1, b1, W2, b2, vstart, vend)
    pad16 = jnp.broadcast_to(table[0], (CHUNK, D))
    out_flat = _sc_gather(table, inst_p, ans_p, cu16, pad16)
    out_flat = _scatter(inst_len, img_block, out_flat)
    return out_flat.reshape(B, MAXLEN, D)

# --- scband reference (transcript-rebuilt; emitter-appended) ---
"""Pipeline reference for scband-mllm-lla-va-mo-le-86706799772275 (READ-ONLY COPY).

The authoritative reference and input builder live on the scoring server;
editing this copy changes nothing except your own understanding.
"""

import jax, jax.numpy as jnp
import numpy as np

B = 4
N_IMG = 576
IN_CH = 1024
D = 2048
VOCAB = 32000
MAXLEN = 2048
PAD_ID = 0
N_IMG_BLK = N_IMG + 2
LEN_INST = np.array([300, 420, 384, 360], dtype=np.int32)
LEN_ANS = np.array([256, 200, 300, 280], dtype=np.int32)
CU_INST = np.concatenate([[0], np.cumsum(LEN_INST)]).astype(np.int32)
CU_ANS = np.concatenate([[0], np.cumsum(LEN_ANS)]).astype(np.int32)
T_INST = int(CU_INST[-1])
T_ANS = int(CU_ANS[-1])


def setup_inputs(seed: int = 0) -> dict:
    key = jax.random.key(seed)
    ks = jax.random.split(key, 10)
    img_tokens = jax.random.normal(ks[0], (B, N_IMG, IN_CH), dtype=jnp.float32)
    inst_ids = jax.random.randint(ks[1], (T_INST,), 0, VOCAB, dtype=jnp.int32)
    ans_ids = jax.random.randint(ks[2], (T_ANS,), 0, VOCAB, dtype=jnp.int32)
    cu_inst = jnp.asarray(CU_INST)
    cu_ans = jnp.asarray(CU_ANS)
    table = jax.random.normal(ks[3], (VOCAB, D), dtype=jnp.float32) * 0.02
    W1 = jax.random.normal(ks[4], (IN_CH, D), dtype=jnp.float32) * (IN_CH ** -0.5)
    b1 = jnp.zeros((D,), dtype=jnp.float32)
    W2 = jax.random.normal(ks[5], (D, D), dtype=jnp.float32) * (D ** -0.5)
    b2 = jnp.zeros((D,), dtype=jnp.float32)
    vstart = jax.random.normal(ks[6], (D,), dtype=jnp.float32) * (D ** -0.5)
    vend = jax.random.normal(ks[7], (D,), dtype=jnp.float32) * (D ** -0.5)
    return {"img_tokens": img_tokens, "W1": W1, "b1": b1, "W2": W2, "b2": b2,
            "vstart": vstart, "vend": vend, "table": table,
            "inst_ids": inst_ids, "ans_ids": ans_ids, "cu_inst": cu_inst, "cu_ans": cu_ans}


def reference(img_tokens, W1, b1, W2, b2, vstart, vend, table, inst_ids, ans_ids, cu_inst, cu_ans):
    # 2-layer MLP projector (Linear -> GELU -> Linear), as in MLLM_InputAdaptor_Vicuna
    h = jnp.dot(img_tokens, W1) + b1
    h = jax.nn.gelu(h)
    proj = jnp.dot(h, W2) + b2
    st = jnp.broadcast_to(vstart, (B, 1, D))
    en = jnp.broadcast_to(vend, (B, 1, D))
    img_block = jnp.concatenate([st, proj, en], axis=1)  # [B, N_IMG+2, D]
    # text embeddings are frozen (do_not_train -> detach)
    inst_emb = jax.lax.stop_gradient(jnp.take(table, inst_ids, axis=0))
    ans_emb = jax.lax.stop_gradient(jnp.take(table, ans_ids, axis=0))
    inst_len = cu_inst[1:] - cu_inst[:-1]
    pad_emb = jax.lax.stop_gradient(table[PAD_ID])
    out = jnp.broadcast_to(pad_emb, (B, MAXLEN, D))
    # ragged -> padded packing: instruction tokens first
    t_i = jnp.arange(inst_ids.shape[0])
    b_i = jnp.searchsorted(cu_inst, t_i, side='right') - 1
    p_i = t_i - cu_inst[b_i]
    out = out.at[b_i, p_i].set(inst_emb)
    # image block right after each sample's instruction
    p_img = inst_len[:, None] + jnp.arange(N_IMG_BLK)[None, :]
    out = out.at[jnp.arange(B)[:, None], p_img].set(img_block)
    # answer tokens after the image block
    t_a = jnp.arange(ans_ids.shape[0])
    b_a = jnp.searchsorted(cu_ans, t_a, side='right') - 1
    p_a = t_a - cu_ans[b_a] + inst_len[b_a] + N_IMG_BLK
    out = out.at[b_a, p_a].set(ans_emb)
    return out

if __name__ == "__main__":
    import jax
    _d = setup_inputs()
    print(jax.jit(kernel)(*tuple(_d.values())))

</pallas_src>

<mosaic_0001>
#map = affine_map<(d0, d1) -> (0, 0)>
#map1 = affine_map<(d0, d1) -> (0)>
module attributes {stable_mosaic.version = 14 : i64} {
  func.func @_sc_gather_body(%arg0: i32, %arg1: i32, %arg2: memref<32000x2048xf32, #tpu.memory_space<hbm>>, %arg3: memref<1472xi32, #tpu.memory_space<hbm>>, %arg4: memref<1040xi32, #tpu.memory_space<hbm>>, %arg5: memref<16xi32, #tpu.memory_space<hbm>>, %arg6: memref<16x2048xf32, #tpu.memory_space<hbm>>, %arg7: memref<8192x2048xf32, #tpu.memory_space<hbm>>, %arg8: memref<16x2048xf32, #tpu.memory_space<vmem>>, %arg9: memref<16x2048xf32, #tpu.memory_space<vmem>>, %arg10: memref<16x2048xf32, #tpu.memory_space<vmem>>, %arg11: memref<1472xi32, #tpu.memory_space<vmem>>, %arg12: memref<1040xi32, #tpu.memory_space<vmem>>, %arg13: memref<16xi32, #tpu.memory_space<vmem>>, %arg14: memref<!tpu.dma_semaphore, #tpu.memory_space<semaphore_mem>>, %arg15: memref<!tpu.dma_semaphore, #tpu.memory_space<semaphore_mem>>, %arg16: memref<!tpu.dma_semaphore, #tpu.memory_space<semaphore_mem>>, %arg17: memref<!tpu.dma_semaphore, #tpu.memory_space<semaphore_mem>>, %arg18: memref<!tpu.dma_semaphore, #tpu.memory_space<semaphore_mem>>, %arg19: memref<!tpu.dma_semaphore, #tpu.memory_space<semaphore_mem>>) attributes {dimension_semantics = [#tpu.dimension_semantics<core_parallel>, #tpu.dimension_semantics<subcore_parallel>], iteration_bounds = array<i64: 2, 16>, scalar_prefetch = 0 : i64, scratch_operands = 12 : i64, tpu.core_type = #tpu.core_type<sc_vector_subcore>, window_params = [{transform_indices = #map}, {transform_indices = #map1}, {transform_indices = #map1}, {transform_indices = #map1}, {transform_indices = #map}, {transform_indices = #map}]} {
    %mul3A = arith.constant 2 : i32
    %mul3A_0 = arith.muli %arg0, %mul3A : i32
    %jit3A = arith.constant 8 : i32
    %div3A = arith.divsi %arg1, %jit3A : i32
    %sign3A = arith.constant 0 : i32
    %sign3A_1 = arith.cmpi sgt, %arg1, %sign3A : i32
    %sign3A_2 = arith.extui %sign3A_1 : i1 to i32
    %sign3A_3 = arith.constant 0 : i32
    %sign3A_4 = arith.cmpi slt, %arg1, %sign3A_3 : i32
    %sign3A_5 = arith.extui %sign3A_4 : i1 to i32
    %sign3A_6 = arith.subi %sign3A_2, %sign3A_5 : i32
    %sign3A_7 = arith.constant 0 : i32
    %sign3A_8 = arith.cmpi sgt, %jit3A, %sign3A_7 : i32
    %sign3A_9 = arith.extui %sign3A_8 : i1 to i32
    %sign3A_10 = arith.constant 0 : i32
    %sign3A_11 = arith.cmpi slt, %jit3A, %sign3A_10 : i32
    %sign3A_12 = arith.extui %sign3A_11 : i1 to i32
    %sign3A_13 = arith.subi %sign3A_9, %sign3A_12 : i32
    %ne3A = arith.cmpi ne, %sign3A_6, %sign3A_13 : i32
    %rem3A = arith.remsi %arg1, %jit3A : i32
    %ne3A_14 = arith.constant 0 : i32
    %ne3A_15 = arith.cmpi ne, %rem3A, %ne3A_14 : i32
    %and3A = arith.andi %ne3A, %ne3A_15 : i1
    %sub3A = arith.constant 1 : i32
    %sub3A_16 = arith.subi %div3A, %sub3A : i32
    %select_n3A = arith.select %and3A, %sub3A_16, %div3A : i32
    %add3A = arith.addi %mul3A_0, %select_n3A : i32
    %jit3A_17 = arith.constant 8 : i32
    %eq3A = arith.constant 0 : i32
    %eq3A_18 = arith.cmpi eq, %jit3A_17, %eq3A : i32
    %jit3A_19 = arith.constant 1 : i32
    %select_n3A_20 = arith.select %eq3A_18, %jit3A_19, %jit3A_17 : i32
    %rem3A_21 = arith.remsi %arg1, %select_n3A_20 : i32
    %ne3A_22 = arith.constant 0 : i32
    %ne3A_23 = arith.cmpi ne, %rem3A_21, %ne3A_22 : i32
    %lt3A = arith.constant 0 : i32
    %lt3A_24 = arith.cmpi slt, %rem3A_21, %lt3A : i32
    %lt3A_25 = arith.constant 0 : i32
    %lt3A_26 = arith.cmpi slt, %select_n3A_20, %lt3A_25 : i32
    %ne3A_27 = arith.xori %lt3A_24, %lt3A_26 : i1
    %and3A_28 = arith.andi %ne3A_27, %ne3A_23 : i1
    %add3A_29 = arith.addi %rem3A_21, %select_n3A_20 : i32
    %select_n3A_30 = arith.select %and3A_28, %add3A_29, %rem3A_21 : i32
    %mul3A_31 = arith.constant 256 : i32
    %mul3A_32 = arith.muli %select_n3A_30, %mul3A_31 : i32
    %mul3A_33 = arith.constant 2048 : i32
    %mul3A_34 = arith.muli %add3A, %mul3A_33 : i32
    %add3A_35 = arith.addi %mul3A_34, %mul3A_32 : i32
    "tpu.region"() ({
      %run_scoped3A = tpu.sem_alloc : memref<!tpu.dma_semaphore, #tpu.memory_space<semaphore_mem>>
      tpu.enqueue_dma source(%arg3 : memref<1472xi32, #tpu.memory_space<hbm>>) target(%arg11 : memref<1472xi32, #tpu.memory_space<vmem>>) target_semaphore(%run_scoped3A : memref<!tpu.dma_semaphore, #tpu.memory_space<semaphore_mem>>)
      tpu.wait_dma2 semaphore(%run_scoped3A : memref<!tpu.dma_semaphore, #tpu.memory_space<semaphore_mem>>) src(%arg3 : memref<1472xi32, #tpu.memory_space<hbm>>) dst(%arg11 : memref<1472xi32, #tpu.memory_space<vmem>>)
      tpu.yield
    }) : () -> ()
    "tpu.region"() ({
      %run_scoped3A = tpu.sem_alloc : memref<!tpu.dma_semaphore, #tpu.memory_space<semaphore_mem>>
      tpu.enqueue_dma source(%arg4 : memref<1040xi32, #tpu.memory_space<hbm>>) target(%arg12 : memref<1040xi32, #tpu.memory_space<vmem>>) target_semaphore(%run_scoped3A : memref<!tpu.dma_semaphore, #tpu.memory_space<semaphore_mem>>)
      tpu.wait_dma2 semaphore(%run_scoped3A : memref<!tpu.dma_semaphore, #tpu.memory_space<semaphore_mem>>) src(%arg4 : memref<1040xi32, #tpu.memory_space<hbm>>) dst(%arg12 : memref<1040xi32, #tpu.memory_space<vmem>>)
      tpu.yield
    }) : () -> ()
    "tpu.region"() ({
      %run_scoped3A = tpu.sem_alloc : memref<!tpu.dma_semaphore, #tpu.memory_space<semaphore_mem>>
      tpu.enqueue_dma source(%arg5 : memref<16xi32, #tpu.memory_space<hbm>>) target(%arg13 : memref<16xi32, #tpu.memory_space<vmem>>) target_semaphore(%run_scoped3A : memref<!tpu.dma_semaphore, #tpu.memory_space<semaphore_mem>>)
      tpu.wait_dma2 semaphore(%run_scoped3A : memref<!tpu.dma_semaphore, #tpu.memory_space<semaphore_mem>>) src(%arg5 : memref<16xi32, #tpu.memory_space<hbm>>) dst(%arg13 : memref<16xi32, #tpu.memory_space<vmem>>)
      tpu.yield
    }) : () -> ()
    %broadcast_in_dim3A = vector.broadcast %add3A : i32 to vector<16xi32>
    %gather3A = tpu.vector_load_idx %arg13[%broadcast_in_dim3A] : memref<16xi32, #tpu.memory_space<vmem>>[vector<16xi32>], vector<16xi32>,
    %add3A_36 = arith.constant 1 : i32
    %add3A_37 = vector.broadcast %add3A_36 : i32 to vector<16xi32>
    %add3A_38 = arith.addi %broadcast_in_dim3A, %add3A_37 : vector<16xi32>
    %gather3A_39 = tpu.vector_load_idx %arg13[%add3A_38] : memref<16xi32, #tpu.memory_space<vmem>>[vector<16xi32>], vector<16xi32>,
    %add3A_40 = arith.constant 8 : i32
    %add3A_41 = vector.broadcast %add3A_40 : i32 to vector<16xi32>
    %add3A_42 = arith.addi %broadcast_in_dim3A, %add3A_41 : vector<16xi32>
    %gather3A_43 = tpu.vector_load_idx %arg13[%add3A_42] : memref<16xi32, #tpu.memory_space<vmem>>[vector<16xi32>], vector<16xi32>,
    %add3A_44 = arith.constant 9 : i32
    %add3A_45 = vector.broadcast %add3A_44 : i32 to vector<16xi32>
    %add3A_46 = arith.addi %broadcast_in_dim3A, %add3A_45 : vector<16xi32>
    %gather3A_47 = tpu.vector_load_idx %arg13[%add3A_46] : memref<16xi32, #tpu.memory_space<vmem>>[vector<16xi32>], vector<16xi32>,
    %sub3A_48 = arith.subi %gather3A_39, %gather3A : vector<16xi32>
    %sub3A_49 = arith.subi %gather3A_47, %gather3A_43 : vector<16xi32>
    %iota3A = tpu.iota {dimensions = array<i32: 0>} : vector<16xi32>
    "tpu.region"() ({
      %run_scoped3A = tpu.sem_alloc : memref<!tpu.dma_semaphore, #tpu.memory_space<semaphore_mem>>
      tpu.enqueue_dma source(%arg6 : memref<16x2048xf32, #tpu.memory_space<hbm>>) target(%arg10 : memref<16x2048xf32, #tpu.memory_space<vmem>>) target_semaphore(%run_scoped3A : memref<!tpu.dma_semaphore, #tpu.memory_space<semaphore_mem>>)
      tpu.wait_dma2 semaphore(%run_scoped3A : memref<!tpu.dma_semaphore, #tpu.memory_space<semaphore_mem>>) src(%arg6 : memref<16x2048xf32, #tpu.memory_space<hbm>>) dst(%arg10 : memref<16x2048xf32, #tpu.memory_space<vmem>>)
      tpu.yield
    }) : () -> ()
    %reduce_max3A = arith.constant true
    %reduce_max3A_50 = vector.broadcast %reduce_max3A : i1 to vector<16xi1>
    %reduce_max3A_51 = arith.constant -2147483648 : i32
    %reduce_max3A_52 = vector.broadcast %reduce_max3A_51 : i32 to vector<16xi32>
    %reduce_max3A_53 = arith.xori %sub3A_48, %reduce_max3A_52 : vector<16xi32>
    %reduce_max3A_54 = tpu.scan <max>, %reduce_max3A_53 masked %reduce_max3A_50 : vector<16xi32>, vector<16xi1> -> vector<16xi32>
    %reduce_max3A_55 = arith.xori %reduce_max3A_54, %reduce_max3A_52 : vector<16xi32>
    %reduce_max3A_56 = vector.extract %reduce_max3A_55[15] : i32 from vector<16xi32>
    %add3A_57 = arith.addi %sub3A_48, %sub3A_49 : vector<16xi32>
    %reduce_max3A_58 = arith.constant true
    %reduce_max3A_59 = vector.broadcast %reduce_max3A_58 : i1 to vector<16xi1>
    %reduce_max3A_60 = arith.constant -2147483648 : i32
    %reduce_max3A_61 = vector.broadcast %reduce_max3A_60 : i32 to vector<16xi32>
    %reduce_max3A_62 = arith.xori %add3A_57, %reduce_max3A_61 : vector<16xi32>
    %reduce_max3A_63 = tpu.scan <max>, %reduce_max3A_62 masked %reduce_max3A_59 : vector<16xi32>, vector<16xi1> -> vector<16xi32>
    %reduce_max3A_64 = arith.xori %reduce_max3A_63, %reduce_max3A_61 : vector<16xi32>
    %reduce_max3A_65 = vector.extract %reduce_max3A_64[15] : i32 from vector<16xi32>
    %add3A_66 = arith.constant 578 : i32
    %add3A_67 = arith.addi %reduce_max3A_65, %add3A_66 : i32
    %add3A_68 = arith.constant 0 : i32
    %add3A_69 = arith.addi %mul3A_32, %add3A_68 : i32
    %add3A_70 = arith.constant 0 : i32
    %add3A_71 = arith.addi %add3A_35, %add3A_70 : i32
    %ge3A = arith.cmpi sge, %add3A_69, %reduce_max3A_56 : i32
    %add3A_72 = arith.constant 16 : i32
    %add3A_73 = arith.addi %add3A_69, %add3A_72 : i32
    %add3A_74 = arith.constant 578 : i32
    %add3A_75 = arith.addi %reduce_max3A_56, %add3A_74 : i32
    %le3A = arith.cmpi sle, %add3A_73, %add3A_75 : i32
    %and3A_76 = arith.andi %ge3A, %le3A : i1
    %ge3A_77 = arith.cmpi sge, %add3A_69, %add3A_67 : i32
    %convert_element_type3A = arith.extui %ge3A_77 : i1 to i32
    %cond3A = arith.constant 0 : i32
    %cond3A_78 = arith.cmpi ne, %convert_element_type3A, %cond3A : i32
    scf.if %cond3A_78 {
      %dma_start3A = arith.constant 0 : i32
      %dma_start3A_478 = tpu.memref_slice %arg7[%add3A_71, %dma_start3A] : memref<8192x2048xf32, #tpu.memory_space<hbm>> -> memref<16x2048xf32, #tpu.memory_space<hbm>>
      %dma_start3A_479 = arith.constant 0 : i32
      %dma_start3A_480 = tpu.memref_slice %arg7[%add3A_71, %dma_start3A_479] : memref<8192x2048xf32, #tpu.memory_space<hbm>> -> memref<16x2048xf32, #tpu.memory_space<hbm>>
      tpu.enqueue_dma source(%arg10 : memref<16x2048xf32, #tpu.memory_space<vmem>>) target(%dma_start3A_480 : memref<16x2048xf32, #tpu.memory_space<hbm>>) target_semaphore(%arg17 : memref<!tpu.dma_semaphore, #tpu.memory_space<semaphore_mem>>)
    } else {
    }
    %or3A = arith.ori %and3A_76, %ge3A_77 : i1
    %not3A = arith.constant true
    %not3A_79 = arith.xori %or3A, %not3A : i1
    %convert_element_type3A_80 = arith.extui %not3A_79 : i1 to i32
    %cond3A_81 = arith.constant 0 : i32
    %cond3A_82 = arith.cmpi ne, %convert_element_type3A_80, %cond3A_81 : i32
    scf.if %cond3A_82 {
      %add3A_478 = arith.constant 0 : i32
      %add3A_479 = arith.addi %mul3A_32, %add3A_478 : i32
      %broadcast_in_dim3A_480 = vector.broadcast %add3A_479 : i32 to vector<16xi32>
      %add3A_481 = arith.addi %broadcast_in_dim3A_480, %iota3A : vector<16xi32>
      %add3A_482 = arith.addi %gather3A, %add3A_481 : vector<16xi32>
      %jit3A_483 = arith.constant 0 : i32
      %jit3A_484 = arith.constant 1471 : i32
      %max3A = vector.broadcast %jit3A_483 : i32 to vector<16xi32>
      %max3A_485 = arith.maxsi %max3A, %add3A_482 : vector<16xi32>
      %min3A = vector.broadcast %jit3A_484 : i32 to vector<16xi32>
      %min3A_486 = arith.minsi %min3A, %max3A_485 : vector<16xi32>
      %sub3A_487 = arith.subi %add3A_481, %sub3A_48 : vector<16xi32>
      %sub3A_488 = arith.constant 578 : i32
      %sub3A_489 = vector.broadcast %sub3A_488 : i32 to vector<16xi32>
      %sub3A_490 = arith.subi %sub3A_487, %sub3A_489 : vector<16xi32>
      %add3A_491 = arith.addi %gather3A_43, %sub3A_490 : vector<16xi32>
      %jit3A_492 = arith.constant 0 : i32
      %jit3A_493 = arith.constant 1039 : i32
      %max3A_494 = vector.broadcast %jit3A_492 : i32 to vector<16xi32>
      %max3A_495 = arith.maxsi %max3A_494, %add3A_491 : vector<16xi32>
      %min3A_496 = vector.broadcast %jit3A_493 : i32 to vector<16xi32>
      %min3A_497 = arith.minsi %min3A_496, %max3A_495 : vector<16xi32>
      %gather3A_498 = tpu.vector_load_idx %arg11[%min3A_486] : memref<1472xi32, #tpu.memory_space<vmem>>[vector<16xi32>], vector<16xi32>,
      %gather3A_499 = tpu.vector_load_idx %arg12[%min3A_497] : memref<1040xi32, #tpu.memory_space<vmem>>[vector<16xi32>], vector<16xi32>,
      %lt3A_500 = arith.cmpi slt, %add3A_481, %sub3A_48 : vector<16xi32>
      %ge3A_501 = arith.constant 0 : i32
      %ge3A_502 = vector.broadcast %ge3A_501 : i32 to vector<16xi32>
      %ge3A_503 = arith.cmpi sge, %sub3A_490, %ge3A_502 : vector<16xi32>
      %lt3A_504 = arith.cmpi slt, %sub3A_490, %sub3A_49 : vector<16xi32>
      %and3A_505 = arith.andi %ge3A_503, %lt3A_504 : vector<16xi1>
      %jit3A_506 = arith.constant 0 : i32
      %broadcast_in_dim3A_507 = vector.broadcast %jit3A_506 : i32 to vector<16xi32>
      %select_n3A_508 = arith.select %and3A_505, %gather3A_499, %broadcast_in_dim3A_507 : vector<16xi1>, vector<16xi32>
      %select_n3A_509 = arith.select %lt3A_500, %gather3A_498, %select_n3A_508 : vector<16xi1>, vector<16xi32>
      %dma_start3A = arith.constant 0 : i32
      %dma_start3A_510 = arith.constant 0 : i32
      %dma_start3A_511 = tpu.memref_slice %arg2[%dma_start3A, %dma_start3A_510] : memref<32000x2048xf32, #tpu.memory_space<hbm>> -> memref<32000x2048xf32, #tpu.memory_space<hbm>>
      tpu.enqueue_indirect_dma source(%dma_start3A_511 : memref<32000x2048xf32, #tpu.memory_space<hbm>>) target(%arg8 : memref<16x2048xf32, #tpu.memory_space<vmem>>) offsets(%select_n3A_509 : vector<16xi32>) semaphore(%arg14 : memref<!tpu.dma_semaphore, #tpu.memory_space<semaphore_mem>>)
      %dma_wait3A = arith.constant 0 : i32
      %dma_wait3A_512 = arith.constant 0 : i32
      %dma_wait3A_513 = tpu.memref_slice %arg2[%dma_wait3A, %dma_wait3A_512] : memref<32000x2048xf32, #tpu.memory_space<hbm>> -> memref<32000x2048xf32, #tpu.memory_space<hbm>>
      tpu.wait_indirect_dma semaphore(%arg14 : memref<!tpu.dma_semaphore, #tpu.memory_space<semaphore_mem>>) src(%dma_wait3A_513 : memref<32000x2048xf32, #tpu.memory_space<hbm>>) dst(%arg8 : memref<16x2048xf32, #tpu.memory_space<vmem>>)
      %dma_start3A_514 = arith.constant 0 : i32
      %dma_start3A_515 = tpu.memref_slice %arg7[%add3A_71, %dma_start3A_514] : memref<8192x2048xf32, #tpu.memory_space<hbm>> -> memref<16x2048xf32, #tpu.memory_space<hbm>>
      %dma_start3A_516 = arith.constant 0 : i32
      %dma_start3A_517 = tpu.memref_slice %arg7[%add3A_71, %dma_start3A_516] : memref<8192x2048xf32, #tpu.memory_space<hbm>> -> memref<16x2048xf32, #tpu.memory_space<hbm>>
      tpu.enqueue_dma source(%arg8 : memref<16x2048xf32, #tpu.memory_space<vmem>>) target(%dma_start3A_517 : memref<16x2048xf32, #tpu.memory_space<hbm>>) target_semaphore(%arg17 : memref<!tpu.dma_semaphore, #tpu.memory_space<semaphore_mem>>)
    } else {
    }
    %not3A_83 = arith.constant true
    %not3A_84 = arith.xori %and3A_76, %not3A_83 : i1
    %add3A_85 = arith.constant 16 : i32
    %add3A_86 = arith.addi %mul3A_32, %add3A_85 : i32
    %add3A_87 = arith.constant 16 : i32
    %add3A_88 = arith.addi %add3A_35, %add3A_87 : i32
    %ge3A_89 = arith.cmpi sge, %add3A_86, %reduce_max3A_56 : i32
    %add3A_90 = arith.constant 16 : i32
    %add3A_91 = arith.addi %add3A_86, %add3A_90 : i32
    %add3A_92 = arith.constant 578 : i32
    %add3A_93 = arith.addi %reduce_max3A_56, %add3A_92 : i32
    %le3A_94 = arith.cmpi sle, %add3A_91, %add3A_93 : i32
    %and3A_95 = arith.andi %ge3A_89, %le3A_94 : i1
    %ge3A_96 = arith.cmpi sge, %add3A_86, %add3A_67 : i32
    %convert_element_type3A_97 = arith.extui %ge3A_96 : i1 to i32
    %cond3A_98 = arith.constant 0 : i32
    %cond3A_99 = arith.cmpi ne, %convert_element_type3A_97, %cond3A_98 : i32
    scf.if %cond3A_99 {
      %dma_start3A = arith.constant 0 : i32
      %dma_start3A_478 = tpu.memref_slice %arg7[%add3A_88, %dma_start3A] : memref<8192x2048xf32, #tpu.memory_space<hbm>> -> memref<16x2048xf32, #tpu.memory_space<hbm>>
      %dma_start3A_479 = arith.constant 0 : i32
      %dma_start3A_480 = tpu.memref_slice %arg7[%add3A_88, %dma_start3A_479] : memref<8192x2048xf32, #tpu.memory_space<hbm>> -> memref<16x2048xf32, #tpu.memory_space<hbm>>
      tpu.enqueue_dma source(%arg10 : memref<16x2048xf32, #tpu.memory_space<vmem>>) target(%dma_start3A_480 : memref<16x2048xf32, #tpu.memory_space<hbm>>) target_semaphore(%arg18 : memref<!tpu.dma_semaphore, #tpu.memory_space<semaphore_mem>>)
    } else {
    }
    %or3A_100 = arith.ori %and3A_95, %ge3A_96 : i1
    %not3A_101 = arith.constant true
    %not3A_102 = arith.xori %or3A_100, %not3A_101 : i1
    %convert_element_type3A_103 = arith.extui %not3A_102 : i1 to i32
    %cond3A_104 = arith.constant 0 : i32
    %cond3A_105 = arith.cmpi ne, %convert_element_type3A_103, %cond3A_104 : i32
    scf.if %cond3A_105 {
      %add3A_478 = arith.constant 16 : i32
      %add3A_479 = arith.addi %mul3A_32, %add3A_478 : i32
      %broadcast_in_dim3A_480 = vector.broadcast %add3A_479 : i32 to vector<16xi32>
      %add3A_481 = arith.addi %broadcast_in_dim3A_480, %iota3A : vector<16xi32>
      %add3A_482 = arith.addi %gather3A, %add3A_481 : vector<16xi32>
      %jit3A_483 = arith.constant 0 : i32
      %jit3A_484 = arith.constant 1471 : i32
      %max3A = vector.broadcast %jit3A_483 : i32 to vector<16xi32>
      %max3A_485 = arith.maxsi %max3A, %add3A_482 : vector<16xi32>
      %min3A = vector.broadcast %jit3A_484 : i32 to vector<16xi32>
      %min3A_486 = arith.minsi %min3A, %max3A_485 : vector<16xi32>
      %sub3A_487 = arith.subi %add3A_481, %sub3A_48 : vector<16xi32>
      %sub3A_488 = arith.constant 578 : i32
      %sub3A_489 = vector.broadcast %sub3A_488 : i32 to vector<16xi32>
      %sub3A_490 = arith.subi %sub3A_487, %sub3A_489 : vector<16xi32>
      %add3A_491 = arith.addi %gather3A_43, %sub3A_490 : vector<16xi32>
      %jit3A_492 = arith.constant 0 : i32
      %jit3A_493 = arith.constant 1039 : i32
      %max3A_494 = vector.broadcast %jit3A_492 : i32 to vector<16xi32>
      %max3A_495 = arith.maxsi %max3A_494, %add3A_491 : vector<16xi32>
      %min3A_496 = vector.broadcast %jit3A_493 : i32 to vector<16xi32>
      %min3A_497 = arith.minsi %min3A_496, %max3A_495 : vector<16xi32>
      %gather3A_498 = tpu.vector_load_idx %arg11[%min3A_486] : memref<1472xi32, #tpu.memory_space<vmem>>[vector<16xi32>], vector<16xi32>,
      %gather3A_499 = tpu.vector_load_idx %arg12[%min3A_497] : memref<1040xi32, #tpu.memory_space<vmem>>[vector<16xi32>], vector<16xi32>,
      %lt3A_500 = arith.cmpi slt, %add3A_481, %sub3A_48 : vector<16xi32>
      %ge3A_501 = arith.constant 0 : i32
      %ge3A_502 = vector.broadcast %ge3A_501 : i32 to vector<16xi32>
      %ge3A_503 = arith.cmpi sge, %sub3A_490, %ge3A_502 : vector<16xi32>
      %lt3A_504 = arith.cmpi slt, %sub3A_490, %sub3A_49 : vector<16xi32>
      %and3A_505 = arith.andi %ge3A_503, %lt3A_504 : vector<16xi1>
      %jit3A_506 = arith.constant 0 : i32
      %broadcast_in_dim3A_507 = vector.broadcast %jit3A_506 : i32 to vector<16xi32>
      %select_n3A_508 = arith.select %and3A_505, %gather3A_499, %broadcast_in_dim3A_507 : vector<16xi1>, vector<16xi32>
      %select_n3A_509 = arith.select %lt3A_500, %gather3A_498, %select_n3A_508 : vector<16xi1>, vector<16xi32>
      %dma_start3A = arith.constant 0 : i32
      %dma_start3A_510 = arith.constant 0 : i32
      %dma_start3A_511 = tpu.memref_slice %arg2[%dma_start3A, %dma_start3A_510] : memref<32000x2048xf32, #tpu.memory_space<hbm>> -> memref<32000x2048xf32, #tpu.memory_space<hbm>>
      tpu.enqueue_indirect_dma source(%dma_start3A_511 : memref<32000x2048xf32, #tpu.memory_space<hbm>>) target(%arg9 : memref<16x2048xf32, #tpu.memory_space<vmem>>) offsets(%select_n3A_509 : vector<16xi32>) semaphore(%arg15 : memref<!tpu.dma_semaphore, #tpu.memory_space<semaphore_mem>>)
      %dma_wait3A = arith.constant 0 : i32
      %dma_wait3A_512 = arith.constant 0 : i32
      %dma_wait3A_513 = tpu.memref_slice %arg2[%dma_wait3A, %dma_wait3A_512] : memref<32000x2048xf32, #tpu.memory_space<hbm>> -> memref<32000x2048xf32, #tpu.memory_space<hbm>>
      tpu.wait_indirect_dma semaphore(%arg15 : memref<!tpu.dma_semaphore, #tpu.memory_space<semaphore_mem>>) src(%dma_wait3A_513 : memref<32000x2048xf32, #tpu.memory_space<hbm>>) dst(%arg9 : memref<16x2048xf32, #tpu.memory_space<vmem>>)
      %dma_start3A_514 = arith.constant 0 : i32
      %dma_start3A_515 = tpu.memref_slice %arg7[%add3A_88, %dma_start3A_514] : memref<8192x2048xf32, #tpu.memory_space<hbm>> -> memref<16x2048xf32, #tpu.memory_space<hbm>>
      %dma_start3A_516 = arith.constant 0 : i32
      %dma_start3A_517 = tpu.memref_slice %arg7[%add3A_88, %dma_start3A_516] : memref<8192x2048xf32, #tpu.memory_space<hbm>> -> memref<16x2048xf32, #tpu.memory_space<hbm>>
      tpu.enqueue_dma source(%arg9 : memref<16x2048xf32, #tpu.memory_space<vmem>>) target(%dma_start3A_517 : memref<16x2048xf32, #tpu.memory_space<hbm>>) target_semaphore(%arg18 : memref<!tpu.dma_semaphore, #tpu.memory_space<semaphore_mem>>)
    } else {
    }
    %not3A_106 = arith.constant true
    %not3A_107 = arith.xori %and3A_95, %not3A_106 : i1
    %convert_element_type3A_108 = arith.extui %not3A_84 : i1 to i32
    %cond3A_109 = arith.constant 0 : i32
    %cond3A_110 = arith.cmpi ne, %convert_element_type3A_108, %cond3A_109 : i32
    scf.if %cond3A_110 {
      %dma_wait3A = arith.constant 0 : i32
      %dma_wait3A_478 = tpu.memref_slice %arg7[%add3A_71, %dma_wait3A] : memref<8192x2048xf32, #tpu.memory_space<hbm>> -> memref<16x2048xf32, #tpu.memory_space<hbm>>
      %dma_wait3A_479 = arith.constant 0 : i32
      %dma_wait3A_480 = tpu.memref_slice %arg7[%add3A_71, %dma_wait3A_479] : memref<8192x2048xf32, #tpu.memory_space<hbm>> -> memref<16x2048xf32, #tpu.memory_space<hbm>>
      tpu.wait_dma2 semaphore(%arg17 : memref<!tpu.dma_semaphore, #tpu.memory_space<semaphore_mem>>) src(%arg8 : memref<16x2048xf32, #tpu.memory_space<vmem>>) dst(%dma_wait3A_480 : memref<16x2048xf32, #tpu.memory_space<hbm>>)
    } else {
    }
    %add3A_111 = arith.constant 32 : i32
    %add3A_112 = arith.addi %mul3A_32, %add3A_111 : i32
    %add3A_113 = arith.constant 32 : i32
    %add3A_114 = arith.addi %add3A_35, %add3A_113 : i32
    %ge3A_115 = arith.cmpi sge, %add3A_112, %reduce_max3A_56 : i32
    %add3A_116 = arith.constant 16 : i32
    %add3A_117 = arith.addi %add3A_112, %add3A_116 : i32
    %add3A_118 = arith.constant 578 : i32
    %add3A_119 = arith.addi %reduce_max3A_56, %add3A_118 : i32
    %le3A_120 = arith.cmpi sle, %add3A_117, %add3A_119 : i32
    %and3A_121 = arith.andi %ge3A_115, %le3A_120 : i1
    %ge3A_122 = arith.cmpi sge, %add3A_112, %add3A_67 : i32
    %convert_element_type3A_123 = arith.extui %ge3A_122 : i1 to i32
    %cond3A_124 = arith.constant 0 : i32
    %cond3A_125 = arith.cmpi ne, %convert_element_type3A_123, %cond3A_124 : i32
    scf.if %cond3A_125 {
      %dma_start3A = arith.constant 0 : i32
      %dma_start3A_478 = tpu.memref_slice %arg7[%add3A_114, %dma_start3A] : memref<8192x2048xf32, #tpu.memory_space<hbm>> -> memref<16x2048xf32, #tpu.memory_space<hbm>>
      %dma_start3A_479 = arith.constant 0 : i32
      %dma_start3A_480 = tpu.memref_slice %arg7[%add3A_114, %dma_start3A_479] : memref<8192x2048xf32, #tpu.memory_space<hbm>> -> memref<16x2048xf32, #tpu.memory_space<hbm>>
      tpu.enqueue_dma source(%arg10 : memref<16x2048xf32, #tpu.memory_space<vmem>>) target(%dma_start3A_480 : memref<16x2048xf32, #tpu.memory_space<hbm>>) target_semaphore(%arg17 : memref<!tpu.dma_semaphore, #tpu.memory_space<semaphore_mem>>)
    } else {
    }
    %or3A_126 = arith.ori %and3A_121, %ge3A_122 : i1
    %not3A_127 = arith.constant true
    %not3A_128 = arith.xori %or3A_126, %not3A_127 : i1
    %convert_element_type3A_129 = arith.extui %not3A_128 : i1 to i32
    %cond3A_130 = arith.constant 0 : i32
    %cond3A_131 = arith.cmpi ne, %convert_element_type3A_129, %cond3A_130 : i32
    scf.if %cond3A_131 {
      %add3A_478 = arith.constant 32 : i32
      %add3A_479 = arith.addi %mul3A_32, %add3A_478 : i32
      %broadcast_in_dim3A_480 = vector.broadcast %add3A_479 : i32 to vector<16xi32>
      %add3A_481 = arith.addi %broadcast_in_dim3A_480, %iota3A : vector<16xi32>
      %add3A_482 = arith.addi %gather3A, %add3A_481 : vector<16xi32>
      %jit3A_483 = arith.constant 0 : i32
      %jit3A_484 = arith.constant 1471 : i32
      %max3A = vector.broadcast %jit3A_483 : i32 to vector<16xi32>
      %max3A_485 = arith.maxsi %max3A, %add3A_482 : vector<16xi32>
      %min3A = vector.broadcast %jit3A_484 : i32 to vector<16xi32>
      %min3A_486 = arith.minsi %min3A, %max3A_485 : vector<16xi32>
      %sub3A_487 = arith.subi %add3A_481, %sub3A_48 : vector<16xi32>
      %sub3A_488 = arith.constant 578 : i32
      %sub3A_489 = vector.broadcast %sub3A_488 : i32 to vector<16xi32>
      %sub3A_490 = arith.subi %sub3A_487, %sub3A_489 : vector<16xi32>
      %add3A_491 = arith.addi %gather3A_43, %sub3A_490 : vector<16xi32>
      %jit3A_492 = arith.constant 0 : i32
      %jit3A_493 = arith.constant 1039 : i32
      %max3A_494 = vector.broadcast %jit3A_492 : i32 to vector<16xi32>
      %max3A_495 = arith.maxsi %max3A_494, %add3A_491 : vector<16xi32>
      %min3A_496 = vector.broadcast %jit3A_493 : i32 to vector<16xi32>
      %min3A_497 = arith.minsi %min3A_496, %max3A_495 : vector<16xi32>
      %gather3A_498 = tpu.vector_load_idx %arg11[%min3A_486] : memref<1472xi32, #tpu.memory_space<vmem>>[vector<16xi32>], vector<16xi32>,
      %gather3A_499 = tpu.vector_load_idx %arg12[%min3A_497] : memref<1040xi32, #tpu.memory_space<vmem>>[vector<16xi32>], vector<16xi32>,
      %lt3A_500 = arith.cmpi slt, %add3A_481, %sub3A_48 : vector<16xi32>
      %ge3A_501 = arith.constant 0 : i32
      %ge3A_502 = vector.broadcast %ge3A_501 : i32 to vector<16xi32>
      %ge3A_503 = arith.cmpi sge, %sub3A_490, %ge3A_502 : vector<16xi32>
      %lt3A_504 = arith.cmpi slt, %sub3A_490, %sub3A_49 : vector<16xi32>
      %and3A_505 = arith.andi %ge3A_503, %lt3A_504 : vector<16xi1>
      %jit3A_506 = arith.constant 0 : i32
      %broadcast_in_dim3A_507 = vector.broadcast %jit3A_506 : i32 to vector<16xi32>
      %select_n3A_508 = arith.select %and3A_505, %gather3A_499, %broadcast_in_dim3A_507 : vector<16xi1>, vector<16xi32>
      %select_n3A_509 = arith.select %lt3A_500, %gather3A_498, %select_n3A_508 : vector<16xi1>, vector<16xi32>
      %dma_start3A = arith.constant 0 : i32
      %dma_start3A_510 = arith.constant 0 : i32
      %dma_start3A_511 = tpu.memref_slice %arg2[%dma_start3A, %dma_start3A_510] : memref<32000x2048xf32, #tpu.memory_space<hbm>> -> memref<32000x2048xf32, #tpu.memory_space<hbm>>
      tpu.enqueue_indirect_dma source(%dma_start3A_511 : memref<32000x2048xf32, #tpu.memory_space<hbm>>) target(%arg8 : memref<16x2048xf32, #tpu.memory_space<vmem>>) offsets(%select_n3A_509 : vector<16xi32>) semaphore(%arg14 : memref<!tpu.dma_semaphore, #tpu.memory_space<semaphore_mem>>)
      %dma_wait3A = arith.constant 0 : i32
      %dma_wait3A_512 = arith.constant 0 : i32
      %dma_wait3A_513 = tpu.memref_slice %arg2[%dma_wait3A, %dma_wait3A_512] : memref<32000x2048xf32, #tpu.memory_space<hbm>> -> memref<32000x2048xf32, #tpu.memory_space<hbm>>
      tpu.wait_indirect_dma semaphore(%arg14 : memref<!tpu.dma_semaphore, #tpu.memory_space<semaphore_mem>>) src(%dma_wait3A_513 : memref<32000x2048xf32, #tpu.memory_space<hbm>>) dst(%arg8 : memref<16x2048xf32, #tpu.memory_space<vmem>>)
      %dma_start3A_514 = arith.constant 0 : i32
      %dma_start3A_515 = tpu.memref_slice %arg7[%add3A_114, %dma_start3A_514] : memref<8192x2048xf32, #tpu.memory_space<hbm>> -> memref<16x2048xf32, #tpu.memory_space<hbm>>
      %dma_start3A_516 = arith.constant 0 : i32
      %dma_start3A_517 = tpu.memref_slice %arg7[%add3A_114, %dma_start3A_516] : memref<8192x2048xf32, #tpu.memory_space<hbm>> -> memref<16x2048xf32, #tpu.memory_space<hbm>>
      tpu.enqueue_dma source(%arg8 : memref<16x2048xf32, #tpu.memory_space<vmem>>) target(%dma_start3A_517 : memref<16x2048xf32, #tpu.memory_space<hbm>>) target_semaphore(%arg17 : memref<!tpu.dma_semaphore, #tpu.memory_space<semaphore_mem>>)
    } else {
    }
    %not3A_132 = arith.constant true
    %not3A_133 = arith.xori %and3A_121, %not3A_132 : i1
    %convert_element_type3A_134 = arith.extui %not3A_107 : i1 to i32
    %cond3A_135 = arith.constant 0 : i32
    %cond3A_136 = arith.cmpi ne, %convert_element_type3A_134, %cond3A_135 : i32
    scf.if %cond3A_136 {
      %dma_wait3A = arith.constant 0 : i32
      %dma_wait3A_478 = tpu.memref_slice %arg7[%add3A_88, %dma_wait3A] : memref<8192x2048xf32, #tpu.memory_space<hbm>> -> memref<16x2048xf32, #tpu.memory_space<hbm>>
      %dma_wait3A_479 = arith.constant 0 : i32
      %dma_wait3A_480 = tpu.memref_slice %arg7[%add3A_88, %dma_wait3A_479] : memref<8192x2048xf32, #tpu.memory_space<hbm>> -> memref<16x2048xf32, #tpu.memory_space<hbm>>
      tpu.wait_dma2 semaphore(%arg18 : memref<!tpu.dma_semaphore, #tpu.memory_space<semaphore_mem>>) src(%arg9 : memref<16x2048xf32, #tpu.memory_space<vmem>>) dst(%dma_wait3A_480 : memref<16x2048xf32, #tpu.memory_space<hbm>>)
    } else {
    }
    %add3A_137 = arith.constant 48 : i32
    %add3A_138 = arith.addi %mul3A_32, %add3A_137 : i32
    %add3A_139 = arith.constant 48 : i32
    %add3A_140 = arith.addi %add3A_35, %add3A_139 : i32
    %ge3A_141 = arith.cmpi sge, %add3A_138, %reduce_max3A_56 : i32
    %add3A_142 = arith.constant 16 : i32
    %add3A_143 = arith.addi %add3A_138, %add3A_142 : i32
    %add3A_144 = arith.constant 578 : i32
    %add3A_145 = arith.addi %reduce_max3A_56, %add3A_144 : i32
    %le3A_146 = arith.cmpi sle, %add3A_143, %add3A_145 : i32
    %and3A_147 = arith.andi %ge3A_141, %le3A_146 : i1
    %ge3A_148 = arith.cmpi sge, %add3A_138, %add3A_67 : i32
    %convert_element_type3A_149 = arith.extui %ge3A_148 : i1 to i32
    %cond3A_150 = arith.constant 0 : i32
    %cond3A_151 = arith.cmpi ne, %convert_element_type3A_149, %cond3A_150 : i32
    scf.if %cond3A_151 {
      %dma_start3A = arith.constant 0 : i32
      %dma_start3A_478 = tpu.memref_slice %arg7[%add3A_140, %dma_start3A] : memref<8192x2048xf32, #tpu.memory_space<hbm>> -> memref<16x2048xf32, #tpu.memory_space<hbm>>
      %dma_start3A_479 = arith.constant 0 : i32
      %dma_start3A_480 = tpu.memref_slice %arg7[%add3A_140, %dma_start3A_479] : memref<8192x2048xf32, #tpu.memory_space<hbm>> -> memref<16x2048xf32, #tpu.memory_space<hbm>>
      tpu.enqueue_dma source(%arg10 : memref<16x2048xf32, #tpu.memory_space<vmem>>) target(%dma_start3A_480 : memref<16x2048xf32, #tpu.memory_space<hbm>>) target_semaphore(%arg18 : memref<!tpu.dma_semaphore, #tpu.memory_space<semaphore_mem>>)
    } else {
    }
    %or3A_152 = arith.ori %and3A_147, %ge3A_148 : i1
    %not3A_153 = arith.constant true
    %not3A_154 = arith.xori %or3A_152, %not3A_153 : i1
    %convert_element_type3A_155 = arith.extui %not3A_154 : i1 to i32
    %cond3A_156 = arith.constant 0 : i32
    %cond3A_157 = arith.cmpi ne, %convert_element_type3A_155, %cond3A_156 : i32
    scf.if %cond3A_157 {
      %add3A_478 = arith.constant 48 : i32
      %add3A_479 = arith.addi %mul3A_32, %add3A_478 : i32
      %broadcast_in_dim3A_480 = vector.broadcast %add3A_479 : i32 to vector<16xi32>
      %add3A_481 = arith.addi %broadcast_in_dim3A_480, %iota3A : vector<16xi32>
      %add3A_482 = arith.addi %gather3A, %add3A_481 : vector<16xi32>
      %jit3A_483 = arith.constant 0 : i32
      %jit3A_484 = arith.constant 1471 : i32
      %max3A = vector.broadcast %jit3A_483 : i32 to vector<16xi32>
      %max3A_485 = arith.maxsi %max3A, %add3A_482 : vector<16xi32>
      %min3A = vector.broadcast %jit3A_484 : i32 to vector<16xi32>
      %min3A_486 = arith.minsi %min3A, %max3A_485 : vector<16xi32>
      %sub3A_487 = arith.subi %add3A_481, %sub3A_48 : vector<16xi32>
      %sub3A_488 = arith.constant 578 : i32
      %sub3A_489 = vector.broadcast %sub3A_488 : i32 to vector<16xi32>
      %sub3A_490 = arith.subi %sub3A_487, %sub3A_489 : vector<16xi32>
      %add3A_491 = arith.addi %gather3A_43, %sub3A_490 : vector<16xi32>
      %jit3A_492 = arith.constant 0 : i32
      %jit3A_493 = arith.constant 1039 : i32
      %max3A_494 = vector.broadcast %jit3A_492 : i32 to vector<16xi32>
      %max3A_495 = arith.maxsi %max3A_494, %add3A_491 : vector<16xi32>
      %min3A_496 = vector.broadcast %jit3A_493 : i32 to vector<16xi32>
      %min3A_497 = arith.minsi %min3A_496, %max3A_495 : vector<16xi32>
      %gather3A_498 = tpu.vector_load_idx %arg11[%min3A_486] : memref<1472xi32, #tpu.memory_space<vmem>>[vector<16xi32>], vector<16xi32>,
      %gather3A_499 = tpu.vector_load_idx %arg12[%min3A_497] : memref<1040xi32, #tpu.memory_space<vmem>>[vector<16xi32>], vector<16xi32>,
      %lt3A_500 = arith.cmpi slt, %add3A_481, %sub3A_48 : vector<16xi32>
      %ge3A_501 = arith.constant 0 : i32
      %ge3A_502 = vector.broadcast %ge3A_501 : i32 to vector<16xi32>
      %ge3A_503 = arith.cmpi sge, %sub3A_490, %ge3A_502 : vector<16xi32>
      %lt3A_504 = arith.cmpi slt, %sub3A_490, %sub3A_49 : vector<16xi32>
      %and3A_505 = arith.andi %ge3A_503, %lt3A_504 : vector<16xi1>
      %jit3A_506 = arith.constant 0 : i32
      %broadcast_in_dim3A_507 = vector.broadcast %jit3A_506 : i32 to vector<16xi32>
      %select_n3A_508 = arith.select %and3A_505, %gather3A_499, %broadcast_in_dim3A_507 : vector<16xi1>, vector<16xi32>
      %select_n3A_509 = arith.select %lt3A_500, %gather3A_498, %select_n3A_508 : vector<16xi1>, vector<16xi32>
      %dma_start3A = arith.constant 0 : i32
      %dma_start3A_510 = arith.constant 0 : i32
      %dma_start3A_511 = tpu.memref_slice %arg2[%dma_start3A, %dma_start3A_510] : memref<32000x2048xf32, #tpu.memory_space<hbm>> -> memref<32000x2048xf32, #tpu.memory_space<hbm>>
      tpu.enqueue_indirect_dma source(%dma_start3A_511 : memref<32000x2048xf32, #tpu.memory_space<hbm>>) target(%arg9 : memref<16x2048xf32, #tpu.memory_space<vmem>>) offsets(%select_n3A_509 : vector<16xi32>) semaphore(%arg15 : memref<!tpu.dma_semaphore, #tpu.memory_space<semaphore_mem>>)
      %dma_wait3A = arith.constant 0 : i32
      %dma_wait3A_512 = arith.constant 0 : i32
      %dma_wait3A_513 = tpu.memref_slice %arg2[%dma_wait3A, %dma_wait3A_512] : memref<32000x2048xf32, #tpu.memory_space<hbm>> -> memref<32000x2048xf32, #tpu.memory_space<hbm>>
      tpu.wait_indirect_dma semaphore(%arg15 : memref<!tpu.dma_semaphore, #tpu.memory_space<semaphore_mem>>) src(%dma_wait3A_513 : memref<32000x2048xf32, #tpu.memory_space<hbm>>) dst(%arg9 : memref<16x2048xf32, #tpu.memory_space<vmem>>)
      %dma_start3A_514 = arith.constant 0 : i32
      %dma_start3A_515 = tpu.memref_slice %arg7[%add3A_140, %dma_start3A_514] : memref<8192x2048xf32, #tpu.memory_space<hbm>> -> memref<16x2048xf32, #tpu.memory_space<hbm>>
      %dma_start3A_516 = arith.constant 0 : i32
      %dma_start3A_517 = tpu.memref_slice %arg7[%add3A_140, %dma_start3A_516] : memref<8192x2048xf32, #tpu.memory_space<hbm>> -> memref<16x2048xf32, #tpu.memory_space<hbm>>
      tpu.enqueue_dma source(%arg9 : memref<16x2048xf32, #tpu.memory_space<vmem>>) target(%dma_start3A_517 : memref<16x2048xf32, #tpu.memory_space<hbm>>) target_semaphore(%arg18 : memref<!tpu.dma_semaphore, #tpu.memory_space<semaphore_mem>>)
    } else {
    }
    %not3A_158 = arith.constant true
    %not3A_159 = arith.xori %and3A_147, %not3A_158 : i1
    %convert_element_type3A_160 = arith.extui %not3A_133 : i1 to i32
    %cond3A_161 = arith.constant 0 : i32
    %cond3A_162 = arith.cmpi ne, %convert_element_type3A_160, %cond3A_161 : i32
    scf.if %cond3A_162 {
      %dma_wait3A = arith.constant 0 : i32
      %dma_wait3A_478 = tpu.memref_slice %arg7[%add3A_114, %dma_wait3A] : memref<8192x2048xf32, #tpu.memory_space<hbm>> -> memref<16x2048xf32, #tpu.memory_space<hbm>>
      %dma_wait3A_479 = arith.constant 0 : i32
      %dma_wait3A_480 = tpu.memref_slice %arg7[%add3A_114, %dma_wait3A_479] : memref<8192x2048xf32, #tpu.memory_space<hbm>> -> memref<16x2048xf32, #tpu.memory_space<hbm>>
      tpu.wait_dma2 semaphore(%arg17 : memref<!tpu.dma_semaphore, #tpu.memory_space<semaphore_mem>>) src(%arg8 : memref<16x2048xf32, #tpu.memory_space<vmem>>) dst(%dma_wait3A_480 : memref<16x2048xf32, #tpu.memory_space<hbm>>)
    } else {
    }
    %add3A_163 = arith.constant 64 : i32
    %add3A_164 = arith.addi %mul3A_32, %add3A_163 : i32
    %add3A_165 = arith.constant 64 : i32
    %add3A_166 = arith.addi %add3A_35, %add3A_165 : i32
    %ge3A_167 = arith.cmpi sge, %add3A_164, %reduce_max3A_56 : i32
    %add3A_168 = arith.constant 16 : i32
    %add3A_169 = arith.addi %add3A_164, %add3A_168 : i32
    %add3A_170 = arith.constant 578 : i32
    %add3A_171 = arith.addi %reduce_max3A_56, %add3A_170 : i32
    %le3A_172 = arith.cmpi sle, %add3A_169, %add3A_171 : i32
    %and3A_173 = arith.andi %ge3A_167, %le3A_172 : i1
    %ge3A_174 = arith.cmpi sge, %add3A_164, %add3A_67 : i32
    %convert_element_type3A_175 = arith.extui %ge3A_174 : i1 to i32
    %cond3A_176 = arith.constant 0 : i32
    %cond3A_177 = arith.cmpi ne, %convert_element_type3A_175, %cond3A_176 : i32
    scf.if %cond3A_177 {
      %dma_start3A = arith.constant 0 : i32
      %dma_start3A_478 = tpu.memref_slice %arg7[%add3A_166, %dma_start3A] : memref<8192x2048xf32, #tpu.memory_space<hbm>> -> memref<16x2048xf32, #tpu.memory_space<hbm>>
      %dma_start3A_479 = arith.constant 0 : i32
      %dma_start3A_480 = tpu.memref_slice %arg7[%add3A_166, %dma_start3A_479] : memref<8192x2048xf32, #tpu.memory_space<hbm>> -> memref<16x2048xf32, #tpu.memory_space<hbm>>
      tpu.enqueue_dma source(%arg10 : memref<16x2048xf32, #tpu.memory_space<vmem>>) target(%dma_start3A_480 : memref<16x2048xf32, #tpu.memory_space<hbm>>) target_semaphore(%arg17 : memref<!tpu.dma_semaphore, #tpu.memory_space<semaphore_mem>>)
    } else {
    }
    %or3A_178 = arith.ori %and3A_173, %ge3A_174 : i1
    %not3A_179 = arith.constant true
    %not3A_180 = arith.xori %or3A_178, %not3A_179 : i1
    %convert_element_type3A_181 = arith.extui %not3A_180 : i1 to i32
    %cond3A_182 = arith.constant 0 : i32
    %cond3A_183 = arith.cmpi ne, %convert_element_type3A_181, %cond3A_182 : i32
    scf.if %cond3A_183 {
      %add3A_478 = arith.constant 64 : i32
      %add3A_479 = arith.addi %mul3A_32, %add3A_478 : i32
      %broadcast_in_dim3A_480 = vector.broadcast %add3A_479 : i32 to vector<16xi32>
      %add3A_481 = arith.addi %broadcast_in_dim3A_480, %iota3A : vector<16xi32>
      %add3A_482 = arith.addi %gather3A, %add3A_481 : vector<16xi32>
      %jit3A_483 = arith.constant 0 : i32
      %jit3A_484 = arith.constant 1471 : i32
      %max3A = vector.broadcast %jit3A_483 : i32 to vector<16xi32>
      %max3A_485 = arith.maxsi %max3A, %add3A_482 : vector<16xi32>
      %min3A = vector.broadcast %jit3A_484 : i32 to vector<16xi32>
      %min3A_486 = arith.minsi %min3A, %max3A_485 : vector<16xi32>
      %sub3A_487 = arith.subi %add3A_481, %sub3A_48 : vector<16xi32>
      %sub3A_488 = arith.constant 578 : i32
      %sub3A_489 = vector.broadcast %sub3A_488 : i32 to vector<16xi32>
      %sub3A_490 = arith.subi %sub3A_487, %sub3A_489 : vector<16xi32>
      %add3A_491 = arith.addi %gather3A_43, %sub3A_490 : vector<16xi32>
      %jit3A_492 = arith.constant 0 : i32
      %jit3A_493 = arith.constant 1039 : i32
      %max3A_494 = vector.broadcast %jit3A_492 : i32 to vector<16xi32>
      %max3A_495 = arith.maxsi %max3A_494, %add3A_491 : vector<16xi32>
      %min3A_496 = vector.broadcast %jit3A_493 : i32 to vector<16xi32>
      %min3A_497 = arith.minsi %min3A_496, %max3A_495 : vector<16xi32>
      %gather3A_498 = tpu.vector_load_idx %arg11[%min3A_486] : memref<1472xi32, #tpu.memory_space<vmem>>[vector<16xi32>], vector<16xi32>,
      %gather3A_499 = tpu.vector_load_idx %arg12[%min3A_497] : memref<1040xi32, #tpu.memory_space<vmem>>[vector<16xi32>], vector<16xi32>,
      %lt3A_500 = arith.cmpi slt, %add3A_481, %sub3A_48 : vector<16xi32>
      %ge3A_501 = arith.constant 0 : i32
      %ge3A_502 = vector.broadcast %ge3A_501 : i32 to vector<16xi32>
      %ge3A_503 = arith.cmpi sge, %sub3A_490, %ge3A_502 : vector<16xi32>
      %lt3A_504 = arith.cmpi slt, %sub3A_490, %sub3A_49 : vector<16xi32>
      %and3A_505 = arith.andi %ge3A_503, %lt3A_504 : vector<16xi1>
      %jit3A_506 = arith.constant 0 : i32
      %broadcast_in_dim3A_507 = vector.broadcast %jit3A_506 : i32 to vector<16xi32>
      %select_n3A_508 = arith.select %and3A_505, %gather3A_499, %broadcast_in_dim3A_507 : vector<16xi1>, vector<16xi32>
      %select_n3A_509 = arith.select %lt3A_500, %gather3A_498, %select_n3A_508 : vector<16xi1>, vector<16xi32>
      %dma_start3A = arith.constant 0 : i32
      %dma_start3A_510 = arith.constant 0 : i32
      %dma_start3A_511 = tpu.memref_slice %arg2[%dma_start3A, %dma_start3A_510] : memref<32000x2048xf32, #tpu.memory_space<hbm>> -> memref<32000x2048xf32, #tpu.memory_space<hbm>>
      tpu.enqueue_indirect_dma source(%dma_start3A_511 : memref<32000x2048xf32, #tpu.memory_space<hbm>>) target(%arg8 : memref<16x2048xf32, #tpu.memory_space<vmem>>) offsets(%select_n3A_509 : vector<16xi32>) semaphore(%arg14 : memref<!tpu.dma_semaphore, #tpu.memory_space<semaphore_mem>>)
      %dma_wait3A = arith.constant 0 : i32
      %dma_wait3A_512 = arith.constant 0 : i32
      %dma_wait3A_513 = tpu.memref_slice %arg2[%dma_wait3A, %dma_wait3A_512] : memref<32000x2048xf32, #tpu.memory_space<hbm>> -> memref<32000x2048xf32, #tpu.memory_space<hbm>>
      tpu.wait_indirect_dma semaphore(%arg14 : memref<!tpu.dma_semaphore, #tpu.memory_space<semaphore_mem>>) src(%dma_wait3A_513 : memref<32000x2048xf32, #tpu.memory_space<hbm>>) dst(%arg8 : memref<16x2048xf32, #tpu.memory_space<vmem>>)
      %dma_start3A_514 = arith.constant 0 : i32
      %dma_start3A_515 = tpu.memref_slice %arg7[%add3A_166, %dma_start3A_514] : memref<8192x2048xf32, #tpu.memory_space<hbm>> -> memref<16x2048xf32, #tpu.memory_space<hbm>>
      %dma_start3A_516 = arith.constant 0 : i32
      %dma_start3A_517 = tpu.memref_slice %arg7[%add3A_166, %dma_start3A_516] : memref<8192x2048xf32, #tpu.memory_space<hbm>> -> memref<16x2048xf32, #tpu.memory_space<hbm>>
      tpu.enqueue_dma source(%arg8 : memref<16x2048xf32, #tpu.memory_space<vmem>>) target(%dma_start3A_517 : memref<16x2048xf32, #tpu.memory_space<hbm>>) target_semaphore(%arg17 : memref<!tpu.dma_semaphore, #tpu.memory_space<semaphore_mem>>)
    } else {
    }
    %not3A_184 = arith.constant true
    %not3A_185 = arith.xori %and3A_173, %not3A_184 : i1
    %convert_element_type3A_186 = arith.extui %not3A_159 : i1 to i32
    %cond3A_187 = arith.constant 0 : i32
    %cond3A_188 = arith.cmpi ne, %convert_element_type3A_186, %cond3A_187 : i32
    scf.if %cond3A_188 {
      %dma_wait3A = arith.constant 0 : i32
      %dma_wait3A_478 = tpu.memref_slice %arg7[%add3A_140, %dma_wait3A] : memref<8192x2048xf32, #tpu.memory_space<hbm>> -> memref<16x2048xf32, #tpu.memory_space<hbm>>
      %dma_wait3A_479 = arith.constant 0 : i32
      %dma_wait3A_480 = tpu.memref_slice %arg7[%add3A_140, %dma_wait3A_479] : memref<8192x2048xf32, #tpu.memory_space<hbm>> -> memref<16x2048xf32, #tpu.memory_space<hbm>>
      tpu.wait_dma2 semaphore(%arg18 : memref<!tpu.dma_semaphore, #tpu.memory_space<semaphore_mem>>) src(%arg9 : memref<16x2048xf32, #tpu.memory_space<vmem>>) dst(%dma_wait3A_480 : memref<16x2048xf32, #tpu.memory_space<hbm>>)
    } else {
    }
    %add3A_189 = arith.constant 80 : i32
    %add3A_190 = arith.addi %mul3A_32, %add3A_189 : i32
    %add3A_191 = arith.constant 80 : i32
    %add3A_192 = arith.addi %add3A_35, %add3A_191 : i32
    %ge3A_193 = arith.cmpi sge, %add3A_190, %reduce_max3A_56 : i32
    %add3A_194 = arith.constant 16 : i32
    %add3A_195 = arith.addi %add3A_190, %add3A_194 : i32
    %add3A_196 = arith.constant 578 : i32
    %add3A_197 = arith.addi %reduce_max3A_56, %add3A_196 : i32
    %le3A_198 = arith.cmpi sle, %add3A_195, %add3A_197 : i32
    %and3A_199 = arith.andi %ge3A_193, %le3A_198 : i1
    %ge3A_200 = arith.cmpi sge, %add3A_190, %add3A_67 : i32
    %convert_element_type3A_201 = arith.extui %ge3A_200 : i1 to i32
    %cond3A_202 = arith.constant 0 : i32
    %cond3A_203 = arith.cmpi ne, %convert_element_type3A_201, %cond3A_202 : i32
    scf.if %cond3A_203 {
      %dma_start3A = arith.constant 0 : i32
      %dma_start3A_478 = tpu.memref_slice %arg7[%add3A_192, %dma_start3A] : memref<8192x2048xf32, #tpu.memory_space<hbm>> -> memref<16x2048xf32, #tpu.memory_space<hbm>>
      %dma_start3A_479 = arith.constant 0 : i32
      %dma_start3A_480 = tpu.memref_slice %arg7[%add3A_192, %dma_start3A_479] : memref<8192x2048xf32, #tpu.memory_space<hbm>> -> memref<16x2048xf32, #tpu.memory_space<hbm>>
      tpu.enqueue_dma source(%arg10 : memref<16x2048xf32, #tpu.memory_space<vmem>>) target(%dma_start3A_480 : memref<16x2048xf32, #tpu.memory_space<hbm>>) target_semaphore(%arg18 : memref<!tpu.dma_semaphore, #tpu.memory_space<semaphore_mem>>)
    } else {
    }
    %or3A_204 = arith.ori %and3A_199, %ge3A_200 : i1
    %not3A_205 = arith.constant true
    %not3A_206 = arith.xori %or3A_204, %not3A_205 : i1
    %convert_element_type3A_207 = arith.extui %not3A_206 : i1 to i32
    %cond3A_208 = arith.constant 0 : i32
    %cond3A_209 = arith.cmpi ne, %convert_element_type3A_207, %cond3A_208 : i32
    scf.if %cond3A_209 {
      %add3A_478 = arith.constant 80 : i32
      %add3A_479 = arith.addi %mul3A_32, %add3A_478 : i32
      %broadcast_in_dim3A_480 = vector.broadcast %add3A_479 : i32 to vector<16xi32>
      %add3A_481 = arith.addi %broadcast_in_dim3A_480, %iota3A : vector<16xi32>
      %add3A_482 = arith.addi %gather3A, %add3A_481 : vector<16xi32>
      %jit3A_483 = arith.constant 0 : i32
      %jit3A_484 = arith.constant 1471 : i32
      %max3A = vector.broadcast %jit3A_483 : i32 to vector<16xi32>
      %max3A_485 = arith.maxsi %max3A, %add3A_482 : vector<16xi32>
      %min3A = vector.broadcast %jit3A_484 : i32 to vector<16xi32>
      %min3A_486 = arith.minsi %min3A, %max3A_485 : vector<16xi32>
      %sub3A_487 = arith.subi %add3A_481, %sub3A_48 : vector<16xi32>
      %sub3A_488 = arith.constant 578 : i32
      %sub3A_489 = vector.broadcast %sub3A_488 : i32 to vector<16xi32>
      %sub3A_490 = arith.subi %sub3A_487, %sub3A_489 : vector<16xi32>
      %add3A_491 = arith.addi %gather3A_43, %sub3A_490 : vector<16xi32>
      %jit3A_492 = arith.constant 0 : i32
      %jit3A_493 = arith.constant 1039 : i32
      %max3A_494 = vector.broadcast %jit3A_492 : i32 to vector<16xi32>
      %max3A_495 = arith.maxsi %max3A_494, %add3A_491 : vector<16xi32>
      %min3A_496 = vector.broadcast %jit3A_493 : i32 to vector<16xi32>
      %min3A_497 = arith.minsi %min3A_496, %max3A_495 : vector<16xi32>
      %gather3A_498 = tpu.vector_load_idx %arg11[%min3A_486] : memref<1472xi32, #tpu.memory_space<vmem>>[vector<16xi32>], vector<16xi32>,
      %gather3A_499 = tpu.vector_load_idx %arg12[%min3A_497] : memref<1040xi32, #tpu.memory_space<vmem>>[vector<16xi32>], vector<16xi32>,
      %lt3A_500 = arith.cmpi slt, %add3A_481, %sub3A_48 : vector<16xi32>
      %ge3A_501 = arith.constant 0 : i32
      %ge3A_502 = vector.broadcast %ge3A_501 : i32 to vector<16xi32>
      %ge3A_503 = arith.cmpi sge, %sub3A_490, %ge3A_502 : vector<16xi32>
      %lt3A_504 = arith.cmpi slt, %sub3A_490, %sub3A_49 : vector<16xi32>
      %and3A_505 = arith.andi %ge3A_503, %lt3A_504 : vector<16xi1>
      %jit3A_506 = arith.constant 0 : i32
      %broadcast_in_dim3A_507 = vector.broadcast %jit3A_506 : i32 to vector<16xi32>
      %select_n3A_508 = arith.select %and3A_505, %gather3A_499, %broadcast_in_dim3A_507 : vector<16xi1>, vector<16xi32>
      %select_n3A_509 = arith.select %lt3A_500, %gather3A_498, %select_n3A_508 : vector<16xi1>, vector<16xi32>
      %dma_start3A = arith.constant 0 : i32
      %dma_start3A_510 = arith.constant 0 : i32
      %dma_start3A_511 = tpu.memref_slice %arg2[%dma_start3A, %dma_start3A_510] : memref<32000x2048xf32, #tpu.memory_space<hbm>> -> memref<32000x2048xf32, #tpu.memory_space<hbm>>
      tpu.enqueue_indirect_dma source(%dma_start3A_511 : memref<32000x2048xf32, #tpu.memory_space<hbm>>) target(%arg9 : memref<16x2048xf32, #tpu.memory_space<vmem>>) offsets(%select_n3A_509 : vector<16xi32>) semaphore(%arg15 : memref<!tpu.dma_semaphore, #tpu.memory_space<semaphore_mem>>)
      %dma_wait3A = arith.constant 0 : i32
      %dma_wait3A_512 = arith.constant 0 : i32
      %dma_wait3A_513 = tpu.memref_slice %arg2[%dma_wait3A, %dma_wait3A_512] : memref<32000x2048xf32, #tpu.memory_space<hbm>> -> memref<32000x2048xf32, #tpu.memory_space<hbm>>
      tpu.wait_indirect_dma semaphore(%arg15 : memref<!tpu.dma_semaphore, #tpu.memory_space<semaphore_mem>>) src(%dma_wait3A_513 : memref<32000x2048xf32, #tpu.memory_space<hbm>>) dst(%arg9 : memref<16x2048xf32, #tpu.memory_space<vmem>>)
      %dma_start3A_514 = arith.constant 0 : i32
      %dma_start3A_515 = tpu.memref_slice %arg7[%add3A_192, %dma_start3A_514] : memref<8192x2048xf32, #tpu.memory_space<hbm>> -> memref<16x2048xf32, #tpu.memory_space<hbm>>
      %dma_start3A_516 = arith.constant 0 : i32
      %dma_start3A_517 = tpu.memref_slice %arg7[%add3A_192, %dma_start3A_516] : memref<8192x2048xf32, #tpu.memory_space<hbm>> -> memref<16x2048xf32, #tpu.memory_space<hbm>>
      tpu.enqueue_dma source(%arg9 : memref<16x2048xf32, #tpu.memory_space<vmem>>) target(%dma_start3A_517 : memref<16x2048xf32, #tpu.memory_space<hbm>>) target_semaphore(%arg18 : memref<!tpu.dma_semaphore, #tpu.memory_space<semaphore_mem>>)
    } else {
    }
    %not3A_210 = arith.constant true
    %not3A_211 = arith.xori %and3A_199, %not3A_210 : i1
    %convert_element_type3A_212 = arith.extui %not3A_185 : i1 to i32
    %cond3A_213 = arith.constant 0 : i32
    %cond3A_214 = arith.cmpi ne, %convert_element_type3A_212, %cond3A_213 : i32
    scf.if %cond3A_214 {
      %dma_wait3A = arith.constant 0 : i32
      %dma_wait3A_478 = tpu.memref_slice %arg7[%add3A_166, %dma_wait3A] : memref<8192x2048xf32, #tpu.memory_space<hbm>> -> memref<16x2048xf32, #tpu.memory_space<hbm>>
      %dma_wait3A_479 = arith.constant 0 : i32
      %dma_wait3A_480 = tpu.memref_slice %arg7[%add3A_166, %dma_wait3A_479] : memref<8192x2048xf32, #tpu.memory_space<hbm>> -> memref<16x2048xf32, #tpu.memory_space<hbm>>
      tpu.wait_dma2 semaphore(%arg17 : memref<!tpu.dma_semaphore, #tpu.memory_space<semaphore_mem>>) src(%arg8 : memref<16x2048xf32, #tpu.memory_space<vmem>>) dst(%dma_wait3A_480 : memref<16x2048xf32, #tpu.memory_space<hbm>>)
    } else {
    }
    %add3A_215 = arith.constant 96 : i32
    %add3A_216 = arith.addi %mul3A_32, %add3A_215 : i32
    %add3A_217 = arith.constant 96 : i32
    %add3A_218 = arith.addi %add3A_35, %add3A_217 : i32
    %ge3A_219 = arith.cmpi sge, %add3A_216, %reduce_max3A_56 : i32
    %add3A_220 = arith.constant 16 : i32
    %add3A_221 = arith.addi %add3A_216, %add3A_220 : i32
    %add3A_222 = arith.constant 578 : i32
    %add3A_223 = arith.addi %reduce_max3A_56, %add3A_222 : i32
    %le3A_224 = arith.cmpi sle, %add3A_221, %add3A_223 : i32
    %and3A_225 = arith.andi %ge3A_219, %le3A_224 : i1
    %ge3A_226 = arith.cmpi sge, %add3A_216, %add3A_67 : i32
    %convert_element_type3A_227 = arith.extui %ge3A_226 : i1 to i32
    %cond3A_228 = arith.constant 0 : i32
    %cond3A_229 = arith.cmpi ne, %convert_element_type3A_227, %cond3A_228 : i32
    scf.if %cond3A_229 {
      %dma_start3A = arith.constant 0 : i32
      %dma_start3A_478 = tpu.memref_slice %arg7[%add3A_218, %dma_start3A] : memref<8192x2048xf32, #tpu.memory_space<hbm>> -> memref<16x2048xf32, #tpu.memory_space<hbm>>
      %dma_start3A_479 = arith.constant 0 : i32
      %dma_start3A_480 = tpu.memref_slice %arg7[%add3A_218, %dma_start3A_479] : memref<8192x2048xf32, #tpu.memory_space<hbm>> -> memref<16x2048xf32, #tpu.memory_space<hbm>>
      tpu.enqueue_dma source(%arg10 : memref<16x2048xf32, #tpu.memory_space<vmem>>) target(%dma_start3A_480 : memref<16x2048xf32, #tpu.memory_space<hbm>>) target_semaphore(%arg17 : memref<!tpu.dma_semaphore, #tpu.memory_space<semaphore_mem>>)
    } else {
    }
    %or3A_230 = arith.ori %and3A_225, %ge3A_226 : i1
    %not3A_231 = arith.constant true
    %not3A_232 = arith.xori %or3A_230, %not3A_231 : i1
    %convert_element_type3A_233 = arith.extui %not3A_232 : i1 to i32
    %cond3A_234 = arith.constant 0 : i32
    %cond3A_235 = arith.cmpi ne, %convert_element_type3A_233, %cond3A_234 : i32
    scf.if %cond3A_235 {
      %add3A_478 = arith.constant 96 : i32
      %add3A_479 = arith.addi %mul3A_32, %add3A_478 : i32
      %broadcast_in_dim3A_480 = vector.broadcast %add3A_479 : i32 to vector<16xi32>
      %add3A_481 = arith.addi %broadcast_in_dim3A_480, %iota3A : vector<16xi32>
      %add3A_482 = arith.addi %gather3A, %add3A_481 : vector<16xi32>
      %jit3A_483 = arith.constant 0 : i32
      %jit3A_484 = arith.constant 1471 : i32
      %max3A = vector.broadcast %jit3A_483 : i32 to vector<16xi32>
      %max3A_485 = arith.maxsi %max3A, %add3A_482 : vector<16xi32>
      %min3A = vector.broadcast %jit3A_484 : i32 to vector<16xi32>
      %min3A_486 = arith.minsi %min3A, %max3A_485 : vector<16xi32>
      %sub3A_487 = arith.subi %add3A_481, %sub3A_48 : vector<16xi32>
      %sub3A_488 = arith.constant 578 : i32
      %sub3A_489 = vector.broadcast %sub3A_488 : i32 to vector<16xi32>
      %sub3A_490 = arith.subi %sub3A_487, %sub3A_489 : vector<16xi32>
      %add3A_491 = arith.addi %gather3A_43, %sub3A_490 : vector<16xi32>
      %jit3A_492 = arith.constant 0 : i32
      %jit3A_493 = arith.constant 1039 : i32
      %max3A_494 = vector.broadcast %jit3A_492 : i32 to vector<16xi32>
      %max3A_495 = arith.maxsi %max3A_494, %add3A_491 : vector<16xi32>
      %min3A_496 = vector.broadcast %jit3A_493 : i32 to vector<16xi32>
      %min3A_497 = arith.minsi %min3A_496, %max3A_495 : vector<16xi32>
      %gather3A_498 = tpu.vector_load_idx %arg11[%min3A_486] : memref<1472xi32, #tpu.memory_space<vmem>>[vector<16xi32>], vector<16xi32>,
      %gather3A_499 = tpu.vector_load_idx %arg12[%min3A_497] : memref<1040xi32, #tpu.memory_space<vmem>>[vector<16xi32>], vector<16xi32>,
      %lt3A_500 = arith.cmpi slt, %add3A_481, %sub3A_48 : vector<16xi32>
      %ge3A_501 = arith.constant 0 : i32
      %ge3A_502 = vector.broadcast %ge3A_501 : i32 to vector<16xi32>
      %ge3A_503 = arith.cmpi sge, %sub3A_490, %ge3A_502 : vector<16xi32>
      %lt3A_504 = arith.cmpi slt, %sub3A_490, %sub3A_49 : vector<16xi32>
      %and3A_505 = arith.andi %ge3A_503, %lt3A_504 : vector<16xi1>
      %jit3A_506 = arith.constant 0 : i32
      %broadcast_in_dim3A_507 = vector.broadcast %jit3A_506 : i32 to vector<16xi32>
      %select_n3A_508 = arith.select %and3A_505, %gather3A_499, %broadcast_in_dim3A_507 : vector<16xi1>, vector<16xi32>
      %select_n3A_509 = arith.select %lt3A_500, %gather3A_498, %select_n3A_508 : vector<16xi1>, vector<16xi32>
      %dma_start3A = arith.constant 0 : i32
      %dma_start3A_510 = arith.constant 0 : i32
      %dma_start3A_511 = tpu.memref_slice %arg2[%dma_start3A, %dma_start3A_510] : memref<32000x2048xf32, #tpu.memory_space<hbm>> -> memref<32000x2048xf32, #tpu.memory_space<hbm>>
      tpu.enqueue_indirect_dma source(%dma_start3A_511 : memref<32000x2048xf32, #tpu.memory_space<hbm>>) target(%arg8 : memref<16x2048xf32, #tpu.memory_space<vmem>>) offsets(%select_n3A_509 : vector<16xi32>) semaphore(%arg14 : memref<!tpu.dma_semaphore, #tpu.memory_space<semaphore_mem>>)
      %dma_wait3A = arith.constant 0 : i32
      %dma_wait3A_512 = arith.constant 0 : i32
      %dma_wait3A_513 = tpu.memref_slice %arg2[%dma_wait3A, %dma_wait3A_512] : memref<32000x2048xf32, #tpu.memory_space<hbm>> -> memref<32000x2048xf32, #tpu.memory_space<hbm>>
      tpu.wait_indirect_dma semaphore(%arg14 : memref<!tpu.dma_semaphore, #tpu.memory_space<semaphore_mem>>) src(%dma_wait3A_513 : memref<32000x2048xf32, #tpu.memory_space<hbm>>) dst(%arg8 : memref<16x2048xf32, #tpu.memory_space<vmem>>)
      %dma_start3A_514 = arith.constant 0 : i32
      %dma_start3A_515 = tpu.memref_slice %arg7[%add3A_218, %dma_start3A_514] : memref<8192x2048xf32, #tpu.memory_space<hbm>> -> memref<16x2048xf32, #tpu.memory_space<hbm>>
      %dma_start3A_516 = arith.constant 0 : i32
      %dma_start3A_517 = tpu.memref_slice %arg7[%add3A_218, %dma_start3A_516] : memref<8192x2048xf32, #tpu.memory_space<hbm>> -> memref<16x2048xf32, #tpu.memory_space<hbm>>
      tpu.enqueue_dma source(%arg8 : memref<16x2048xf32, #tpu.memory_space<vmem>>) target(%dma_start3A_517 : memref<16x2048xf32, #tpu.memory_space<hbm>>) target_semaphore(%arg17 : memref<!tpu.dma_semaphore, #tpu.memory_space<semaphore_mem>>)
    } else {
    }
    %not3A_236 = arith.constant true
    %not3A_237 = arith.xori %and3A_225, %not3A_236 : i1
    %convert_element_type3A_238 = arith.extui %not3A_211 : i1 to i32
    %cond3A_239 = arith.constant 0 : i32
    %cond3A_240 = arith.cmpi ne, %convert_element_type3A_238, %cond3A_239 : i32
    scf.if %cond3A_240 {
      %dma_wait3A = arith.constant 0 : i32
      %dma_wait3A_478 = tpu.memref_slice %arg7[%add3A_192, %dma_wait3A] : memref<8192x2048xf32, #tpu.memory_space<hbm>> -> memref<16x2048xf32, #tpu.memory_space<hbm>>
      %dma_wait3A_479 = arith.constant 0 : i32
      %dma_wait3A_480 = tpu.memref_slice %arg7[%add3A_192, %dma_wait3A_479] : memref<8192x2048xf32, #tpu.memory_space<hbm>> -> memref<16x2048xf32, #tpu.memory_space<hbm>>
      tpu.wait_dma2 semaphore(%arg18 : memref<!tpu.dma_semaphore, #tpu.memory_space<semaphore_mem>>) src(%arg9 : memref<16x2048xf32, #tpu.memory_space<vmem>>) dst(%dma_wait3A_480 : memref<16x2048xf32, #tpu.memory_space<hbm>>)
    } else {
    }
    %add3A_241 = arith.constant 112 : i32
    %add3A_242 = arith.addi %mul3A_32, %add3A_241 : i32
    %add3A_243 = arith.constant 112 : i32
    %add3A_244 = arith.addi %add3A_35, %add3A_243 : i32
    %ge3A_245 = arith.cmpi sge, %add3A_242, %reduce_max3A_56 : i32
    %add3A_246 = arith.constant 16 : i32
    %add3A_247 = arith.addi %add3A_242, %add3A_246 : i32
    %add3A_248 = arith.constant 578 : i32
    %add3A_249 = arith.addi %reduce_max3A_56, %add3A_248 : i32
    %le3A_250 = arith.cmpi sle, %add3A_247, %add3A_249 : i32
    %and3A_251 = arith.andi %ge3A_245, %le3A_250 : i1
    %ge3A_252 = arith.cmpi sge, %add3A_242, %add3A_67 : i32
    %convert_element_type3A_253 = arith.extui %ge3A_252 : i1 to i32
    %cond3A_254 = arith.constant 0 : i32
    %cond3A_255 = arith.cmpi ne, %convert_element_type3A_253, %cond3A_254 : i32
    scf.if %cond3A_255 {
      %dma_start3A = arith.constant 0 : i32
      %dma_start3A_478 = tpu.memref_slice %arg7[%add3A_244, %dma_start3A] : memref<8192x2048xf32, #tpu.memory_space<hbm>> -> memref<16x2048xf32, #tpu.memory_space<hbm>>
      %dma_start3A_479 = arith.constant 0 : i32
      %dma_start3A_480 = tpu.memref_slice %arg7[%add3A_244, %dma_start3A_479] : memref<8192x2048xf32, #tpu.memory_space<hbm>> -> memref<16x2048xf32, #tpu.memory_space<hbm>>
      tpu.enqueue_dma source(%arg10 : memref<16x2048xf32, #tpu.memory_space<vmem>>) target(%dma_start3A_480 : memref<16x2048xf32, #tpu.memory_space<hbm>>) target_semaphore(%arg18 : memref<!tpu.dma_semaphore, #tpu.memory_space<semaphore_mem>>)
    } else {
    }
    %or3A_256 = arith.ori %and3A_251, %ge3A_252 : i1
    %not3A_257 = arith.constant true
    %not3A_258 = arith.xori %or3A_256, %not3A_257 : i1
    %convert_element_type3A_259 = arith.extui %not3A_258 : i1 to i32
    %cond3A_260 = arith.constant 0 : i32
    %cond3A_261 = arith.cmpi ne, %convert_element_type3A_259, %cond3A_260 : i32
    scf.if %cond3A_261 {
      %add3A_478 = arith.constant 112 : i32
      %add3A_479 = arith.addi %mul3A_32, %add3A_478 : i32
      %broadcast_in_dim3A_480 = vector.broadcast %add3A_479 : i32 to vector<16xi32>
      %add3A_481 = arith.addi %broadcast_in_dim3A_480, %iota3A : vector<16xi32>
      %add3A_482 = arith.addi %gather3A, %add3A_481 : vector<16xi32>
      %jit3A_483 = arith.constant 0 : i32
      %jit3A_484 = arith.constant 1471 : i32
      %max3A = vector.broadcast %jit3A_483 : i32 to vector<16xi32>
      %max3A_485 = arith.maxsi %max3A, %add3A_482 : vector<16xi32>
      %min3A = vector.broadcast %jit3A_484 : i32 to vector<16xi32>
      %min3A_486 = arith.minsi %min3A, %max3A_485 : vector<16xi32>
      %sub3A_487 = arith.subi %add3A_481, %sub3A_48 : vector<16xi32>
      %sub3A_488 = arith.constant 578 : i32
      %sub3A_489 = vector.broadcast %sub3A_488 : i32 to vector<16xi32>
      %sub3A_490 = arith.subi %sub3A_487, %sub3A_489 : vector<16xi32>
      %add3A_491 = arith.addi %gather3A_43, %sub3A_490 : vector<16xi32>
      %jit3A_492 = arith.constant 0 : i32
      %jit3A_493 = arith.constant 1039 : i32
      %max3A_494 = vector.broadcast %jit3A_492 : i32 to vector<16xi32>
      %max3A_495 = arith.maxsi %max3A_494, %add3A_491 : vector<16xi32>
      %min3A_496 = vector.broadcast %jit3A_493 : i32 to vector<16xi32>
      %min3A_497 = arith.minsi %min3A_496, %max3A_495 : vector<16xi32>
      %gather3A_498 = tpu.vector_load_idx %arg11[%min3A_486] : memref<1472xi32, #tpu.memory_space<vmem>>[vector<16xi32>], vector<16xi32>,
      %gather3A_499 = tpu.vector_load_idx %arg12[%min3A_497] : memref<1040xi32, #tpu.memory_space<vmem>>[vector<16xi32>], vector<16xi32>,
      %lt3A_500 = arith.cmpi slt, %add3A_481, %sub3A_48 : vector<16xi32>
      %ge3A_501 = arith.constant 0 : i32
      %ge3A_502 = vector.broadcast %ge3A_501 : i32 to vector<16xi32>
      %ge3A_503 = arith.cmpi sge, %sub3A_490, %ge3A_502 : vector<16xi32>
      %lt3A_504 = arith.cmpi slt, %sub3A_490, %sub3A_49 : vector<16xi32>
      %and3A_505 = arith.andi %ge3A_503, %lt3A_504 : vector<16xi1>
      %jit3A_506 = arith.constant 0 : i32
      %broadcast_in_dim3A_507 = vector.broadcast %jit3A_506 : i32 to vector<16xi32>
      %select_n3A_508 = arith.select %and3A_505, %gather3A_499, %broadcast_in_dim3A_507 : vector<16xi1>, vector<16xi32>
      %select_n3A_509 = arith.select %lt3A_500, %gather3A_498, %select_n3A_508 : vector<16xi1>, vector<16xi32>
      %dma_start3A = arith.constant 0 : i32
      %dma_start3A_510 = arith.constant 0 : i32
      %dma_start3A_511 = tpu.memref_slice %arg2[%dma_start3A, %dma_start3A_510] : memref<32000x2048xf32, #tpu.memory_space<hbm>> -> memref<32000x2048xf32, #tpu.memory_space<hbm>>
      tpu.enqueue_indirect_dma source(%dma_start3A_511 : memref<32000x2048xf32, #tpu.memory_space<hbm>>) target(%arg9 : memref<16x2048xf32, #tpu.memory_space<vmem>>) offsets(%select_n3A_509 : vector<16xi32>) semaphore(%arg15 : memref<!tpu.dma_semaphore, #tpu.memory_space<semaphore_mem>>)
      %dma_wait3A = arith.constant 0 : i32
      %dma_wait3A_512 = arith.constant 0 : i32
      %dma_wait3A_513 = tpu.memref_slice %arg2[%dma_wait3A, %dma_wait3A_512] : memref<32000x2048xf32, #tpu.memory_space<hbm>> -> memref<32000x2048xf32, #tpu.memory_space<hbm>>
      tpu.wait_indirect_dma semaphore(%arg15 : memref<!tpu.dma_semaphore, #tpu.memory_space<semaphore_mem>>) src(%dma_wait3A_513 : memref<32000x2048xf32, #tpu.memory_space<hbm>>) dst(%arg9 : memref<16x2048xf32, #tpu.memory_space<vmem>>)
      %dma_start3A_514 = arith.constant 0 : i32
      %dma_start3A_515 = tpu.memref_slice %arg7[%add3A_244, %dma_start3A_514] : memref<8192x2048xf32, #tpu.memory_space<hbm>> -> memref<16x2048xf32, #tpu.memory_space<hbm>>
      %dma_start3A_516 = arith.constant 0 : i32
      %dma_start3A_517 = tpu.memref_slice %arg7[%add3A_244, %dma_start3A_516] : memref<8192x2048xf32, #tpu.memory_space<hbm>> -> memref<16x2048xf32, #tpu.memory_space<hbm>>
      tpu.enqueue_dma source(%arg9 : memref<16x2048xf32, #tpu.memory_space<vmem>>) target(%dma_start3A_517 : memref<16x2048xf32, #tpu.memory_space<hbm>>) target_semaphore(%arg18 : memref<!tpu.dma_semaphore, #tpu.memory_space<semaphore_mem>>)
    } else {
    }
    %not3A_262 = arith.constant true
    %not3A_263 = arith.xori %and3A_251, %not3A_262 : i1
    %convert_element_type3A_264 = arith.extui %not3A_237 : i1 to i32
    %cond3A_265 = arith.constant 0 : i32
    %cond3A_266 = arith.cmpi ne, %convert_element_type3A_264, %cond3A_265 : i32
    scf.if %cond3A_266 {
      %dma_wait3A = arith.constant 0 : i32
      %dma_wait3A_478 = tpu.memref_slice %arg7[%add3A_218, %dma_wait3A] : memref<8192x2048xf32, #tpu.memory_space<hbm>> -> memref<16x2048xf32, #tpu.memory_space<hbm>>
      %dma_wait3A_479 = arith.constant 0 : i32
      %dma_wait3A_480 = tpu.memref_slice %arg7[%add3A_218, %dma_wait3A_479] : memref<8192x2048xf32, #tpu.memory_space<hbm>> -> memref<16x2048xf32, #tpu.memory_space<hbm>>
      tpu.wait_dma2 semaphore(%arg17 : memref<!tpu.dma_semaphore, #tpu.memory_space<semaphore_mem>>) src(%arg8 : memref<16x2048xf32, #tpu.memory_space<vmem>>) dst(%dma_wait3A_480 : memref<16x2048xf32, #tpu.memory_space<hbm>>)
    } else {
    }
    %add3A_267 = arith.constant 128 : i32
    %add3A_268 = arith.addi %mul3A_32, %add3A_267 : i32
    %add3A_269 = arith.constant 128 : i32
    %add3A_270 = arith.addi %add3A_35, %add3A_269 : i32
    %ge3A_271 = arith.cmpi sge, %add3A_268, %reduce_max3A_56 : i32
    %add3A_272 = arith.constant 16 : i32
    %add3A_273 = arith.addi %add3A_268, %add3A_272 : i32
    %add3A_274 = arith.constant 578 : i32
    %add3A_275 = arith.addi %reduce_max3A_56, %add3A_274 : i32
    %le3A_276 = arith.cmpi sle, %add3A_273, %add3A_275 : i32
    %and3A_277 = arith.andi %ge3A_271, %le3A_276 : i1
    %ge3A_278 = arith.cmpi sge, %add3A_268, %add3A_67 : i32
    %convert_element_type3A_279 = arith.extui %ge3A_278 : i1 to i32
    %cond3A_280 = arith.constant 0 : i32
    %cond3A_281 = arith.cmpi ne, %convert_element_type3A_279, %cond3A_280 : i32
    scf.if %cond3A_281 {
      %dma_start3A = arith.constant 0 : i32
      %dma_start3A_478 = tpu.memref_slice %arg7[%add3A_270, %dma_start3A] : memref<8192x2048xf32, #tpu.memory_space<hbm>> -> memref<16x2048xf32, #tpu.memory_space<hbm>>
      %dma_start3A_479 = arith.constant 0 : i32
      %dma_start3A_480 = tpu.memref_slice %arg7[%add3A_270, %dma_start3A_479] : memref<8192x2048xf32, #tpu.memory_space<hbm>> -> memref<16x2048xf32, #tpu.memory_space<hbm>>
      tpu.enqueue_dma source(%arg10 : memref<16x2048xf32, #tpu.memory_space<vmem>>) target(%dma_start3A_480 : memref<16x2048xf32, #tpu.memory_space<hbm>>) target_semaphore(%arg17 : memref<!tpu.dma_semaphore, #tpu.memory_space<semaphore_mem>>)
    } else {
    }
    %or3A_282 = arith.ori %and3A_277, %ge3A_278 : i1
    %not3A_283 = arith.constant true
    %not3A_284 = arith.xori %or3A_282, %not3A_283 : i1
    %convert_element_type3A_285 = arith.extui %not3A_284 : i1 to i32
    %cond3A_286 = arith.constant 0 : i32
    %cond3A_287 = arith.cmpi ne, %convert_element_type3A_285, %cond3A_286 : i32
    scf.if %cond3A_287 {
      %add3A_478 = arith.constant 128 : i32
      %add3A_479 = arith.addi %mul3A_32, %add3A_478 : i32
      %broadcast_in_dim3A_480 = vector.broadcast %add3A_479 : i32 to vector<16xi32>
      %add3A_481 = arith.addi %broadcast_in_dim3A_480, %iota3A : vector<16xi32>
      %add3A_482 = arith.addi %gather3A, %add3A_481 : vector<16xi32>
      %jit3A_483 = arith.constant 0 : i32
      %jit3A_484 = arith.constant 1471 : i32
      %max3A = vector.broadcast %jit3A_483 : i32 to vector<16xi32>
      %max3A_485 = arith.maxsi %max3A, %add3A_482 : vector<16xi32>
      %min3A = vector.broadcast %jit3A_484 : i32 to vector<16xi32>
      %min3A_486 = arith.minsi %min3A, %max3A_485 : vector<16xi32>
      %sub3A_487 = arith.subi %add3A_481, %sub3A_48 : vector<16xi32>
      %sub3A_488 = arith.constant 578 : i32
      %sub3A_489 = vector.broadcast %sub3A_488 : i32 to vector<16xi32>
      %sub3A_490 = arith.subi %sub3A_487, %sub3A_489 : vector<16xi32>
      %add3A_491 = arith.addi %gather3A_43, %sub3A_490 : vector<16xi32>
      %jit3A_492 = arith.constant 0 : i32
      %jit3A_493 = arith.constant 1039 : i32
      %max3A_494 = vector.broadcast %jit3A_492 : i32 to vector<16xi32>
      %max3A_495 = arith.maxsi %max3A_494, %add3A_491 : vector<16xi32>
      %min3A_496 = vector.broadcast %jit3A_493 : i32 to vector<16xi32>
      %min3A_497 = arith.minsi %min3A_496, %max3A_495 : vector<16xi32>
      %gather3A_498 = tpu.vector_load_idx %arg11[%min3A_486] : memref<1472xi32, #tpu.memory_space<vmem>>[vector<16xi32>], vector<16xi32>,
      %gather3A_499 = tpu.vector_load_idx %arg12[%min3A_497] : memref<1040xi32, #tpu.memory_space<vmem>>[vector<16xi32>], vector<16xi32>,
      %lt3A_500 = arith.cmpi slt, %add3A_481, %sub3A_48 : vector<16xi32>
      %ge3A_501 = arith.constant 0 : i32
      %ge3A_502 = vector.broadcast %ge3A_501 : i32 to vector<16xi32>
      %ge3A_503 = arith.cmpi sge, %sub3A_490, %ge3A_502 : vector<16xi32>
      %lt3A_504 = arith.cmpi slt, %sub3A_490, %sub3A_49 : vector<16xi32>
      %and3A_505 = arith.andi %ge3A_503, %lt3A_504 : vector<16xi1>
      %jit3A_506 = arith.constant 0 : i32
      %broadcast_in_dim3A_507 = vector.broadcast %jit3A_506 : i32 to vector<16xi32>
      %select_n3A_508 = arith.select %and3A_505, %gather3A_499, %broadcast_in_dim3A_507 : vector<16xi1>, vector<16xi32>
      %select_n3A_509 = arith.select %lt3A_500, %gather3A_498, %select_n3A_508 : vector<16xi1>, vector<16xi32>
      %dma_start3A = arith.constant 0 : i32
      %dma_start3A_510 = arith.constant 0 : i32
      %dma_start3A_511 = tpu.memref_slice %arg2[%dma_start3A, %dma_start3A_510] : memref<32000x2048xf32, #tpu.memory_space<hbm>> -> memref<32000x2048xf32, #tpu.memory_space<hbm>>
      tpu.enqueue_indirect_dma source(%dma_start3A_511 : memref<32000x2048xf32, #tpu.memory_space<hbm>>) target(%arg8 : memref<16x2048xf32, #tpu.memory_space<vmem>>) offsets(%select_n3A_509 : vector<16xi32>) semaphore(%arg14 : memref<!tpu.dma_semaphore, #tpu.memory_space<semaphore_mem>>)
      %dma_wait3A = arith.constant 0 : i32
      %dma_wait3A_512 = arith.constant 0 : i32
      %dma_wait3A_513 = tpu.memref_slice %arg2[%dma_wait3A, %dma_wait3A_512] : memref<32000x2048xf32, #tpu.memory_space<hbm>> -> memref<32000x2048xf32, #tpu.memory_space<hbm>>
      tpu.wait_indirect_dma semaphore(%arg14 : memref<!tpu.dma_semaphore, #tpu.memory_space<semaphore_mem>>) src(%dma_wait3A_513 : memref<32000x2048xf32, #tpu.memory_space<hbm>>) dst(%arg8 : memref<16x2048xf32, #tpu.memory_space<vmem>>)
      %dma_start3A_514 = arith.constant 0 : i32
      %dma_start3A_515 = tpu.memref_slice %arg7[%add3A_270, %dma_start3A_514] : memref<8192x2048xf32, #tpu.memory_space<hbm>> -> memref<16x2048xf32, #tpu.memory_space<hbm>>
      %dma_start3A_516 = arith.constant 0 : i32
      %dma_start3A_517 = tpu.memref_slice %arg7[%add3A_270, %dma_start3A_516] : memref<8192x2048xf32, #tpu.memory_space<hbm>> -> memref<16x2048xf32, #tpu.memory_space<hbm>>
      tpu.enqueue_dma source(%arg8 : memref<16x2048xf32, #tpu.memory_space<vmem>>) target(%dma_start3A_517 : memref<16x2048xf32, #tpu.memory_space<hbm>>) target_semaphore(%arg17 : memref<!tpu.dma_semaphore, #tpu.memory_space<semaphore_mem>>)
    } else {
    }
    %not3A_288 = arith.constant true
    %not3A_289 = arith.xori %and3A_277, %not3A_288 : i1
    %convert_element_type3A_290 = arith.extui %not3A_263 : i1 to i32
    %cond3A_291 = arith.constant 0 : i32
    %cond3A_292 = arith.cmpi ne, %convert_element_type3A_290, %cond3A_291 : i32
    scf.if %cond3A_292 {
      %dma_wait3A = arith.constant 0 : i32
      %dma_wait3A_478 = tpu.memref_slice %arg7[%add3A_244, %dma_wait3A] : memref<8192x2048xf32, #tpu.memory_space<hbm>> -> memref<16x2048xf32, #tpu.memory_space<hbm>>
      %dma_wait3A_479 = arith.constant 0 : i32
      %dma_wait3A_480 = tpu.memref_slice %arg7[%add3A_244, %dma_wait3A_479] : memref<8192x2048xf32, #tpu.memory_space<hbm>> -> memref<16x2048xf32, #tpu.memory_space<hbm>>
      tpu.wait_dma2 semaphore(%arg18 : memref<!tpu.dma_semaphore, #tpu.memory_space<semaphore_mem>>) src(%arg9 : memref<16x2048xf32, #tpu.memory_space<vmem>>) dst(%dma_wait3A_480 : memref<16x2048xf32, #tpu.memory_space<hbm>>)
    } else {
    }
    %add3A_293 = arith.constant 144 : i32
    %add3A_294 = arith.addi %mul3A_32, %add3A_293 : i32
    %add3A_295 = arith.constant 144 : i32
    %add3A_296 = arith.addi %add3A_35, %add3A_295 : i32
    %ge3A_297 = arith.cmpi sge, %add3A_294, %reduce_max3A_56 : i32
    %add3A_298 = arith.constant 16 : i32
    %add3A_299 = arith.addi %add3A_294, %add3A_298 : i32
    %add3A_300 = arith.constant 578 : i32
    %add3A_301 = arith.addi %reduce_max3A_56, %add3A_300 : i32
    %le3A_302 = arith.cmpi sle, %add3A_299, %add3A_301 : i32
    %and3A_303 = arith.andi %ge3A_297, %le3A_302 : i1
    %ge3A_304 = arith.cmpi sge, %add3A_294, %add3A_67 : i32
    %convert_element_type3A_305 = arith.extui %ge3A_304 : i1 to i32
    %cond3A_306 = arith.constant 0 : i32
    %cond3A_307 = arith.cmpi ne, %convert_element_type3A_305, %cond3A_306 : i32
    scf.if %cond3A_307 {
      %dma_start3A = arith.constant 0 : i32
      %dma_start3A_478 = tpu.memref_slice %arg7[%add3A_296, %dma_start3A] : memref<8192x2048xf32, #tpu.memory_space<hbm>> -> memref<16x2048xf32, #tpu.memory_space<hbm>>
      %dma_start3A_479 = arith.constant 0 : i32
      %dma_start3A_480 = tpu.memref_slice %arg7[%add3A_296, %dma_start3A_479] : memref<8192x2048xf32, #tpu.memory_space<hbm>> -> memref<16x2048xf32, #tpu.memory_space<hbm>>
      tpu.enqueue_dma source(%arg10 : memref<16x2048xf32, #tpu.memory_space<vmem>>) target(%dma_start3A_480 : memref<16x2048xf32, #tpu.memory_space<hbm>>) target_semaphore(%arg18 : memref<!tpu.dma_semaphore, #tpu.memory_space<semaphore_mem>>)
    } else {
    }
    %or3A_308 = arith.ori %and3A_303, %ge3A_304 : i1
    %not3A_309 = arith.constant true
    %not3A_310 = arith.xori %or3A_308, %not3A_309 : i1
    %convert_element_type3A_311 = arith.extui %not3A_310 : i1 to i32
    %cond3A_312 = arith.constant 0 : i32
    %cond3A_313 = arith.cmpi ne, %convert_element_type3A_311, %cond3A_312 : i32
    scf.if %cond3A_313 {
      %add3A_478 = arith.constant 144 : i32
      %add3A_479 = arith.addi %mul3A_32, %add3A_478 : i32
      %broadcast_in_dim3A_480 = vector.broadcast %add3A_479 : i32 to vector<16xi32>
      %add3A_481 = arith.addi %broadcast_in_dim3A_480, %iota3A : vector<16xi32>
      %add3A_482 = arith.addi %gather3A, %add3A_481 : vector<16xi32>
      %jit3A_483 = arith.constant 0 : i32
      %jit3A_484 = arith.constant 1471 : i32
      %max3A = vector.broadcast %jit3A_483 : i32 to vector<16xi32>
      %max3A_485 = arith.maxsi %max3A, %add3A_482 : vector<16xi32>
      %min3A = vector.broadcast %jit3A_484 : i32 to vector<16xi32>
      %min3A_486 = arith.minsi %min3A, %max3A_485 : vector<16xi32>
      %sub3A_487 = arith.subi %add3A_481, %sub3A_48 : vector<16xi32>
      %sub3A_488 = arith.constant 578 : i32
      %sub3A_489 = vector.broadcast %sub3A_488 : i32 to vector<16xi32>
      %sub3A_490 = arith.subi %sub3A_487, %sub3A_489 : vector<16xi32>
      %add3A_491 = arith.addi %gather3A_43, %sub3A_490 : vector<16xi32>
      %jit3A_492 = arith.constant 0 : i32
      %jit3A_493 = arith.constant 1039 : i32
      %max3A_494 = vector.broadcast %jit3A_492 : i32 to vector<16xi32>
      %max3A_495 = arith.maxsi %max3A_494, %add3A_491 : vector<16xi32>
      %min3A_496 = vector.broadcast %jit3A_493 : i32 to vector<16xi32>
      %min3A_497 = arith.minsi %min3A_496, %max3A_495 : vector<16xi32>
      %gather3A_498 = tpu.vector_load_idx %arg11[%min3A_486] : memref<1472xi32, #tpu.memory_space<vmem>>[vector<16xi32>], vector<16xi32>,
      %gather3A_499 = tpu.vector_load_idx %arg12[%min3A_497] : memref<1040xi32, #tpu.memory_space<vmem>>[vector<16xi32>], vector<16xi32>,
      %lt3A_500 = arith.cmpi slt, %add3A_481, %sub3A_48 : vector<16xi32>
      %ge3A_501 = arith.constant 0 : i32
      %ge3A_502 = vector.broadcast %ge3A_501 : i32 to vector<16xi32>
      %ge3A_503 = arith.cmpi sge, %sub3A_490, %ge3A_502 : vector<16xi32>
      %lt3A_504 = arith.cmpi slt, %sub3A_490, %sub3A_49 : vector<16xi32>
      %and3A_505 = arith.andi %ge3A_503, %lt3A_504 : vector<16xi1>
      %jit3A_506 = arith.constant 0 : i32
      %broadcast_in_dim3A_507 = vector.broadcast %jit3A_506 : i32 to vector<16xi32>
      %select_n3A_508 = arith.select %and3A_505, %gather3A_499, %broadcast_in_dim3A_507 : vector<16xi1>, vector<16xi32>
      %select_n3A_509 = arith.select %lt3A_500, %gather3A_498, %select_n3A_508 : vector<16xi1>, vector<16xi32>
      %dma_start3A = arith.constant 0 : i32
      %dma_start3A_510 = arith.constant 0 : i32
      %dma_start3A_511 = tpu.memref_slice %arg2[%dma_start3A, %dma_start3A_510] : memref<32000x2048xf32, #tpu.memory_space<hbm>> -> memref<32000x2048xf32, #tpu.memory_space<hbm>>
      tpu.enqueue_indirect_dma source(%dma_start3A_511 : memref<32000x2048xf32, #tpu.memory_space<hbm>>) target(%arg9 : memref<16x2048xf32, #tpu.memory_space<vmem>>) offsets(%select_n3A_509 : vector<16xi32>) semaphore(%arg15 : memref<!tpu.dma_semaphore, #tpu.memory_space<semaphore_mem>>)
      %dma_wait3A = arith.constant 0 : i32
      %dma_wait3A_512 = arith.constant 0 : i32
      %dma_wait3A_513 = tpu.memref_slice %arg2[%dma_wait3A, %dma_wait3A_512] : memref<32000x2048xf32, #tpu.memory_space<hbm>> -> memref<32000x2048xf32, #tpu.memory_space<hbm>>
      tpu.wait_indirect_dma semaphore(%arg15 : memref<!tpu.dma_semaphore, #tpu.memory_space<semaphore_mem>>) src(%dma_wait3A_513 : memref<32000x2048xf32, #tpu.memory_space<hbm>>) dst(%arg9 : memref<16x2048xf32, #tpu.memory_space<vmem>>)
      %dma_start3A_514 = arith.constant 0 : i32
      %dma_start3A_515 = tpu.memref_slice %arg7[%add3A_296, %dma_start3A_514] : memref<8192x2048xf32, #tpu.memory_space<hbm>> -> memref<16x2048xf32, #tpu.memory_space<hbm>>
      %dma_start3A_516 = arith.constant 0 : i32
      %dma_start3A_517 = tpu.memref_slice %arg7[%add3A_296, %dma_start3A_516] : memref<8192x2048xf32, #tpu.memory_space<hbm>> -> memref<16x2048xf32, #tpu.memory_space<hbm>>
      tpu.enqueue_dma source(%arg9 : memref<16x2048xf32, #tpu.memory_space<vmem>>) target(%dma_start3A_517 : memref<16x2048xf32, #tpu.memory_space<hbm>>) target_semaphore(%arg18 : memref<!tpu.dma_semaphore, #tpu.memory_space<semaphore_mem>>)
    } else {
    }
    %not3A_314 = arith.constant true
    %not3A_315 = arith.xori %and3A_303, %not3A_314 : i1
    %convert_element_type3A_316 = arith.extui %not3A_289 : i1 to i32
    %cond3A_317 = arith.constant 0 : i32
    %cond3A_318 = arith.cmpi ne, %convert_element_type3A_316, %cond3A_317 : i32
    scf.if %cond3A_318 {
      %dma_wait3A = arith.constant 0 : i32
      %dma_wait3A_478 = tpu.memref_slice %arg7[%add3A_270, %dma_wait3A] : memref<8192x2048xf32, #tpu.memory_space<hbm>> -> memref<16x2048xf32, #tpu.memory_space<hbm>>
      %dma_wait3A_479 = arith.constant 0 : i32
      %dma_wait3A_480 = tpu.memref_slice %arg7[%add3A_270, %dma_wait3A_479] : memref<8192x2048xf32, #tpu.memory_space<hbm>> -> memref<16x2048xf32, #tpu.memory_space<hbm>>
      tpu.wait_dma2 semaphore(%arg17 : memref<!tpu.dma_semaphore, #tpu.memory_space<semaphore_mem>>) src(%arg8 : memref<16x2048xf32, #tpu.memory_space<vmem>>) dst(%dma_wait3A_480 : memref<16x2048xf32, #tpu.memory_space<hbm>>)
    } else {
    }
    %add3A_319 = arith.constant 160 : i32
    %add3A_320 = arith.addi %mul3A_32, %add3A_319 : i32
    %add3A_321 = arith.constant 160 : i32
    %add3A_322 = arith.addi %add3A_35, %add3A_321 : i32
    %ge3A_323 = arith.cmpi sge, %add3A_320, %reduce_max3A_56 : i32
    %add3A_324 = arith.constant 16 : i32
    %add3A_325 = arith.addi %add3A_320, %add3A_324 : i32
    %add3A_326 = arith.constant 578 : i32
    %add3A_327 = arith.addi %reduce_max3A_56, %add3A_326 : i32
    %le3A_328 = arith.cmpi sle, %add3A_325, %add3A_327 : i32
    %and3A_329 = arith.andi %ge3A_323, %le3A_328 : i1
    %ge3A_330 = arith.cmpi sge, %add3A_320, %add3A_67 : i32
    %convert_element_type3A_331 = arith.extui %ge3A_330 : i1 to i32
    %cond3A_332 = arith.constant 0 : i32
    %cond3A_333 = arith.cmpi ne, %convert_element_type3A_331, %cond3A_332 : i32
    scf.if %cond3A_333 {
      %dma_start3A = arith.constant 0 : i32
      %dma_start3A_478 = tpu.memref_slice %arg7[%add3A_322, %dma_start3A] : memref<8192x2048xf32, #tpu.memory_space<hbm>> -> memref<16x2048xf32, #tpu.memory_space<hbm>>
      %dma_start3A_479 = arith.constant 0 : i32
      %dma_start3A_480 = tpu.memref_slice %arg7[%add3A_322, %dma_start3A_479] : memref<8192x2048xf32, #tpu.memory_space<hbm>> -> memref<16x2048xf32, #tpu.memory_space<hbm>>
      tpu.enqueue_dma source(%arg10 : memref<16x2048xf32, #tpu.memory_space<vmem>>) target(%dma_start3A_480 : memref<16x2048xf32, #tpu.memory_space<hbm>>) target_semaphore(%arg17 : memref<!tpu.dma_semaphore, #tpu.memory_space<semaphore_mem>>)
    } else {
    }
    %or3A_334 = arith.ori %and3A_329, %ge3A_330 : i1
    %not3A_335 = arith.constant true
    %not3A_336 = arith.xori %or3A_334, %not3A_335 : i1
    %convert_element_type3A_337 = arith.extui %not3A_336 : i1 to i32
    %cond3A_338 = arith.constant 0 : i32
    %cond3A_339 = arith.cmpi ne, %convert_element_type3A_337, %cond3A_338 : i32
    scf.if %cond3A_339 {
      %add3A_478 = arith.constant 160 : i32
      %add3A_479 = arith.addi %mul3A_32, %add3A_478 : i32
      %broadcast_in_dim3A_480 = vector.broadcast %add3A_479 : i32 to vector<16xi32>
      %add3A_481 = arith.addi %broadcast_in_dim3A_480, %iota3A : vector<16xi32>
      %add3A_482 = arith.addi %gather3A, %add3A_481 : vector<16xi32>
      %jit3A_483 = arith.constant 0 : i32
      %jit3A_484 = arith.constant 1471 : i32
      %max3A = vector.broadcast %jit3A_483 : i32 to vector<16xi32>
      %max3A_485 = arith.maxsi %max3A, %add3A_482 : vector<16xi32>
      %min3A = vector.broadcast %jit3A_484 : i32 to vector<16xi32>
      %min3A_486 = arith.minsi %min3A, %max3A_485 : vector<16xi32>
      %sub3A_487 = arith.subi %add3A_481, %sub3A_48 : vector<16xi32>
      %sub3A_488 = arith.constant 578 : i32
      %sub3A_489 = vector.broadcast %sub3A_488 : i32 to vector<16xi32>
      %sub3A_490 = arith.subi %sub3A_487, %sub3A_489 : vector<16xi32>
      %add3A_491 = arith.addi %gather3A_43, %sub3A_490 : vector<16xi32>
      %jit3A_492 = arith.constant 0 : i32
      %jit3A_493 = arith.constant 1039 : i32
      %max3A_494 = vector.broadcast %jit3A_492 : i32 to vector<16xi32>
      %max3A_495 = arith.maxsi %max3A_494, %add3A_491 : vector<16xi32>
      %min3A_496 = vector.broadcast %jit3A_493 : i32 to vector<16xi32>
      %min3A_497 = arith.minsi %min3A_496, %max3A_495 : vector<16xi32>
      %gather3A_498 = tpu.vector_load_idx %arg11[%min3A_486] : memref<1472xi32, #tpu.memory_space<vmem>>[vector<16xi32>], vector<16xi32>,
      %gather3A_499 = tpu.vector_load_idx %arg12[%min3A_497] : memref<1040xi32, #tpu.memory_space<vmem>>[vector<16xi32>], vector<16xi32>,
      %lt3A_500 = arith.cmpi slt, %add3A_481, %sub3A_48 : vector<16xi32>
      %ge3A_501 = arith.constant 0 : i32
      %ge3A_502 = vector.broadcast %ge3A_501 : i32 to vector<16xi32>
      %ge3A_503 = arith.cmpi sge, %sub3A_490, %ge3A_502 : vector<16xi32>
      %lt3A_504 = arith.cmpi slt, %sub3A_490, %sub3A_49 : vector<16xi32>
      %and3A_505 = arith.andi %ge3A_503, %lt3A_504 : vector<16xi1>
      %jit3A_506 = arith.constant 0 : i32
      %broadcast_in_dim3A_507 = vector.broadcast %jit3A_506 : i32 to vector<16xi32>
      %select_n3A_508 = arith.select %and3A_505, %gather3A_499, %broadcast_in_dim3A_507 : vector<16xi1>, vector<16xi32>
      %select_n3A_509 = arith.select %lt3A_500, %gather3A_498, %select_n3A_508 : vector<16xi1>, vector<16xi32>
      %dma_start3A = arith.constant 0 : i32
      %dma_start3A_510 = arith.constant 0 : i32
      %dma_start3A_511 = tpu.memref_slice %arg2[%dma_start3A, %dma_start3A_510] : memref<32000x2048xf32, #tpu.memory_space<hbm>> -> memref<32000x2048xf32, #tpu.memory_space<hbm>>
      tpu.enqueue_indirect_dma source(%dma_start3A_511 : memref<32000x2048xf32, #tpu.memory_space<hbm>>) target(%arg8 : memref<16x2048xf32, #tpu.memory_space<vmem>>) offsets(%select_n3A_509 : vector<16xi32>) semaphore(%arg14 : memref<!tpu.dma_semaphore, #tpu.memory_space<semaphore_mem>>)
      %dma_wait3A = arith.constant 0 : i32
      %dma_wait3A_512 = arith.constant 0 : i32
      %dma_wait3A_513 = tpu.memref_slice %arg2[%dma_wait3A, %dma_wait3A_512] : memref<32000x2048xf32, #tpu.memory_space<hbm>> -> memref<32000x2048xf32, #tpu.memory_space<hbm>>
      tpu.wait_indirect_dma semaphore(%arg14 : memref<!tpu.dma_semaphore, #tpu.memory_space<semaphore_mem>>) src(%dma_wait3A_513 : memref<32000x2048xf32, #tpu.memory_space<hbm>>) dst(%arg8 : memref<16x2048xf32, #tpu.memory_space<vmem>>)
      %dma_start3A_514 = arith.constant 0 : i32
      %dma_start3A_515 = tpu.memref_slice %arg7[%add3A_322, %dma_start3A_514] : memref<8192x2048xf32, #tpu.memory_space<hbm>> -> memref<16x2048xf32, #tpu.memory_space<hbm>>
      %dma_start3A_516 = arith.constant 0 : i32
      %dma_start3A_517 = tpu.memref_slice %arg7[%add3A_322, %dma_start3A_516] : memref<8192x2048xf32, #tpu.memory_space<hbm>> -> memref<16x2048xf32, #tpu.memory_space<hbm>>
      tpu.enqueue_dma source(%arg8 : memref<16x2048xf32, #tpu.memory_space<vmem>>) target(%dma_start3A_517 : memref<16x2048xf32, #tpu.memory_space<hbm>>) target_semaphore(%arg17 : memref<!tpu.dma_semaphore, #tpu.memory_space<semaphore_mem>>)
    } else {
    }
    %not3A_340 = arith.constant true
    %not3A_341 = arith.xori %and3A_329, %not3A_340 : i1
    %convert_element_type3A_342 = arith.extui %not3A_315 : i1 to i32
    %cond3A_343 = arith.constant 0 : i32
    %cond3A_344 = arith.cmpi ne, %convert_element_type3A_342, %cond3A_343 : i32
    scf.if %cond3A_344 {
      %dma_wait3A = arith.constant 0 : i32
      %dma_wait3A_478 = tpu.memref_slice %arg7[%add3A_296, %dma_wait3A] : memref<8192x2048xf32, #tpu.memory_space<hbm>> -> memref<16x2048xf32, #tpu.memory_space<hbm>>
      %dma_wait3A_479 = arith.constant 0 : i32
      %dma_wait3A_480 = tpu.memref_slice %arg7[%add3A_296, %dma_wait3A_479] : memref<8192x2048xf32, #tpu.memory_space<hbm>> -> memref<16x2048xf32, #tpu.memory_space<hbm>>
      tpu.wait_dma2 semaphore(%arg18 : memref<!tpu.dma_semaphore, #tpu.memory_space<semaphore_mem>>) src(%arg9 : memref<16x2048xf32, #tpu.memory_space<vmem>>) dst(%dma_wait3A_480 : memref<16x2048xf32, #tpu.memory_space<hbm>>)
    } else {
    }
    %add3A_345 = arith.constant 176 : i32
    %add3A_346 = arith.addi %mul3A_32, %add3A_345 : i32
    %add3A_347 = arith.constant 176 : i32
    %add3A_348 = arith.addi %add3A_35, %add3A_347 : i32
    %ge3A_349 = arith.cmpi sge, %add3A_346, %reduce_max3A_56 : i32
    %add3A_350 = arith.constant 16 : i32
    %add3A_351 = arith.addi %add3A_346, %add3A_350 : i32
    %add3A_352 = arith.constant 578 : i32
    %add3A_353 = arith.addi %reduce_max3A_56, %add3A_352 : i32
    %le3A_354 = arith.cmpi sle, %add3A_351, %add3A_353 : i32
    %and3A_355 = arith.andi %ge3A_349, %le3A_354 : i1
    %ge3A_356 = arith.cmpi sge, %add3A_346, %add3A_67 : i32
    %convert_element_type3A_357 = arith.extui %ge3A_356 : i1 to i32
    %cond3A_358 = arith.constant 0 : i32
    %cond3A_359 = arith.cmpi ne, %convert_element_type3A_357, %cond3A_358 : i32
    scf.if %cond3A_359 {
      %dma_start3A = arith.constant 0 : i32
      %dma_start3A_478 = tpu.memref_slice %arg7[%add3A_348, %dma_start3A] : memref<8192x2048xf32, #tpu.memory_space<hbm>> -> memref<16x2048xf32, #tpu.memory_space<hbm>>
      %dma_start3A_479 = arith.constant 0 : i32
      %dma_start3A_480 = tpu.memref_slice %arg7[%add3A_348, %dma_start3A_479] : memref<8192x2048xf32, #tpu.memory_space<hbm>> -> memref<16x2048xf32, #tpu.memory_space<hbm>>
      tpu.enqueue_dma source(%arg10 : memref<16x2048xf32, #tpu.memory_space<vmem>>) target(%dma_start3A_480 : memref<16x2048xf32, #tpu.memory_space<hbm>>) target_semaphore(%arg18 : memref<!tpu.dma_semaphore, #tpu.memory_space<semaphore_mem>>)
    } else {
    }
    %or3A_360 = arith.ori %and3A_355, %ge3A_356 : i1
    %not3A_361 = arith.constant true
    %not3A_362 = arith.xori %or3A_360, %not3A_361 : i1
    %convert_element_type3A_363 = arith.extui %not3A_362 : i1 to i32
    %cond3A_364 = arith.constant 0 : i32
    %cond3A_365 = arith.cmpi ne, %convert_element_type3A_363, %cond3A_364 : i32
    scf.if %cond3A_365 {
      %add3A_478 = arith.constant 176 : i32
      %add3A_479 = arith.addi %mul3A_32, %add3A_478 : i32
      %broadcast_in_dim3A_480 = vector.broadcast %add3A_479 : i32 to vector<16xi32>
      %add3A_481 = arith.addi %broadcast_in_dim3A_480, %iota3A : vector<16xi32>
      %add3A_482 = arith.addi %gather3A, %add3A_481 : vector<16xi32>
      %jit3A_483 = arith.constant 0 : i32
      %jit3A_484 = arith.constant 1471 : i32
      %max3A = vector.broadcast %jit3A_483 : i32 to vector<16xi32>
      %max3A_485 = arith.maxsi %max3A, %add3A_482 : vector<16xi32>
      %min3A = vector.broadcast %jit3A_484 : i32 to vector<16xi32>
      %min3A_486 = arith.minsi %min3A, %max3A_485 : vector<16xi32>
      %sub3A_487 = arith.subi %add3A_481, %sub3A_48 : vector<16xi32>
      %sub3A_488 = arith.constant 578 : i32
      %sub3A_489 = vector.broadcast %sub3A_488 : i32 to vector<16xi32>
      %sub3A_490 = arith.subi %sub3A_487, %sub3A_489 : vector<16xi32>
      %add3A_491 = arith.addi %gather3A_43, %sub3A_490 : vector<16xi32>
      %jit3A_492 = arith.constant 0 : i32
      %jit3A_493 = arith.constant 1039 : i32
      %max3A_494 = vector.broadcast %jit3A_492 : i32 to vector<16xi32>
      %max3A_495 = arith.maxsi %max3A_494, %add3A_491 : vector<16xi32>
      %min3A_496 = vector.broadcast %jit3A_493 : i32 to vector<16xi32>
      %min3A_497 = arith.minsi %min3A_496, %max3A_495 : vector<16xi32>
      %gather3A_498 = tpu.vector_load_idx %arg11[%min3A_486] : memref<1472xi32, #tpu.memory_space<vmem>>[vector<16xi32>], vector<16xi32>,
      %gather3A_499 = tpu.vector_load_idx %arg12[%min3A_497] : memref<1040xi32, #tpu.memory_space<vmem>>[vector<16xi32>], vector<16xi32>,
      %lt3A_500 = arith.cmpi slt, %add3A_481, %sub3A_48 : vector<16xi32>
      %ge3A_501 = arith.constant 0 : i32
      %ge3A_502 = vector.broadcast %ge3A_501 : i32 to vector<16xi32>
      %ge3A_503 = arith.cmpi sge, %sub3A_490, %ge3A_502 : vector<16xi32>
      %lt3A_504 = arith.cmpi slt, %sub3A_490, %sub3A_49 : vector<16xi32>
      %and3A_505 = arith.andi %ge3A_503, %lt3A_504 : vector<16xi1>
      %jit3A_506 = arith.constant 0 : i32
      %broadcast_in_dim3A_507 = vector.broadcast %jit3A_506 : i32 to vector<16xi32>
      %select_n3A_508 = arith.select %and3A_505, %gather3A_499, %broadcast_in_dim3A_507 : vector<16xi1>, vector<16xi32>
      %select_n3A_509 = arith.select %lt3A_500, %gather3A_498, %select_n3A_508 : vector<16xi1>, vector<16xi32>
      %dma_start3A = arith.constant 0 : i32
      %dma_start3A_510 = arith.constant 0 : i32
      %dma_start3A_511 = tpu.memref_slice %arg2[%dma_start3A, %dma_start3A_510] : memref<32000x2048xf32, #tpu.memory_space<hbm>> -> memref<32000x2048xf32, #tpu.memory_space<hbm>>
      tpu.enqueue_indirect_dma source(%dma_start3A_511 : memref<32000x2048xf32, #tpu.memory_space<hbm>>) target(%arg9 : memref<16x2048xf32, #tpu.memory_space<vmem>>) offsets(%select_n3A_509 : vector<16xi32>) semaphore(%arg15 : memref<!tpu.dma_semaphore, #tpu.memory_space<semaphore_mem>>)
      %dma_wait3A = arith.constant 0 : i32
      %dma_wait3A_512 = arith.constant 0 : i32
      %dma_wait3A_513 = tpu.memref_slice %arg2[%dma_wait3A, %dma_wait3A_512] : memref<32000x2048xf32, #tpu.memory_space<hbm>> -> memref<32000x2048xf32, #tpu.memory_space<hbm>>
      tpu.wait_indirect_dma semaphore(%arg15 : memref<!tpu.dma_semaphore, #tpu.memory_space<semaphore_mem>>) src(%dma_wait3A_513 : memref<32000x2048xf32, #tpu.memory_space<hbm>>) dst(%arg9 : memref<16x2048xf32, #tpu.memory_space<vmem>>)
      %dma_start3A_514 = arith.constant 0 : i32
      %dma_start3A_515 = tpu.memref_slice %arg7[%add3A_348, %dma_start3A_514] : memref<8192x2048xf32, #tpu.memory_space<hbm>> -> memref<16x2048xf32, #tpu.memory_space<hbm>>
      %dma_start3A_516 = arith.constant 0 : i32
      %dma_start3A_517 = tpu.memref_slice %arg7[%add3A_348, %dma_start3A_516] : memref<8192x2048xf32, #tpu.memory_space<hbm>> -> memref<16x2048xf32, #tpu.memory_space<hbm>>
      tpu.enqueue_dma source(%arg9 : memref<16x2048xf32, #tpu.memory_space<vmem>>) target(%dma_start3A_517 : memref<16x2048xf32, #tpu.memory_space<hbm>>) target_semaphore(%arg18 : memref<!tpu.dma_semaphore, #tpu.memory_space<semaphore_mem>>)
    } else {
    }
    %not3A_366 = arith.constant true
    %not3A_367 = arith.xori %and3A_355, %not3A_366 : i1
    %convert_element_type3A_368 = arith.extui %not3A_341 : i1 to i32
    %cond3A_369 = arith.constant 0 : i32
    %cond3A_370 = arith.cmpi ne, %convert_element_type3A_368, %cond3A_369 : i32
    scf.if %cond3A_370 {
      %dma_wait3A = arith.constant 0 : i32
      %dma_wait3A_478 = tpu.memref_slice %arg7[%add3A_322, %dma_wait3A] : memref<8192x2048xf32, #tpu.memory_space<hbm>> -> memref<16x2048xf32, #tpu.memory_space<hbm>>
      %dma_wait3A_479 = arith.constant 0 : i32
      %dma_wait3A_480 = tpu.memref_slice %arg7[%add3A_322, %dma_wait3A_479] : memref<8192x2048xf32, #tpu.memory_space<hbm>> -> memref<16x2048xf32, #tpu.memory_space<hbm>>
      tpu.wait_dma2 semaphore(%arg17 : memref<!tpu.dma_semaphore, #tpu.memory_space<semaphore_mem>>) src(%arg8 : memref<16x2048xf32, #tpu.memory_space<vmem>>) dst(%dma_wait3A_480 : memref<16x2048xf32, #tpu.memory_space<hbm>>)
    } else {
    }
    %add3A_371 = arith.constant 192 : i32
    %add3A_372 = arith.addi %mul3A_32, %add3A_371 : i32
    %add3A_373 = arith.constant 192 : i32
    %add3A_374 = arith.addi %add3A_35, %add3A_373 : i32
    %ge3A_375 = arith.cmpi sge, %add3A_372, %reduce_max3A_56 : i32
    %add3A_376 = arith.constant 16 : i32
    %add3A_377 = arith.addi %add3A_372, %add3A_376 : i32
    %add3A_378 = arith.constant 578 : i32
    %add3A_379 = arith.addi %reduce_max3A_56, %add3A_378 : i32
    %le3A_380 = arith.cmpi sle, %add3A_377, %add3A_379 : i32
    %and3A_381 = arith.andi %ge3A_375, %le3A_380 : i1
    %ge3A_382 = arith.cmpi sge, %add3A_372, %add3A_67 : i32
    %convert_element_type3A_383 = arith.extui %ge3A_382 : i1 to i32
    %cond3A_384 = arith.constant 0 : i32
    %cond3A_385 = arith.cmpi ne, %convert_element_type3A_383, %cond3A_384 : i32
    scf.if %cond3A_385 {
      %dma_start3A = arith.constant 0 : i32
      %dma_start3A_478 = tpu.memref_slice %arg7[%add3A_374, %dma_start3A] : memref<8192x2048xf32, #tpu.memory_space<hbm>> -> memref<16x2048xf32, #tpu.memory_space<hbm>>
      %dma_start3A_479 = arith.constant 0 : i32
      %dma_start3A_480 = tpu.memref_slice %arg7[%add3A_374, %dma_start3A_479] : memref<8192x2048xf32, #tpu.memory_space<hbm>> -> memref<16x2048xf32, #tpu.memory_space<hbm>>
      tpu.enqueue_dma source(%arg10 : memref<16x2048xf32, #tpu.memory_space<vmem>>) target(%dma_start3A_480 : memref<16x2048xf32, #tpu.memory_space<hbm>>) target_semaphore(%arg17 : memref<!tpu.dma_semaphore, #tpu.memory_space<semaphore_mem>>)
    } else {
    }
    %or3A_386 = arith.ori %and3A_381, %ge3A_382 : i1
    %not3A_387 = arith.constant true
    %not3A_388 = arith.xori %or3A_386, %not3A_387 : i1
    %convert_element_type3A_389 = arith.extui %not3A_388 : i1 to i32
    %cond3A_390 = arith.constant 0 : i32
    %cond3A_391 = arith.cmpi ne, %convert_element_type3A_389, %cond3A_390 : i32
    scf.if %cond3A_391 {
      %add3A_478 = arith.constant 192 : i32
      %add3A_479 = arith.addi %mul3A_32, %add3A_478 : i32
      %broadcast_in_dim3A_480 = vector.broadcast %add3A_479 : i32 to vector<16xi32>
      %add3A_481 = arith.addi %broadcast_in_dim3A_480, %iota3A : vector<16xi32>
      %add3A_482 = arith.addi %gather3A, %add3A_481 : vector<16xi32>
      %jit3A_483 = arith.constant 0 : i32
      %jit3A_484 = arith.constant 1471 : i32
      %max3A = vector.broadcast %jit3A_483 : i32 to vector<16xi32>
      %max3A_485 = arith.maxsi %max3A, %add3A_482 : vector<16xi32>
      %min3A = vector.broadcast %jit3A_484 : i32 to vector<16xi32>
      %min3A_486 = arith.minsi %min3A, %max3A_485 : vector<16xi32>
      %sub3A_487 = arith.subi %add3A_481, %sub3A_48 : vector<16xi32>
      %sub3A_488 = arith.constant 578 : i32
      %sub3A_489 = vector.broadcast %sub3A_488 : i32 to vector<16xi32>
      %sub3A_490 = arith.subi %sub3A_487, %sub3A_489 : vector<16xi32>
      %add3A_491 = arith.addi %gather3A_43, %sub3A_490 : vector<16xi32>
      %jit3A_492 = arith.constant 0 : i32
      %jit3A_493 = arith.constant 1039 : i32
      %max3A_494 = vector.broadcast %jit3A_492 : i32 to vector<16xi32>
      %max3A_495 = arith.maxsi %max3A_494, %add3A_491 : vector<16xi32>
      %min3A_496 = vector.broadcast %jit3A_493 : i32 to vector<16xi32>
      %min3A_497 = arith.minsi %min3A_496, %max3A_495 : vector<16xi32>
      %gather3A_498 = tpu.vector_load_idx %arg11[%min3A_486] : memref<1472xi32, #tpu.memory_space<vmem>>[vector<16xi32>], vector<16xi32>,
      %gather3A_499 = tpu.vector_load_idx %arg12[%min3A_497] : memref<1040xi32, #tpu.memory_space<vmem>>[vector<16xi32>], vector<16xi32>,
      %lt3A_500 = arith.cmpi slt, %add3A_481, %sub3A_48 : vector<16xi32>
      %ge3A_501 = arith.constant 0 : i32
      %ge3A_502 = vector.broadcast %ge3A_501 : i32 to vector<16xi32>
      %ge3A_503 = arith.cmpi sge, %sub3A_490, %ge3A_502 : vector<16xi32>
      %lt3A_504 = arith.cmpi slt, %sub3A_490, %sub3A_49 : vector<16xi32>
      %and3A_505 = arith.andi %ge3A_503, %lt3A_504 : vector<16xi1>
      %jit3A_506 = arith.constant 0 : i32
      %broadcast_in_dim3A_507 = vector.broadcast %jit3A_506 : i32 to vector<16xi32>
      %select_n3A_508 = arith.select %and3A_505, %gather3A_499, %broadcast_in_dim3A_507 : vector<16xi1>, vector<16xi32>
      %select_n3A_509 = arith.select %lt3A_500, %gather3A_498, %select_n3A_508 : vector<16xi1>, vector<16xi32>
      %dma_start3A = arith.constant 0 : i32
      %dma_start3A_510 = arith.constant 0 : i32
      %dma_start3A_511 = tpu.memref_slice %arg2[%dma_start3A, %dma_start3A_510] : memref<32000x2048xf32, #tpu.memory_space<hbm>> -> memref<32000x2048xf32, #tpu.memory_space<hbm>>
      tpu.enqueue_indirect_dma source(%dma_start3A_511 : memref<32000x2048xf32, #tpu.memory_space<hbm>>) target(%arg8 : memref<16x2048xf32, #tpu.memory_space<vmem>>) offsets(%select_n3A_509 : vector<16xi32>) semaphore(%arg14 : memref<!tpu.dma_semaphore, #tpu.memory_space<semaphore_mem>>)
      %dma_wait3A = arith.constant 0 : i32
      %dma_wait3A_512 = arith.constant 0 : i32
      %dma_wait3A_513 = tpu.memref_slice %arg2[%dma_wait3A, %dma_wait3A_512] : memref<32000x2048xf32, #tpu.memory_space<hbm>> -> memref<32000x2048xf32, #tpu.memory_space<hbm>>
      tpu.wait_indirect_dma semaphore(%arg14 : memref<!tpu.dma_semaphore, #tpu.memory_space<semaphore_mem>>) src(%dma_wait3A_513 : memref<32000x2048xf32, #tpu.memory_space<hbm>>) dst(%arg8 : memref<16x2048xf32, #tpu.memory_space<vmem>>)
      %dma_start3A_514 = arith.constant 0 : i32
      %dma_start3A_515 = tpu.memref_slice %arg7[%add3A_374, %dma_start3A_514] : memref<8192x2048xf32, #tpu.memory_space<hbm>> -> memref<16x2048xf32, #tpu.memory_space<hbm>>
      %dma_start3A_516 = arith.constant 0 : i32
      %dma_start3A_517 = tpu.memref_slice %arg7[%add3A_374, %dma_start3A_516] : memref<8192x2048xf32, #tpu.memory_space<hbm>> -> memref<16x2048xf32, #tpu.memory_space<hbm>>
      tpu.enqueue_dma source(%arg8 : memref<16x2048xf32, #tpu.memory_space<vmem>>) target(%dma_start3A_517 : memref<16x2048xf32, #tpu.memory_space<hbm>>) target_semaphore(%arg17 : memref<!tpu.dma_semaphore, #tpu.memory_space<semaphore_mem>>)
    } else {
    }
    %not3A_392 = arith.constant true
    %not3A_393 = arith.xori %and3A_381, %not3A_392 : i1
    %convert_element_type3A_394 = arith.extui %not3A_367 : i1 to i32
    %cond3A_395 = arith.constant 0 : i32
    %cond3A_396 = arith.cmpi ne, %convert_element_type3A_394, %cond3A_395 : i32
    scf.if %cond3A_396 {
      %dma_wait3A = arith.constant 0 : i32
      %dma_wait3A_478 = tpu.memref_slice %arg7[%add3A_348, %dma_wait3A] : memref<8192x2048xf32, #tpu.memory_space<hbm>> -> memref<16x2048xf32, #tpu.memory_space<hbm>>
      %dma_wait3A_479 = arith.constant 0 : i32
      %dma_wait3A_480 = tpu.memref_slice %arg7[%add3A_348, %dma_wait3A_479] : memref<8192x2048xf32, #tpu.memory_space<hbm>> -> memref<16x2048xf32, #tpu.memory_space<hbm>>
      tpu.wait_dma2 semaphore(%arg18 : memref<!tpu.dma_semaphore, #tpu.memory_space<semaphore_mem>>) src(%arg9 : memref<16x2048xf32, #tpu.memory_space<vmem>>) dst(%dma_wait3A_480 : memref<16x2048xf32, #tpu.memory_space<hbm>>)
    } else {
    }
    %add3A_397 = arith.constant 208 : i32
    %add3A_398 = arith.addi %mul3A_32, %add3A_397 : i32
    %add3A_399 = arith.constant 208 : i32
    %add3A_400 = arith.addi %add3A_35, %add3A_399 : i32
    %ge3A_401 = arith.cmpi sge, %add3A_398, %reduce_max3A_56 : i32
    %add3A_402 = arith.constant 16 : i32
    %add3A_403 = arith.addi %add3A_398, %add3A_402 : i32
    %add3A_404 = arith.constant 578 : i32
    %add3A_405 = arith.addi %reduce_max3A_56, %add3A_404 : i32
    %le3A_406 = arith.cmpi sle, %add3A_403, %add3A_405 : i32
    %and3A_407 = arith.andi %ge3A_401, %le3A_406 : i1
    %ge3A_408 = arith.cmpi sge, %add3A_398, %add3A_67 : i32
    %convert_element_type3A_409 = arith.extui %ge3A_408 : i1 to i32
    %cond3A_410 = arith.constant 0 : i32
    %cond3A_411 = arith.cmpi ne, %convert_element_type3A_409, %cond3A_410 : i32
    scf.if %cond3A_411 {
      %dma_start3A = arith.constant 0 : i32
      %dma_start3A_478 = tpu.memref_slice %arg7[%add3A_400, %dma_start3A] : memref<8192x2048xf32, #tpu.memory_space<hbm>> -> memref<16x2048xf32, #tpu.memory_space<hbm>>
      %dma_start3A_479 = arith.constant 0 : i32
      %dma_start3A_480 = tpu.memref_slice %arg7[%add3A_400, %dma_start3A_479] : memref<8192x2048xf32, #tpu.memory_space<hbm>> -> memref<16x2048xf32, #tpu.memory_space<hbm>>
      tpu.enqueue_dma source(%arg10 : memref<16x2048xf32, #tpu.memory_space<vmem>>) target(%dma_start3A_480 : memref<16x2048xf32, #tpu.memory_space<hbm>>) target_semaphore(%arg18 : memref<!tpu.dma_semaphore, #tpu.memory_space<semaphore_mem>>)
    } else {
    }
    %or3A_412 = arith.ori %and3A_407, %ge3A_408 : i1
    %not3A_413 = arith.constant true
    %not3A_414 = arith.xori %or3A_412, %not3A_413 : i1
    %convert_element_type3A_415 = arith.extui %not3A_414 : i1 to i32
    %cond3A_416 = arith.constant 0 : i32
    %cond3A_417 = arith.cmpi ne, %convert_element_type3A_415, %cond3A_416 : i32
    scf.if %cond3A_417 {
      %add3A_478 = arith.constant 208 : i32
      %add3A_479 = arith.addi %mul3A_32, %add3A_478 : i32
      %broadcast_in_dim3A_480 = vector.broadcast %add3A_479 : i32 to vector<16xi32>
      %add3A_481 = arith.addi %broadcast_in_dim3A_480, %iota3A : vector<16xi32>
      %add3A_482 = arith.addi %gather3A, %add3A_481 : vector<16xi32>
      %jit3A_483 = arith.constant 0 : i32
      %jit3A_484 = arith.constant 1471 : i32
      %max3A = vector.broadcast %jit3A_483 : i32 to vector<16xi32>
      %max3A_485 = arith.maxsi %max3A, %add3A_482 : vector<16xi32>
      %min3A = vector.broadcast %jit3A_484 : i32 to vector<16xi32>
      %min3A_486 = arith.minsi %min3A, %max3A_485 : vector<16xi32>
      %sub3A_487 = arith.subi %add3A_481, %sub3A_48 : vector<16xi32>
      %sub3A_488 = arith.constant 578 : i32
      %sub3A_489 = vector.broadcast %sub3A_488 : i32 to vector<16xi32>
      %sub3A_490 = arith.subi %sub3A_487, %sub3A_489 : vector<16xi32>
      %add3A_491 = arith.addi %gather3A_43, %sub3A_490 : vector<16xi32>
      %jit3A_492 = arith.constant 0 : i32
      %jit3A_493 = arith.constant 1039 : i32
      %max3A_494 = vector.broadcast %jit3A_492 : i32 to vector<16xi32>
      %max3A_495 = arith.maxsi %max3A_494, %add3A_491 : vector<16xi32>
      %min3A_496 = vector.broadcast %jit3A_493 : i32 to vector<16xi32>
      %min3A_497 = arith.minsi %min3A_496, %max3A_495 : vector<16xi32>
      %gather3A_498 = tpu.vector_load_idx %arg11[%min3A_486] : memref<1472xi32, #tpu.memory_space<vmem>>[vector<16xi32>], vector<16xi32>,
      %gather3A_499 = tpu.vector_load_idx %arg12[%min3A_497] : memref<1040xi32, #tpu.memory_space<vmem>>[vector<16xi32>], vector<16xi32>,
      %lt3A_500 = arith.cmpi slt, %add3A_481, %sub3A_48 : vector<16xi32>
      %ge3A_501 = arith.constant 0 : i32
      %ge3A_502 = vector.broadcast %ge3A_501 : i32 to vector<16xi32>
      %ge3A_503 = arith.cmpi sge, %sub3A_490, %ge3A_502 : vector<16xi32>
      %lt3A_504 = arith.cmpi slt, %sub3A_490, %sub3A_49 : vector<16xi32>
      %and3A_505 = arith.andi %ge3A_503, %lt3A_504 : vector<16xi1>
      %jit3A_506 = arith.constant 0 : i32
      %broadcast_in_dim3A_507 = vector.broadcast %jit3A_506 : i32 to vector<16xi32>
      %select_n3A_508 = arith.select %and3A_505, %gather3A_499, %broadcast_in_dim3A_507 : vector<16xi1>, vector<16xi32>
      %select_n3A_509 = arith.select %lt3A_500, %gather3A_498, %select_n3A_508 : vector<16xi1>, vector<16xi32>
      %dma_start3A = arith.constant 0 : i32
      %dma_start3A_510 = arith.constant 0 : i32
      %dma_start3A_511 = tpu.memref_slice %arg2[%dma_start3A, %dma_start3A_510] : memref<32000x2048xf32, #tpu.memory_space<hbm>> -> memref<32000x2048xf32, #tpu.memory_space<hbm>>
      tpu.enqueue_indirect_dma source(%dma_start3A_511 : memref<32000x2048xf32, #tpu.memory_space<hbm>>) target(%arg9 : memref<16x2048xf32, #tpu.memory_space<vmem>>) offsets(%select_n3A_509 : vector<16xi32>) semaphore(%arg15 : memref<!tpu.dma_semaphore, #tpu.memory_space<semaphore_mem>>)
      %dma_wait3A = arith.constant 0 : i32
      %dma_wait3A_512 = arith.constant 0 : i32
      %dma_wait3A_513 = tpu.memref_slice %arg2[%dma_wait3A, %dma_wait3A_512] : memref<32000x2048xf32, #tpu.memory_space<hbm>> -> memref<32000x2048xf32, #tpu.memory_space<hbm>>
      tpu.wait_indirect_dma semaphore(%arg15 : memref<!tpu.dma_semaphore, #tpu.memory_space<semaphore_mem>>) src(%dma_wait3A_513 : memref<32000x2048xf32, #tpu.memory_space<hbm>>) dst(%arg9 : memref<16x2048xf32, #tpu.memory_space<vmem>>)
      %dma_start3A_514 = arith.constant 0 : i32
      %dma_start3A_515 = tpu.memref_slice %arg7[%add3A_400, %dma_start3A_514] : memref<8192x2048xf32, #tpu.memory_space<hbm>> -> memref<16x2048xf32, #tpu.memory_space<hbm>>
      %dma_start3A_516 = arith.constant 0 : i32
      %dma_start3A_517 = tpu.memref_slice %arg7[%add3A_400, %dma_start3A_516] : memref<8192x2048xf32, #tpu.memory_space<hbm>> -> memref<16x2048xf32, #tpu.memory_space<hbm>>
      tpu.enqueue_dma source(%arg9 : memref<16x2048xf32, #tpu.memory_space<vmem>>) target(%dma_start3A_517 : memref<16x2048xf32, #tpu.memory_space<hbm>>) target_semaphore(%arg18 : memref<!tpu.dma_semaphore, #tpu.memory_space<semaphore_mem>>)
    } else {
    }
    %not3A_418 = arith.constant true
    %not3A_419 = arith.xori %and3A_407, %not3A_418 : i1
    %convert_element_type3A_420 = arith.extui %not3A_393 : i1 to i32
    %cond3A_421 = arith.constant 0 : i32
    %cond3A_422 = arith.cmpi ne, %convert_element_type3A_420, %cond3A_421 : i32
    scf.if %cond3A_422 {
      %dma_wait3A = arith.constant 0 : i32
      %dma_wait3A_478 = tpu.memref_slice %arg7[%add3A_374, %dma_wait3A] : memref<8192x2048xf32, #tpu.memory_space<hbm>> -> memref<16x2048xf32, #tpu.memory_space<hbm>>
      %dma_wait3A_479 = arith.constant 0 : i32
      %dma_wait3A_480 = tpu.memref_slice %arg7[%add3A_374, %dma_wait3A_479] : memref<8192x2048xf32, #tpu.memory_space<hbm>> -> memref<16x2048xf32, #tpu.memory_space<hbm>>
      tpu.wait_dma2 semaphore(%arg17 : memref<!tpu.dma_semaphore, #tpu.memory_space<semaphore_mem>>) src(%arg8 : memref<16x2048xf32, #tpu.memory_space<vmem>>) dst(%dma_wait3A_480 : memref<16x2048xf32, #tpu.memory_space<hbm>>)
    } else {
    }
    %add3A_423 = arith.constant 224 : i32
    %add3A_424 = arith.addi %mul3A_32, %add3A_423 : i32
    %add3A_425 = arith.constant 224 : i32
    %add3A_426 = arith.addi %add3A_35, %add3A_425 : i32
    %ge3A_427 = arith.cmpi sge, %add3A_424, %reduce_max3A_56 : i32
    %add3A_428 = arith.constant 16 : i32
    %add3A_429 = arith.addi %add3A_424, %add3A_428 : i32
    %add3A_430 = arith.constant 578 : i32
    %add3A_431 = arith.addi %reduce_max3A_56, %add3A_430 : i32
    %le3A_432 = arith.cmpi sle, %add3A_429, %add3A_431 : i32
    %and3A_433 = arith.andi %ge3A_427, %le3A_432 : i1
    %ge3A_434 = arith.cmpi sge, %add3A_424, %add3A_67 : i32
    %convert_element_type3A_435 = arith.extui %ge3A_434 : i1 to i32
    %cond3A_436 = arith.constant 0 : i32
    %cond3A_437 = arith.cmpi ne, %convert_element_type3A_435, %cond3A_436 : i32
    scf.if %cond3A_437 {
      %dma_start3A = arith.constant 0 : i32
      %dma_start3A_478 = tpu.memref_slice %arg7[%add3A_426, %dma_start3A] : memref<8192x2048xf32, #tpu.memory_space<hbm>> -> memref<16x2048xf32, #tpu.memory_space<hbm>>
      %dma_start3A_479 = arith.constant 0 : i32
      %dma_start3A_480 = tpu.memref_slice %arg7[%add3A_426, %dma_start3A_479] : memref<8192x2048xf32, #tpu.memory_space<hbm>> -> memref<16x2048xf32, #tpu.memory_space<hbm>>
      tpu.enqueue_dma source(%arg10 : memref<16x2048xf32, #tpu.memory_space<vmem>>) target(%dma_start3A_480 : memref<16x2048xf32, #tpu.memory_space<hbm>>) target_semaphore(%arg17 : memref<!tpu.dma_semaphore, #tpu.memory_space<semaphore_mem>>)
    } else {
    }
    %or3A_438 = arith.ori %and3A_433, %ge3A_434 : i1
    %not3A_439 = arith.constant true
    %not3A_440 = arith.xori %or3A_438, %not3A_439 : i1
    %convert_element_type3A_441 = arith.extui %not3A_440 : i1 to i32
    %cond3A_442 = arith.constant 0 : i32
    %cond3A_443 = arith.cmpi ne, %convert_element_type3A_441, %cond3A_442 : i32
    scf.if %cond3A_443 {
      %add3A_478 = arith.constant 224 : i32
      %add3A_479 = arith.addi %mul3A_32, %add3A_478 : i32
      %broadcast_in_dim3A_480 = vector.broadcast %add3A_479 : i32 to vector<16xi32>
      %add3A_481 = arith.addi %broadcast_in_dim3A_480, %iota3A : vector<16xi32>
      %add3A_482 = arith.addi %gather3A, %add3A_481 : vector<16xi32>
      %jit3A_483 = arith.constant 0 : i32
      %jit3A_484 = arith.constant 1471 : i32
      %max3A = vector.broadcast %jit3A_483 : i32 to vector<16xi32>
      %max3A_485 = arith.maxsi %max3A, %add3A_482 : vector<16xi32>
      %min3A = vector.broadcast %jit3A_484 : i32 to vector<16xi32>
      %min3A_486 = arith.minsi %min3A, %max3A_485 : vector<16xi32>
      %sub3A_487 = arith.subi %add3A_481, %sub3A_48 : vector<16xi32>
      %sub3A_488 = arith.constant 578 : i32
      %sub3A_489 = vector.broadcast %sub3A_488 : i32 to vector<16xi32>
      %sub3A_490 = arith.subi %sub3A_487, %sub3A_489 : vector<16xi32>
      %add3A_491 = arith.addi %gather3A_43, %sub3A_490 : vector<16xi32>
      %jit3A_492 = arith.constant 0 : i32
      %jit3A_493 = arith.constant 1039 : i32
      %max3A_494 = vector.broadcast %jit3A_492 : i32 to vector<16xi32>
      %max3A_495 = arith.maxsi %max3A_494, %add3A_491 : vector<16xi32>
      %min3A_496 = vector.broadcast %jit3A_493 : i32 to vector<16xi32>
      %min3A_497 = arith.minsi %min3A_496, %max3A_495 : vector<16xi32>
      %gather3A_498 = tpu.vector_load_idx %arg11[%min3A_486] : memref<1472xi32, #tpu.memory_space<vmem>>[vector<16xi32>], vector<16xi32>,
      %gather3A_499 = tpu.vector_load_idx %arg12[%min3A_497] : memref<1040xi32, #tpu.memory_space<vmem>>[vector<16xi32>], vector<16xi32>,
      %lt3A_500 = arith.cmpi slt, %add3A_481, %sub3A_48 : vector<16xi32>
      %ge3A_501 = arith.constant 0 : i32
      %ge3A_502 = vector.broadcast %ge3A_501 : i32 to vector<16xi32>
      %ge3A_503 = arith.cmpi sge, %sub3A_490, %ge3A_502 : vector<16xi32>
      %lt3A_504 = arith.cmpi slt, %sub3A_490, %sub3A_49 : vector<16xi32>
      %and3A_505 = arith.andi %ge3A_503, %lt3A_504 : vector<16xi1>
      %jit3A_506 = arith.constant 0 : i32
      %broadcast_in_dim3A_507 = vector.broadcast %jit3A_506 : i32 to vector<16xi32>
      %select_n3A_508 = arith.select %and3A_505, %gather3A_499, %broadcast_in_dim3A_507 : vector<16xi1>, vector<16xi32>
      %select_n3A_509 = arith.select %lt3A_500, %gather3A_498, %select_n3A_508 : vector<16xi1>, vector<16xi32>
      %dma_start3A = arith.constant 0 : i32
      %dma_start3A_510 = arith.constant 0 : i32
      %dma_start3A_511 = tpu.memref_slice %arg2[%dma_start3A, %dma_start3A_510] : memref<32000x2048xf32, #tpu.memory_space<hbm>> -> memref<32000x2048xf32, #tpu.memory_space<hbm>>
      tpu.enqueue_indirect_dma source(%dma_start3A_511 : memref<32000x2048xf32, #tpu.memory_space<hbm>>) target(%arg8 : memref<16x2048xf32, #tpu.memory_space<vmem>>) offsets(%select_n3A_509 : vector<16xi32>) semaphore(%arg14 : memref<!tpu.dma_semaphore, #tpu.memory_space<semaphore_mem>>)
      %dma_wait3A = arith.constant 0 : i32
      %dma_wait3A_512 = arith.constant 0 : i32
      %dma_wait3A_513 = tpu.memref_slice %arg2[%dma_wait3A, %dma_wait3A_512] : memref<32000x2048xf32, #tpu.memory_space<hbm>> -> memref<32000x2048xf32, #tpu.memory_space<hbm>>
      tpu.wait_indirect_dma semaphore(%arg14 : memref<!tpu.dma_semaphore, #tpu.memory_space<semaphore_mem>>) src(%dma_wait3A_513 : memref<32000x2048xf32, #tpu.memory_space<hbm>>) dst(%arg8 : memref<16x2048xf32, #tpu.memory_space<vmem>>)
      %dma_start3A_514 = arith.constant 0 : i32
      %dma_start3A_515 = tpu.memref_slice %arg7[%add3A_426, %dma_start3A_514] : memref<8192x2048xf32, #tpu.memory_space<hbm>> -> memref<16x2048xf32, #tpu.memory_space<hbm>>
      %dma_start3A_516 = arith.constant 0 : i32
      %dma_start3A_517 = tpu.memref_slice %arg7[%add3A_426, %dma_start3A_516] : memref<8192x2048xf32, #tpu.memory_space<hbm>> -> memref<16x2048xf32, #tpu.memory_space<hbm>>
      tpu.enqueue_dma source(%arg8 : memref<16x2048xf32, #tpu.memory_space<vmem>>) target(%dma_start3A_517 : memref<16x2048xf32, #tpu.memory_space<hbm>>) target_semaphore(%arg17 : memref<!tpu.dma_semaphore, #tpu.memory_space<semaphore_mem>>)
    } else {
    }
    %not3A_444 = arith.constant true
    %not3A_445 = arith.xori %and3A_433, %not3A_444 : i1
    %convert_element_type3A_446 = arith.extui %not3A_419 : i1 to i32
    %cond3A_447 = arith.constant 0 : i32
    %cond3A_448 = arith.cmpi ne, %convert_element_type3A_446, %cond3A_447 : i32
    scf.if %cond3A_448 {
      %dma_wait3A = arith.constant 0 : i32
      %dma_wait3A_478 = tpu.memref_slice %arg7[%add3A_400, %dma_wait3A] : memref<8192x2048xf32, #tpu.memory_space<hbm>> -> memref<16x2048xf32, #tpu.memory_space<hbm>>
      %dma_wait3A_479 = arith.constant 0 : i32
      %dma_wait3A_480 = tpu.memref_slice %arg7[%add3A_400, %dma_wait3A_479] : memref<8192x2048xf32, #tpu.memory_space<hbm>> -> memref<16x2048xf32, #tpu.memory_space<hbm>>
      tpu.wait_dma2 semaphore(%arg18 : memref<!tpu.dma_semaphore, #tpu.memory_space<semaphore_mem>>) src(%arg9 : memref<16x2048xf32, #tpu.memory_space<vmem>>) dst(%dma_wait3A_480 : memref<16x2048xf32, #tpu.memory_space<hbm>>)
    } else {
    }
    %add3A_449 = arith.constant 240 : i32
    %add3A_450 = arith.addi %mul3A_32, %add3A_449 : i32
    %add3A_451 = arith.constant 240 : i32
    %add3A_452 = arith.addi %add3A_35, %add3A_451 : i32
    %ge3A_453 = arith.cmpi sge, %add3A_450, %reduce_max3A_56 : i32
    %add3A_454 = arith.constant 16 : i32
    %add3A_455 = arith.addi %add3A_450, %add3A_454 : i32
    %add3A_456 = arith.constant 578 : i32
    %add3A_457 = arith.addi %reduce_max3A_56, %add3A_456 : i32
    %le3A_458 = arith.cmpi sle, %add3A_455, %add3A_457 : i32
    %and3A_459 = arith.andi %ge3A_453, %le3A_458 : i1
    %ge3A_460 = arith.cmpi sge, %add3A_450, %add3A_67 : i32
    %convert_element_type3A_461 = arith.extui %ge3A_460 : i1 to i32
    %cond3A_462 = arith.constant 0 : i32
    %cond3A_463 = arith.cmpi ne, %convert_element_type3A_461, %cond3A_462 : i32
    scf.if %cond3A_463 {
      %dma_start3A = arith.constant 0 : i32
      %dma_start3A_478 = tpu.memref_slice %arg7[%add3A_452, %dma_start3A] : memref<8192x2048xf32, #tpu.memory_space<hbm>> -> memref<16x2048xf32, #tpu.memory_space<hbm>>
      %dma_start3A_479 = arith.constant 0 : i32
      %dma_start3A_480 = tpu.memref_slice %arg7[%add3A_452, %dma_start3A_479] : memref<8192x2048xf32, #tpu.memory_space<hbm>> -> memref<16x2048xf32, #tpu.memory_space<hbm>>
      tpu.enqueue_dma source(%arg10 : memref<16x2048xf32, #tpu.memory_space<vmem>>) target(%dma_start3A_480 : memref<16x2048xf32, #tpu.memory_space<hbm>>) target_semaphore(%arg18 : memref<!tpu.dma_semaphore, #tpu.memory_space<semaphore_mem>>)
    } else {
    }
    %or3A_464 = arith.ori %and3A_459, %ge3A_460 : i1
    %not3A_465 = arith.constant true
    %not3A_466 = arith.xori %or3A_464, %not3A_465 : i1
    %convert_element_type3A_467 = arith.extui %not3A_466 : i1 to i32
    %cond3A_468 = arith.constant 0 : i32
    %cond3A_469 = arith.cmpi ne, %convert_element_type3A_467, %cond3A_468 : i32
    scf.if %cond3A_469 {
      %add3A_478 = arith.constant 240 : i32
      %add3A_479 = arith.addi %mul3A_32, %add3A_478 : i32
      %broadcast_in_dim3A_480 = vector.broadcast %add3A_479 : i32 to vector<16xi32>
      %add3A_481 = arith.addi %broadcast_in_dim3A_480, %iota3A : vector<16xi32>
      %add3A_482 = arith.addi %gather3A, %add3A_481 : vector<16xi32>
      %jit3A_483 = arith.constant 0 : i32
      %jit3A_484 = arith.constant 1471 : i32
      %max3A = vector.broadcast %jit3A_483 : i32 to vector<16xi32>
      %max3A_485 = arith.maxsi %max3A, %add3A_482 : vector<16xi32>
      %min3A = vector.broadcast %jit3A_484 : i32 to vector<16xi32>
      %min3A_486 = arith.minsi %min3A, %max3A_485 : vector<16xi32>
      %sub3A_487 = arith.subi %add3A_481, %sub3A_48 : vector<16xi32>
      %sub3A_488 = arith.constant 578 : i32
      %sub3A_489 = vector.broadcast %sub3A_488 : i32 to vector<16xi32>
      %sub3A_490 = arith.subi %sub3A_487, %sub3A_489 : vector<16xi32>
      %add3A_491 = arith.addi %gather3A_43, %sub3A_490 : vector<16xi32>
      %jit3A_492 = arith.constant 0 : i32
      %jit3A_493 = arith.constant 1039 : i32
      %max3A_494 = vector.broadcast %jit3A_492 : i32 to vector<16xi32>
      %max3A_495 = arith.maxsi %max3A_494, %add3A_491 : vector<16xi32>
      %min3A_496 = vector.broadcast %jit3A_493 : i32 to vector<16xi32>
      %min3A_497 = arith.minsi %min3A_496, %max3A_495 : vector<16xi32>
      %gather3A_498 = tpu.vector_load_idx %arg11[%min3A_486] : memref<1472xi32, #tpu.memory_space<vmem>>[vector<16xi32>], vector<16xi32>,
      %gather3A_499 = tpu.vector_load_idx %arg12[%min3A_497] : memref<1040xi32, #tpu.memory_space<vmem>>[vector<16xi32>], vector<16xi32>,
      %lt3A_500 = arith.cmpi slt, %add3A_481, %sub3A_48 : vector<16xi32>
      %ge3A_501 = arith.constant 0 : i32
      %ge3A_502 = vector.broadcast %ge3A_501 : i32 to vector<16xi32>
      %ge3A_503 = arith.cmpi sge, %sub3A_490, %ge3A_502 : vector<16xi32>
      %lt3A_504 = arith.cmpi slt, %sub3A_490, %sub3A_49 : vector<16xi32>
      %and3A_505 = arith.andi %ge3A_503, %lt3A_504 : vector<16xi1>
      %jit3A_506 = arith.constant 0 : i32
      %broadcast_in_dim3A_507 = vector.broadcast %jit3A_506 : i32 to vector<16xi32>
      %select_n3A_508 = arith.select %and3A_505, %gather3A_499, %broadcast_in_dim3A_507 : vector<16xi1>, vector<16xi32>
      %select_n3A_509 = arith.select %lt3A_500, %gather3A_498, %select_n3A_508 : vector<16xi1>, vector<16xi32>
      %dma_start3A = arith.constant 0 : i32
      %dma_start3A_510 = arith.constant 0 : i32
      %dma_start3A_511 = tpu.memref_slice %arg2[%dma_start3A, %dma_start3A_510] : memref<32000x2048xf32, #tpu.memory_space<hbm>> -> memref<32000x2048xf32, #tpu.memory_space<hbm>>
      tpu.enqueue_indirect_dma source(%dma_start3A_511 : memref<32000x2048xf32, #tpu.memory_space<hbm>>) target(%arg9 : memref<16x2048xf32, #tpu.memory_space<vmem>>) offsets(%select_n3A_509 : vector<16xi32>) semaphore(%arg15 : memref<!tpu.dma_semaphore, #tpu.memory_space<semaphore_mem>>)
      %dma_wait3A = arith.constant 0 : i32
      %dma_wait3A_512 = arith.constant 0 : i32
      %dma_wait3A_513 = tpu.memref_slice %arg2[%dma_wait3A, %dma_wait3A_512] : memref<32000x2048xf32, #tpu.memory_space<hbm>> -> memref<32000x2048xf32, #tpu.memory_space<hbm>>
      tpu.wait_indirect_dma semaphore(%arg15 : memref<!tpu.dma_semaphore, #tpu.memory_space<semaphore_mem>>) src(%dma_wait3A_513 : memref<32000x2048xf32, #tpu.memory_space<hbm>>) dst(%arg9 : memref<16x2048xf32, #tpu.memory_space<vmem>>)
      %dma_start3A_514 = arith.constant 0 : i32
      %dma_start3A_515 = tpu.memref_slice %arg7[%add3A_452, %dma_start3A_514] : memref<8192x2048xf32, #tpu.memory_space<hbm>> -> memref<16x2048xf32, #tpu.memory_space<hbm>>
      %dma_start3A_516 = arith.constant 0 : i32
      %dma_start3A_517 = tpu.memref_slice %arg7[%add3A_452, %dma_start3A_516] : memref<8192x2048xf32, #tpu.memory_space<hbm>> -> memref<16x2048xf32, #tpu.memory_space<hbm>>
      tpu.enqueue_dma source(%arg9 : memref<16x2048xf32, #tpu.memory_space<vmem>>) target(%dma_start3A_517 : memref<16x2048xf32, #tpu.memory_space<hbm>>) target_semaphore(%arg18 : memref<!tpu.dma_semaphore, #tpu.memory_space<semaphore_mem>>)
    } else {
    }
    %not3A_470 = arith.constant true
    %not3A_471 = arith.xori %and3A_459, %not3A_470 : i1
    %convert_element_type3A_472 = arith.extui %not3A_445 : i1 to i32
    %cond3A_473 = arith.constant 0 : i32
    %cond3A_474 = arith.cmpi ne, %convert_element_type3A_472, %cond3A_473 : i32
    scf.if %cond3A_474 {
      %dma_wait3A = arith.constant 0 : i32
      %dma_wait3A_478 = tpu.memref_slice %arg7[%add3A_426, %dma_wait3A] : memref<8192x2048xf32, #tpu.memory_space<hbm>> -> memref<16x2048xf32, #tpu.memory_space<hbm>>
      %dma_wait3A_479 = arith.constant 0 : i32
      %dma_wait3A_480 = tpu.memref_slice %arg7[%add3A_426, %dma_wait3A_479] : memref<8192x2048xf32, #tpu.memory_space<hbm>> -> memref<16x2048xf32, #tpu.memory_space<hbm>>
      tpu.wait_dma2 semaphore(%arg17 : memref<!tpu.dma_semaphore, #tpu.memory_space<semaphore_mem>>) src(%arg8 : memref<16x2048xf32, #tpu.memory_space<vmem>>) dst(%dma_wait3A_480 : memref<16x2048xf32, #tpu.memory_space<hbm>>)
    } else {
    }
    %convert_element_type3A_475 = arith.extui %not3A_471 : i1 to i32
    %cond3A_476 = arith.constant 0 : i32
    %cond3A_477 = arith.cmpi ne, %convert_element_type3A_475, %cond3A_476 : i32
    scf.if %cond3A_477 {
      %dma_wait3A = arith.constant 0 : i32
      %dma_wait3A_478 = tpu.memref_slice %arg7[%add3A_452, %dma_wait3A] : memref<8192x2048xf32, #tpu.memory_space<hbm>> -> memref<16x2048xf32, #tpu.memory_space<hbm>>
      %dma_wait3A_479 = arith.constant 0 : i32
      %dma_wait3A_480 = tpu.memref_slice %arg7[%add3A_452, %dma_wait3A_479] : memref<8192x2048xf32, #tpu.memory_space<hbm>> -> memref<16x2048xf32, #tpu.memory_space<hbm>>
      tpu.wait_dma2 semaphore(%arg18 : memref<!tpu.dma_semaphore, #tpu.memory_space<semaphore_mem>>) src(%arg9 : memref<16x2048xf32, #tpu.memory_space<vmem>>) dst(%dma_wait3A_480 : memref<16x2048xf32, #tpu.memory_space<hbm>>)
    } else {
    }
    return
  }
}

module attributes {stable_mosaic.version = 14 : i64} {
  func.func @_scatter_body(%arg0: i32, %arg1: memref<4xi32, #tpu.memory_space<smem>>, %arg2: memref<1x578x2048xf32, #tpu.memory_space<vmem>>, %arg3: memref<8192x2048xf32, #tpu.memory_space<any>>, %arg4: memref<8192x2048xf32, #tpu.memory_space<any>>, %arg5: memref<576x2048xf32, #tpu.memory_space<vmem>>, %arg6: memref<8x2048xf32, #tpu.memory_space<vmem>>, %arg7: memref<8x2048xf32, #tpu.memory_space<vmem>>, %arg8: memref<!tpu.dma_semaphore, #tpu.memory_space<semaphore_mem>>, %arg9: memref<!tpu.dma_semaphore, #tpu.memory_space<semaphore_mem>>, %arg10: memref<!tpu.dma_semaphore, #tpu.memory_space<semaphore_mem>>) attributes {dimension_semantics = [#tpu.dimension_semantics<arbitrary>], iteration_bounds = array<i64: 4>, scalar_prefetch = 0 : i64, scratch_operands = 6 : i64, tpu.core_type = #tpu.core_type<tc>, window_params = [{transform_indices = @transform_0, window_bounds = array<i64: 4>}, {transform_indices = @transform_1, window_bounds = array<i64: 1, 578, 2048>}, {}, {}]} {
    %get3A = arith.index_cast %arg0 : i32 to index
    %get3A_0 = memref.load %arg1[%get3A] : memref<4xi32, #tpu.memory_space<smem>>
    %jit3A = arith.constant 8 : i32
    %div3A = arith.divsi %get3A_0, %jit3A : i32
    %sign3A = arith.constant 0 : i32
    %sign3A_1 = arith.cmpi sgt, %get3A_0, %sign3A : i32
    %sign3A_2 = arith.extui %sign3A_1 : i1 to i32
    %sign3A_3 = arith.constant 0 : i32
    %sign3A_4 = arith.cmpi slt, %get3A_0, %sign3A_3 : i32
    %sign3A_5 = arith.extui %sign3A_4 : i1 to i32
    %sign3A_6 = arith.subi %sign3A_2, %sign3A_5 : i32
    %sign3A_7 = arith.constant 0 : i32
    %sign3A_8 = arith.cmpi sgt, %jit3A, %sign3A_7 : i32
    %sign3A_9 = arith.extui %sign3A_8 : i1 to i32
    %sign3A_10 = arith.constant 0 : i32
    %sign3A_11 = arith.cmpi slt, %jit3A, %sign3A_10 : i32
    %sign3A_12 = arith.extui %sign3A_11 : i1 to i32
    %sign3A_13 = arith.subi %sign3A_9, %sign3A_12 : i32
    %ne3A = arith.cmpi ne, %sign3A_6, %sign3A_13 : i32
    %rem3A = arith.remsi %get3A_0, %jit3A : i32
    %ne3A_14 = arith.constant 0 : i32
    %ne3A_15 = arith.cmpi ne, %rem3A, %ne3A_14 : i32
    %and3A = arith.andi %ne3A, %ne3A_15 : i1
    %sub3A = arith.constant 1 : i32
    %sub3A_16 = arith.subi %div3A, %sub3A : i32
    %select_n3A = arith.select %and3A, %sub3A_16, %div3A : i32
    %mul3A = arith.constant 8 : i32
    %mul3A_17 = arith.muli %select_n3A, %mul3A : i32
    %mul3A_18 = arith.constant 2048 : i32
    %mul3A_19 = arith.muli %arg0, %mul3A_18 : i32
    %jit3A_20 = arith.constant 8 : i32
    %eq3A = arith.constant 0 : i32
    %eq3A_21 = arith.cmpi eq, %jit3A_20, %eq3A : i32
    %jit3A_22 = arith.constant 1 : i32
    %select_n3A_23 = arith.select %eq3A_21, %jit3A_22, %jit3A_20 : i32
    %rem3A_24 = arith.remsi %get3A_0, %select_n3A_23 : i32
    %ne3A_25 = arith.constant 0 : i32
    %ne3A_26 = arith.cmpi ne, %rem3A_24, %ne3A_25 : i32
    %lt3A = arith.constant 0 : i32
    %lt3A_27 = arith.cmpi slt, %rem3A_24, %lt3A : i32
    %lt3A_28 = arith.constant 0 : i32
    %lt3A_29 = arith.cmpi slt, %select_n3A_23, %lt3A_28 : i32
    %ne3A_30 = arith.xori %lt3A_27, %lt3A_29 : i1
    %and3A_31 = arith.andi %ne3A_30, %ne3A_26 : i1
    %add3A = arith.addi %rem3A_24, %select_n3A_23 : i32
    %select_n3A_32 = arith.select %and3A_31, %add3A, %rem3A_24 : i32
    %eq3A_33 = arith.constant 0 : i32
    %eq3A_34 = arith.cmpi eq, %select_n3A_32, %eq3A_33 : i32
    %convert_element_type3A = arith.extui %eq3A_34 : i1 to i32
    %cond3A = arith.constant 0 : i32
    %cond3A_35 = arith.cmpi ne, %convert_element_type3A, %cond3A : i32
    scf.if %cond3A_35 {
      %add3A_183 = arith.addi %mul3A_19, %get3A_0 : i32
      %add3A_184 = arith.constant 0 : i32
      %add3A_185 = arith.addi %add3A_183, %add3A_184 : i32
      %multiple_of3A = tpu.assume_multiple %add3A_185, 8 : i32
      %dma_start3A = arith.constant 0 : i32
      %dma_start3A_186 = arith.constant 0 : i32
      %dma_start3A_187 = tpu.memref_slice %arg4[%multiple_of3A, %dma_start3A_186] : memref<8192x2048xf32, #tpu.memory_space<any>> -> memref<576x2048xf32, #tpu.memory_space<any>>
      %dma_start3A_188 = arith.constant 0 : i32
      %dma_start3A_189 = arith.constant 0 : i32
      %dma_start3A_190 = tpu.memref_slice %arg2[%dma_start3A, %dma_start3A_188, %dma_start3A_189] : memref<1x578x2048xf32, #tpu.memory_space<vmem>> -> memref<1x576x2048xf32, #tpu.memory_space<vmem>>
      %dma_start3A_191 = tpu.memref_squeeze %dma_start3A_190 : memref<1x576x2048xf32, #tpu.memory_space<vmem>> -> memref<576x2048xf32, #tpu.memory_space<vmem>>
      tpu.enqueue_dma source(%dma_start3A_191 : memref<576x2048xf32, #tpu.memory_space<vmem>>) target(%dma_start3A_187 : memref<576x2048xf32, #tpu.memory_space<any>>) target_semaphore(%arg10 : memref<!tpu.dma_semaphore, #tpu.memory_space<semaphore_mem>>)
      %add3A_192 = arith.constant 0 : i32
      %add3A_193 = arith.addi %get3A_0, %add3A_192 : i32
      %add3A_194 = arith.constant 576 : i32
      %add3A_195 = arith.addi %add3A_193, %add3A_194 : i32
      %add3A_196 = arith.addi %mul3A_19, %add3A_195 : i32
      %multiple_of3A_197 = tpu.assume_multiple %add3A_196, 8 : i32
      %dma_start3A_198 = arith.constant 0 : i32
      %dma_start3A_199 = tpu.memref_slice %arg4[%multiple_of3A_197, %dma_start3A_198] : memref<8192x2048xf32, #tpu.memory_space<any>> -> memref<8x2048xf32, #tpu.memory_space<any>>
      tpu.enqueue_dma source(%dma_start3A_199 : memref<8x2048xf32, #tpu.memory_space<any>>) target(%arg7 : memref<8x2048xf32, #tpu.memory_space<vmem>>) target_semaphore(%arg9 : memref<!tpu.dma_semaphore, #tpu.memory_space<semaphore_mem>>)
      %dma_wait3A = arith.constant 0 : i32
      %dma_wait3A_200 = tpu.memref_slice %arg4[%multiple_of3A_197, %dma_wait3A] : memref<8192x2048xf32, #tpu.memory_space<any>> -> memref<8x2048xf32, #tpu.memory_space<any>>
      tpu.wait_dma2 semaphore(%arg9 : memref<!tpu.dma_semaphore, #tpu.memory_space<semaphore_mem>>) src(%dma_wait3A_200 : memref<8x2048xf32, #tpu.memory_space<any>>) dst(%arg7 : memref<8x2048xf32, #tpu.memory_space<vmem>>)
      %get3A_201 = arith.constant 0 : index
      %get3A_202 = arith.constant 576 : index
      %get3A_203 = arith.constant 0 : index
      %get3A_204 = vector.load %arg2[%get3A_201, %get3A_202, %get3A_203] : memref<1x578x2048xf32, #tpu.memory_space<vmem>>, vector<1x2x2048xf32>
      %get3A_205 = vector.shape_cast %get3A_204 : vector<1x2x2048xf32> to vector<2x2048xf32>
      %swap3A = arith.constant 0 : index
      %swap3A_206 = arith.constant 0 : index
      %swap3A_207 = vector.load %arg7[%swap3A, %swap3A_206] : memref<8x2048xf32, #tpu.memory_space<vmem>>, vector<2x2048xf32>
      tpu.vector_store %arg7[%swap3A, %swap3A_206], %get3A_205 {strides = array<i32>} : memref<8x2048xf32, #tpu.memory_space<vmem>>, vector<2x2048xf32>,
      %dma_start3A_208 = arith.constant 0 : i32
      %dma_start3A_209 = tpu.memref_slice %arg4[%multiple_of3A_197, %dma_start3A_208] : memref<8192x2048xf32, #tpu.memory_space<any>> -> memref<8x2048xf32, #tpu.memory_space<any>>
      tpu.enqueue_dma source(%arg7 : memref<8x2048xf32, #tpu.memory_space<vmem>>) target(%dma_start3A_209 : memref<8x2048xf32, #tpu.memory_space<any>>) target_semaphore(%arg9 : memref<!tpu.dma_semaphore, #tpu.memory_space<semaphore_mem>>)
      %dma_wait3A_210 = arith.constant 0 : i32
      %dma_wait3A_211 = tpu.memref_slice %arg4[%multiple_of3A_197, %dma_wait3A_210] : memref<8192x2048xf32, #tpu.memory_space<any>> -> memref<8x2048xf32, #tpu.memory_space<any>>
      tpu.wait_dma2 semaphore(%arg9 : memref<!tpu.dma_semaphore, #tpu.memory_space<semaphore_mem>>) src(%arg7 : memref<8x2048xf32, #tpu.memory_space<vmem>>) dst(%dma_wait3A_211 : memref<8x2048xf32, #tpu.memory_space<any>>)
      %dma_wait3A_212 = arith.constant 0 : i32
      %dma_wait3A_213 = arith.constant 0 : i32
      %dma_wait3A_214 = tpu.memref_slice %arg4[%multiple_of3A, %dma_wait3A_213] : memref<8192x2048xf32, #tpu.memory_space<any>> -> memref<576x2048xf32, #tpu.memory_space<any>>
      %dma_wait3A_215 = arith.constant 0 : i32
      %dma_wait3A_216 = arith.constant 0 : i32
      %dma_wait3A_217 = tpu.memref_slice %arg2[%dma_wait3A_212, %dma_wait3A_215, %dma_wait3A_216] : memref<1x578x2048xf32, #tpu.memory_space<vmem>> -> memref<1x576x2048xf32, #tpu.memory_space<vmem>>
      %dma_wait3A_218 = tpu.memref_squeeze %dma_wait3A_217 : memref<1x576x2048xf32, #tpu.memory_space<vmem>> -> memref<576x2048xf32, #tpu.memory_space<vmem>>
      tpu.wait_dma2 semaphore(%arg10 : memref<!tpu.dma_semaphore, #tpu.memory_space<semaphore_mem>>) src(%dma_wait3A_218 : memref<576x2048xf32, #tpu.memory_space<vmem>>) dst(%dma_wait3A_214 : memref<576x2048xf32, #tpu.memory_space<any>>)
    } else {
    }
    %jit3A_36 = arith.constant 8 : i32
    %eq3A_37 = arith.constant 0 : i32
    %eq3A_38 = arith.cmpi eq, %jit3A_36, %eq3A_37 : i32
    %jit3A_39 = arith.constant 1 : i32
    %select_n3A_40 = arith.select %eq3A_38, %jit3A_39, %jit3A_36 : i32
    %rem3A_41 = arith.remsi %get3A_0, %select_n3A_40 : i32
    %ne3A_42 = arith.constant 0 : i32
    %ne3A_43 = arith.cmpi ne, %rem3A_41, %ne3A_42 : i32
    %lt3A_44 = arith.constant 0 : i32
    %lt3A_45 = arith.cmpi slt, %rem3A_41, %lt3A_44 : i32
    %lt3A_46 = arith.constant 0 : i32
    %lt3A_47 = arith.cmpi slt, %select_n3A_40, %lt3A_46 : i32
    %ne3A_48 = arith.xori %lt3A_45, %lt3A_47 : i1
    %and3A_49 = arith.andi %ne3A_48, %ne3A_43 : i1
    %add3A_50 = arith.addi %rem3A_41, %select_n3A_40 : i32
    %select_n3A_51 = arith.select %and3A_49, %add3A_50, %rem3A_41 : i32
    %eq3A_52 = arith.constant 1 : i32
    %eq3A_53 = arith.cmpi eq, %select_n3A_51, %eq3A_52 : i32
    %convert_element_type3A_54 = arith.extui %eq3A_53 : i1 to i32
    %cond3A_55 = arith.constant 0 : i32
    %cond3A_56 = arith.cmpi ne, %convert_element_type3A_54, %cond3A_55 : i32
    scf.if %cond3A_56 {
      %add3A_183 = arith.addi %mul3A_19, %get3A_0 : i32
      %add3A_184 = arith.constant 7 : i32
      %add3A_185 = arith.addi %add3A_183, %add3A_184 : i32
      %multiple_of3A = tpu.assume_multiple %add3A_185, 8 : i32
      %get3A_186 = arith.constant 0 : index
      %get3A_187 = arith.constant 7 : index
      %get3A_188 = arith.constant 0 : index
      %get3A_189 = vector.load %arg2[%get3A_186, %get3A_187, %get3A_188] : memref<1x578x2048xf32, #tpu.memory_space<vmem>>, vector<1x568x2048xf32>
      %get3A_190 = vector.shape_cast %get3A_189 : vector<1x568x2048xf32> to vector<568x2048xf32>
      %swap3A = arith.constant 0 : index
      %swap3A_191 = arith.constant 0 : index
      %swap3A_192 = vector.load %arg5[%swap3A, %swap3A_191] : memref<576x2048xf32, #tpu.memory_space<vmem>>, vector<568x2048xf32>
      tpu.vector_store %arg5[%swap3A, %swap3A_191], %get3A_190 {strides = array<i32>} : memref<576x2048xf32, #tpu.memory_space<vmem>>, vector<568x2048xf32>,
      %dma_start3A = arith.constant 0 : i32
      %dma_start3A_193 = tpu.memref_slice %arg4[%multiple_of3A, %dma_start3A] : memref<8192x2048xf32, #tpu.memory_space<any>> -> memref<568x2048xf32, #tpu.memory_space<any>>
      %dma_start3A_194 = arith.constant 0 : i32
      %dma_start3A_195 = arith.constant 0 : i32
      %dma_start3A_196 = tpu.memref_slice %arg5[%dma_start3A_194, %dma_start3A_195] : memref<576x2048xf32, #tpu.memory_space<vmem>> -> memref<568x2048xf32, #tpu.memory_space<vmem>>
      tpu.enqueue_dma source(%dma_start3A_196 : memref<568x2048xf32, #tpu.memory_space<vmem>>) target(%dma_start3A_193 : memref<568x2048xf32, #tpu.memory_space<any>>) target_semaphore(%arg10 : memref<!tpu.dma_semaphore, #tpu.memory_space<semaphore_mem>>)
      %add3A_197 = arith.addi %mul3A_19, %mul3A_17 : i32
      %multiple_of3A_198 = tpu.assume_multiple %add3A_197, 8 : i32
      %dma_start3A_199 = arith.constant 0 : i32
      %dma_start3A_200 = tpu.memref_slice %arg4[%multiple_of3A_198, %dma_start3A_199] : memref<8192x2048xf32, #tpu.memory_space<any>> -> memref<8x2048xf32, #tpu.memory_space<any>>
      tpu.enqueue_dma source(%dma_start3A_200 : memref<8x2048xf32, #tpu.memory_space<any>>) target(%arg6 : memref<8x2048xf32, #tpu.memory_space<vmem>>) target_semaphore(%arg8 : memref<!tpu.dma_semaphore, #tpu.memory_space<semaphore_mem>>)
      %dma_wait3A = arith.constant 0 : i32
      %dma_wait3A_201 = tpu.memref_slice %arg4[%multiple_of3A_198, %dma_wait3A] : memref<8192x2048xf32, #tpu.memory_space<any>> -> memref<8x2048xf32, #tpu.memory_space<any>>
      tpu.wait_dma2 semaphore(%arg8 : memref<!tpu.dma_semaphore, #tpu.memory_space<semaphore_mem>>) src(%dma_wait3A_201 : memref<8x2048xf32, #tpu.memory_space<any>>) dst(%arg6 : memref<8x2048xf32, #tpu.memory_space<vmem>>)
      %get3A_202 = arith.constant 0 : index
      %get3A_203 = arith.constant 0 : index
      %get3A_204 = arith.constant 0 : index
      %get3A_205 = vector.load %arg2[%get3A_202, %get3A_203, %get3A_204] : memref<1x578x2048xf32, #tpu.memory_space<vmem>>, vector<1x7x2048xf32>
      %get3A_206 = vector.shape_cast %get3A_205 : vector<1x7x2048xf32> to vector<7x2048xf32>
      %swap3A_207 = arith.constant 1 : index
      %swap3A_208 = arith.constant 0 : index
      %swap3A_209 = vector.load %arg6[%swap3A_207, %swap3A_208] : memref<8x2048xf32, #tpu.memory_space<vmem>>, vector<7x2048xf32>
      tpu.vector_store %arg6[%swap3A_207, %swap3A_208], %get3A_206 {strides = array<i32>} : memref<8x2048xf32, #tpu.memory_space<vmem>>, vector<7x2048xf32>,
      %dma_start3A_210 = arith.constant 0 : i32
      %dma_start3A_211 = tpu.memref_slice %arg4[%multiple_of3A_198, %dma_start3A_210] : memref<8192x2048xf32, #tpu.memory_space<any>> -> memref<8x2048xf32, #tpu.memory_space<any>>
      tpu.enqueue_dma source(%arg6 : memref<8x2048xf32, #tpu.memory_space<vmem>>) target(%dma_start3A_211 : memref<8x2048xf32, #tpu.memory_space<any>>) target_semaphore(%arg8 : memref<!tpu.dma_semaphore, #tpu.memory_space<semaphore_mem>>)
      %dma_wait3A_212 = arith.constant 0 : i32
      %dma_wait3A_213 = tpu.memref_slice %arg4[%multiple_of3A_198, %dma_wait3A_212] : memref<8192x2048xf32, #tpu.memory_space<any>> -> memref<8x2048xf32, #tpu.memory_space<any>>
      tpu.wait_dma2 semaphore(%arg8 : memref<!tpu.dma_semaphore, #tpu.memory_space<semaphore_mem>>) src(%arg6 : memref<8x2048xf32, #tpu.memory_space<vmem>>) dst(%dma_wait3A_213 : memref<8x2048xf32, #tpu.memory_space<any>>)
      %add3A_214 = arith.constant 7 : i32
      %add3A_215 = arith.addi %get3A_0, %add3A_214 : i32
      %add3A_216 = arith.constant 568 : i32
      %add3A_217 = arith.addi %add3A_215, %add3A_216 : i32
      %add3A_218 = arith.addi %mul3A_19, %add3A_217 : i32
      %multiple_of3A_219 = tpu.assume_multiple %add3A_218, 8 : i32
      %dma_start3A_220 = arith.constant 0 : i32
      %dma_start3A_221 = tpu.memref_slice %arg4[%multiple_of3A_219, %dma_start3A_220] : memref<8192x2048xf32, #tpu.memory_space<any>> -> memref<8x2048xf32, #tpu.memory_space<any>>
      tpu.enqueue_dma source(%dma_start3A_221 : memref<8x2048xf32, #tpu.memory_space<any>>) target(%arg7 : memref<8x2048xf32, #tpu.memory_space<vmem>>) target_semaphore(%arg9 : memref<!tpu.dma_semaphore, #tpu.memory_space<semaphore_mem>>)
      %dma_wait3A_222 = arith.constant 0 : i32
      %dma_wait3A_223 = tpu.memref_slice %arg4[%multiple_of3A_219, %dma_wait3A_222] : memref<8192x2048xf32, #tpu.memory_space<any>> -> memref<8x2048xf32, #tpu.memory_space<any>>
      tpu.wait_dma2 semaphore(%arg9 : memref<!tpu.dma_semaphore, #tpu.memory_space<semaphore_mem>>) src(%dma_wait3A_223 : memref<8x2048xf32, #tpu.memory_space<any>>) dst(%arg7 : memref<8x2048xf32, #tpu.memory_space<vmem>>)
      %get3A_224 = arith.constant 0 : index
      %get3A_225 = arith.constant 575 : index
      %get3A_226 = arith.constant 0 : index
      %get3A_227 = vector.load %arg2[%get3A_224, %get3A_225, %get3A_226] : memref<1x578x2048xf32, #tpu.memory_space<vmem>>, vector<1x3x2048xf32>
      %get3A_228 = vector.shape_cast %get3A_227 : vector<1x3x2048xf32> to vector<3x2048xf32>
      %swap3A_229 = arith.constant 0 : index
      %swap3A_230 = arith.constant 0 : index
      %swap3A_231 = vector.load %arg7[%swap3A_229, %swap3A_230] : memref<8x2048xf32, #tpu.memory_space<vmem>>, vector<3x2048xf32>
      tpu.vector_store %arg7[%swap3A_229, %swap3A_230], %get3A_228 {strides = array<i32>} : memref<8x2048xf32, #tpu.memory_space<vmem>>, vector<3x2048xf32>,
      %dma_start3A_232 = arith.constant 0 : i32
      %dma_start3A_233 = tpu.memref_slice %arg4[%multiple_of3A_219, %dma_start3A_232] : memref<8192x2048xf32, #tpu.memory_space<any>> -> memref<8x2048xf32, #tpu.memory_space<any>>
      tpu.enqueue_dma source(%arg7 : memref<8x2048xf32, #tpu.memory_space<vmem>>) target(%dma_start3A_233 : memref<8x2048xf32, #tpu.memory_space<any>>) target_semaphore(%arg9 : memref<!tpu.dma_semaphore, #tpu.memory_space<semaphore_mem>>)
      %dma_wait3A_234 = arith.constant 0 : i32
      %dma_wait3A_235 = tpu.memref_slice %arg4[%multiple_of3A_219, %dma_wait3A_234] : memref<8192x2048xf32, #tpu.memory_space<any>> -> memref<8x2048xf32, #tpu.memory_space<any>>
      tpu.wait_dma2 semaphore(%arg9 : memref<!tpu.dma_semaphore, #tpu.memory_space<semaphore_mem>>) src(%arg7 : memref<8x2048xf32, #tpu.memory_space<vmem>>) dst(%dma_wait3A_235 : memref<8x2048xf32, #tpu.memory_space<any>>)
      %dma_wait3A_236 = arith.constant 0 : i32
      %dma_wait3A_237 = tpu.memref_slice %arg4[%multiple_of3A, %dma_wait3A_236] : memref<8192x2048xf32, #tpu.memory_space<any>> -> memref<568x2048xf32, #tpu.memory_space<any>>
      %dma_wait3A_238 = arith.constant 0 : i32
      %dma_wait3A_239 = arith.constant 0 : i32
      %dma_wait3A_240 = tpu.memref_slice %arg5[%dma_wait3A_238, %dma_wait3A_239] : memref<576x2048xf32, #tpu.memory_space<vmem>> -> memref<568x2048xf32, #tpu.memory_space<vmem>>
      tpu.wait_dma2 semaphore(%arg10 : memref<!tpu.dma_semaphore, #tpu.memory_space<semaphore_mem>>) src(%dma_wait3A_240 : memref<568x2048xf32, #tpu.memory_space<vmem>>) dst(%dma_wait3A_237 : memref<568x2048xf32, #tpu.memory_space<any>>)
    } else {
    }
    %jit3A_57 = arith.constant 8 : i32
    %eq3A_58 = arith.constant 0 : i32
    %eq3A_59 = arith.cmpi eq, %jit3A_57, %eq3A_58 : i32
    %jit3A_60 = arith.constant 1 : i32
    %select_n3A_61 = arith.select %eq3A_59, %jit3A_60, %jit3A_57 : i32
    %rem3A_62 = arith.remsi %get3A_0, %select_n3A_61 : i32
    %ne3A_63 = arith.constant 0 : i32
    %ne3A_64 = arith.cmpi ne, %rem3A_62, %ne3A_63 : i32
    %lt3A_65 = arith.constant 0 : i32
    %lt3A_66 = arith.cmpi slt, %rem3A_62, %lt3A_65 : i32
    %lt3A_67 = arith.constant 0 : i32
    %lt3A_68 = arith.cmpi slt, %select_n3A_61, %lt3A_67 : i32
    %ne3A_69 = arith.xori %lt3A_66, %lt3A_68 : i1
    %and3A_70 = arith.andi %ne3A_69, %ne3A_64 : i1
    %add3A_71 = arith.addi %rem3A_62, %select_n3A_61 : i32
    %select_n3A_72 = arith.select %and3A_70, %add3A_71, %rem3A_62 : i32
    %eq3A_73 = arith.constant 2 : i32
    %eq3A_74 = arith.cmpi eq, %select_n3A_72, %eq3A_73 : i32
    %convert_element_type3A_75 = arith.extui %eq3A_74 : i1 to i32
    %cond3A_76 = arith.constant 0 : i32
    %cond3A_77 = arith.cmpi ne, %convert_element_type3A_75, %cond3A_76 : i32
    scf.if %cond3A_77 {
      %add3A_183 = arith.addi %mul3A_19, %get3A_0 : i32
      %add3A_184 = arith.constant 6 : i32
      %add3A_185 = arith.addi %add3A_183, %add3A_184 : i32
      %multiple_of3A = tpu.assume_multiple %add3A_185, 8 : i32
      %get3A_186 = arith.constant 0 : index
      %get3A_187 = arith.constant 6 : index
      %get3A_188 = arith.constant 0 : index
      %get3A_189 = vector.load %arg2[%get3A_186, %get3A_187, %get3A_188] : memref<1x578x2048xf32, #tpu.memory_space<vmem>>, vector<1x568x2048xf32>
      %get3A_190 = vector.shape_cast %get3A_189 : vector<1x568x2048xf32> to vector<568x2048xf32>
      %swap3A = arith.constant 0 : index
      %swap3A_191 = arith.constant 0 : index
      %swap3A_192 = vector.load %arg5[%swap3A, %swap3A_191] : memref<576x2048xf32, #tpu.memory_space<vmem>>, vector<568x2048xf32>
      tpu.vector_store %arg5[%swap3A, %swap3A_191], %get3A_190 {strides = array<i32>} : memref<576x2048xf32, #tpu.memory_space<vmem>>, vector<568x2048xf32>,
      %dma_start3A = arith.constant 0 : i32
      %dma_start3A_193 = tpu.memref_slice %arg4[%multiple_of3A, %dma_start3A] : memref<8192x2048xf32, #tpu.memory_space<any>> -> memref<568x2048xf32, #tpu.memory_space<any>>
      %dma_start3A_194 = arith.constant 0 : i32
      %dma_start3A_195 = arith.constant 0 : i32
      %dma_start3A_196 = tpu.memref_slice %arg5[%dma_start3A_194, %dma_start3A_195] : memref<576x2048xf32, #tpu.memory_space<vmem>> -> memref<568x2048xf32, #tpu.memory_space<vmem>>
      tpu.enqueue_dma source(%dma_start3A_196 : memref<568x2048xf32, #tpu.memory_space<vmem>>) target(%dma_start3A_193 : memref<568x2048xf32, #tpu.memory_space<any>>) target_semaphore(%arg10 : memref<!tpu.dma_semaphore, #tpu.memory_space<semaphore_mem>>)
      %add3A_197 = arith.addi %mul3A_19, %mul3A_17 : i32
      %multiple_of3A_198 = tpu.assume_multiple %add3A_197, 8 : i32
      %dma_start3A_199 = arith.constant 0 : i32
      %dma_start3A_200 = tpu.memref_slice %arg4[%multiple_of3A_198, %dma_start3A_199] : memref<8192x2048xf32, #tpu.memory_space<any>> -> memref<8x2048xf32, #tpu.memory_space<any>>
      tpu.enqueue_dma source(%dma_start3A_200 : memref<8x2048xf32, #tpu.memory_space<any>>) target(%arg6 : memref<8x2048xf32, #tpu.memory_space<vmem>>) target_semaphore(%arg8 : memref<!tpu.dma_semaphore, #tpu.memory_space<semaphore_mem>>)
      %dma_wait3A = arith.constant 0 : i32
      %dma_wait3A_201 = tpu.memref_slice %arg4[%multiple_of3A_198, %dma_wait3A] : memref<8192x2048xf32, #tpu.memory_space<any>> -> memref<8x2048xf32, #tpu.memory_space<any>>
      tpu.wait_dma2 semaphore(%arg8 : memref<!tpu.dma_semaphore, #tpu.memory_space<semaphore_mem>>) src(%dma_wait3A_201 : memref<8x2048xf32, #tpu.memory_space<any>>) dst(%arg6 : memref<8x2048xf32, #tpu.memory_space<vmem>>)
      %get3A_202 = arith.constant 0 : index
      %get3A_203 = arith.constant 0 : index
      %get3A_204 = arith.constant 0 : index
      %get3A_205 = vector.load %arg2[%get3A_202, %get3A_203, %get3A_204] : memref<1x578x2048xf32, #tpu.memory_space<vmem>>, vector<1x6x2048xf32>
      %get3A_206 = vector.shape_cast %get3A_205 : vector<1x6x2048xf32> to vector<6x2048xf32>
      %swap3A_207 = arith.constant 2 : index
      %swap3A_208 = arith.constant 0 : index
      %swap3A_209 = vector.load %arg6[%swap3A_207, %swap3A_208] : memref<8x2048xf32, #tpu.memory_space<vmem>>, vector<6x2048xf32>
      tpu.vector_store %arg6[%swap3A_207, %swap3A_208], %get3A_206 {strides = array<i32>} : memref<8x2048xf32, #tpu.memory_space<vmem>>, vector<6x2048xf32>,
      %dma_start3A_210 = arith.constant 0 : i32
      %dma_start3A_211 = tpu.memref_slice %arg4[%multiple_of3A_198, %dma_start3A_210] : memref<8192x2048xf32, #tpu.memory_space<any>> -> memref<8x2048xf32, #tpu.memory_space<any>>
      tpu.enqueue_dma source(%arg6 : memref<8x2048xf32, #tpu.memory_space<vmem>>) target(%dma_start3A_211 : memref<8x2048xf32, #tpu.memory_space<any>>) target_semaphore(%arg8 : memref<!tpu.dma_semaphore, #tpu.memory_space<semaphore_mem>>)
      %dma_wait3A_212 = arith.constant 0 : i32
      %dma_wait3A_213 = tpu.memref_slice %arg4[%multiple_of3A_198, %dma_wait3A_212] : memref<8192x2048xf32, #tpu.memory_space<any>> -> memref<8x2048xf32, #tpu.memory_space<any>>
      tpu.wait_dma2 semaphore(%arg8 : memref<!tpu.dma_semaphore, #tpu.memory_space<semaphore_mem>>) src(%arg6 : memref<8x2048xf32, #tpu.memory_space<vmem>>) dst(%dma_wait3A_213 : memref<8x2048xf32, #tpu.memory_space<any>>)
      %add3A_214 = arith.constant 6 : i32
      %add3A_215 = arith.addi %get3A_0, %add3A_214 : i32
      %add3A_216 = arith.constant 568 : i32
      %add3A_217 = arith.addi %add3A_215, %add3A_216 : i32
      %add3A_218 = arith.addi %mul3A_19, %add3A_217 : i32
      %multiple_of3A_219 = tpu.assume_multiple %add3A_218, 8 : i32
      %dma_start3A_220 = arith.constant 0 : i32
      %dma_start3A_221 = tpu.memref_slice %arg4[%multiple_of3A_219, %dma_start3A_220] : memref<8192x2048xf32, #tpu.memory_space<any>> -> memref<8x2048xf32, #tpu.memory_space<any>>
      tpu.enqueue_dma source(%dma_start3A_221 : memref<8x2048xf32, #tpu.memory_space<any>>) target(%arg7 : memref<8x2048xf32, #tpu.memory_space<vmem>>) target_semaphore(%arg9 : memref<!tpu.dma_semaphore, #tpu.memory_space<semaphore_mem>>)
      %dma_wait3A_222 = arith.constant 0 : i32
      %dma_wait3A_223 = tpu.memref_slice %arg4[%multiple_of3A_219, %dma_wait3A_222] : memref<8192x2048xf32, #tpu.memory_space<any>> -> memref<8x2048xf32, #tpu.memory_space<any>>
      tpu.wait_dma2 semaphore(%arg9 : memref<!tpu.dma_semaphore, #tpu.memory_space<semaphore_mem>>) src(%dma_wait3A_223 : memref<8x2048xf32, #tpu.memory_space<any>>) dst(%arg7 : memref<8x2048xf32, #tpu.memory_space<vmem>>)
      %get3A_224 = arith.constant 0 : index
      %get3A_225 = arith.constant 574 : index
      %get3A_226 = arith.constant 0 : index
      %get3A_227 = vector.load %arg2[%get3A_224, %get3A_225, %get3A_226] : memref<1x578x2048xf32, #tpu.memory_space<vmem>>, vector<1x4x2048xf32>
      %get3A_228 = vector.shape_cast %get3A_227 : vector<1x4x2048xf32> to vector<4x2048xf32>
      %swap3A_229 = arith.constant 0 : index
      %swap3A_230 = arith.constant 0 : index
      %swap3A_231 = vector.load %arg7[%swap3A_229, %swap3A_230] : memref<8x2048xf32, #tpu.memory_space<vmem>>, vector<4x2048xf32>
      tpu.vector_store %arg7[%swap3A_229, %swap3A_230], %get3A_228 {strides = array<i32>} : memref<8x2048xf32, #tpu.memory_space<vmem>>, vector<4x2048xf32>,
      %dma_start3A_232 = arith.constant 0 : i32
      %dma_start3A_233 = tpu.memref_slice %arg4[%multiple_of3A_219, %dma_start3A_232] : memref<8192x2048xf32, #tpu.memory_space<any>> -> memref<8x2048xf32, #tpu.memory_space<any>>
      tpu.enqueue_dma source(%arg7 : memref<8x2048xf32, #tpu.memory_space<vmem>>) target(%dma_start3A_233 : memref<8x2048xf32, #tpu.memory_space<any>>) target_semaphore(%arg9 : memref<!tpu.dma_semaphore, #tpu.memory_space<semaphore_mem>>)
      %dma_wait3A_234 = arith.constant 0 : i32
      %dma_wait3A_235 = tpu.memref_slice %arg4[%multiple_of3A_219, %dma_wait3A_234] : memref<8192x2048xf32, #tpu.memory_space<any>> -> memref<8x2048xf32, #tpu.memory_space<any>>
      tpu.wait_dma2 semaphore(%arg9 : memref<!tpu.dma_semaphore, #tpu.memory_space<semaphore_mem>>) src(%arg7 : memref<8x2048xf32, #tpu.memory_space<vmem>>) dst(%dma_wait3A_235 : memref<8x2048xf32, #tpu.memory_space<any>>)
      %dma_wait3A_236 = arith.constant 0 : i32
      %dma_wait3A_237 = tpu.memref_slice %arg4[%multiple_of3A, %dma_wait3A_236] : memref<8192x2048xf32, #tpu.memory_space<any>> -> memref<568x2048xf32, #tpu.memory_space<any>>
      %dma_wait3A_238 = arith.constant 0 : i32
      %dma_wait3A_239 = arith.constant 0 : i32
      %dma_wait3A_240 = tpu.memref_slice %arg5[%dma_wait3A_238, %dma_wait3A_239] : memref<576x2048xf32, #tpu.memory_space<vmem>> -> memref<568x2048xf32, #tpu.memory_space<vmem>>
      tpu.wait_dma2 semaphore(%arg10 : memref<!tpu.dma_semaphore, #tpu.memory_space<semaphore_mem>>) src(%dma_wait3A_240 : memref<568x2048xf32, #tpu.memory_space<vmem>>) dst(%dma_wait3A_237 : memref<568x2048xf32, #tpu.memory_space<any>>)
    } else {
    }
    %jit3A_78 = arith.constant 8 : i32
    %eq3A_79 = arith.constant 0 : i32
    %eq3A_80 = arith.cmpi eq, %jit3A_78, %eq3A_79 : i32
    %jit3A_81 = arith.constant 1 : i32
    %select_n3A_82 = arith.select %eq3A_80, %jit3A_81, %jit3A_78 : i32
    %rem3A_83 = arith.remsi %get3A_0, %select_n3A_82 : i32
    %ne3A_84 = arith.constant 0 : i32
    %ne3A_85 = arith.cmpi ne, %rem3A_83, %ne3A_84 : i32
    %lt3A_86 = arith.constant 0 : i32
    %lt3A_87 = arith.cmpi slt, %rem3A_83, %lt3A_86 : i32
    %lt3A_88 = arith.constant 0 : i32
    %lt3A_89 = arith.cmpi slt, %select_n3A_82, %lt3A_88 : i32
    %ne3A_90 = arith.xori %lt3A_87, %lt3A_89 : i1
    %and3A_91 = arith.andi %ne3A_90, %ne3A_85 : i1
    %add3A_92 = arith.addi %rem3A_83, %select_n3A_82 : i32
    %select_n3A_93 = arith.select %and3A_91, %add3A_92, %rem3A_83 : i32
    %eq3A_94 = arith.constant 3 : i32
    %eq3A_95 = arith.cmpi eq, %select_n3A_93, %eq3A_94 : i32
    %convert_element_type3A_96 = arith.extui %eq3A_95 : i1 to i32
    %cond3A_97 = arith.constant 0 : i32
    %cond3A_98 = arith.cmpi ne, %convert_element_type3A_96, %cond3A_97 : i32
    scf.if %cond3A_98 {
      %add3A_183 = arith.addi %mul3A_19, %get3A_0 : i32
      %add3A_184 = arith.constant 5 : i32
      %add3A_185 = arith.addi %add3A_183, %add3A_184 : i32
      %multiple_of3A = tpu.assume_multiple %add3A_185, 8 : i32
      %get3A_186 = arith.constant 0 : index
      %get3A_187 = arith.constant 5 : index
      %get3A_188 = arith.constant 0 : index
      %get3A_189 = vector.load %arg2[%get3A_186, %get3A_187, %get3A_188] : memref<1x578x2048xf32, #tpu.memory_space<vmem>>, vector<1x568x2048xf32>
      %get3A_190 = vector.shape_cast %get3A_189 : vector<1x568x2048xf32> to vector<568x2048xf32>
      %swap3A = arith.constant 0 : index
      %swap3A_191 = arith.constant 0 : index
      %swap3A_192 = vector.load %arg5[%swap3A, %swap3A_191] : memref<576x2048xf32, #tpu.memory_space<vmem>>, vector<568x2048xf32>
      tpu.vector_store %arg5[%swap3A, %swap3A_191], %get3A_190 {strides = array<i32>} : memref<576x2048xf32, #tpu.memory_space<vmem>>, vector<568x2048xf32>,
      %dma_start3A = arith.constant 0 : i32
      %dma_start3A_193 = tpu.memref_slice %arg4[%multiple_of3A, %dma_start3A] : memref<8192x2048xf32, #tpu.memory_space<any>> -> memref<568x2048xf32, #tpu.memory_space<any>>
      %dma_start3A_194 = arith.constant 0 : i32
      %dma_start3A_195 = arith.constant 0 : i32
      %dma_start3A_196 = tpu.memref_slice %arg5[%dma_start3A_194, %dma_start3A_195] : memref<576x2048xf32, #tpu.memory_space<vmem>> -> memref<568x2048xf32, #tpu.memory_space<vmem>>
      tpu.enqueue_dma source(%dma_start3A_196 : memref<568x2048xf32, #tpu.memory_space<vmem>>) target(%dma_start3A_193 : memref<568x2048xf32, #tpu.memory_space<any>>) target_semaphore(%arg10 : memref<!tpu.dma_semaphore, #tpu.memory_space<semaphore_mem>>)
      %add3A_197 = arith.addi %mul3A_19, %mul3A_17 : i32
      %multiple_of3A_198 = tpu.assume_multiple %add3A_197, 8 : i32
      %dma_start3A_199 = arith.constant 0 : i32
      %dma_start3A_200 = tpu.memref_slice %arg4[%multiple_of3A_198, %dma_start3A_199] : memref<8192x2048xf32, #tpu.memory_space<any>> -> memref<8x2048xf32, #tpu.memory_space<any>>
      tpu.enqueue_dma source(%dma_start3A_200 : memref<8x2048xf32, #tpu.memory_space<any>>) target(%arg6 : memref<8x2048xf32, #tpu.memory_space<vmem>>) target_semaphore(%arg8 : memref<!tpu.dma_semaphore, #tpu.memory_space<semaphore_mem>>)
      %dma_wait3A = arith.constant 0 : i32
      %dma_wait3A_201 = tpu.memref_slice %arg4[%multiple_of3A_198, %dma_wait3A] : memref<8192x2048xf32, #tpu.memory_space<any>> -> memref<8x2048xf32, #tpu.memory_space<any>>
      tpu.wait_dma2 semaphore(%arg8 : memref<!tpu.dma_semaphore, #tpu.memory_space<semaphore_mem>>) src(%dma_wait3A_201 : memref<8x2048xf32, #tpu.memory_space<any>>) dst(%arg6 : memref<8x2048xf32, #tpu.memory_space<vmem>>)
      %get3A_202 = arith.constant 0 : index
      %get3A_203 = arith.constant 0 : index
      %get3A_204 = arith.constant 0 : index
      %get3A_205 = vector.load %arg2[%get3A_202, %get3A_203, %get3A_204] : memref<1x578x2048xf32, #tpu.memory_space<vmem>>, vector<1x5x2048xf32>
      %get3A_206 = vector.shape_cast %get3A_205 : vector<1x5x2048xf32> to vector<5x2048xf32>
      %swap3A_207 = arith.constant 3 : index
      %swap3A_208 = arith.constant 0 : index
      %swap3A_209 = vector.load %arg6[%swap3A_207, %swap3A_208] : memref<8x2048xf32, #tpu.memory_space<vmem>>, vector<5x2048xf32>
      tpu.vector_store %arg6[%swap3A_207, %swap3A_208], %get3A_206 {strides = array<i32>} : memref<8x2048xf32, #tpu.memory_space<vmem>>, vector<5x2048xf32>,
      %dma_start3A_210 = arith.constant 0 : i32
      %dma_start3A_211 = tpu.memref_slice %arg4[%multiple_of3A_198, %dma_start3A_210] : memref<8192x2048xf32, #tpu.memory_space<any>> -> memref<8x2048xf32, #tpu.memory_space<any>>
      tpu.enqueue_dma source(%arg6 : memref<8x2048xf32, #tpu.memory_space<vmem>>) target(%dma_start3A_211 : memref<8x2048xf32, #tpu.memory_space<any>>) target_semaphore(%arg8 : memref<!tpu.dma_semaphore, #tpu.memory_space<semaphore_mem>>)
      %dma_wait3A_212 = arith.constant 0 : i32
      %dma_wait3A_213 = tpu.memref_slice %arg4[%multiple_of3A_198, %dma_wait3A_212] : memref<8192x2048xf32, #tpu.memory_space<any>> -> memref<8x2048xf32, #tpu.memory_space<any>>
      tpu.wait_dma2 semaphore(%arg8 : memref<!tpu.dma_semaphore, #tpu.memory_space<semaphore_mem>>) src(%arg6 : memref<8x2048xf32, #tpu.memory_space<vmem>>) dst(%dma_wait3A_213 : memref<8x2048xf32, #tpu.memory_space<any>>)
      %add3A_214 = arith.constant 5 : i32
      %add3A_215 = arith.addi %get3A_0, %add3A_214 : i32
      %add3A_216 = arith.constant 568 : i32
      %add3A_217 = arith.addi %add3A_215, %add3A_216 : i32
      %add3A_218 = arith.addi %mul3A_19, %add3A_217 : i32
      %multiple_of3A_219 = tpu.assume_multiple %add3A_218, 8 : i32
      %dma_start3A_220 = arith.constant 0 : i32
      %dma_start3A_221 = tpu.memref_slice %arg4[%multiple_of3A_219, %dma_start3A_220] : memref<8192x2048xf32, #tpu.memory_space<any>> -> memref<8x2048xf32, #tpu.memory_space<any>>
      tpu.enqueue_dma source(%dma_start3A_221 : memref<8x2048xf32, #tpu.memory_space<any>>) target(%arg7 : memref<8x2048xf32, #tpu.memory_space<vmem>>) target_semaphore(%arg9 : memref<!tpu.dma_semaphore, #tpu.memory_space<semaphore_mem>>)
      %dma_wait3A_222 = arith.constant 0 : i32
      %dma_wait3A_223 = tpu.memref_slice %arg4[%multiple_of3A_219, %dma_wait3A_222] : memref<8192x2048xf32, #tpu.memory_space<any>> -> memref<8x2048xf32, #tpu.memory_space<any>>
      tpu.wait_dma2 semaphore(%arg9 : memref<!tpu.dma_semaphore, #tpu.memory_space<semaphore_mem>>) src(%dma_wait3A_223 : memref<8x2048xf32, #tpu.memory_space<any>>) dst(%arg7 : memref<8x2048xf32, #tpu.memory_space<vmem>>)
      %get3A_224 = arith.constant 0 : index
      %get3A_225 = arith.constant 573 : index
      %get3A_226 = arith.constant 0 : index
      %get3A_227 = vector.load %arg2[%get3A_224, %get3A_225, %get3A_226] : memref<1x578x2048xf32, #tpu.memory_space<vmem>>, vector<1x5x2048xf32>
      %get3A_228 = vector.shape_cast %get3A_227 : vector<1x5x2048xf32> to vector<5x2048xf32>
      %swap3A_229 = arith.constant 0 : index
      %swap3A_230 = arith.constant 0 : index
      %swap3A_231 = vector.load %arg7[%swap3A_229, %swap3A_230] : memref<8x2048xf32, #tpu.memory_space<vmem>>, vector<5x2048xf32>
      tpu.vector_store %arg7[%swap3A_229, %swap3A_230], %get3A_228 {strides = array<i32>} : memref<8x2048xf32, #tpu.memory_space<vmem>>, vector<5x2048xf32>,
      %dma_start3A_232 = arith.constant 0 : i32
      %dma_start3A_233 = tpu.memref_slice %arg4[%multiple_of3A_219, %dma_start3A_232] : memref<8192x2048xf32, #tpu.memory_space<any>> -> memref<8x2048xf32, #tpu.memory_space<any>>
      tpu.enqueue_dma source(%arg7 : memref<8x2048xf32, #tpu.memory_space<vmem>>) target(%dma_start3A_233 : memref<8x2048xf32, #tpu.memory_space<any>>) target_semaphore(%arg9 : memref<!tpu.dma_semaphore, #tpu.memory_space<semaphore_mem>>)
      %dma_wait3A_234 = arith.constant 0 : i32
      %dma_wait3A_235 = tpu.memref_slice %arg4[%multiple_of3A_219, %dma_wait3A_234] : memref<8192x2048xf32, #tpu.memory_space<any>> -> memref<8x2048xf32, #tpu.memory_space<any>>
      tpu.wait_dma2 semaphore(%arg9 : memref<!tpu.dma_semaphore, #tpu.memory_space<semaphore_mem>>) src(%arg7 : memref<8x2048xf32, #tpu.memory_space<vmem>>) dst(%dma_wait3A_235 : memref<8x2048xf32, #tpu.memory_space<any>>)
      %dma_wait3A_236 = arith.constant 0 : i32
      %dma_wait3A_237 = tpu.memref_slice %arg4[%multiple_of3A, %dma_wait3A_236] : memref<8192x2048xf32, #tpu.memory_space<any>> -> memref<568x2048xf32, #tpu.memory_space<any>>
      %dma_wait3A_238 = arith.constant 0 : i32
      %dma_wait3A_239 = arith.constant 0 : i32
      %dma_wait3A_240 = tpu.memref_slice %arg5[%dma_wait3A_238, %dma_wait3A_239] : memref<576x2048xf32, #tpu.memory_space<vmem>> -> memref<568x2048xf32, #tpu.memory_space<vmem>>
      tpu.wait_dma2 semaphore(%arg10 : memref<!tpu.dma_semaphore, #tpu.memory_space<semaphore_mem>>) src(%dma_wait3A_240 : memref<568x2048xf32, #tpu.memory_space<vmem>>) dst(%dma_wait3A_237 : memref<568x2048xf32, #tpu.memory_space<any>>)
    } else {
    }
    %jit3A_99 = arith.constant 8 : i32
    %eq3A_100 = arith.constant 0 : i32
    %eq3A_101 = arith.cmpi eq, %jit3A_99, %eq3A_100 : i32
    %jit3A_102 = arith.constant 1 : i32
    %select_n3A_103 = arith.select %eq3A_101, %jit3A_102, %jit3A_99 : i32
    %rem3A_104 = arith.remsi %get3A_0, %select_n3A_103 : i32
    %ne3A_105 = arith.constant 0 : i32
    %ne3A_106 = arith.cmpi ne, %rem3A_104, %ne3A_105 : i32
    %lt3A_107 = arith.constant 0 : i32
    %lt3A_108 = arith.cmpi slt, %rem3A_104, %lt3A_107 : i32
    %lt3A_109 = arith.constant 0 : i32
    %lt3A_110 = arith.cmpi slt, %select_n3A_103, %lt3A_109 : i32
    %ne3A_111 = arith.xori %lt3A_108, %lt3A_110 : i1
    %and3A_112 = arith.andi %ne3A_111, %ne3A_106 : i1
    %add3A_113 = arith.addi %rem3A_104, %select_n3A_103 : i32
    %select_n3A_114 = arith.select %and3A_112, %add3A_113, %rem3A_104 : i32
    %eq3A_115 = arith.constant 4 : i32
    %eq3A_116 = arith.cmpi eq, %select_n3A_114, %eq3A_115 : i32
    %convert_element_type3A_117 = arith.extui %eq3A_116 : i1 to i32
    %cond3A_118 = arith.constant 0 : i32
    %cond3A_119 = arith.cmpi ne, %convert_element_type3A_117, %cond3A_118 : i32
    scf.if %cond3A_119 {
      %add3A_183 = arith.addi %mul3A_19, %get3A_0 : i32
      %add3A_184 = arith.constant 4 : i32
      %add3A_185 = arith.addi %add3A_183, %add3A_184 : i32
      %multiple_of3A = tpu.assume_multiple %add3A_185, 8 : i32
      %get3A_186 = arith.constant 0 : index
      %get3A_187 = arith.constant 4 : index
      %get3A_188 = arith.constant 0 : index
      %get3A_189 = vector.load %arg2[%get3A_186, %get3A_187, %get3A_188] : memref<1x578x2048xf32, #tpu.memory_space<vmem>>, vector<1x568x2048xf32>
      %get3A_190 = vector.shape_cast %get3A_189 : vector<1x568x2048xf32> to vector<568x2048xf32>
      %swap3A = arith.constant 0 : index
      %swap3A_191 = arith.constant 0 : index
      %swap3A_192 = vector.load %arg5[%swap3A, %swap3A_191] : memref<576x2048xf32, #tpu.memory_space<vmem>>, vector<568x2048xf32>
      tpu.vector_store %arg5[%swap3A, %swap3A_191], %get3A_190 {strides = array<i32>} : memref<576x2048xf32, #tpu.memory_space<vmem>>, vector<568x2048xf32>,
      %dma_start3A = arith.constant 0 : i32
      %dma_start3A_193 = tpu.memref_slice %arg4[%multiple_of3A, %dma_start3A] : memref<8192x2048xf32, #tpu.memory_space<any>> -> memref<568x2048xf32, #tpu.memory_space<any>>
      %dma_start3A_194 = arith.constant 0 : i32
      %dma_start3A_195 = arith.constant 0 : i32
      %dma_start3A_196 = tpu.memref_slice %arg5[%dma_start3A_194, %dma_start3A_195] : memref<576x2048xf32, #tpu.memory_space<vmem>> -> memref<568x2048xf32, #tpu.memory_space<vmem>>
      tpu.enqueue_dma source(%dma_start3A_196 : memref<568x2048xf32, #tpu.memory_space<vmem>>) target(%dma_start3A_193 : memref<568x2048xf32, #tpu.memory_space<any>>) target_semaphore(%arg10 : memref<!tpu.dma_semaphore, #tpu.memory_space<semaphore_mem>>)
      %add3A_197 = arith.addi %mul3A_19, %mul3A_17 : i32
      %multiple_of3A_198 = tpu.assume_multiple %add3A_197, 8 : i32
      %dma_start3A_199 = arith.constant 0 : i32
      %dma_start3A_200 = tpu.memref_slice %arg4[%multiple_of3A_198, %dma_start3A_199] : memref<8192x2048xf32, #tpu.memory_space<any>> -> memref<8x2048xf32, #tpu.memory_space<any>>
      tpu.enqueue_dma source(%dma_start3A_200 : memref<8x2048xf32, #tpu.memory_space<any>>) target(%arg6 : memref<8x2048xf32, #tpu.memory_space<vmem>>) target_semaphore(%arg8 : memref<!tpu.dma_semaphore, #tpu.memory_space<semaphore_mem>>)
      %dma_wait3A = arith.constant 0 : i32
      %dma_wait3A_201 = tpu.memref_slice %arg4[%multiple_of3A_198, %dma_wait3A] : memref<8192x2048xf32, #tpu.memory_space<any>> -> memref<8x2048xf32, #tpu.memory_space<any>>
      tpu.wait_dma2 semaphore(%arg8 : memref<!tpu.dma_semaphore, #tpu.memory_space<semaphore_mem>>) src(%dma_wait3A_201 : memref<8x2048xf32, #tpu.memory_space<any>>) dst(%arg6 : memref<8x2048xf32, #tpu.memory_space<vmem>>)
      %get3A_202 = arith.constant 0 : index
      %get3A_203 = arith.constant 0 : index
      %get3A_204 = arith.constant 0 : index
      %get3A_205 = vector.load %arg2[%get3A_202, %get3A_203, %get3A_204] : memref<1x578x2048xf32, #tpu.memory_space<vmem>>, vector<1x4x2048xf32>
      %get3A_206 = vector.shape_cast %get3A_205 : vector<1x4x2048xf32> to vector<4x2048xf32>
      %swap3A_207 = arith.constant 4 : index
      %swap3A_208 = arith.constant 0 : index
      %swap3A_209 = vector.load %arg6[%swap3A_207, %swap3A_208] : memref<8x2048xf32, #tpu.memory_space<vmem>>, vector<4x2048xf32>
      tpu.vector_store %arg6[%swap3A_207, %swap3A_208], %get3A_206 {strides = array<i32>} : memref<8x2048xf32, #tpu.memory_space<vmem>>, vector<4x2048xf32>,
      %dma_start3A_210 = arith.constant 0 : i32
      %dma_start3A_211 = tpu.memref_slice %arg4[%multiple_of3A_198, %dma_start3A_210] : memref<8192x2048xf32, #tpu.memory_space<any>> -> memref<8x2048xf32, #tpu.memory_space<any>>
      tpu.enqueue_dma source(%arg6 : memref<8x2048xf32, #tpu.memory_space<vmem>>) target(%dma_start3A_211 : memref<8x2048xf32, #tpu.memory_space<any>>) target_semaphore(%arg8 : memref<!tpu.dma_semaphore, #tpu.memory_space<semaphore_mem>>)
      %dma_wait3A_212 = arith.constant 0 : i32
      %dma_wait3A_213 = tpu.memref_slice %arg4[%multiple_of3A_198, %dma_wait3A_212] : memref<8192x2048xf32, #tpu.memory_space<any>> -> memref<8x2048xf32, #tpu.memory_space<any>>
      tpu.wait_dma2 semaphore(%arg8 : memref<!tpu.dma_semaphore, #tpu.memory_space<semaphore_mem>>) src(%arg6 : memref<8x2048xf32, #tpu.memory_space<vmem>>) dst(%dma_wait3A_213 : memref<8x2048xf32, #tpu.memory_space<any>>)
      %add3A_214 = arith.constant 4 : i32
      %add3A_215 = arith.addi %get3A_0, %add3A_214 : i32
      %add3A_216 = arith.constant 568 : i32
      %add3A_217 = arith.addi %add3A_215, %add3A_216 : i32
      %add3A_218 = arith.addi %mul3A_19, %add3A_217 : i32
      %multiple_of3A_219 = tpu.assume_multiple %add3A_218, 8 : i32
      %dma_start3A_220 = arith.constant 0 : i32
      %dma_start3A_221 = tpu.memref_slice %arg4[%multiple_of3A_219, %dma_start3A_220] : memref<8192x2048xf32, #tpu.memory_space<any>> -> memref<8x2048xf32, #tpu.memory_space<any>>
      tpu.enqueue_dma source(%dma_start3A_221 : memref<8x2048xf32, #tpu.memory_space<any>>) target(%arg7 : memref<8x2048xf32, #tpu.memory_space<vmem>>) target_semaphore(%arg9 : memref<!tpu.dma_semaphore, #tpu.memory_space<semaphore_mem>>)
      %dma_wait3A_222 = arith.constant 0 : i32
      %dma_wait3A_223 = tpu.memref_slice %arg4[%multiple_of3A_219, %dma_wait3A_222] : memref<8192x2048xf32, #tpu.memory_space<any>> -> memref<8x2048xf32, #tpu.memory_space<any>>
      tpu.wait_dma2 semaphore(%arg9 : memref<!tpu.dma_semaphore, #tpu.memory_space<semaphore_mem>>) src(%dma_wait3A_223 : memref<8x2048xf32, #tpu.memory_space<any>>) dst(%arg7 : memref<8x2048xf32, #tpu.memory_space<vmem>>)
      %get3A_224 = arith.constant 0 : index
      %get3A_225 = arith.constant 572 : index
      %get3A_226 = arith.constant 0 : index
      %get3A_227 = vector.load %arg2[%get3A_224, %get3A_225, %get3A_226] : memref<1x578x2048xf32, #tpu.memory_space<vmem>>, vector<1x6x2048xf32>
      %get3A_228 = vector.shape_cast %get3A_227 : vector<1x6x2048xf32> to vector<6x2048xf32>
      %swap3A_229 = arith.constant 0 : index
      %swap3A_230 = arith.constant 0 : index
      %swap3A_231 = vector.load %arg7[%swap3A_229, %swap3A_230] : memref<8x2048xf32, #tpu.memory_space<vmem>>, vector<6x2048xf32>
      tpu.vector_store %arg7[%swap3A_229, %swap3A_230], %get3A_228 {strides = array<i32>} : memref<8x2048xf32, #tpu.memory_space<vmem>>, vector<6x2048xf32>,
      %dma_start3A_232 = arith.constant 0 : i32
      %dma_start3A_233 = tpu.memref_slice %arg4[%multiple_of3A_219, %dma_start3A_232] : memref<8192x2048xf32, #tpu.memory_space<any>> -> memref<8x2048xf32, #tpu.memory_space<any>>
      tpu.enqueue_dma source(%arg7 : memref<8x2048xf32, #tpu.memory_space<vmem>>) target(%dma_start3A_233 : memref<8x2048xf32, #tpu.memory_space<any>>) target_semaphore(%arg9 : memref<!tpu.dma_semaphore, #tpu.memory_space<semaphore_mem>>)
      %dma_wait3A_234 = arith.constant 0 : i32
      %dma_wait3A_235 = tpu.memref_slice %arg4[%multiple_of3A_219, %dma_wait3A_234] : memref<8192x2048xf32, #tpu.memory_space<any>> -> memref<8x2048xf32, #tpu.memory_space<any>>
      tpu.wait_dma2 semaphore(%arg9 : memref<!tpu.dma_semaphore, #tpu.memory_space<semaphore_mem>>) src(%arg7 : memref<8x2048xf32, #tpu.memory_space<vmem>>) dst(%dma_wait3A_235 : memref<8x2048xf32, #tpu.memory_space<any>>)
      %dma_wait3A_236 = arith.constant 0 : i32
      %dma_wait3A_237 = tpu.memref_slice %arg4[%multiple_of3A, %dma_wait3A_236] : memref<8192x2048xf32, #tpu.memory_space<any>> -> memref<568x2048xf32, #tpu.memory_space<any>>
      %dma_wait3A_238 = arith.constant 0 : i32
      %dma_wait3A_239 = arith.constant 0 : i32
      %dma_wait3A_240 = tpu.memref_slice %arg5[%dma_wait3A_238, %dma_wait3A_239] : memref<576x2048xf32, #tpu.memory_space<vmem>> -> memref<568x2048xf32, #tpu.memory_space<vmem>>
      tpu.wait_dma2 semaphore(%arg10 : memref<!tpu.dma_semaphore, #tpu.memory_space<semaphore_mem>>) src(%dma_wait3A_240 : memref<568x2048xf32, #tpu.memory_space<vmem>>) dst(%dma_wait3A_237 : memref<568x2048xf32, #tpu.memory_space<any>>)
    } else {
    }
    %jit3A_120 = arith.constant 8 : i32
    %eq3A_121 = arith.constant 0 : i32
    %eq3A_122 = arith.cmpi eq, %jit3A_120, %eq3A_121 : i32
    %jit3A_123 = arith.constant 1 : i32
    %select_n3A_124 = arith.select %eq3A_122, %jit3A_123, %jit3A_120 : i32
    %rem3A_125 = arith.remsi %get3A_0, %select_n3A_124 : i32
    %ne3A_126 = arith.constant 0 : i32
    %ne3A_127 = arith.cmpi ne, %rem3A_125, %ne3A_126 : i32
    %lt3A_128 = arith.constant 0 : i32
    %lt3A_129 = arith.cmpi slt, %rem3A_125, %lt3A_128 : i32
    %lt3A_130 = arith.constant 0 : i32
    %lt3A_131 = arith.cmpi slt, %select_n3A_124, %lt3A_130 : i32
    %ne3A_132 = arith.xori %lt3A_129, %lt3A_131 : i1
    %and3A_133 = arith.andi %ne3A_132, %ne3A_127 : i1
    %add3A_134 = arith.addi %rem3A_125, %select_n3A_124 : i32
    %select_n3A_135 = arith.select %and3A_133, %add3A_134, %rem3A_125 : i32
    %eq3A_136 = arith.constant 5 : i32
    %eq3A_137 = arith.cmpi eq, %select_n3A_135, %eq3A_136 : i32
    %convert_element_type3A_138 = arith.extui %eq3A_137 : i1 to i32
    %cond3A_139 = arith.constant 0 : i32
    %cond3A_140 = arith.cmpi ne, %convert_element_type3A_138, %cond3A_139 : i32
    scf.if %cond3A_140 {
      %add3A_183 = arith.addi %mul3A_19, %get3A_0 : i32
      %add3A_184 = arith.constant 3 : i32
      %add3A_185 = arith.addi %add3A_183, %add3A_184 : i32
      %multiple_of3A = tpu.assume_multiple %add3A_185, 8 : i32
      %get3A_186 = arith.constant 0 : index
      %get3A_187 = arith.constant 3 : index
      %get3A_188 = arith.constant 0 : index
      %get3A_189 = vector.load %arg2[%get3A_186, %get3A_187, %get3A_188] : memref<1x578x2048xf32, #tpu.memory_space<vmem>>, vector<1x568x2048xf32>
      %get3A_190 = vector.shape_cast %get3A_189 : vector<1x568x2048xf32> to vector<568x2048xf32>
      %swap3A = arith.constant 0 : index
      %swap3A_191 = arith.constant 0 : index
      %swap3A_192 = vector.load %arg5[%swap3A, %swap3A_191] : memref<576x2048xf32, #tpu.memory_space<vmem>>, vector<568x2048xf32>
      tpu.vector_store %arg5[%swap3A, %swap3A_191], %get3A_190 {strides = array<i32>} : memref<576x2048xf32, #tpu.memory_space<vmem>>, vector<568x2048xf32>,
      %dma_start3A = arith.constant 0 : i32
      %dma_start3A_193 = tpu.memref_slice %arg4[%multiple_of3A, %dma_start3A] : memref<8192x2048xf32, #tpu.memory_space<any>> -> memref<568x2048xf32, #tpu.memory_space<any>>
      %dma_start3A_194 = arith.constant 0 : i32
      %dma_start3A_195 = arith.constant 0 : i32
      %dma_start3A_196 = tpu.memref_slice %arg5[%dma_start3A_194, %dma_start3A_195] : memref<576x2048xf32, #tpu.memory_space<vmem>> -> memref<568x2048xf32, #tpu.memory_space<vmem>>
      tpu.enqueue_dma source(%dma_start3A_196 : memref<568x2048xf32, #tpu.memory_space<vmem>>) target(%dma_start3A_193 : memref<568x2048xf32, #tpu.memory_space<any>>) target_semaphore(%arg10 : memref<!tpu.dma_semaphore, #tpu.memory_space<semaphore_mem>>)
      %add3A_197 = arith.addi %mul3A_19, %mul3A_17 : i32
      %multiple_of3A_198 = tpu.assume_multiple %add3A_197, 8 : i32
      %dma_start3A_199 = arith.constant 0 : i32
      %dma_start3A_200 = tpu.memref_slice %arg4[%multiple_of3A_198, %dma_start3A_199] : memref<8192x2048xf32, #tpu.memory_space<any>> -> memref<8x2048xf32, #tpu.memory_space<any>>
      tpu.enqueue_dma source(%dma_start3A_200 : memref<8x2048xf32, #tpu.memory_space<any>>) target(%arg6 : memref<8x2048xf32, #tpu.memory_space<vmem>>) target_semaphore(%arg8 : memref<!tpu.dma_semaphore, #tpu.memory_space<semaphore_mem>>)
      %dma_wait3A = arith.constant 0 : i32
      %dma_wait3A_201 = tpu.memref_slice %arg4[%multiple_of3A_198, %dma_wait3A] : memref<8192x2048xf32, #tpu.memory_space<any>> -> memref<8x2048xf32, #tpu.memory_space<any>>
      tpu.wait_dma2 semaphore(%arg8 : memref<!tpu.dma_semaphore, #tpu.memory_space<semaphore_mem>>) src(%dma_wait3A_201 : memref<8x2048xf32, #tpu.memory_space<any>>) dst(%arg6 : memref<8x2048xf32, #tpu.memory_space<vmem>>)
      %get3A_202 = arith.constant 0 : index
      %get3A_203 = arith.constant 0 : index
      %get3A_204 = arith.constant 0 : index
      %get3A_205 = vector.load %arg2[%get3A_202, %get3A_203, %get3A_204] : memref<1x578x2048xf32, #tpu.memory_space<vmem>>, vector<1x3x2048xf32>
      %get3A_206 = vector.shape_cast %get3A_205 : vector<1x3x2048xf32> to vector<3x2048xf32>
      %swap3A_207 = arith.constant 5 : index
      %swap3A_208 = arith.constant 0 : index
      %swap3A_209 = vector.load %arg6[%swap3A_207, %swap3A_208] : memref<8x2048xf32, #tpu.memory_space<vmem>>, vector<3x2048xf32>
      tpu.vector_store %arg6[%swap3A_207, %swap3A_208], %get3A_206 {strides = array<i32>} : memref<8x2048xf32, #tpu.memory_space<vmem>>, vector<3x2048xf32>,
      %dma_start3A_210 = arith.constant 0 : i32
      %dma_start3A_211 = tpu.memref_slice %arg4[%multiple_of3A_198, %dma_start3A_210] : memref<8192x2048xf32, #tpu.memory_space<any>> -> memref<8x2048xf32, #tpu.memory_space<any>>
      tpu.enqueue_dma source(%arg6 : memref<8x2048xf32, #tpu.memory_space<vmem>>) target(%dma_start3A_211 : memref<8x2048xf32, #tpu.memory_space<any>>) target_semaphore(%arg8 : memref<!tpu.dma_semaphore, #tpu.memory_space<semaphore_mem>>)
      %dma_wait3A_212 = arith.constant 0 : i32
      %dma_wait3A_213 = tpu.memref_slice %arg4[%multiple_of3A_198, %dma_wait3A_212] : memref<8192x2048xf32, #tpu.memory_space<any>> -> memref<8x2048xf32, #tpu.memory_space<any>>
      tpu.wait_dma2 semaphore(%arg8 : memref<!tpu.dma_semaphore, #tpu.memory_space<semaphore_mem>>) src(%arg6 : memref<8x2048xf32, #tpu.memory_space<vmem>>) dst(%dma_wait3A_213 : memref<8x2048xf32, #tpu.memory_space<any>>)
      %add3A_214 = arith.constant 3 : i32
      %add3A_215 = arith.addi %get3A_0, %add3A_214 : i32
      %add3A_216 = arith.constant 568 : i32
      %add3A_217 = arith.addi %add3A_215, %add3A_216 : i32
      %add3A_218 = arith.addi %mul3A_19, %add3A_217 : i32
      %multiple_of3A_219 = tpu.assume_multiple %add3A_218, 8 : i32
      %dma_start3A_220 = arith.constant 0 : i32
      %dma_start3A_221 = tpu.memref_slice %arg4[%multiple_of3A_219, %dma_start3A_220] : memref<8192x2048xf32, #tpu.memory_space<any>> -> memref<8x2048xf32, #tpu.memory_space<any>>
      tpu.enqueue_dma source(%dma_start3A_221 : memref<8x2048xf32, #tpu.memory_space<any>>) target(%arg7 : memref<8x2048xf32, #tpu.memory_space<vmem>>) target_semaphore(%arg9 : memref<!tpu.dma_semaphore, #tpu.memory_space<semaphore_mem>>)
      %dma_wait3A_222 = arith.constant 0 : i32
      %dma_wait3A_223 = tpu.memref_slice %arg4[%multiple_of3A_219, %dma_wait3A_222] : memref<8192x2048xf32, #tpu.memory_space<any>> -> memref<8x2048xf32, #tpu.memory_space<any>>
      tpu.wait_dma2 semaphore(%arg9 : memref<!tpu.dma_semaphore, #tpu.memory_space<semaphore_mem>>) src(%dma_wait3A_223 : memref<8x2048xf32, #tpu.memory_space<any>>) dst(%arg7 : memref<8x2048xf32, #tpu.memory_space<vmem>>)
      %get3A_224 = arith.constant 0 : index
      %get3A_225 = arith.constant 571 : index
      %get3A_226 = arith.constant 0 : index
      %get3A_227 = vector.load %arg2[%get3A_224, %get3A_225, %get3A_226] : memref<1x578x2048xf32, #tpu.memory_space<vmem>>, vector<1x7x2048xf32>
      %get3A_228 = vector.shape_cast %get3A_227 : vector<1x7x2048xf32> to vector<7x2048xf32>
      %swap3A_229 = arith.constant 0 : index
      %swap3A_230 = arith.constant 0 : index
      %swap3A_231 = vector.load %arg7[%swap3A_229, %swap3A_230] : memref<8x2048xf32, #tpu.memory_space<vmem>>, vector<7x2048xf32>
      tpu.vector_store %arg7[%swap3A_229, %swap3A_230], %get3A_228 {strides = array<i32>} : memref<8x2048xf32, #tpu.memory_space<vmem>>, vector<7x2048xf32>,
      %dma_start3A_232 = arith.constant 0 : i32
      %dma_start3A_233 = tpu.memref_slice %arg4[%multiple_of3A_219, %dma_start3A_232] : memref<8192x2048xf32, #tpu.memory_space<any>> -> memref<8x2048xf32, #tpu.memory_space<any>>
      tpu.enqueue_dma source(%arg7 : memref<8x2048xf32, #tpu.memory_space<vmem>>) target(%dma_start3A_233 : memref<8x2048xf32, #tpu.memory_space<any>>) target_semaphore(%arg9 : memref<!tpu.dma_semaphore, #tpu.memory_space<semaphore_mem>>)
      %dma_wait3A_234 = arith.constant 0 : i32
      %dma_wait3A_235 = tpu.memref_slice %arg4[%multiple_of3A_219, %dma_wait3A_234] : memref<8192x2048xf32, #tpu.memory_space<any>> -> memref<8x2048xf32, #tpu.memory_space<any>>
      tpu.wait_dma2 semaphore(%arg9 : memref<!tpu.dma_semaphore, #tpu.memory_space<semaphore_mem>>) src(%arg7 : memref<8x2048xf32, #tpu.memory_space<vmem>>) dst(%dma_wait3A_235 : memref<8x2048xf32, #tpu.memory_space<any>>)
      %dma_wait3A_236 = arith.constant 0 : i32
      %dma_wait3A_237 = tpu.memref_slice %arg4[%multiple_of3A, %dma_wait3A_236] : memref<8192x2048xf32, #tpu.memory_space<any>> -> memref<568x2048xf32, #tpu.memory_space<any>>
      %dma_wait3A_238 = arith.constant 0 : i32
      %dma_wait3A_239 = arith.constant 0 : i32
      %dma_wait3A_240 = tpu.memref_slice %arg5[%dma_wait3A_238, %dma_wait3A_239] : memref<576x2048xf32, #tpu.memory_space<vmem>> -> memref<568x2048xf32, #tpu.memory_space<vmem>>
      tpu.wait_dma2 semaphore(%arg10 : memref<!tpu.dma_semaphore, #tpu.memory_space<semaphore_mem>>) src(%dma_wait3A_240 : memref<568x2048xf32, #tpu.memory_space<vmem>>) dst(%dma_wait3A_237 : memref<568x2048xf32, #tpu.memory_space<any>>)
    } else {
    }
    %jit3A_141 = arith.constant 8 : i32
    %eq3A_142 = arith.constant 0 : i32
    %eq3A_143 = arith.cmpi eq, %jit3A_141, %eq3A_142 : i32
    %jit3A_144 = arith.constant 1 : i32
    %select_n3A_145 = arith.select %eq3A_143, %jit3A_144, %jit3A_141 : i32
    %rem3A_146 = arith.remsi %get3A_0, %select_n3A_145 : i32
    %ne3A_147 = arith.constant 0 : i32
    %ne3A_148 = arith.cmpi ne, %rem3A_146, %ne3A_147 : i32
    %lt3A_149 = arith.constant 0 : i32
    %lt3A_150 = arith.cmpi slt, %rem3A_146, %lt3A_149 : i32
    %lt3A_151 = arith.constant 0 : i32
    %lt3A_152 = arith.cmpi slt, %select_n3A_145, %lt3A_151 : i32
    %ne3A_153 = arith.xori %lt3A_150, %lt3A_152 : i1
    %and3A_154 = arith.andi %ne3A_153, %ne3A_148 : i1
    %add3A_155 = arith.addi %rem3A_146, %select_n3A_145 : i32
    %select_n3A_156 = arith.select %and3A_154, %add3A_155, %rem3A_146 : i32
    %eq3A_157 = arith.constant 6 : i32
    %eq3A_158 = arith.cmpi eq, %select_n3A_156, %eq3A_157 : i32
    %convert_element_type3A_159 = arith.extui %eq3A_158 : i1 to i32
    %cond3A_160 = arith.constant 0 : i32
    %cond3A_161 = arith.cmpi ne, %convert_element_type3A_159, %cond3A_160 : i32
    scf.if %cond3A_161 {
      %add3A_183 = arith.addi %mul3A_19, %get3A_0 : i32
      %add3A_184 = arith.constant 2 : i32
      %add3A_185 = arith.addi %add3A_183, %add3A_184 : i32
      %multiple_of3A = tpu.assume_multiple %add3A_185, 8 : i32
      %get3A_186 = arith.constant 0 : index
      %get3A_187 = arith.constant 2 : index
      %get3A_188 = arith.constant 0 : index
      %get3A_189 = vector.load %arg2[%get3A_186, %get3A_187, %get3A_188] : memref<1x578x2048xf32, #tpu.memory_space<vmem>>, vector<1x576x2048xf32>
      %get3A_190 = vector.shape_cast %get3A_189 : vector<1x576x2048xf32> to vector<576x2048xf32>
      %swap3A = arith.constant 0 : index
      %swap3A_191 = arith.constant 0 : index
      %swap3A_192 = vector.load %arg5[%swap3A, %swap3A_191] : memref<576x2048xf32, #tpu.memory_space<vmem>>, vector<576x2048xf32>
      tpu.vector_store %arg5[%swap3A, %swap3A_191], %get3A_190 {strides = array<i32>} : memref<576x2048xf32, #tpu.memory_space<vmem>>, vector<576x2048xf32>,
      %dma_start3A = arith.constant 0 : i32
      %dma_start3A_193 = tpu.memref_slice %arg4[%multiple_of3A, %dma_start3A] : memref<8192x2048xf32, #tpu.memory_space<any>> -> memref<576x2048xf32, #tpu.memory_space<any>>
      %dma_start3A_194 = arith.constant 0 : i32
      %dma_start3A_195 = arith.constant 0 : i32
      %dma_start3A_196 = tpu.memref_slice %arg5[%dma_start3A_194, %dma_start3A_195] : memref<576x2048xf32, #tpu.memory_space<vmem>> -> memref<576x2048xf32, #tpu.memory_space<vmem>>
      tpu.enqueue_dma source(%dma_start3A_196 : memref<576x2048xf32, #tpu.memory_space<vmem>>) target(%dma_start3A_193 : memref<576x2048xf32, #tpu.memory_space<any>>) target_semaphore(%arg10 : memref<!tpu.dma_semaphore, #tpu.memory_space<semaphore_mem>>)
      %add3A_197 = arith.addi %mul3A_19, %mul3A_17 : i32
      %multiple_of3A_198 = tpu.assume_multiple %add3A_197, 8 : i32
      %dma_start3A_199 = arith.constant 0 : i32
      %dma_start3A_200 = tpu.memref_slice %arg4[%multiple_of3A_198, %dma_start3A_199] : memref<8192x2048xf32, #tpu.memory_space<any>> -> memref<8x2048xf32, #tpu.memory_space<any>>
      tpu.enqueue_dma source(%dma_start3A_200 : memref<8x2048xf32, #tpu.memory_space<any>>) target(%arg6 : memref<8x2048xf32, #tpu.memory_space<vmem>>) target_semaphore(%arg8 : memref<!tpu.dma_semaphore, #tpu.memory_space<semaphore_mem>>)
      %dma_wait3A = arith.constant 0 : i32
      %dma_wait3A_201 = tpu.memref_slice %arg4[%multiple_of3A_198, %dma_wait3A] : memref<8192x2048xf32, #tpu.memory_space<any>> -> memref<8x2048xf32, #tpu.memory_space<any>>
      tpu.wait_dma2 semaphore(%arg8 : memref<!tpu.dma_semaphore, #tpu.memory_space<semaphore_mem>>) src(%dma_wait3A_201 : memref<8x2048xf32, #tpu.memory_space<any>>) dst(%arg6 : memref<8x2048xf32, #tpu.memory_space<vmem>>)
      %get3A_202 = arith.constant 0 : index
      %get3A_203 = arith.constant 0 : index
      %get3A_204 = arith.constant 0 : index
      %get3A_205 = vector.load %arg2[%get3A_202, %get3A_203, %get3A_204] : memref<1x578x2048xf32, #tpu.memory_space<vmem>>, vector<1x2x2048xf32>
      %get3A_206 = vector.shape_cast %get3A_205 : vector<1x2x2048xf32> to vector<2x2048xf32>
      %swap3A_207 = arith.constant 6 : index
      %swap3A_208 = arith.constant 0 : index
      %swap3A_209 = vector.load %arg6[%swap3A_207, %swap3A_208] : memref<8x2048xf32, #tpu.memory_space<vmem>>, vector<2x2048xf32>
      tpu.vector_store %arg6[%swap3A_207, %swap3A_208], %get3A_206 {strides = array<i32>} : memref<8x2048xf32, #tpu.memory_space<vmem>>, vector<2x2048xf32>,
      %dma_start3A_210 = arith.constant 0 : i32
      %dma_start3A_211 = tpu.memref_slice %arg4[%multiple_of3A_198, %dma_start3A_210] : memref<8192x2048xf32, #tpu.memory_space<any>> -> memref<8x2048xf32, #tpu.memory_space<any>>
      tpu.enqueue_dma source(%arg6 : memref<8x2048xf32, #tpu.memory_space<vmem>>) target(%dma_start3A_211 : memref<8x2048xf32, #tpu.memory_space<any>>) target_semaphore(%arg8 : memref<!tpu.dma_semaphore, #tpu.memory_space<semaphore_mem>>)
      %dma_wait3A_212 = arith.constant 0 : i32
      %dma_wait3A_213 = tpu.memref_slice %arg4[%multiple_of3A_198, %dma_wait3A_212] : memref<8192x2048xf32, #tpu.memory_space<any>> -> memref<8x2048xf32, #tpu.memory_space<any>>
      tpu.wait_dma2 semaphore(%arg8 : memref<!tpu.dma_semaphore, #tpu.memory_space<semaphore_mem>>) src(%arg6 : memref<8x2048xf32, #tpu.memory_space<vmem>>) dst(%dma_wait3A_213 : memref<8x2048xf32, #tpu.memory_space<any>>)
      %dma_wait3A_214 = arith.constant 0 : i32
      %dma_wait3A_215 = tpu.memref_slice %arg4[%multiple_of3A, %dma_wait3A_214] : memref<8192x2048xf32, #tpu.memory_space<any>> -> memref<576x2048xf32, #tpu.memory_space<any>>
      %dma_wait3A_216 = arith.constant 0 : i32
      %dma_wait3A_217 = arith.constant 0 : i32
      %dma_wait3A_218 = tpu.memref_slice %arg5[%dma_wait3A_216, %dma_wait3A_217] : memref<576x2048xf32, #tpu.memory_space<vmem>> -> memref<576x2048xf32, #tpu.memory_space<vmem>>
      tpu.wait_dma2 semaphore(%arg10 : memref<!tpu.dma_semaphore, #tpu.memory_space<semaphore_mem>>) src(%dma_wait3A_218 : memref<576x2048xf32, #tpu.memory_space<vmem>>) dst(%dma_wait3A_215 : memref<576x2048xf32, #tpu.memory_space<any>>)
    } else {
    }
    %jit3A_162 = arith.constant 8 : i32
    %eq3A_163 = arith.constant 0 : i32
    %eq3A_164 = arith.cmpi eq, %jit3A_162, %eq3A_163 : i32
    %jit3A_165 = arith.constant 1 : i32
    %select_n3A_166 = arith.select %eq3A_164, %jit3A_165, %jit3A_162 : i32
    %rem3A_167 = arith.remsi %get3A_0, %select_n3A_166 : i32
    %ne3A_168 = arith.constant 0 : i32
    %ne3A_169 = arith.cmpi ne, %rem3A_167, %ne3A_168 : i32
    %lt3A_170 = arith.constant 0 : i32
    %lt3A_171 = arith.cmpi slt, %rem3A_167, %lt3A_170 : i32
    %lt3A_172 = arith.constant 0 : i32
    %lt3A_173 = arith.cmpi slt, %select_n3A_166, %lt3A_172 : i32
    %ne3A_174 = arith.xori %lt3A_171, %lt3A_173 : i1
    %and3A_175 = arith.andi %ne3A_174, %ne3A_169 : i1
    %add3A_176 = arith.addi %rem3A_167, %select_n3A_166 : i32
    %select_n3A_177 = arith.select %and3A_175, %add3A_176, %rem3A_167 : i32
    %eq3A_178 = arith.constant 7 : i32
    %eq3A_179 = arith.cmpi eq, %select_n3A_177, %eq3A_178 : i32
    %convert_element_type3A_180 = arith.extui %eq3A_179 : i1 to i32
    %cond3A_181 = arith.constant 0 : i32
    %cond3A_182 = arith.cmpi ne, %convert_element_type3A_180, %cond3A_181 : i32
    scf.if %cond3A_182 {
      %add3A_183 = arith.addi %mul3A_19, %get3A_0 : i32
      %add3A_184 = arith.constant 1 : i32
      %add3A_185 = arith.addi %add3A_183, %add3A_184 : i32
      %multiple_of3A = tpu.assume_multiple %add3A_185, 8 : i32
      %get3A_186 = arith.constant 0 : index
      %get3A_187 = arith.constant 1 : index
      %get3A_188 = arith.constant 0 : index
      %get3A_189 = vector.load %arg2[%get3A_186, %get3A_187, %get3A_188] : memref<1x578x2048xf32, #tpu.memory_space<vmem>>, vector<1x576x2048xf32>
      %get3A_190 = vector.shape_cast %get3A_189 : vector<1x576x2048xf32> to vector<576x2048xf32>
      %swap3A = arith.constant 0 : index
      %swap3A_191 = arith.constant 0 : index
      %swap3A_192 = vector.load %arg5[%swap3A, %swap3A_191] : memref<576x2048xf32, #tpu.memory_space<vmem>>, vector<576x2048xf32>
      tpu.vector_store %arg5[%swap3A, %swap3A_191], %get3A_190 {strides = array<i32>} : memref<576x2048xf32, #tpu.memory_space<vmem>>, vector<576x2048xf32>,
      %dma_start3A = arith.constant 0 : i32
      %dma_start3A_193 = tpu.memref_slice %arg4[%multiple_of3A, %dma_start3A] : memref<8192x2048xf32, #tpu.memory_space<any>> -> memref<576x2048xf32, #tpu.memory_space<any>>
      %dma_start3A_194 = arith.constant 0 : i32
      %dma_start3A_195 = arith.constant 0 : i32
      %dma_start3A_196 = tpu.memref_slice %arg5[%dma_start3A_194, %dma_start3A_195] : memref<576x2048xf32, #tpu.memory_space<vmem>> -> memref<576x2048xf32, #tpu.memory_space<vmem>>
      tpu.enqueue_dma source(%dma_start3A_196 : memref<576x2048xf32, #tpu.memory_space<vmem>>) target(%dma_start3A_193 : memref<576x2048xf32, #tpu.memory_space<any>>) target_semaphore(%arg10 : memref<!tpu.dma_semaphore, #tpu.memory_space<semaphore_mem>>)
      %add3A_197 = arith.addi %mul3A_19, %mul3A_17 : i32
      %multiple_of3A_198 = tpu.assume_multiple %add3A_197, 8 : i32
      %dma_start3A_199 = arith.constant 0 : i32
      %dma_start3A_200 = tpu.memref_slice %arg4[%multiple_of3A_198, %dma_start3A_199] : memref<8192x2048xf32, #tpu.memory_space<any>> -> memref<8x2048xf32, #tpu.memory_space<any>>
      tpu.enqueue_dma source(%dma_start3A_200 : memref<8x2048xf32, #tpu.memory_space<any>>) target(%arg6 : memref<8x2048xf32, #tpu.memory_space<vmem>>) target_semaphore(%arg8 : memref<!tpu.dma_semaphore, #tpu.memory_space<semaphore_mem>>)
      %dma_wait3A = arith.constant 0 : i32
      %dma_wait3A_201 = tpu.memref_slice %arg4[%multiple_of3A_198, %dma_wait3A] : memref<8192x2048xf32, #tpu.memory_space<any>> -> memref<8x2048xf32, #tpu.memory_space<any>>
      tpu.wait_dma2 semaphore(%arg8 : memref<!tpu.dma_semaphore, #tpu.memory_space<semaphore_mem>>) src(%dma_wait3A_201 : memref<8x2048xf32, #tpu.memory_space<any>>) dst(%arg6 : memref<8x2048xf32, #tpu.memory_space<vmem>>)
      %get3A_202 = arith.constant 0 : index
      %get3A_203 = arith.constant 0 : index
      %get3A_204 = arith.constant 0 : index
      %get3A_205 = vector.load %arg2[%get3A_202, %get3A_203, %get3A_204] : memref<1x578x2048xf32, #tpu.memory_space<vmem>>, vector<1x1x2048xf32>
      %get3A_206 = vector.shape_cast %get3A_205 : vector<1x1x2048xf32> to vector<1x2048xf32>
      %swap3A_207 = arith.constant 7 : index
      %swap3A_208 = arith.constant 0 : index
      %swap3A_209 = vector.load %arg6[%swap3A_207, %swap3A_208] : memref<8x2048xf32, #tpu.memory_space<vmem>>, vector<1x2048xf32>
      tpu.vector_store %arg6[%swap3A_207, %swap3A_208], %get3A_206 {strides = array<i32>} : memref<8x2048xf32, #tpu.memory_space<vmem>>, vector<1x2048xf32>,
      %dma_start3A_210 = arith.constant 0 : i32
      %dma_start3A_211 = tpu.memref_slice %arg4[%multiple_of3A_198, %dma_start3A_210] : memref<8192x2048xf32, #tpu.memory_space<any>> -> memref<8x2048xf32, #tpu.memory_space<any>>
      tpu.enqueue_dma source(%arg6 : memref<8x2048xf32, #tpu.memory_space<vmem>>) target(%dma_start3A_211 : memref<8x2048xf32, #tpu.memory_space<any>>) target_semaphore(%arg8 : memref<!tpu.dma_semaphore, #tpu.memory_space<semaphore_mem>>)
      %dma_wait3A_212 = arith.constant 0 : i32
      %dma_wait3A_213 = tpu.memref_slice %arg4[%multiple_of3A_198, %dma_wait3A_212] : memref<8192x2048xf32, #tpu.memory_space<any>> -> memref<8x2048xf32, #tpu.memory_space<any>>
      tpu.wait_dma2 semaphore(%arg8 : memref<!tpu.dma_semaphore, #tpu.memory_space<semaphore_mem>>) src(%arg6 : memref<8x2048xf32, #tpu.memory_space<vmem>>) dst(%dma_wait3A_213 : memref<8x2048xf32, #tpu.memory_space<any>>)
      %add3A_214 = arith.constant 1 : i32
      %add3A_215 = arith.addi %get3A_0, %add3A_214 : i32
      %add3A_216 = arith.constant 576 : i32
      %add3A_217 = arith.addi %add3A_215, %add3A_216 : i32
      %add3A_218 = arith.addi %mul3A_19, %add3A_217 : i32
      %multiple_of3A_219 = tpu.assume_multiple %add3A_218, 8 : i32
      %dma_start3A_220 = arith.constant 0 : i32
      %dma_start3A_221 = tpu.memref_slice %arg4[%multiple_of3A_219, %dma_start3A_220] : memref<8192x2048xf32, #tpu.memory_space<any>> -> memref<8x2048xf32, #tpu.memory_space<any>>
      tpu.enqueue_dma source(%dma_start3A_221 : memref<8x2048xf32, #tpu.memory_space<any>>) target(%arg7 : memref<8x2048xf32, #tpu.memory_space<vmem>>) target_semaphore(%arg9 : memref<!tpu.dma_semaphore, #tpu.memory_space<semaphore_mem>>)
      %dma_wait3A_222 = arith.constant 0 : i32
      %dma_wait3A_223 = tpu.memref_slice %arg4[%multiple_of3A_219, %dma_wait3A_222] : memref<8192x2048xf32, #tpu.memory_space<any>> -> memref<8x2048xf32, #tpu.memory_space<any>>
      tpu.wait_dma2 semaphore(%arg9 : memref<!tpu.dma_semaphore, #tpu.memory_space<semaphore_mem>>) src(%dma_wait3A_223 : memref<8x2048xf32, #tpu.memory_space<any>>) dst(%arg7 : memref<8x2048xf32, #tpu.memory_space<vmem>>)
      %get3A_224 = arith.constant 0 : index
      %get3A_225 = arith.constant 577 : index
      %get3A_226 = arith.constant 0 : index
      %get3A_227 = vector.load %arg2[%get3A_224, %get3A_225, %get3A_226] : memref<1x578x2048xf32, #tpu.memory_space<vmem>>, vector<1x1x2048xf32>
      %get3A_228 = vector.shape_cast %get3A_227 : vector<1x1x2048xf32> to vector<1x2048xf32>
      %swap3A_229 = arith.constant 0 : index
      %swap3A_230 = arith.constant 0 : index
      %swap3A_231 = vector.load %arg7[%swap3A_229, %swap3A_230] : memref<8x2048xf32, #tpu.memory_space<vmem>>, vector<1x2048xf32>
      tpu.vector_store %arg7[%swap3A_229, %swap3A_230], %get3A_228 {strides = array<i32>} : memref<8x2048xf32, #tpu.memory_space<vmem>>, vector<1x2048xf32>,
      %dma_start3A_232 = arith.constant 0 : i32
      %dma_start3A_233 = tpu.memref_slice %arg4[%multiple_of3A_219, %dma_start3A_232] : memref<8192x2048xf32, #tpu.memory_space<any>> -> memref<8x2048xf32, #tpu.memory_space<any>>
      tpu.enqueue_dma source(%arg7 : memref<8x2048xf32, #tpu.memory_space<vmem>>) target(%dma_start3A_233 : memref<8x2048xf32, #tpu.memory_space<any>>) target_semaphore(%arg9 : memref<!tpu.dma_semaphore, #tpu.memory_space<semaphore_mem>>)
      %dma_wait3A_234 = arith.constant 0 : i32
      %dma_wait3A_235 = tpu.memref_slice %arg4[%multiple_of3A_219, %dma_wait3A_234] : memref<8192x2048xf32, #tpu.memory_space<any>> -> memref<8x2048xf32, #tpu.memory_space<any>>
      tpu.wait_dma2 semaphore(%arg9 : memref<!tpu.dma_semaphore, #tpu.memory_space<semaphore_mem>>) src(%arg7 : memref<8x2048xf32, #tpu.memory_space<vmem>>) dst(%dma_wait3A_235 : memref<8x2048xf32, #tpu.memory_space<any>>)
      %dma_wait3A_236 = arith.constant 0 : i32
      %dma_wait3A_237 = tpu.memref_slice %arg4[%multiple_of3A, %dma_wait3A_236] : memref<8192x2048xf32, #tpu.memory_space<any>> -> memref<576x2048xf32, #tpu.memory_space<any>>
      %dma_wait3A_238 = arith.constant 0 : i32
      %dma_wait3A_239 = arith.constant 0 : i32
      %dma_wait3A_240 = tpu.memref_slice %arg5[%dma_wait3A_238, %dma_wait3A_239] : memref<576x2048xf32, #tpu.memory_space<vmem>> -> memref<576x2048xf32, #tpu.memory_space<vmem>>
      tpu.wait_dma2 semaphore(%arg10 : memref<!tpu.dma_semaphore, #tpu.memory_space<semaphore_mem>>) src(%dma_wait3A_240 : memref<576x2048xf32, #tpu.memory_space<vmem>>) dst(%dma_wait3A_237 : memref<576x2048xf32, #tpu.memory_space<any>>)
    } else {
    }
    return
  }
  func.func @transform_0(%arg0: i32) -> i32 {
    %c0_i32 = arith.constant 0 : i32
    %c0_i32_0 = arith.constant 0 : i32
    return %c0_i32 : i32
  }
  func.func @transform_1(%arg0: i32) -> (i32, i32, i32) {
    %c0_i32 = arith.constant 0 : i32
    %c0_i32_0 = arith.constant 0 : i32
    %c0_i32_1 = arith.constant 0 : i32
    return %arg0, %c0_i32, %c0_i32_0 : i32, i32, i32
  }
}

module attributes {stable_mosaic.version = 14 : i64} {
  func.func @_mlp_body(%arg0: i32, %arg1: memref<1x576x1024xf32, #tpu.memory_space<vmem>>, %arg2: memref<1024x2048xf32, #tpu.memory_space<vmem>>, %arg3: memref<1x2048xf32, #tpu.memory_space<vmem>>, %arg4: memref<2048x2048xf32, #tpu.memory_space<vmem>>, %arg5: memref<1x2048xf32, #tpu.memory_space<vmem>>, %arg6: memref<1x2048xf32, #tpu.memory_space<vmem>>, %arg7: memref<1x2048xf32, #tpu.memory_space<vmem>>, %arg8: memref<1x578x2048xf32, #tpu.memory_space<vmem>>) attributes {dimension_semantics = [#tpu.dimension_semantics<arbitrary>], iteration_bounds = array<i64: 4>, scalar_prefetch = 0 : i64, scratch_operands = 0 : i64, tpu.core_type = #tpu.core_type<tc>, window_params = [{transform_indices = @transform_0, window_bounds = array<i64: 1, 576, 1024>}, {pipeline_mode = #tpu.pipeline_mode<synchronous>, transform_indices = @transform_1, window_bounds = array<i64: 1024, 2048>}, {pipeline_mode = #tpu.pipeline_mode<synchronous>, transform_indices = @transform_2, window_bounds = array<i64: 1, 2048>}, {pipeline_mode = #tpu.pipeline_mode<synchronous>, transform_indices = @transform_3, window_bounds = array<i64: 2048, 2048>}, {pipeline_mode = #tpu.pipeline_mode<synchronous>, transform_indices = @transform_4, window_bounds = array<i64: 1, 2048>}, {pipeline_mode = #tpu.pipeline_mode<synchronous>, transform_indices = @transform_5, window_bounds = array<i64: 1, 2048>}, {pipeline_mode = #tpu.pipeline_mode<synchronous>, transform_indices = @transform_6, window_bounds = array<i64: 1, 2048>}, {transform_indices = @transform_7, window_bounds = array<i64: 1, 578, 2048>}]} {
    %get3A = arith.constant 0 : index
    %get3A_0 = arith.constant 0 : index
    %get3A_1 = arith.constant 0 : index
    %get3A_2 = vector.load %arg1[%get3A, %get3A_0, %get3A_1] : memref<1x576x1024xf32, #tpu.memory_space<vmem>>, vector<1x576x1024xf32>
    %get3A_3 = vector.shape_cast %get3A_2 : vector<1x576x1024xf32> to vector<576x1024xf32>
    %get3A_4 = arith.constant 0 : index
    %get3A_5 = arith.constant 0 : index
    %get3A_6 = vector.load %arg2[%get3A_4, %get3A_5] : memref<1024x2048xf32, #tpu.memory_space<vmem>>, vector<1024x2048xf32>
    %dot_general3A = arith.constant dense<0.000000e+00> : vector<576x2048xf32>
    %dot_general3A_7 = tpu.matmul %get3A_3, %get3A_6, %dot_general3A {dimension_numbers = #tpu.dot_dimension_numbers<[1], [0], [0], [1], [0, 0, 1, 1], [], []>, transpose_lhs_hint = false} : vector<576x1024xf32>, vector<1024x2048xf32>, vector<576x2048xf32> -> vector<576x2048xf32>
    %get3A_8 = arith.constant 0 : index
    %get3A_9 = arith.constant 0 : index
    %get3A_10 = vector.load %arg3[%get3A_8, %get3A_9] : memref<1x2048xf32, #tpu.memory_space<vmem>>, vector<1x2048xf32>
    %add3A = vector.broadcast %get3A_10 : vector<1x2048xf32> to vector<576x2048xf32>
    %add3A_11 = arith.addf %dot_general3A_7, %add3A : vector<576x2048xf32>
    %integer_pow3A = arith.mulf %add3A_11, %add3A_11 : vector<576x2048xf32>
    %integer_pow3A_12 = arith.mulf %add3A_11, %integer_pow3A : vector<576x2048xf32>
    %mul3A = arith.constant 4.471500e-02 : f32
    %mul3A_13 = vector.broadcast %mul3A : f32 to vector<576x2048xf32>
    %mul3A_14 = arith.mulf %mul3A_13, %integer_pow3A_12 : vector<576x2048xf32>
    %add3A_15 = arith.addf %add3A_11, %mul3A_14 : vector<576x2048xf32>
    %mul3A_16 = arith.constant 0.797884583 : f32
    %mul3A_17 = vector.broadcast %mul3A_16 : f32 to vector<576x2048xf32>
    %mul3A_18 = arith.mulf %mul3A_17, %add3A_15 : vector<576x2048xf32>
    %tanh3A = math.tanh %mul3A_18 : vector<576x2048xf32>
    %add3A_19 = arith.constant 1.000000e+00 : f32
    %add3A_20 = vector.broadcast %add3A_19 : f32 to vector<576x2048xf32>
    %add3A_21 = arith.addf %add3A_20, %tanh3A : vector<576x2048xf32>
    %mul3A_22 = arith.constant 5.000000e-01 : f32
    %mul3A_23 = vector.broadcast %mul3A_22 : f32 to vector<576x2048xf32>
    %mul3A_24 = arith.mulf %mul3A_23, %add3A_21 : vector<576x2048xf32>
    %mul3A_25 = arith.mulf %add3A_11, %mul3A_24 : vector<576x2048xf32>
    %get3A_26 = arith.constant 0 : index
    %get3A_27 = arith.constant 0 : index
    %get3A_28 = vector.load %arg4[%get3A_26, %get3A_27] : memref<2048x2048xf32, #tpu.memory_space<vmem>>, vector<2048x2048xf32>
    %dot_general3A_29 = arith.constant dense<0.000000e+00> : vector<576x2048xf32>
    %dot_general3A_30 = tpu.matmul %mul3A_25, %get3A_28, %dot_general3A_29 {dimension_numbers = #tpu.dot_dimension_numbers<[1], [0], [0], [1], [0, 0, 1, 1], [], []>, transpose_lhs_hint = false} : vector<576x2048xf32>, vector<2048x2048xf32>, vector<576x2048xf32> -> vector<576x2048xf32>
    %get3A_31 = arith.constant 0 : index
    %get3A_32 = arith.constant 0 : index
    %get3A_33 = vector.load %arg5[%get3A_31, %get3A_32] : memref<1x2048xf32, #tpu.memory_space<vmem>>, vector<1x2048xf32>
    %add3A_34 = vector.broadcast %get3A_33 : vector<1x2048xf32> to vector<576x2048xf32>
    %add3A_35 = arith.addf %dot_general3A_30, %add3A_34 : vector<576x2048xf32>
    %get3A_36 = arith.constant 0 : index
    %get3A_37 = arith.constant 0 : index
    %get3A_38 = vector.load %arg6[%get3A_36, %get3A_37] : memref<1x2048xf32, #tpu.memory_space<vmem>>, vector<1x2048xf32>
    %get3A_39 = arith.constant 0 : index
    %get3A_40 = arith.constant 0 : index
    %get3A_41 = vector.load %arg7[%get3A_39, %get3A_40] : memref<1x2048xf32, #tpu.memory_space<vmem>>, vector<1x2048xf32>
    %concatenate3A = tpu.concatenate %get3A_38, %add3A_35, %get3A_41 in 0 : vector<1x2048xf32>, vector<576x2048xf32>, vector<1x2048xf32> -> vector<578x2048xf32>
    %swap3A = arith.constant 0 : index
    %swap3A_42 = arith.constant 0 : index
    %swap3A_43 = arith.constant 0 : index
    %swap3A_44 = vector.load %arg8[%swap3A, %swap3A_42, %swap3A_43] : memref<1x578x2048xf32, #tpu.memory_space<vmem>>, vector<1x578x2048xf32>
    %swap3A_45 = vector.shape_cast %swap3A_44 : vector<1x578x2048xf32> to vector<578x2048xf32>
    %swap3A_46 = vector.shape_cast %concatenate3A : vector<578x2048xf32> to vector<1x578x2048xf32>
    tpu.vector_store %arg8[%swap3A, %swap3A_42, %swap3A_43], %swap3A_46 {strides = array<i32>} : memref<1x578x2048xf32, #tpu.memory_space<vmem>>, vector<1x578x2048xf32>,
    return
  }
  func.func @transform_0(%arg0: i32) -> (i32, i32, i32) {
    %c0_i32 = arith.constant 0 : i32
    %c0_i32_0 = arith.constant 0 : i32
    %c0_i32_1 = arith.constant 0 : i32
    return %arg0, %c0_i32, %c0_i32_0 : i32, i32, i32
  }
  func.func @transform_1(%arg0: i32) -> (i32, i32) {
    %c0_i32 = arith.constant 0 : i32
    %c0_i32_0 = arith.constant 0 : i32
    %c0_i32_1 = arith.constant 0 : i32
    return %c0_i32, %c0_i32_0 : i32, i32
  }
  func.func @transform_2(%arg0: i32) -> (i32, i32) {
    %c0_i32 = arith.constant 0 : i32
    %c0_i32_0 = arith.constant 0 : i32
    %c0_i32_1 = arith.constant 0 : i32
    return %c0_i32, %c0_i32_0 : i32, i32
  }
  func.func @transform_3(%arg0: i32) -> (i32, i32) {
    %c0_i32 = arith.constant 0 : i32
    %c0_i32_0 = arith.constant 0 : i32
    %c0_i32_1 = arith.constant 0 : i32
    return %c0_i32, %c0_i32_0 : i32, i32
  }
  func.func @transform_4(%arg0: i32) -> (i32, i32) {
    %c0_i32 = arith.constant 0 : i32
    %c0_i32_0 = arith.constant 0 : i32
    %c0_i32_1 = arith.constant 0 : i32
    return %c0_i32, %c0_i32_0 : i32, i32
  }
  func.func @transform_5(%arg0: i32) -> (i32, i32) {
    %c0_i32 = arith.constant 0 : i32
    %c0_i32_0 = arith.constant 0 : i32
    %c0_i32_1 = arith.constant 0 : i32
    return %c0_i32, %c0_i32_0 : i32, i32
  }
  func.func @transform_6(%arg0: i32) -> (i32, i32) {
    %c0_i32 = arith.constant 0 : i32
    %c0_i32_0 = arith.constant 0 : i32
    %c0_i32_1 = arith.constant 0 : i32
    return %c0_i32, %c0_i32_0 : i32, i32
  }
  func.func @transform_7(%arg0: i32) -> (i32, i32, i32) {
    %c0_i32 = arith.constant 0 : i32
    %c0_i32_0 = arith.constant 0 : i32
    %c0_i32_1 = arith.constant 0 : i32
    return %arg0, %c0_i32, %c0_i32_0 : i32, i32, i32
  }
}

</mosaic_0001>

<sc_bundles>
// kernel: kernel.5.cloned.1.call-start
scs
__scs_entry_jumppad:
0x0: {  	(pc) =	sbr.rel $0x88, $3  }
0x1: {  	(tag) =	ssettag $0x0;
	lr =	simm.s32 $0x1  }
0x2: {  	[smem:$0x3F95] =	sst lr;
	_ =	strace $0xD0000000  }
0x3: {  	_ = 	snop  }
0x4: {  	_ = 	snop  }
0x5: {  	_ = 	snop  }
0x6: {  	_ = 	snop  }
0x7: {  	_ = 	snop  }
__scs_overlays_trampoline_lowered:
0x8: {  	[smem:$0x3FA4] =	sst s0  }
0x9: {  	[smem:$0x3FA5] =	sst s1  }
0xa: {  	[smem:$0x3FA6] =	sst s2  }
0xb: {  	[smem:$0x3FA7] =	sst s3  }
0xc: {  	[smem:$0x3FA8] =	sst s4  }
0xd: {  	[smem:$0x3FA9] =	sst s5  }
0xe: {  	[smem:$0x3FAA] =	sst s6  }
0xf: {  	[smem:$0x3FAB] =	sst s7  }
0x10: {  	[smem:$0x3FAC] =	sst s8  }
0x11: {  	[smem:$0x3FAD] =	sst s9;
	s0 =	simm.s32 @!p0 $0x0  }
0x12: {  	s1 =	sld [smem:$0x3F93];
	s0 =	simm.s32 @p0 $0x1  }
0x13: {  	[smem:$0x3FAE] =	sst s0;
	s0 =	simm.s32 @!p1 $0x0  }
0x14: {  	s2 =	sld [smem:$0x3F92];
	s0 =	simm.s32 @p1 $0x1  }
0x15: {  	[smem:$0x3FAF] =	sst s0;
	s0 =	simm.s32 @!p2 $0x0  }
0x16: {  	s3 =	sld [smem:$0x3FDB];
	s0 =	simm.s32 @p2 $0x1  }
0x17: {  	s4 =	simm.s32 $0x1BF5;
	[smem:$0x3FB1] =	sst s0  }
0x18: {  	s0 =	sld [smem:$0x3F94];
	_ =	swait.ge [sflag:s4], $0x0  }
0x19: {  	s7 =	sld [smem:$0x3F95]  }
0x1a: {  	s8 =	sadd.s32 $0xFFFFE003, lr  }
0x1b: {  	s9 =	sadd.s32 $0xFFFFFEF7, lr;
	s5 =	simm.s32 $0xFFFFFFFF;
	p2 =	slt.u32 s8, $0xFFFFF086  }
0x1c: {  	p1 =	slt.u32 s9, $0xF7A;
	s5 =	simm.s32 @!p2 $0x0  }
0x1d: {  	s5 =	simm.s32 @p1 $0x1;
	p0 =	seq.s32 s7, s2  }
0x1e: {  	s7 =	smul.u32 @!p0 $0xF7A, s2;
	p2 =	seq.s32 @!p0 s5, $0x0  }
0x1f: {  	s9 =	smul.u32 $0xF7A, s1;
	s8 =	simm.s32 @!p0 $0x1BF5;
	p2 =	por !p2, p0  }
0x20: {  	[sflag:s8] =	ssyncset.s32 @!p0 $0xFFFFF086;
	s6 =	sadd.s32 @!p0 s3, s7;
	s7 =	simm.s32 @!p0 $0x108  }
0x21: {  	s3 =	sadd.s32 s3, s9;
	s6 =	sadd.s32 @!p0 $0x88, s6;
	s7 =	simm.s32 @p2 $0x1082  }
0x22: {  	[simem:s7], [sflag:s8] =	dma.local @!p0 [hbm:s6], $0xF7A  }
0x23: {  	s9 =	sor.u32 $0xD0000000, s2;
	s6 =	simm.s32 $0x108;
	_ =	swait.ge @!p0 [sflag:s8], $0x0  }
0x24: {  	s3 =	sadd.s32 $0x88, s3;
	s6 =	simm.s32 @!p1 $0x1082;
	[sflag:s4] =	ssyncset.s32 $0xFFFFF086  }
0x25: {  	[simem:s6], [sflag:s4] =	dma.local [hbm:s3], $0xF7A  }
0x26: {  	[smem:$0x3F95] =	sst s1;
	(tag) =	ssettag s2;
	_ =	strace s9  }
0x27: {  	s1 =	sld [smem:$0x3FA5]  }
0x28: {  	s2 =	sld [smem:$0x3FA6]  }
0x29: {  	s4 =	sld [smem:$0x3FA8]  }
0x2a: {  	p0 =	seq.s32 s5, $0x0;
	s5 =	sld [smem:$0x3FA9]  }
0x2b: {  	s6 =	sld [smem:$0x3FAA]  }
0x2c: {  	s7 =	sld [smem:$0x3FAB]  }
0x2d: {  	s3 =	simm.s32 $0x108;
	s8 =	sld [smem:$0x3FAC]  }
0x2e: {  	s3 =	simm.s32 @!p0 $0x1082;
	s9 =	sld [smem:$0x3FAD]  }
0x2f: {  	lr =	sadd.s32 s0, s3;
	s0 =	sld [smem:$0x3FA4]  }
0x30: {  	s3 =	sld [smem:$0x3FA7]  }
0x31: {  	[smem:$0x3FB0] =	sst s10  }
0x32: {  	s10 =	sld [smem:$0x3FAE];
	_ =	sdelay $0x3  }
0x33: {  	p0 =	seq.s32 s10, $0x1;
	s10 =	sld [smem:$0x3FB0];
	_ =	sdelay $0x3  }
0x34: {  	[smem:$0x3FB0] =	sst s10  }
0x35: {  	s10 =	sld [smem:$0x3FAF];
	_ =	sdelay $0x3  }
0x36: {  	p1 =	seq.s32 s10, $0x1;
	s10 =	sld [smem:$0x3FB0];
	_ =	sdelay $0x3  }
0x37: {  	[smem:$0x3FB0] =	sst s10  }
0x38: {  	s10 =	sld [smem:$0x3FB1]  }
0x39: {  	_ = 	snop;
	(pc) =	sbr.ind lr, $3  }
0x3a: {  	_ = 	snop  }
0x3b: {  	_ = 	snop  }
0x3c: {  	p2 =	seq.s32 s10, $0x1;
	s10 =	sld [smem:$0x3FB0]  }
0x3d: {  	_ =	shalt  }
0x3e: {  	_ =	shalt  }
0x3f: {  	_ =	shalt  }
0x40: {  	_ =	shalt  }
0x41: {  	_ =	shalt  }
0x42: {  	_ =	shalt  }
0x43: {  	_ =	shalt  }
0x44: {  	_ =	shalt  }
0x45: {  	_ =	shalt  }
0x46: {  	_ =	shalt  }
0x47: {  	_ =	shalt  }
0x48: {  	_ =	shalt  }
0x49: {  	_ =	shalt  }
0x4a: {  	_ =	shalt  }
0x4b: {  	_ =	shalt  }
0x4c: {  	_ =	shalt  }
0x4d: {  	_ =	shalt  }
0x4e: {  	_ =	shalt  }
0x4f: {  	_ =	shalt  }
0x50: {  	_ =	shalt  }
0x51: {  	_ =	shalt  }
0x52: {  	_ =	shalt  }
0x53: {  	_ =	shalt  }
0x54: {  	_ =	shalt  }
0x55: {  	_ =	shalt  }
0x56: {  	_ =	shalt  }
0x57: {  	_ =	shalt  }
0x58: {  	_ =	shalt  }
0x59: {  	_ =	shalt  }
0x5a: {  	_ =	shalt  }
0x5b: {  	_ =	shalt  }
0x5c: {  	_ =	shalt  }
0x5d: {  	_ =	shalt  }
0x5e: {  	_ =	shalt  }
0x5f: {  	_ =	shalt  }
0x60: {  	_ =	shalt  }
0x61: {  	_ =	shalt  }
0x62: {  	_ =	shalt  }
0x63: {  	_ =	shalt  }
0x64: {  	_ =	shalt  }
0x65: {  	_ =	shalt  }
0x66: {  	_ =	shalt  }
0x67: {  	_ =	shalt  }
0x68: {  	_ =	shalt  }
0x69: {  	_ =	shalt  }
0x6a: {  	_ =	shalt  }
0x6b: {  	_ =	shalt  }
0x6c: {  	_ =	shalt  }
0x6d: {  	_ =	shalt  }
0x6e: {  	_ =	shalt  }
0x6f: {  	_ =	shalt  }
0x70: {  	_ =	shalt  }
0x71: {  	_ =	shalt  }
0x72: {  	_ =	shalt  }
0x73: {  	_ =	shalt  }
0x74: {  	_ =	shalt  }
0x75: {  	_ =	shalt  }
0x76: {  	_ =	shalt  }
0x77: {  	_ =	shalt  }
0x78: {  	_ =	shalt  }
0x79: {  	_ =	shalt  }
0x7a: {  	_ =	shalt  }
0x7b: {  	_ =	shalt  }
0x7c: {  	_ =	shalt  }
0x7d: {  	_ =	shalt  }
0x7e: {  	_ =	shalt  }
0x7f: {  	_ =	shalt  }
0x80: {  	_ =	shalt  }
0x81: {  	_ =	shalt  }
0x82: {  	_ =	shalt  }
0x83: {  	_ =	shalt  }
0x84: {  	_ =	shalt  }
0x85: {  	_ =	shalt  }
0x86: {  	_ =	shalt  }
0x87: {  	_ =	shalt  }
.Lfunc_end0:
.L_simem_size_0:
called_computation_lowered:
.L_overlay_start_0:
0x88: {  	s2 =	sld [smem:$0x3FD9]  }
0x89: {  	s3 =	sld [smem:$0x3FFE];
	_ =	sdelay $0x1  }
0x8a: {  	s1 =	srdreg.scid  }
0x8b: {  	s0 =	sand.u32 $0x1, s1  }
0x8c: {  	s17 =	sshll.u32 s0, $0xA;
	s2 =	sadd.s32 s3, s2  }
0x8d: {  	s2 =	sadd.s32 s2, s17  }
0x8e: {  	[smem:$0x3FBC] =	sst s2  }
0x8f: {  	_ = 	snop  }
0x90: {  	s2 =	sld [smem:$0x3FC2]  }
0x91: {  	s18 =	sld [smem:$0x3FD0];
	(tm) =	ssettm $0x1  }
0x92: {  	s4 =	sld [smem:$0x3FFB];
	_ =	sdelay $0x3  }
0x93: {  	_ =	strace s4  }
0x94: {  	s4 =	sld [smem:$0x3FFC];
	_ =	sdelay $0x3  }
0x95: {  	_ =	strace s4  }
0x96: {  	s4 =	sld [smem:$0x3FFD];
	_ =	sdelay $0x3  }
0x97: {  	_ =	strace s4  }
0x98: {  	_ =	strace $0x8FFFFFFF  }
0x99: {  	s19 =	sld [smem:$0x3FDB];
	_ =	sdelay $0x1  }
0x9a: {  	s5 =	simm.s32 $_scs_section_size  }
0x9b: {  	s6 =	simm.s32 $_size__tile_overlayer_lowered;
	s7 =	simm.s32 $_tile_overlayer_lowered  }
0x9c: {  	s22 =	simm.s32 $0x1BFF;
	s21 =	sshll.u32 s7, $0x1;
	s4 =	sadd.s32 s5, s19  }
0x9d: {  	s8 =	simm.s32 $0x0;
	s20 =	sshll.u32 s6, $0x1;
	s6 =	sadd.s32 s21, s4  }
0x9e: {  	[timem:s8], [sflag:s22] =	dma.local [hbm:s6], s20  }
0x9f: {  	_ =	swait.ge [sflag:s22], s20  }
0xa0: {  	s5 =	ssub.s32 $0x0, s20;
	[sflag:s22] =	ssyncset.done $0x0  }
0xa1: {  	[sflag:s22] =	ssyncadd.s32 s5;
	_ =	sdelay $0x1  }
0xa2: {  	s23 =	simm.s32 $0x1B8B  }
0xa3: {  	_ =	swait.ge [sflag:s23], $0x1  }
0xa4: {  	[sflag:s23] =	ssyncset.done $0x0  }
0xa5: {  	s25 =	simm.s32 $0x1B8E;
	s24 =	sld [smem:$0x3FFE];
	[sflag:s23] =	ssyncadd.s32 $0xFFFFFFFF  }
0xa6: {  	s26 =	simm.s32 $execute0_lowered;
	[smem:$0x3FD2] =	sst s25  }
0xa7: {  	s6 =	sshll.u32 s26, $0x1;
	_ =	strace $0x80000046;
	[dreg:$0x1] =	wrdreg $0xFFFFFFFF  }
0xa8: {  	s28 =	simm.s32 $_size_execute0_lowered;
	s4 =	sadd.s32 s4, s6;
	[dreg:$0x0] =	wrdreg $0x0  }
0xa9: {  	s6 =	sshll.u32 s28, $0x1;
	[dreg:$0x2] =	wrdreg s4  }
0xaa: {  	[dreg:$0x3] =	wrdreg s6  }
0xab: {  	[dreg:$0x4] =	wrdreg $0xC0  }
0xac: {  	_ =	task [dreg:s8], $0x5FFFF  }
0xad: {  	[dreg:$0x1] =	wrdreg $0xFFFFFFFF  }
0xae: {  	[dreg:$0x0] =	wrdreg $0x60  }
0xaf: {  	[dreg:$0x2] =	wrdreg s2  }
0xb0: {  	[dreg:$0x3] =	wrdreg s24  }
0xb1: {  	[dreg:$0x4] =	wrdreg s18  }
0xb2: {  	[dreg:$0x5] =	wrdreg $0x9  }
0xb3: {  	_ =	task.clear_ibuf [dreg:s8], $0x6FFFF;
	_ =	strace $0x90000046  }
0xb4: {  	s29 =	simm.s32 $0x9;
	_ =	strace $0x80000048  }
0xb5: {  	_ =	swait.ge [sflag:s29], $0x1  }
0xb6: {  	[sflag:s29] =	ssyncadd.s32 $0xFFFFFFFF  }
0xb7: {  	_ =	strace $0x90000048  }
0xb8: {  	_ =	sfence  }
0xb9: {  	s30 =	sld [smem:$0x0];
	_ =	sdelay $0x2  }
0xba: {  	s31 =	sshll.u32 s1, $0xD;
	s1 =	sshrl.u32 s1, $0x2  }
0xbb: {  	s3 =	sand.u32 $0x4000, s31;
	s1 =	sadd.s32 s1, s30  }
0xbc: {  	s0 =	sor.u32 s3, s0;
	s1 =	sshll.u32 s1, $0x11  }
0xbd: {  	s0 =	sor.u32 s1, s0  }
0xbe: {  	s0 =	sadd.s32 $0x8F2B, s0  }
0xbf: {  	[sflag:s0] =	ssyncadd.remote.s32 $0x1  }
0xc0: {  	_ =	sfence.sel $0xFFFF  }
0xc1: {  	[dreg:$0x0] =	wrdreg $0xFFFFFFFF;
	(pc) =	sbr.abs _section_cstart, $3  }
0xc2: {  	[dreg:$0x1] =	wrdreg $0xFFFFFFFF  }
0xc3: {  	_ =	task.clear_ibuf [dreg:s8], $0x2FFFF;
	_ =	strace $0x9FFFFFFF  }
0xc4: {  	(tm) =	ssettm $0x7FFFFFFF  }
0xc5: {  	_ =	shalt  }
tec
execute0_lowered:
.L_overlay_start_1:
0x0: {  	(tag) =	ssettag $0x1  }
0x1: {  	s1 =	rddreg [dreg:$0x0]  }
0x2: {  	s0 =	rddreg [dreg:$0x1]  }
0x3: {  	s3 =	rddreg [dreg:$0x2]  }
0x4: {  	s2 =	simm.s32 $0x0;
	s14 =	srdreg.scid;
	s6 =	stileid.u32  }
0x5: {  	[smem:$0x7FF] =	sst s2;
	s4 =	sadd.s32 $0x1600, s0;
	s12 =	sadd.s32 $0x1800, s0  }
0x6: {  	s13 =	sadd.s32 $0x1A00, s0;
	_ =	strace $0x80000047;
	[dreg:$0x4] =	wrdreg s4  }
0x7: {  	s0 =	sadd.s32 $0x1C00, s0;
	s15 =	sand.u32 $0x1, s14;
	[dreg:$0x5] =	wrdreg s12  }
0x8: {  	s5 =	sshrl.u32 s6, $0x3;
	s6 =	sshll.u32 s6, $0x8;
	[dreg:$0x6] =	wrdreg s13  }
0x9: {  	s11 =	sadd.s32 $0x100, s1;
	s14 =	sadd.s32 $0x400, s1;
	[dreg:$0x7] =	wrdreg s0  }
0xa: {  	s4 =	sshll.u32 s15, $0x1;
	s0 =	ssub.s32 $0x2, s15;
	s8 =	sand.u32 $0x700, s6  }
0xb: {  	s12 =	sadd.s32 $0x200, s1;
	s13 =	sadd.s32 $0x300, s1;
	s5 =	sor.u32 s5, s4  }
0xc: {  	s16 =	sshrl.u32 s0, $0x1;
	s7 =	sshll.u32 s8, $0x8;
	s9 =	sor.u32 $0x10, s8  }
0xd: {  	[dreg:$0x8] =	wrdreg s8;
	s17 =	sshll.u32 s5, $0x13;
	s0 =	ssub.s32 s0, s16  }
0xe: {  	[dreg:$0x9] =	wrdreg s9;
	s24 =	smax.u32 s0, $0x1;
	s0 =	sor.u32 $0x70, s8  }
0xf: {  	s18 =	sor.u32 s7, s17;
	s7 =	sor.u32 $0x80, s8;
	[dreg:$0x10] =	wrdreg s0  }
0x10: {  	s15 =	sadd.s32 $0x500, s1;
	s3 =	sadd.s32 s3, s18;
	[dreg:$0x12] =	wrdreg s7  }
0x11: {  	s22 =	sor.u32 $0x30, s8;
	s4 =	sadd.s32 $0x1000, s3;
	[dreg:$0xa] =	wrdreg s3  }
0x12: {  	s25 =	sor.u32 $0x40, s8;
	s19 =	sadd.s32 $0x2000, s3;
	[dreg:$0xb] =	wrdreg s4  }
0x13: {  	s28 =	sor.u32 $0x50, s8;
	s20 =	sadd.s32 $0x3000, s3;
	[dreg:$0xc] =	wrdreg s19  }
0x14: {  	s30 =	sor.u32 $0x60, s8;
	s21 =	sadd.s32 $0x4000, s3;
	[dreg:$0xd] =	wrdreg s20  }
0x15: {  	s29 =	sor.u32 $0xB0, s8;
	s23 =	sadd.s32 $0x5000, s3;
	[dreg:$0xe] =	wrdreg s21  }
0x16: {  	s31 =	sor.u32 $0xF0, s8;
	s26 =	sadd.s32 $0x6000, s3;
	[dreg:$0xf] =	wrdreg s23  }
0x17: {  	s16 =	sadd.s32 $0x600, s1;
	s6 =	sadd.s32 $0x7000, s3;
	[dreg:$0x11] =	wrdreg s26  }
0x18: {  	v22 =	vlaneseq.u32;
	s17 =	sadd.s32 $0x700, s1;
	s10 =	sadd.s32 $0x8000, s3;
	[dreg:$0x13] =	wrdreg s6  }
0x19: {  	v21 =	vshrl.u32 v22, $0x3;
	s18 =	sor.u32 $0x20, s8;
	[dreg:$0x14] =	wrdreg s10;
	s20 =	sadd.s32 $0x9000, s3  }
0x1a: {  	vm0 =	vmmov $0xffff;
	v20 =	vand.u32 $0x7, v22;
	v21 =	vmul.u32 $0x8, v21;
	s19 =	sor.u32 $0x90, s8;
	s21 =	sadd.s32 $0xA000, s3;
	[dreg:$0x15] =	wrdreg s20  }
0x1b: {  	v4 =	vor.u32 s8, v22;
	v0 =	vmov s5;
	v5 =	vor.u32 s9, v22;
	s23 =	sor.u32 $0xA0, s8;
	s26 =	sadd.s32 $0xB000, s3;
	[dreg:$0x16] =	wrdreg s21  }
0x1c: {  	v7 =	vor.u32 s22, v22;
	v8 =	vor.u32 s25, v22;
	v9 =	vor.u32 s28, v22;
	s4 =	sor.u32 $0xC0, s8;
	s10 =	sadd.s32 $0xC000, s3;
	[dreg:$0x17] =	wrdreg s26  }
.Ltmp0:
0x1d: {  	v10 =	vor.u32 s30, v22;
	v15 =	vor.u32 s29, v22;
	v19 =	vor.u32 s31, v22;
	[dreg:$0x18] =	wrdreg s10;
	s20 =	sadd.s32 $0xD000, s3;
	(pc) =	sbr.rel .LBB2_1-.Ltmp0, $4  }
0x1e: {  	v1 =	vadd.s32 $0x1, v0;
	v2 =	vor.u32 $0x8, v0;
	v3 =	vadd.s32 $0x9, v0;
	s6 =	simm.s32 $0x5;
	s10 =	sadd.s32 $0xE000, s3;
	[dreg:$0x19] =	wrdreg s20  }
0x1f: {  	v11 =	vor.u32 s0, v22;
	v12 =	vor.u32 s7, v22;
	v6 =	vor.u32 s18, v22;
	s26 =	sor.u32 $0xD0, s8;
	s3 =	sadd.s32 $0xF000, s3;
	[dreg:$0x1a] =	wrdreg s10  }
0x20: {  	s21 =	sor.u32 $0xE0, s8;
	v13 =	vor.u32 s19, v22;
	v14 =	vor.u32 s23, v22;
	v16 =	vor.u32 s4, v22;
	s20 =	sadd.s32 $0x100, s8;
	[dreg:$0x1c] =	wrdreg s3  }
0x21: {  	s10 =	simm.s32 $0x1;
	v17 =	vor.u32 s26, v22;
	v18 =	vor.u32 s21, v22;
	v22 =	vor.u32 $0x8, v22;
	s8 =	simm.s32 $0x2;
	[dreg:$0x1b] =	wrdreg s20  }
.LBB2_64:
0x22: {  	s0 =	rddreg [dreg:$0x1c]  }
0x23: {  	[hbm4b:s0+s2] =	stream.linear.scatter [tilespmem:s3], [sflag:$0x4], $0x8000, $0x38;
	[tilespmem:$0x18B00] =	vst v63  }
.LBB2_65:
0x24: {  	s3 =	simm.s32 @p1 $0x3  }
0x25: {  	_ =	swait.ge @p1 [sflag:s3], $0x8000  }
0x26: {  	s24 =	sadd.s32 $0xFFFFFFFF, s24;
	[sflag:s3] =	ssyncset.done @p1 $0x0  }
0x27: {  	[sflag:s3] =	ssyncadd.s32 @p1 $0xFFFF8000;
	p1 =	sne.s32 s24, $0x0  }
.Ltmp1:
0x28: {  	_ = 	snop;
	(pc) =	sbr.rel @!p1 .LBB2_66-.Ltmp1, $4  }
0x29: {  	s3 =	simm.s32 @p0 $0x4  }
0x2a: {  	_ =	swait.ge @p0 [sflag:s3], $0x8000  }
0x2b: {  	[sflag:s3] =	ssyncset.done @p0 $0x0  }
0x2c: {  	[sflag:s3] =	ssyncadd.s32 @p0 $0xFFFF8000  }
.LBB2_1:
0x2d: {  	s3 =	rddreg [dreg:$0x4];
	s5 =	simm.s32 $0x18000  }
0x2e: {  	[tilespmem:s5], [sflag:$0x5] =	stream.linear.gather [hbm4b:s3+s2], $0x600, $0x38;
	[tilespmem:$0x18B00] =	vst v63  }
0x2f: {  	_ =	swait.ge [sflag:s6], $0x600  }
0x30: {  	s0 =	smov.u32 s30;
	[sflag:s6] =	ssyncset.done $0x0  }
0x31: {  	s9 =	simm.s32 $0x18600;
	s7 =	rddreg [dreg:$0x5];
	[sflag:s6] =	ssyncadd.s32 $0xFFFFFA00  }
0x32: {  	[tilespmem:s9], [sflag:$0x5] =	stream.linear.gather [hbm4b:s7+s2], $0x480, $0x38;
	[tilespmem:$0x18B00] =	vst v63  }
0x33: {  	s30 =	smov.u32 s28;
	s28 =	smov.u32 s25;
	_ =	swait.ge [sflag:s6], $0x480  }
0x34: {  	s25 =	smov.u32 s22;
	s22 =	smov.u32 s18;
	[sflag:s6] =	ssyncset.done $0x0  }
0x35: {  	s20 =	simm.s32 $0x18A80;
	s18 =	rddreg [dreg:$0x6];
	[sflag:s6] =	ssyncadd.s32 $0xFFFFFB80  }
0x36: {  	[tilespmem:s20], [sflag:$0x5] =	stream.linear.gather [hbm4b:s18+s2], $0x80, $0x38;
	[tilespmem:$0x18B00] =	vst v63  }
0x37: {  	_ =	swait.ge [sflag:s6], $0x80  }
0x38: {  	[sflag:s6] =	ssyncset.done $0x0  }
0x39: {  	[sflag:s6] =	ssyncadd.s32 $0xFFFFFF80  }
0x3a: {  	v25 =	vld.idx.msk [tilespmem:v0+s20+$0x0], $0xffff  }
0x3b: {  	v23 =	vld.idx.msk [tilespmem:v1+s20+$0x0], $0xffff  }
0x3c: {  	v26 =	vld.idx.msk [tilespmem:v2+s20+$0x0], $0xffff  }
0x3d: {  	v24 =	vld.idx.msk [tilespmem:v3+s20+$0x0], $0xffff;
	_ =	sdelay $0x3  }
0x3e: {  	s9 =	simm.s32 $0x10000;
	s7 =	rddreg [dreg:$0x7]  }
0x3f: {  	[tilespmem:s9], [sflag:$0x5] =	stream.linear.gather [hbm4b:s7+s2], $0x8000, $0x38;
	v23 =	vsub.s32 v23, v25;
	v24 =	vsub.s32 v24, v26;
	[tilespmem:$0x18B00] =	vst v63  }
0x40: {  	_ =	swait.ge [sflag:s6], $0x8000;
	v27 =	vxor.u32 $0x80000000, v23;
	v28 =	vadd.s32 v23, v24  }
0x41: {  	(xrf0) =	vmax.scan.msk.u32 $0xffff, v27;
	v27 =	vxor.u32 $0x80000000, v28  }
0x42: {  	(xrf0) =	vmax.scan.msk.u32 $0xffff, v27;
	_ =	sdelay $0x4  }
0x43: {  	v27, _, _ =	vpop (xrf0)  }
0x44: {  	(v2sf) =	vpush v27, $0xF;
	v27, _, _ =	vpop (xrf0)  }
0x45: {  	(v2sf) =	vpush v27, $0xF;
	_ =	sdelay $0xd  }
0x46: {  	s18 =	spop (v2sf)  }
0x47: {  	s20 =	spop (v2sf);
	s7 =	sxor.u32 $0x80000000, s18  }
0x48: {  	s3 =	sadd.s32 $0x80000242, s18;
	s18 =	rddreg [dreg:$0x8];
	s5 =	sadd.s32 $0x80000242, s20  }
0x49: {  	p2 =	sge.s32 s18, s5  }
.Ltmp2:
0x4a: {  	_ = 	snop;
	(pc) =	sbr.rel @p2 .LBB2_4-.Ltmp2, $4  }
0x4b: {  	_ = 	snop  }
0x4c: {  	s20 =	rddreg [dreg:$0x9]  }
0x4d: {  	[sflag:s6] =	ssyncset.done $0x0;
	p0 =	slt.s32 s18, s7;
	p1 =	sgt.s32 s20, s3  }
0x4e: {  	[sflag:s6] =	ssyncadd.s32 $0xFFFF8000;
	p1 =	por p0, p1  }
.Ltmp3:
0x4f: {  	(pc) =	sbr.rel @!p1 .LBB2_5-.Ltmp3, $1  }
0x50: {  	_ =	sdelay $0x3  }
0x51: {  	v27 =	vsub.s32 v4, v23  }
0x52: {  	v27 =	vadd.s32 $0xFFFFFDBE, v27  }
0x53: {  	v28 =	vadd.s32 v26, v27  }
0x54: {  	v29 =	vadd.s32 v4, v25;
	vm1 =	vgt.s32 v28, $0x0  }
0x55: {  	vm2 =	vgt.s32 v29, $0x0;
	v28 =	vnsel vm1, $0x0, v28  }
0x56: {  	v29 =	vnsel vm2, $0x0, v29;
	v28 =	vmin.u32 v28, $0x40F  }
0x57: {  	v29 =	vmin.u32 v29, $0x5BF;
	_ =	sdelay $0x2  }
0x58: {  	s9 =	simm.s32 $0x18600  }
0x59: {  	s18 =	simm.s32 $0x18000;
	v28 =	vld.idx.msk [tilespmem:v28+s9+$0x0], $0xffff  }
0x5a: {  	v29 =	vld.idx.msk [tilespmem:v29+s18+$0x0], $0xffff;
	_ =	sdelay $0x1  }
0x5b: {  	vm2 =	vlt.s32 v27, v24;
	vm1 =	vgt.s32 v27, $0xFFFFFFFF  }
0x5c: {  	vm1 =	vmand vm1, vm2  }
0x5d: {  	vm2 =	vlt.s32 v4, v23;
	v27 =	vnsel vm1, $0x0, v28  }
0x5e: {  	v27 =	vsel vm2, v29, v27  }
0x5f: {  	v63 =	vshll.u32 v27, $0x4  }
0x60: {  	v27 =	vand.u32 $0x7, v27;
	v28 =	vand.u32 $0xFFFFFF80, v63  }
0x61: {  	v27 =	vor.u32 v27, v28  }
0x62: {  	v28 =	vperm.xlane v27, v20;
	_ =	sdelay $0x1  }
0x63: {  	v28 =	vadd.s32 v21, v28;
	_ =	sdelay $0x3  }
0x64: {  	s9 =	simm.s32 $0x0  }
0x65: {  	[tilespmem:s9], [sflag:$0x1] =	stream.indirect_vreg.gather [hbm4b:s1+s9], $0x80, v28, vm0, $0xb8;
	[tilespmem:$0x18B00] =	vst v63  }
0x66: {  	s18 =	simm.s32 $0x800  }
0x67: {  	[tilespmem:s18], [sflag:$0x1] =	stream.indirect_vreg.gather [hbm4b:s11+s9], $0x80, v28, vm0, $0xb8;
	[tilespmem:$0x18B00] =	vst v63  }
0x68: {  	s20 =	simm.s32 $0x1000  }
0x69: {  	[tilespmem:s20], [sflag:$0x1] =	stream.indirect_vreg.gather [hbm4b:s12+s9], $0x80, v28, vm0, $0xb8;
	[tilespmem:$0x18B00] =	vst v63  }
0x6a: {  	s20 =	simm.s32 $0x1800  }
0x6b: {  	[tilespmem:s20], [sflag:$0x1] =	stream.indirect_vreg.gather [hbm4b:s13+s9], $0x80, v28, vm0, $0xb8;
	[tilespmem:$0x18B00] =	vst v63  }
0x6c: {  	s20 =	simm.s32 $0x2000  }
0x6d: {  	[tilespmem:s20], [sflag:$0x1] =	stream.indirect_vreg.gather [hbm4b:s14+s9], $0x80, v28, vm0, $0xb8;
	[tilespmem:$0x18B00] =	vst v63  }
0x6e: {  	v27 =	vperm.xlane v27, v22;
	s20 =	simm.s32 $0x2800  }
0x6f: {  	[tilespmem:s20], [sflag:$0x1] =	stream.indirect_vreg.gather [hbm4b:s15+s9], $0x80, v28, vm0, $0xb8;
	[tilespmem:$0x18B00] =	vst v63  }
0x70: {  	v27 =	vadd.s32 v21, v27;
	s20 =	simm.s32 $0x3000  }
0x71: {  	[tilespmem:s20], [sflag:$0x1] =	stream.indirect_vreg.gather [hbm4b:s16+s9], $0x80, v28, vm0, $0xb8;
	[tilespmem:$0x18B00] =	vst v63  }
0x72: {  	s20 =	simm.s32 $0x3800  }
0x73: {  	[tilespmem:s20], [sflag:$0x1] =	stream.indirect_vreg.gather [hbm4b:s17+s9], $0x80, v28, vm0, $0xb8;
	[tilespmem:$0x18B00] =	vst v63  }
0x74: {  	s20 =	simm.s32 $0x4000  }
0x75: {  	[tilespmem:s20], [sflag:$0x1] =	stream.indirect_vreg.gather [hbm4b:s1+s9], $0x80, v27, vm0, $0xb8;
	[tilespmem:$0x18B00] =	vst v63  }
0x76: {  	s20 =	simm.s32 $0x4800  }
0x77: {  	[tilespmem:s20], [sflag:$0x1] =	stream.indirect_vreg.gather [hbm4b:s11+s9], $0x80, v27, vm0, $0xb8;
	[tilespmem:$0x18B00] =	vst v63  }
0x78: {  	s20 =	simm.s32 $0x5000  }
0x79: {  	[tilespmem:s20], [sflag:$0x1] =	stream.indirect_vreg.gather [hbm4b:s12+s9], $0x80, v27, vm0, $0xb8;
	[tilespmem:$0x18B00] =	vst v63  }
0x7a: {  	s20 =	simm.s32 $0x5800  }
0x7b: {  	[tilespmem:s20], [sflag:$0x1] =	stream.indirect_vreg.gather [hbm4b:s13+s9], $0x80, v27, vm0, $0xb8;
	[tilespmem:$0x18B00] =	vst v63  }
0x7c: {  	s20 =	simm.s32 $0x6000  }
0x7d: {  	[tilespmem:s20], [sflag:$0x1] =	stream.indirect_vreg.gather [hbm4b:s14+s9], $0x80, v27, vm0, $0xb8;
	[tilespmem:$0x18B00] =	vst v63  }
0x7e: {  	s20 =	simm.s32 $0x6800  }
0x7f: {  	[tilespmem:s20], [sflag:$0x1] =	stream.indirect_vreg.gather [hbm4b:s15+s9], $0x80, v27, vm0, $0xb8;
	[tilespmem:$0x18B00] =	vst v63  }
0x80: {  	s20 =	simm.s32 $0x7000  }
0x81: {  	[tilespmem:s20], [sflag:$0x1] =	stream.indirect_vreg.gather [hbm4b:s16+s9], $0x80, v27, vm0, $0xb8;
	[tilespmem:$0x18B00] =	vst v63  }
0x82: {  	s20 =	simm.s32 $0x7800  }
0x83: {  	[tilespmem:s20], [sflag:$0x1] =	stream.indirect_vreg.gather [hbm4b:s17+s9], $0x80, v27, vm0, $0xb8;
	[tilespmem:$0x18B00] =	vst v63  }
0x84: {  	_ =	swait.ge [sflag:s10], $0x8000  }
0x85: {  	[sflag:s10] =	ssyncset.done $0x0  }
0x86: {  	[sflag:s10] =	ssyncadd.s32 $0xFFFF8000  }
.LBB2_4:
0x87: {  	s18 =	rddreg [dreg:$0xa]  }
0x88: {  	[hbm4b:s18+s2] =	stream.linear.scatter [tilespmem:s9], [sflag:$0x3], $0x8000, $0x38;
	[tilespmem:$0x18B00] =	vst v63  }
.LBB2_5:
0x89: {  	s9 =	rddreg [dreg:$0x9]  }
0x8a: {  	p3 =	sge.s32 s9, s5  }
.Ltmp4:
0x8b: {  	_ = 	snop;
	(pc) =	sbr.rel @p3 .LBB2_8-.Ltmp4, $4  }
0x8c: {  	_ = 	snop  }
0x8d: {  	s18 =	smov.u32 s22;
	p2 =	sgt.s32 s22, s3;
	s22 =	smov.u32 s25  }
0x8e: {  	s25 =	smov.u32 s28;
	s28 =	smov.u32 s30;
	p0 =	slt.s32 s9, s7  }
0x8f: {  	s30 =	smov.u32 s0;
	s9 =	simm.s32 $0x10000;
	p0 =	por p0, p2  }
.Ltmp5:
0x90: {  	(pc) =	sbr.rel @!p0 .LBB2_9-.Ltmp5, $1  }
0x91: {  	_ =	sdelay $0x3  }
0x92: {  	v27 =	vsub.s32 v5, v23  }
0x93: {  	v27 =	vadd.s32 $0xFFFFFDBE, v27  }
0x94: {  	v28 =	vadd.s32 v26, v27  }
0x95: {  	v29 =	vadd.s32 v5, v25;
	vm1 =	vgt.s32 v28, $0x0  }
0x96: {  	vm2 =	vgt.s32 v29, $0x0;
	v28 =	vnsel vm1, $0x0, v28  }
0x97: {  	v29 =	vnsel vm2, $0x0, v29;
	v28 =	vmin.u32 v28, $0x40F  }
0x98: {  	v29 =	vmin.u32 v29, $0x5BF;
	_ =	sdelay $0x2  }
0x99: {  	s0 =	simm.s32 $0x18600  }
0x9a: {  	s9 =	simm.s32 $0x18000;
	v28 =	vld.idx.msk [tilespmem:v28+s0+$0x0], $0xffff  }
0x9b: {  	v29 =	vld.idx.msk [tilespmem:v29+s9+$0x0], $0xffff;
	_ =	sdelay $0x1  }
0x9c: {  	vm2 =	vlt.s32 v27, v24;
	vm1 =	vgt.s32 v27, $0xFFFFFFFF  }
0x9d: {  	vm1 =	vmand vm1, vm2  }
0x9e: {  	vm2 =	vlt.s32 v5, v23;
	v27 =	vnsel vm1, $0x0, v28  }
0x9f: {  	v27 =	vsel vm2, v29, v27  }
0xa0: {  	v63 =	vshll.u32 v27, $0x4  }
0xa1: {  	v27 =	vand.u32 $0x7, v27;
	v28 =	vand.u32 $0xFFFFFF80, v63  }
0xa2: {  	v27 =	vor.u32 v27, v28  }
0xa3: {  	v28 =	vperm.xlane v27, v20;
	_ =	sdelay $0x1  }
0xa4: {  	v28 =	vadd.s32 v21, v28;
	_ =	sdelay $0x3  }
0xa5: {  	s9 =	simm.s32 $0x8000  }
0xa6: {  	[tilespmem:s9], [sflag:$0x2] =	stream.indirect_vreg.gather [hbm4b:s1+s2], $0x80, v28, vm0, $0xb8;
	[tilespmem:$0x18B00] =	vst v63  }
0xa7: {  	s20 =	simm.s32 $0x8800  }
0xa8: {  	[tilespmem:s20], [sflag:$0x2] =	stream.indirect_vreg.gather [hbm4b:s11+s2], $0x80, v28, vm0, $0xb8;
	[tilespmem:$0x18B00] =	vst v63  }
0xa9: {  	s20 =	simm.s32 $0x9000  }
0xaa: {  	[tilespmem:s20], [sflag:$0x2] =	stream.indirect_vreg.gather [hbm4b:s12+s2], $0x80, v28, vm0, $0xb8;
	[tilespmem:$0x18B00] =	vst v63  }
0xab: {  	s20 =	simm.s32 $0x9800  }
0xac: {  	[tilespmem:s20], [sflag:$0x2] =	stream.indirect_vreg.gather [hbm4b:s13+s2], $0x80, v28, vm0, $0xb8;
	[tilespmem:$0x18B00] =	vst v63  }
0xad: {  	s20 =	simm.s32 $0xA000  }
0xae: {  	[tilespmem:s20], [sflag:$0x2] =	stream.indirect_vreg.gather [hbm4b:s14+s2], $0x80, v28, vm0, $0xb8;
	[tilespmem:$0x18B00] =	vst v63  }
0xaf: {  	v27 =	vperm.xlane v27, v22;
	s20 =	simm.s32 $0xA800  }
0xb0: {  	[tilespmem:s20], [sflag:$0x2] =	stream.indirect_vreg.gather [hbm4b:s15+s2], $0x80, v28, vm0, $0xb8;
	[tilespmem:$0x18B00] =	vst v63  }
0xb1: {  	v27 =	vadd.s32 v21, v27;
	s20 =	simm.s32 $0xB000  }
0xb2: {  	[tilespmem:s20], [sflag:$0x2] =	stream.indirect_vreg.gather [hbm4b:s16+s2], $0x80, v28, vm0, $0xb8;
	[tilespmem:$0x18B00] =	vst v63  }
0xb3: {  	s20 =	simm.s32 $0xB800  }
0xb4: {  	[tilespmem:s20], [sflag:$0x2] =	stream.indirect_vreg.gather [hbm4b:s17+s2], $0x80, v28, vm0, $0xb8;
	[tilespmem:$0x18B00] =	vst v63  }
0xb5: {  	s20 =	simm.s32 $0xC000  }
0xb6: {  	[tilespmem:s20], [sflag:$0x2] =	stream.indirect_vreg.gather [hbm4b:s1+s2], $0x80, v27, vm0, $0xb8;
	[tilespmem:$0x18B00] =	vst v63  }
0xb7: {  	s20 =	simm.s32 $0xC800  }
0xb8: {  	[tilespmem:s20], [sflag:$0x2] =	stream.indirect_vreg.gather [hbm4b:s11+s2], $0x80, v27, vm0, $0xb8;
	[tilespmem:$0x18B00] =	vst v63  }
0xb9: {  	s20 =	simm.s32 $0xD000  }
0xba: {  	[tilespmem:s20], [sflag:$0x2] =	stream.indirect_vreg.gather [hbm4b:s12+s2], $0x80, v27, vm0, $0xb8;
	[tilespmem:$0x18B00] =	vst v63  }
0xbb: {  	s20 =	simm.s32 $0xD800  }
0xbc: {  	[tilespmem:s20], [sflag:$0x2] =	stream.indirect_vreg.gather [hbm4b:s13+s2], $0x80, v27, vm0, $0xb8;
	[tilespmem:$0x18B00] =	vst v63  }
0xbd: {  	s20 =	simm.s32 $0xE000  }
0xbe: {  	[tilespmem:s20], [sflag:$0x2] =	stream.indirect_vreg.gather [hbm4b:s14+s2], $0x80, v27, vm0, $0xb8;
	[tilespmem:$0x18B00] =	vst v63  }
0xbf: {  	s20 =	simm.s32 $0xE800  }
0xc0: {  	[tilespmem:s20], [sflag:$0x2] =	stream.indirect_vreg.gather [hbm4b:s15+s2], $0x80, v27, vm0, $0xb8;
	[tilespmem:$0x18B00] =	vst v63  }
0xc1: {  	s20 =	simm.s32 $0xF000  }
0xc2: {  	[tilespmem:s20], [sflag:$0x2] =	stream.indirect_vreg.gather [hbm4b:s16+s2], $0x80, v27, vm0, $0xb8;
	[tilespmem:$0x18B00] =	vst v63  }
0xc3: {  	s20 =	simm.s32 $0xF800  }
0xc4: {  	[tilespmem:s20], [sflag:$0x2] =	stream.indirect_vreg.gather [hbm4b:s17+s2], $0x80, v27, vm0, $0xb8;
	[tilespmem:$0x18B00] =	vst v63  }
0xc5: {  	_ =	swait.ge [sflag:s8], $0x8000  }
0xc6: {  	[sflag:s8] =	ssyncset.done $0x0  }
0xc7: {  	[sflag:s8] =	ssyncadd.s32 $0xFFFF8000  }
.LBB2_8:
0xc8: {  	s20 =	rddreg [dreg:$0xb]  }
0xc9: {  	[hbm4b:s20+s2] =	stream.linear.scatter [tilespmem:s9], [sflag:$0x4], $0x8000, $0x38;
	[tilespmem:$0x18B00] =	vst v63  }
.LBB2_9:
0xca: {  	p4 =	sge.s32 s18, s5  }
.Ltmp6:
0xcb: {  	_ = 	snop;
	(pc) =	sbr.rel @p4 .LBB2_12-.Ltmp6, $4  }
0xcc: {  	s9 =	simm.s32 @p1 $0x3  }
0xcd: {  	_ =	swait.ge @p1 [sflag:s9], $0x8000  }
0xce: {  	p2 =	slt.s32 s18, s7;
	p3 =	sgt.s32 s22, s3;
	[sflag:s9] =	ssyncset.done @p1 $0x0  }
0xcf: {  	[sflag:s9] =	ssyncadd.s32 @p1 $0xFFFF8000;
	p1 =	por p2, p3;
	s9 =	simm.s32 $0x10000  }
.Ltmp7:
0xd0: {  	(pc) =	sbr.rel @!p1 .LBB2_13-.Ltmp7, $1  }
0xd1: {  	_ =	sdelay $0x3  }
0xd2: {  	v27 =	vsub.s32 v6, v23  }
0xd3: {  	v27 =	vadd.s32 $0xFFFFFDBE, v27  }
0xd4: {  	v28 =	vadd.s32 v26, v27  }
0xd5: {  	v29 =	vadd.s32 v6, v25;
	vm1 =	vgt.s32 v28, $0x0  }
0xd6: {  	vm2 =	vgt.s32 v29, $0x0;
	v28 =	vnsel vm1, $0x0, v28  }
0xd7: {  	v29 =	vnsel vm2, $0x0, v29;
	v28 =	vmin.u32 v28, $0x40F  }
0xd8: {  	v29 =	vmin.u32 v29, $0x5BF;
	_ =	sdelay $0x2  }
0xd9: {  	s0 =	simm.s32 $0x18600  }
0xda: {  	s9 =	simm.s32 $0x18000;
	v28 =	vld.idx.msk [tilespmem:v28+s0+$0x0], $0xffff  }
0xdb: {  	v29 =	vld.idx.msk [tilespmem:v29+s9+$0x0], $0xffff;
	_ =	sdelay $0x1  }
0xdc: {  	vm2 =	vlt.s32 v27, v24;
	vm1 =	vgt.s32 v27, $0xFFFFFFFF  }
0xdd: {  	vm1 =	vmand vm1, vm2  }
0xde: {  	vm2 =	vlt.s32 v6, v23;
	v27 =	vnsel vm1, $0x0, v28  }
0xdf: {  	v27 =	vsel vm2, v29, v27  }
0xe0: {  	v63 =	vshll.u32 v27, $0x4  }
0xe1: {  	v27 =	vand.u32 $0x7, v27;
	v28 =	vand.u32 $0xFFFFFF80, v63  }
0xe2: {  	v27 =	vor.u32 v27, v28  }
0xe3: {  	v28 =	vperm.xlane v27, v20;
	_ =	sdelay $0x1  }
0xe4: {  	v28 =	vadd.s32 v21, v28;
	_ =	sdelay $0x3  }
0xe5: {  	s9 =	simm.s32 $0x0  }
0xe6: {  	[tilespmem:s9], [sflag:$0x1] =	stream.indirect_vreg.gather [hbm4b:s1+s9], $0x80, v28, vm0, $0xb8;
	[tilespmem:$0x18B00] =	vst v63  }
0xe7: {  	s20 =	simm.s32 $0x800  }
0xe8: {  	[tilespmem:s20], [sflag:$0x1] =	stream.indirect_vreg.gather [hbm4b:s11+s9], $0x80, v28, vm0, $0xb8;
	[tilespmem:$0x18B00] =	vst v63  }
0xe9: {  	s20 =	simm.s32 $0x1000  }
0xea: {  	[tilespmem:s20], [sflag:$0x1] =	stream.indirect_vreg.gather [hbm4b:s12+s9], $0x80, v28, vm0, $0xb8;
	[tilespmem:$0x18B00] =	vst v63  }
0xeb: {  	s20 =	simm.s32 $0x1800  }
0xec: {  	[tilespmem:s20], [sflag:$0x1] =	stream.indirect_vreg.gather [hbm4b:s13+s9], $0x80, v28, vm0, $0xb8;
	[tilespmem:$0x18B00] =	vst v63  }
0xed: {  	s20 =	simm.s32 $0x2000  }
0xee: {  	[tilespmem:s20], [sflag:$0x1] =	stream.indirect_vreg.gather [hbm4b:s14+s9], $0x80, v28, vm0, $0xb8;
	[tilespmem:$0x18B00] =	vst v63  }
0xef: {  	v27 =	vperm.xlane v27, v22;
	s20 =	simm.s32 $0x2800  }
0xf0: {  	[tilespmem:s20], [sflag:$0x1] =	stream.indirect_vreg.gather [hbm4b:s15+s9], $0x80, v28, vm0, $0xb8;
	[tilespmem:$0x18B00] =	vst v63  }
0xf1: {  	v27 =	vadd.s32 v21, v27;
	s20 =	simm.s32 $0x3000  }
0xf2: {  	[tilespmem:s20], [sflag:$0x1] =	stream.indirect_vreg.gather [hbm4b:s16+s9], $0x80, v28, vm0, $0xb8;
	[tilespmem:$0x18B00] =	vst v63  }
0xf3: {  	s20 =	simm.s32 $0x3800  }
0xf4: {  	[tilespmem:s20], [sflag:$0x1] =	stream.indirect_vreg.gather [hbm4b:s17+s9], $0x80, v28, vm0, $0xb8;
	[tilespmem:$0x18B00] =	vst v63  }
0xf5: {  	s20 =	simm.s32 $0x4000  }
0xf6: {  	[tilespmem:s20], [sflag:$0x1] =	stream.indirect_vreg.gather [hbm4b:s1+s9], $0x80, v27, vm0, $0xb8;
	[tilespmem:$0x18B00] =	vst v63  }
0xf7: {  	s20 =	simm.s32 $0x4800  }
0xf8: {  	[tilespmem:s20], [sflag:$0x1] =	stream.indirect_vreg.gather [hbm4b:s11+s9], $0x80, v27, vm0, $0xb8;
	[tilespmem:$0x18B00] =	vst v63  }
0xf9: {  	s20 =	simm.s32 $0x5000  }
0xfa: {  	[tilespmem:s20], [sflag:$0x1] =	stream.indirect_vreg.gather [hbm4b:s12+s9], $0x80, v27, vm0, $0xb8;
	[tilespmem:$0x18B00] =	vst v63  }
0xfb: {  	s20 =	simm.s32 $0x5800  }
0xfc: {  	[tilespmem:s20], [sflag:$0x1] =	stream.indirect_vreg.gather [hbm4b:s13+s9], $0x80, v27, vm0, $0xb8;
	[tilespmem:$0x18B00] =	vst v63  }
0xfd: {  	s20 =	simm.s32 $0x6000  }
0xfe: {  	[tilespmem:s20], [sflag:$0x1] =	stream.indirect_vreg.gather [hbm4b:s14+s9], $0x80, v27, vm0, $0xb8;
	[tilespmem:$0x18B00] =	vst v63  }
0xff: {  	s20 =	simm.s32 $0x6800  }
0x100: {  	[tilespmem:s20], [sflag:$0x1] =	stream.indirect_vreg.gather [hbm4b:s15+s9], $0x80, v27, vm0, $0xb8;
	[tilespmem:$0x18B00] =	vst v63  }
0x101: {  	s20 =	simm.s32 $0x7000  }
0x102: {  	[tilespmem:s20], [sflag:$0x1] =	stream.indirect_vreg.gather [hbm4b:s16+s9], $0x80, v27, vm0, $0xb8;
	[tilespmem:$0x18B00] =	vst v63  }
0x103: {  	s20 =	simm.s32 $0x7800  }
0x104: {  	[tilespmem:s20], [sflag:$0x1] =	stream.indirect_vreg.gather [hbm4b:s17+s9], $0x80, v27, vm0, $0xb8;
	[tilespmem:$0x18B00] =	vst v63  }
0x105: {  	_ =	swait.ge [sflag:s10], $0x8000  }
0x106: {  	[sflag:s10] =	ssyncset.done $0x0  }
0x107: {  	[sflag:s10] =	ssyncadd.s32 $0xFFFF8000  }
.LBB2_12:
0x108: {  	s20 =	rddreg [dreg:$0xc]  }
0x109: {  	[hbm4b:s20+s2] =	stream.linear.scatter [tilespmem:s9], [sflag:$0x3], $0x8000, $0x38;
	[tilespmem:$0x18B00] =	vst v63  }
.LBB2_13:
0x10a: {  	p4 =	sge.s32 s22, s5  }
.Ltmp8:
0x10b: {  	_ = 	snop;
	(pc) =	sbr.rel @p4 .LBB2_16-.Ltmp8, $4  }
0x10c: {  	s9 =	simm.s32 @p0 $0x4  }
0x10d: {  	_ =	swait.ge @p0 [sflag:s9], $0x8000  }
0x10e: {  	p2 =	slt.s32 s22, s7;
	p3 =	sgt.s32 s25, s3;
	[sflag:s9] =	ssyncset.done @p0 $0x0  }
0x10f: {  	[sflag:s9] =	ssyncadd.s32 @p0 $0xFFFF8000;
	p0 =	por p2, p3;
	s9 =	simm.s32 $0x10000  }
.Ltmp9:
0x110: {  	(pc) =	sbr.rel @!p0 .LBB2_17-.Ltmp9, $1  }
0x111: {  	_ =	sdelay $0x3  }
0x112: {  	v27 =	vsub.s32 v7, v23  }
0x113: {  	v27 =	vadd.s32 $0xFFFFFDBE, v27  }
0x114: {  	v28 =	vadd.s32 v26, v27  }
0x115: {  	v29 =	vadd.s32 v7, v25;
	vm1 =	vgt.s32 v28, $0x0  }
0x116: {  	vm2 =	vgt.s32 v29, $0x0;
	v28 =	vnsel vm1, $0x0, v28  }
0x117: {  	v29 =	vnsel vm2, $0x0, v29;
	v28 =	vmin.u32 v28, $0x40F  }
0x118: {  	v29 =	vmin.u32 v29, $0x5BF;
	_ =	sdelay $0x2  }
0x119: {  	s0 =	simm.s32 $0x18600  }
0x11a: {  	s9 =	simm.s32 $0x18000;
	v28 =	vld.idx.msk [tilespmem:v28+s0+$0x0], $0xffff  }
0x11b: {  	v29 =	vld.idx.msk [tilespmem:v29+s9+$0x0], $0xffff;
	_ =	sdelay $0x1  }
0x11c: {  	vm2 =	vlt.s32 v27, v24;
	vm1 =	vgt.s32 v27, $0xFFFFFFFF  }
0x11d: {  	vm1 =	vmand vm1, vm2  }
0x11e: {  	vm2 =	vlt.s32 v7, v23;
	v27 =	vnsel vm1, $0x0, v28  }
0x11f: {  	v27 =	vsel vm2, v29, v27  }
0x120: {  	v63 =	vshll.u32 v27, $0x4  }
0x121: {  	v27 =	vand.u32 $0x7, v27;
	v28 =	vand.u32 $0xFFFFFF80, v63  }
0x122: {  	v27 =	vor.u32 v27, v28  }
0x123: {  	v28 =	vperm.xlane v27, v20;
	_ =	sdelay $0x1  }
0x124: {  	v28 =	vadd.s32 v21, v28;
	_ =	sdelay $0x3  }
0x125: {  	s9 =	simm.s32 $0x8000  }
0x126: {  	[tilespmem:s9], [sflag:$0x2] =	stream.indirect_vreg.gather [hbm4b:s1+s2], $0x80, v28, vm0, $0xb8;
	[tilespmem:$0x18B00] =	vst v63  }
0x127: {  	s20 =	simm.s32 $0x8800  }
0x128: {  	[tilespmem:s20], [sflag:$0x2] =	stream.indirect_vreg.gather [hbm4b:s11+s2], $0x80, v28, vm0, $0xb8;
	[tilespmem:$0x18B00] =	vst v63  }
0x129: {  	s20 =	simm.s32 $0x9000  }
0x12a: {  	[tilespmem:s20], [sflag:$0x2] =	stream.indirect_vreg.gather [hbm4b:s12+s2], $0x80, v28, vm0, $0xb8;
	[tilespmem:$0x18B00] =	vst v63  }
0x12b: {  	s20 =	simm.s32 $0x9800  }
0x12c: {  	[tilespmem:s20], [sflag:$0x2] =	stream.indirect_vreg.gather [hbm4b:s13+s2], $0x80, v28, vm0, $0xb8;
	[tilespmem:$0x18B00] =	vst v63  }
0x12d: {  	s20 =	simm.s32 $0xA000  }
0x12e: {  	[tilespmem:s20], [sflag:$0x2] =	stream.indirect_vreg.gather [hbm4b:s14+s2], $0x80, v28, vm0, $0xb8;
	[tilespmem:$0x18B00] =	vst v63  }
0x12f: {  	v27 =	vperm.xlane v27, v22;
	s20 =	simm.s32 $0xA800  }
0x130: {  	[tilespmem:s20], [sflag:$0x2] =	stream.indirect_vreg.gather [hbm4b:s15+s2], $0x80, v28, vm0, $0xb8;
	[tilespmem:$0x18B00] =	vst v63  }
0x131: {  	v27 =	vadd.s32 v21, v27;
	s20 =	simm.s32 $0xB000  }
0x132: {  	[tilespmem:s20], [sflag:$0x2] =	stream.indirect_vreg.gather [hbm4b:s16+s2], $0x80, v28, vm0, $0xb8;
	[tilespmem:$0x18B00] =	vst v63  }
0x133: {  	s20 =	simm.s32 $0xB800  }
0x134: {  	[tilespmem:s20], [sflag:$0x2] =	stream.indirect_vreg.gather [hbm4b:s17+s2], $0x80, v28, vm0, $0xb8;
	[tilespmem:$0x18B00] =	vst v63  }
0x135: {  	s20 =	simm.s32 $0xC000  }
0x136: {  	[tilespmem:s20], [sflag:$0x2] =	stream.indirect_vreg.gather [hbm4b:s1+s2], $0x80, v27, vm0, $0xb8;
	[tilespmem:$0x18B00] =	vst v63  }
0x137: {  	s20 =	simm.s32 $0xC800  }
0x138: {  	[tilespmem:s20], [sflag:$0x2] =	stream.indirect_vreg.gather [hbm4b:s11+s2], $0x80, v27, vm0, $0xb8;
	[tilespmem:$0x18B00] =	vst v63  }
0x139: {  	s20 =	simm.s32 $0xD000  }
0x13a: {  	[tilespmem:s20], [sflag:$0x2] =	stream.indirect_vreg.gather [hbm4b:s12+s2], $0x80, v27, vm0, $0xb8;
	[tilespmem:$0x18B00] =	vst v63  }
0x13b: {  	s20 =	simm.s32 $0xD800  }
0x13c: {  	[tilespmem:s20], [sflag:$0x2] =	stream.indirect_vreg.gather [hbm4b:s13+s2], $0x80, v27, vm0, $0xb8;
	[tilespmem:$0x18B00] =	vst v63  }
0x13d: {  	s20 =	simm.s32 $0xE000  }
0x13e: {  	[tilespmem:s20], [sflag:$0x2] =	stream.indirect_vreg.gather [hbm4b:s14+s2], $0x80, v27, vm0, $0xb8;
	[tilespmem:$0x18B00] =	vst v63  }
0x13f: {  	s20 =	simm.s32 $0xE800  }
0x140: {  	[tilespmem:s20], [sflag:$0x2] =	stream.indirect_vreg.gather [hbm4b:s15+s2], $0x80, v27, vm0, $0xb8;
	[tilespmem:$0x18B00] =	vst v63  }
0x141: {  	s20 =	simm.s32 $0xF000  }
0x142: {  	[tilespmem:s20], [sflag:$0x2] =	stream.indirect_vreg.gather [hbm4b:s16+s2], $0x80, v27, vm0, $0xb8;
	[tilespmem:$0x18B00] =	vst v63  }
0x143: {  	s20 =	simm.s32 $0xF800  }
0x144: {  	[tilespmem:s20], [sflag:$0x2] =	stream.indirect_vreg.gather [hbm4b:s17+s2], $0x80, v27, vm0, $0xb8;
	[tilespmem:$0x18B00] =	vst v63  }
0x145: {  	_ =	swait.ge [sflag:s8], $0x8000  }
0x146: {  	[sflag:s8] =	ssyncset.done $0x0  }
0x147: {  	[sflag:s8] =	ssyncadd.s32 $0xFFFF8000  }
.LBB2_16:
0x148: {  	s20 =	rddreg [dreg:$0xd]  }
0x149: {  	[hbm4b:s20+s2] =	stream.linear.scatter [tilespmem:s9], [sflag:$0x4], $0x8000, $0x38;
	[tilespmem:$0x18B00] =	vst v63  }
.LBB2_17:
0x14a: {  	p4 =	sge.s32 s25, s5  }
.Ltmp10:
0x14b: {  	_ = 	snop;
	(pc) =	sbr.rel @p4 .LBB2_20-.Ltmp10, $4  }
0x14c: {  	s9 =	simm.s32 @p1 $0x3  }
0x14d: {  	_ =	swait.ge @p1 [sflag:s9], $0x8000  }
0x14e: {  	p2 =	slt.s32 s25, s7;
	p3 =	sgt.s32 s28, s3;
	[sflag:s9] =	ssyncset.done @p1 $0x0  }
0x14f: {  	[sflag:s9] =	ssyncadd.s32 @p1 $0xFFFF8000;
	p1 =	por p2, p3;
	s9 =	simm.s32 $0x10000  }
.Ltmp11:
0x150: {  	(pc) =	sbr.rel @!p1 .LBB2_21-.Ltmp11, $1  }
0x151: {  	_ =	sdelay $0x3  }
0x152: {  	v27 =	vsub.s32 v8, v23  }
0x153: {  	v27 =	vadd.s32 $0xFFFFFDBE, v27  }
0x154: {  	v28 =	vadd.s32 v26, v27  }
0x155: {  	v29 =	vadd.s32 v8, v25;
	vm1 =	vgt.s32 v28, $0x0  }
0x156: {  	vm2 =	vgt.s32 v29, $0x0;
	v28 =	vnsel vm1, $0x0, v28  }
0x157: {  	v29 =	vnsel vm2, $0x0, v29;
	v28 =	vmin.u32 v28, $0x40F  }
0x158: {  	v29 =	vmin.u32 v29, $0x5BF;
	_ =	sdelay $0x2  }
0x159: {  	s0 =	simm.s32 $0x18600  }
0x15a: {  	s9 =	simm.s32 $0x18000;
	v28 =	vld.idx.msk [tilespmem:v28+s0+$0x0], $0xffff  }
0x15b: {  	v29 =	vld.idx.msk [tilespmem:v29+s9+$0x0], $0xffff;
	_ =	sdelay $0x1  }
0x15c: {  	vm2 =	vlt.s32 v27, v24;
	vm1 =	vgt.s32 v27, $0xFFFFFFFF  }
0x15d: {  	vm1 =	vmand vm1, vm2  }
0x15e: {  	vm2 =	vlt.s32 v8, v23;
	v27 =	vnsel vm1, $0x0, v28  }
0x15f: {  	v27 =	vsel vm2, v29, v27  }
0x160: {  	v63 =	vshll.u32 v27, $0x4  }
0x161: {  	v27 =	vand.u32 $0x7, v27;
	v28 =	vand.u32 $0xFFFFFF80, v63  }
0x162: {  	v27 =	vor.u32 v27, v28  }
0x163: {  	v28 =	vperm.xlane v27, v20;
	_ =	sdelay $0x1  }
0x164: {  	v28 =	vadd.s32 v21, v28;
	_ =	sdelay $0x3  }
0x165: {  	s9 =	simm.s32 $0x0  }
0x166: {  	[tilespmem:s9], [sflag:$0x1] =	stream.indirect_vreg.gather [hbm4b:s1+s9], $0x80, v28, vm0, $0xb8;
	[tilespmem:$0x18B00] =	vst v63  }
0x167: {  	s20 =	simm.s32 $0x800  }
0x168: {  	[tilespmem:s20], [sflag:$0x1] =	stream.indirect_vreg.gather [hbm4b:s11+s9], $0x80, v28, vm0, $0xb8;
	[tilespmem:$0x18B00] =	vst v63  }
0x169: {  	s20 =	simm.s32 $0x1000  }
0x16a: {  	[tilespmem:s20], [sflag:$0x1] =	stream.indirect_vreg.gather [hbm4b:s12+s9], $0x80, v28, vm0, $0xb8;
	[tilespmem:$0x18B00] =	vst v63  }
0x16b: {  	s20 =	simm.s32 $0x1800  }
0x16c: {  	[tilespmem:s20], [sflag:$0x1] =	stream.indirect_vreg.gather [hbm4b:s13+s9], $0x80, v28, vm0, $0xb8;
	[tilespmem:$0x18B00] =	vst v63  }
0x16d: {  	s20 =	simm.s32 $0x2000  }
0x16e: {  	[tilespmem:s20], [sflag:$0x1] =	stream.indirect_vreg.gather [hbm4b:s14+s9], $0x80, v28, vm0, $0xb8;
	[tilespmem:$0x18B00] =	vst v63  }
0x16f: {  	v27 =	vperm.xlane v27, v22;
	s20 =	simm.s32 $0x2800  }
0x170: {  	[tilespmem:s20], [sflag:$0x1] =	stream.indirect_vreg.gather [hbm4b:s15+s9], $0x80, v28, vm0, $0xb8;
	[tilespmem:$0x18B00] =	vst v63  }
0x171: {  	v27 =	vadd.s32 v21, v27;
	s20 =	simm.s32 $0x3000  }
0x172: {  	[tilespmem:s20], [sflag:$0x1] =	stream.indirect_vreg.gather [hbm4b:s16+s9], $0x80, v28, vm0, $0xb8;
	[tilespmem:$0x18B00] =	vst v63  }
0x173: {  	s20 =	simm.s32 $0x3800  }
0x174: {  	[tilespmem:s20], [sflag:$0x1] =	stream.indirect_vreg.gather [hbm4b:s17+s9], $0x80, v28, vm0, $0xb8;
	[tilespmem:$0x18B00] =	vst v63  }
0x175: {  	s20 =	simm.s32 $0x4000  }
0x176: {  	[tilespmem:s20], [sflag:$0x1] =	stream.indirect_vreg.gather [hbm4b:s1+s9], $0x80, v27, vm0, $0xb8;
	[tilespmem:$0x18B00] =	vst v63  }
0x177: {  	s20 =	simm.s32 $0x4800  }
0x178: {  	[tilespmem:s20], [sflag:$0x1] =	stream.indirect_vreg.gather [hbm4b:s11+s9], $0x80, v27, vm0, $0xb8;
	[tilespmem:$0x18B00] =	vst v63  }
0x179: {  	s20 =	simm.s32 $0x5000  }
0x17a: {  	[tilespmem:s20], [sflag:$0x1] =	stream.indirect_vreg.gather [hbm4b:s12+s9], $0x80, v27, vm0, $0xb8;
	[tilespmem:$0x18B00] =	vst v63  }
0x17b: {  	s20 =	simm.s32 $0x5800  }
0x17c: {  	[tilespmem:s20], [sflag:$0x1] =	stream.indirect_vreg.gather [hbm4b:s13+s9], $0x80, v27, vm0, $0xb8;
	[tilespmem:$0x18B00] =	vst v63  }
0x17d: {  	s20 =	simm.s32 $0x6000  }
0x17e: {  	[tilespmem:s20], [sflag:$0x1] =	stream.indirect_vreg.gather [hbm4b:s14+s9], $0x80, v27, vm0, $0xb8;
	[tilespmem:$0x18B00] =	vst v63  }
0x17f: {  	s20 =	simm.s32 $0x6800  }
0x180: {  	[tilespmem:s20], [sflag:$0x1] =	stream.indirect_vreg.gather [hbm4b:s15+s9], $0x80, v27, vm0, $0xb8;
	[tilespmem:$0x18B00] =	vst v63  }
0x181: {  	s20 =	simm.s32 $0x7000  }
0x182: {  	[tilespmem:s20], [sflag:$0x1] =	stream.indirect_vreg.gather [hbm4b:s16+s9], $0x80, v27, vm0, $0xb8;
	[tilespmem:$0x18B00] =	vst v63  }
0x183: {  	s20 =	simm.s32 $0x7800  }
0x184: {  	[tilespmem:s20], [sflag:$0x1] =	stream.indirect_vreg.gather [hbm4b:s17+s9], $0x80, v27, vm0, $0xb8;
	[tilespmem:$0x18B00] =	vst v63  }
0x185: {  	_ =	swait.ge [sflag:s10], $0x8000  }
0x186: {  	[sflag:s10] =	ssyncset.done $0x0  }
0x187: {  	[sflag:s10] =	ssyncadd.s32 $0xFFFF8000  }
.LBB2_20:
0x188: {  	s20 =	rddreg [dreg:$0xe]  }
0x189: {  	[hbm4b:s20+s2] =	stream.linear.scatter [tilespmem:s9], [sflag:$0x3], $0x8000, $0x38;
	[tilespmem:$0x18B00] =	vst v63  }
.LBB2_21:
0x18a: {  	p4 =	sge.s32 s28, s5  }
.Ltmp12:
0x18b: {  	_ = 	snop;
	(pc) =	sbr.rel @p4 .LBB2_24-.Ltmp12, $4  }
0x18c: {  	s9 =	simm.s32 @p0 $0x4  }
0x18d: {  	_ =	swait.ge @p0 [sflag:s9], $0x8000  }
0x18e: {  	p2 =	slt.s32 s28, s7;
	p3 =	sgt.s32 s30, s3;
	[sflag:s9] =	ssyncset.done @p0 $0x0  }
0x18f: {  	[sflag:s9] =	ssyncadd.s32 @p0 $0xFFFF8000;
	p0 =	por p2, p3;
	s9 =	simm.s32 $0x10000  }
.Ltmp13:
0x190: {  	(pc) =	sbr.rel @!p0 .LBB2_25-.Ltmp13, $1  }
0x191: {  	_ =	sdelay $0x3  }
0x192: {  	v27 =	vsub.s32 v9, v23  }
0x193: {  	v27 =	vadd.s32 $0xFFFFFDBE, v27  }
0x194: {  	v28 =	vadd.s32 v26, v27  }
0x195: {  	v29 =	vadd.s32 v9, v25;
	vm1 =	vgt.s32 v28, $0x0  }
0x196: {  	vm2 =	vgt.s32 v29, $0x0;
	v28 =	vnsel vm1, $0x0, v28  }
0x197: {  	v29 =	vnsel vm2, $0x0, v29;
	v28 =	vmin.u32 v28, $0x40F  }
0x198: {  	v29 =	vmin.u32 v29, $0x5BF;
	_ =	sdelay $0x2  }
0x199: {  	s0 =	simm.s32 $0x18600  }
0x19a: {  	s9 =	simm.s32 $0x18000;
	v28 =	vld.idx.msk [tilespmem:v28+s0+$0x0], $0xffff  }
0x19b: {  	v29 =	vld.idx.msk [tilespmem:v29+s9+$0x0], $0xffff;
	_ =	sdelay $0x1  }
0x19c: {  	vm2 =	vlt.s32 v27, v24;
	vm1 =	vgt.s32 v27, $0xFFFFFFFF  }
0x19d: {  	vm1 =	vmand vm1, vm2  }
0x19e: {  	vm2 =	vlt.s32 v9, v23;
	v27 =	vnsel vm1, $0x0, v28  }
0x19f: {  	v27 =	vsel vm2, v29, v27  }
0x1a0: {  	v63 =	vshll.u32 v27, $0x4  }
0x1a1: {  	v27 =	vand.u32 $0x7, v27;
	v28 =	vand.u32 $0xFFFFFF80, v63  }
0x1a2: {  	v27 =	vor.u32 v27, v28  }
0x1a3: {  	v28 =	vperm.xlane v27, v20;
	_ =	sdelay $0x1  }
0x1a4: {  	v28 =	vadd.s32 v21, v28;
	_ =	sdelay $0x3  }
0x1a5: {  	s9 =	simm.s32 $0x8000  }
0x1a6: {  	[tilespmem:s9], [sflag:$0x2] =	stream.indirect_vreg.gather [hbm4b:s1+s2], $0x80, v28, vm0, $0xb8;
	[tilespmem:$0x18B00] =	vst v63  }
0x1a7: {  	s20 =	simm.s32 $0x8800  }
0x1a8: {  	[tilespmem:s20], [sflag:$0x2] =	stream.indirect_vreg.gather [hbm4b:s11+s2], $0x80, v28, vm0, $0xb8;
	[tilespmem:$0x18B00] =	vst v63  }
0x1a9: {  	s20 =	simm.s32 $0x9000  }
0x1aa: {  	[tilespmem:s20], [sflag:$0x2] =	stream.indirect_vreg.gather [hbm4b:s12+s2], $0x80, v28, vm0, $0xb8;
	[tilespmem:$0x18B00] =	vst v63  }
0x1ab: {  	s20 =	simm.s32 $0x9800  }
0x1ac: {  	[tilespmem:s20], [sflag:$0x2] =	stream.indirect_vreg.gather [hbm4b:s13+s2], $0x80, v28, vm0, $0xb8;
	[tilespmem:$0x18B00] =	vst v63  }
0x1ad: {  	s20 =	simm.s32 $0xA000  }
0x1ae: {  	[tilespmem:s20], [sflag:$0x2] =	stream.indirect_vreg.gather [hbm4b:s14+s2], $0x80, v28, vm0, $0xb8;
	[tilespmem:$0x18B00] =	vst v63  }
0x1af: {  	v27 =	vperm.xlane v27, v22;
	s20 =	simm.s32 $0xA800  }
0x1b0: {  	[tilespmem:s20], [sflag:$0x2] =	stream.indirect_vreg.gather [hbm4b:s15+s2], $0x80, v28, vm0, $0xb8;
	[tilespmem:$0x18B00] =	vst v63  }
0x1b1: {  	v27 =	vadd.s32 v21, v27;
	s20 =	simm.s32 $0xB000  }
0x1b2: {  	[tilespmem:s20], [sflag:$0x2] =	stream.indirect_vreg.gather [hbm4b:s16+s2], $0x80, v28, vm0, $0xb8;
	[tilespmem:$0x18B00] =	vst v63  }
0x1b3: {  	s20 =	simm.s32 $0xB800  }
0x1b4: {  	[tilespmem:s20], [sflag:$0x2] =	stream.indirect_vreg.gather [hbm4b:s17+s2], $0x80, v28, vm0, $0xb8;
	[tilespmem:$0x18B00] =	vst v63  }
0x1b5: {  	s20 =	simm.s32 $0xC000  }
0x1b6: {  	[tilespmem:s20], [sflag:$0x2] =	stream.indirect_vreg.gather [hbm4b:s1+s2], $0x80, v27, vm0, $0xb8;
	[tilespmem:$0x18B00] =	vst v63  }
0x1b7: {  	s20 =	simm.s32 $0xC800  }
0x1b8: {  	[tilespmem:s20], [sflag:$0x2] =	stream.indirect_vreg.gather [hbm4b:s11+s2], $0x80, v27, vm0, $0xb8;
	[tilespmem:$0x18B00] =	vst v63  }
0x1b9: {  	s20 =	simm.s32 $0xD000  }
0x1ba: {  	[tilespmem:s20], [sflag:$0x2] =	stream.indirect_vreg.gather [hbm4b:s12+s2], $0x80, v27, vm0, $0xb8;
	[tilespmem:$0x18B00] =	vst v63  }
0x1bb: {  	s20 =	simm.s32 $0xD800  }
0x1bc: {  	[tilespmem:s20], [sflag:$0x2] =	stream.indirect_vreg.gather [hbm4b:s13+s2], $0x80, v27, vm0, $0xb8;
	[tilespmem:$0x18B00] =	vst v63  }
0x1bd: {  	s20 =	simm.s32 $0xE000  }
0x1be: {  	[tilespmem:s20], [sflag:$0x2] =	stream.indirect_vreg.gather [hbm4b:s14+s2], $0x80, v27, vm0, $0xb8;
	[tilespmem:$0x18B00] =	vst v63  }
0x1bf: {  	s20 =	simm.s32 $0xE800  }
0x1c0: {  	[tilespmem:s20], [sflag:$0x2] =	stream.indirect_vreg.gather [hbm4b:s15+s2], $0x80, v27, vm0, $0xb8;
	[tilespmem:$0x18B00] =	vst v63  }
0x1c1: {  	s20 =	simm.s32 $0xF000  }
0x1c2: {  	[tilespmem:s20], [sflag:$0x2] =	stream.indirect_vreg.gather [hbm4b:s16+s2], $0x80, v27, vm0, $0xb8;
	[tilespmem:$0x18B00] =	vst v63  }
0x1c3: {  	s20 =	simm.s32 $0xF800  }
0x1c4: {  	[tilespmem:s20], [sflag:$0x2] =	stream.indirect_vreg.gather [hbm4b:s17+s2], $0x80, v27, vm0, $0xb8;
	[tilespmem:$0x18B00] =	vst v63  }
0x1c5: {  	_ =	swait.ge [sflag:s8], $0x8000  }
0x1c6: {  	[sflag:s8] =	ssyncset.done $0x0  }
0x1c7: {  	[sflag:s8] =	ssyncadd.s32 $0xFFFF8000  }
.LBB2_24:
0x1c8: {  	s0 =	rddreg [dreg:$0xf]  }
0x1c9: {  	[hbm4b:s0+s2] =	stream.linear.scatter [tilespmem:s9], [sflag:$0x4], $0x8000, $0x38;
	[tilespmem:$0x18B00] =	vst v63  }
.LBB2_25:
0x1ca: {  	p4 =	sge.s32 s30, s5  }
.Ltmp14:
0x1cb: {  	s9 =	simm.s32 @p1 $0x3;
	(pc) =	sbr.rel @p4 .LBB2_28-.Ltmp14, $4  }
0x1cc: {  	_ =	swait.ge @p1 [sflag:s9], $0x8000  }
0x1cd: {  	s0 =	rddreg [dreg:$0x10]  }
0x1ce: {  	p2 =	slt.s32 s30, s7;
	[sflag:s9] =	ssyncset.done @p1 $0x0;
	p3 =	sgt.s32 s0, s3  }
0x1cf: {  	[sflag:s9] =	ssyncadd.s32 @p1 $0xFFFF8000;
	s9 =	simm.s32 $0x10000;
	p1 =	por p2, p3  }
.Ltmp15:
0x1d0: {  	(pc) =	sbr.rel @!p1 .LBB2_29-.Ltmp15, $1  }
0x1d1: {  	_ =	sdelay $0x3  }
0x1d2: {  	v27 =	vsub.s32 v10, v23  }
0x1d3: {  	v27 =	vadd.s32 $0xFFFFFDBE, v27  }
0x1d4: {  	v28 =	vadd.s32 v26, v27  }
0x1d5: {  	v29 =	vadd.s32 v10, v25;
	vm1 =	vgt.s32 v28, $0x0  }
0x1d6: {  	vm2 =	vgt.s32 v29, $0x0;
	v28 =	vnsel vm1, $0x0, v28  }
0x1d7: {  	v29 =	vnsel vm2, $0x0, v29;
	v28 =	vmin.u32 v28, $0x40F  }
0x1d8: {  	v29 =	vmin.u32 v29, $0x5BF;
	_ =	sdelay $0x2  }
0x1d9: {  	s0 =	simm.s32 $0x18600  }
0x1da: {  	s9 =	simm.s32 $0x18000;
	v28 =	vld.idx.msk [tilespmem:v28+s0+$0x0], $0xffff  }
0x1db: {  	v29 =	vld.idx.msk [tilespmem:v29+s9+$0x0], $0xffff;
	_ =	sdelay $0x1  }
0x1dc: {  	vm2 =	vlt.s32 v27, v24;
	vm1 =	vgt.s32 v27, $0xFFFFFFFF  }
0x1dd: {  	vm1 =	vmand vm1, vm2  }
0x1de: {  	vm2 =	vlt.s32 v10, v23;
	v27 =	vnsel vm1, $0x0, v28  }
0x1df: {  	v27 =	vsel vm2, v29, v27  }
0x1e0: {  	v63 =	vshll.u32 v27, $0x4  }
0x1e1: {  	v27 =	vand.u32 $0x7, v27;
	v28 =	vand.u32 $0xFFFFFF80, v63  }
0x1e2: {  	v27 =	vor.u32 v27, v28  }
0x1e3: {  	v28 =	vperm.xlane v27, v20;
	_ =	sdelay $0x1  }
0x1e4: {  	v28 =	vadd.s32 v21, v28;
	_ =	sdelay $0x3  }
0x1e5: {  	s9 =	simm.s32 $0x0  }
0x1e6: {  	[tilespmem:s9], [sflag:$0x1] =	stream.indirect_vreg.gather [hbm4b:s1+s9], $0x80, v28, vm0, $0xb8;
	[tilespmem:$0x18B00] =	vst v63  }
0x1e7: {  	s20 =	simm.s32 $0x800  }
0x1e8: {  	[tilespmem:s20], [sflag:$0x1] =	stream.indirect_vreg.gather [hbm4b:s11+s9], $0x80, v28, vm0, $0xb8;
	[tilespmem:$0x18B00] =	vst v63  }
0x1e9: {  	s20 =	simm.s32 $0x1000  }
0x1ea: {  	[tilespmem:s20], [sflag:$0x1] =	stream.indirect_vreg.gather [hbm4b:s12+s9], $0x80, v28, vm0, $0xb8;
	[tilespmem:$0x18B00] =	vst v63  }
0x1eb: {  	s20 =	simm.s32 $0x1800  }
0x1ec: {  	[tilespmem:s20], [sflag:$0x1] =	stream.indirect_vreg.gather [hbm4b:s13+s9], $0x80, v28, vm0, $0xb8;
	[tilespmem:$0x18B00] =	vst v63  }
0x1ed: {  	s20 =	simm.s32 $0x2000  }
0x1ee: {  	[tilespmem:s20], [sflag:$0x1] =	stream.indirect_vreg.gather [hbm4b:s14+s9], $0x80, v28, vm0, $0xb8;
	[tilespmem:$0x18B00] =	vst v63  }
0x1ef: {  	v27 =	vperm.xlane v27, v22;
	s20 =	simm.s32 $0x2800  }
0x1f0: {  	[tilespmem:s20], [sflag:$0x1] =	stream.indirect_vreg.gather [hbm4b:s15+s9], $0x80, v28, vm0, $0xb8;
	[tilespmem:$0x18B00] =	vst v63  }
0x1f1: {  	v27 =	vadd.s32 v21, v27;
	s20 =	simm.s32 $0x3000  }
0x1f2: {  	[tilespmem:s20], [sflag:$0x1] =	stream.indirect_vreg.gather [hbm4b:s16+s9], $0x80, v28, vm0, $0xb8;
	[tilespmem:$0x18B00] =	vst v63  }
0x1f3: {  	s20 =	simm.s32 $0x3800  }
0x1f4: {  	[tilespmem:s20], [sflag:$0x1] =	stream.indirect_vreg.gather [hbm4b:s17+s9], $0x80, v28, vm0, $0xb8;
	[tilespmem:$0x18B00] =	vst v63  }
0x1f5: {  	s20 =	simm.s32 $0x4000  }
0x1f6: {  	[tilespmem:s20], [sflag:$0x1] =	stream.indirect_vreg.gather [hbm4b:s1+s9], $0x80, v27, vm0, $0xb8;
	[tilespmem:$0x18B00] =	vst v63  }
0x1f7: {  	s20 =	simm.s32 $0x4800  }
0x1f8: {  	[tilespmem:s20], [sflag:$0x1] =	stream.indirect_vreg.gather [hbm4b:s11+s9], $0x80, v27, vm0, $0xb8;
	[tilespmem:$0x18B00] =	vst v63  }
0x1f9: {  	s20 =	simm.s32 $0x5000  }
0x1fa: {  	[tilespmem:s20], [sflag:$0x1] =	stream.indirect_vreg.gather [hbm4b:s12+s9], $0x80, v27, vm0, $0xb8;
	[tilespmem:$0x18B00] =	vst v63  }
0x1fb: {  	s20 =	simm.s32 $0x5800  }
0x1fc: {  	[tilespmem:s20], [sflag:$0x1] =	stream.indirect_vreg.gather [hbm4b:s13+s9], $0x80, v27, vm0, $0xb8;
	[tilespmem:$0x18B00] =	vst v63  }
0x1fd: {  	s20 =	simm.s32 $0x6000  }
0x1fe: {  	[tilespmem:s20], [sflag:$0x1] =	stream.indirect_vreg.gather [hbm4b:s14+s9], $0x80, v27, vm0, $0xb8;
	[tilespmem:$0x18B00] =	vst v63  }
0x1ff: {  	s20 =	simm.s32 $0x6800  }
0x200: {  	[tilespmem:s20], [sflag:$0x1] =	stream.indirect_vreg.gather [hbm4b:s15+s9], $0x80, v27, vm0, $0xb8;
	[tilespmem:$0x18B00] =	vst v63  }
0x201: {  	s20 =	simm.s32 $0x7000  }
0x202: {  	[tilespmem:s20], [sflag:$0x1] =	stream.indirect_vreg.gather [hbm4b:s16+s9], $0x80, v27, vm0, $0xb8;
	[tilespmem:$0x18B00] =	vst v63  }
0x203: {  	s20 =	simm.s32 $0x7800  }
0x204: {  	[tilespmem:s20], [sflag:$0x1] =	stream.indirect_vreg.gather [hbm4b:s17+s9], $0x80, v27, vm0, $0xb8;
	[tilespmem:$0x18B00] =	vst v63  }
0x205: {  	_ =	swait.ge [sflag:s10], $0x8000  }
0x206: {  	[sflag:s10] =	ssyncset.done $0x0  }
0x207: {  	[sflag:s10] =	ssyncadd.s32 $0xFFFF8000  }
.LBB2_28:
0x208: {  	s0 =	rddreg [dreg:$0x11]  }
0x209: {  	[hbm4b:s0+s2] =	stream.linear.scatter [tilespmem:s9], [sflag:$0x3], $0x8000, $0x38;
	[tilespmem:$0x18B00] =	vst v63  }
.LBB2_29:
0x20a: {  	s9 =	simm.s32 @p0 $0x4  }
0x20b: {  	_ =	swait.ge @p0 [sflag:s9], $0x8000  }
0x20c: {  	s0 =	rddreg [dreg:$0x10]  }
0x20d: {  	p4 =	sge.s32 s0, s5  }
.Ltmp16:
0x20e: {  	_ = 	snop;
	(pc) =	sbr.rel @p4 .LBB2_32-.Ltmp16, $4  }
0x20f: {  	_ = 	snop  }
0x210: {  	s20 =	rddreg [dreg:$0x12]  }
0x211: {  	[sflag:s9] =	ssyncset.done @p0 $0x0;
	p2 =	slt.s32 s0, s7;
	p3 =	sgt.s32 s20, s3  }
0x212: {  	[sflag:s9] =	ssyncadd.s32 @p0 $0xFFFF8000;
	s9 =	simm.s32 $0x10000;
	p0 =	por p2, p3  }
.Ltmp17:
0x213: {  	(pc) =	sbr.rel @!p0 .LBB2_33-.Ltmp17, $1  }
0x214: {  	_ =	sdelay $0x3  }
0x215: {  	v27 =	vsub.s32 v11, v23  }
0x216: {  	v27 =	vadd.s32 $0xFFFFFDBE, v27  }
0x217: {  	v28 =	vadd.s32 v26, v27  }
0x218: {  	v29 =	vadd.s32 v11, v25;
	vm1 =	vgt.s32 v28, $0x0  }
0x219: {  	vm2 =	vgt.s32 v29, $0x0;
	v28 =	vnsel vm1, $0x0, v28  }
0x21a: {  	v29 =	vnsel vm2, $0x0, v29;
	v28 =	vmin.u32 v28, $0x40F  }
0x21b: {  	v29 =	vmin.u32 v29, $0x5BF;
	_ =	sdelay $0x2  }
0x21c: {  	s0 =	simm.s32 $0x18600  }
0x21d: {  	s9 =	simm.s32 $0x18000;
	v28 =	vld.idx.msk [tilespmem:v28+s0+$0x0], $0xffff  }
0x21e: {  	v29 =	vld.idx.msk [tilespmem:v29+s9+$0x0], $0xffff;
	_ =	sdelay $0x1  }
0x21f: {  	vm2 =	vlt.s32 v27, v24;
	vm1 =	vgt.s32 v27, $0xFFFFFFFF  }
0x220: {  	vm1 =	vmand vm1, vm2  }
0x221: {  	vm2 =	vlt.s32 v11, v23;
	v27 =	vnsel vm1, $0x0, v28  }
0x222: {  	v27 =	vsel vm2, v29, v27  }
0x223: {  	v63 =	vshll.u32 v27, $0x4  }
0x224: {  	v27 =	vand.u32 $0x7, v27;
	v28 =	vand.u32 $0xFFFFFF80, v63  }
0x225: {  	v27 =	vor.u32 v27, v28  }
0x226: {  	v28 =	vperm.xlane v27, v20;
	_ =	sdelay $0x1  }
0x227: {  	v28 =	vadd.s32 v21, v28;
	_ =	sdelay $0x3  }
0x228: {  	s9 =	simm.s32 $0x8000  }
0x229: {  	[tilespmem:s9], [sflag:$0x2] =	stream.indirect_vreg.gather [hbm4b:s1+s2], $0x80, v28, vm0, $0xb8;
	[tilespmem:$0x18B00] =	vst v63  }
0x22a: {  	s20 =	simm.s32 $0x8800  }
0x22b: {  	[tilespmem:s20], [sflag:$0x2] =	stream.indirect_vreg.gather [hbm4b:s11+s2], $0x80, v28, vm0, $0xb8;
	[tilespmem:$0x18B00] =	vst v63  }
0x22c: {  	s20 =	simm.s32 $0x9000  }
0x22d: {  	[tilespmem:s20], [sflag:$0x2] =	stream.indirect_vreg.gather [hbm4b:s12+s2], $0x80, v28, vm0, $0xb8;
	[tilespmem:$0x18B00] =	vst v63  }
0x22e: {  	s20 =	simm.s32 $0x9800  }
0x22f: {  	[tilespmem:s20], [sflag:$0x2] =	stream.indirect_vreg.gather [hbm4b:s13+s2], $0x80, v28, vm0, $0xb8;
	[tilespmem:$0x18B00] =	vst v63  }
0x230: {  	s20 =	simm.s32 $0xA000  }
0x231: {  	[tilespmem:s20], [sflag:$0x2] =	stream.indirect_vreg.gather [hbm4b:s14+s2], $0x80, v28, vm0, $0xb8;
	[tilespmem:$0x18B00] =	vst v63  }
0x232: {  	v27 =	vperm.xlane v27, v22;
	s20 =	simm.s32 $0xA800  }
0x233: {  	[tilespmem:s20], [sflag:$0x2] =	stream.indirect_vreg.gather [hbm4b:s15+s2], $0x80, v28, vm0, $0xb8;
	[tilespmem:$0x18B00] =	vst v63  }
0x234: {  	v27 =	vadd.s32 v21, v27;
	s20 =	simm.s32 $0xB000  }
0x235: {  	[tilespmem:s20], [sflag:$0x2] =	stream.indirect_vreg.gather [hbm4b:s16+s2], $0x80, v28, vm0, $0xb8;
	[tilespmem:$0x18B00] =	vst v63  }
0x236: {  	s20 =	simm.s32 $0xB800  }
0x237: {  	[tilespmem:s20], [sflag:$0x2] =	stream.indirect_vreg.gather [hbm4b:s17+s2], $0x80, v28, vm0, $0xb8;
	[tilespmem:$0x18B00] =	vst v63  }
0x238: {  	s20 =	simm.s32 $0xC000  }
0x239: {  	[tilespmem:s20], [sflag:$0x2] =	stream.indirect_vreg.gather [hbm4b:s1+s2], $0x80, v27, vm0, $0xb8;
	[tilespmem:$0x18B00] =	vst v63  }
0x23a: {  	s20 =	simm.s32 $0xC800  }
0x23b: {  	[tilespmem:s20], [sflag:$0x2] =	stream.indirect_vreg.gather [hbm4b:s11+s2], $0x80, v27, vm0, $0xb8;
	[tilespmem:$0x18B00] =	vst v63  }
0x23c: {  	s20 =	simm.s32 $0xD000  }
0x23d: {  	[tilespmem:s20], [sflag:$0x2] =	stream.indirect_vreg.gather [hbm4b:s12+s2], $0x80, v27, vm0, $0xb8;
	[tilespmem:$0x18B00] =	vst v63  }
0x23e: {  	s20 =	simm.s32 $0xD800  }
0x23f: {  	[tilespmem:s20], [sflag:$0x2] =	stream.indirect_vreg.gather [hbm4b:s13+s2], $0x80, v27, vm0, $0xb8;
	[tilespmem:$0x18B00] =	vst v63  }
0x240: {  	s20 =	simm.s32 $0xE000  }
0x241: {  	[tilespmem:s20], [sflag:$0x2] =	stream.indirect_vreg.gather [hbm4b:s14+s2], $0x80, v27, vm0, $0xb8;
	[tilespmem:$0x18B00] =	vst v63  }
0x242: {  	s20 =	simm.s32 $0xE800  }
0x243: {  	[tilespmem:s20], [sflag:$0x2] =	stream.indirect_vreg.gather [hbm4b:s15+s2], $0x80, v27, vm0, $0xb8;
	[tilespmem:$0x18B00] =	vst v63  }
0x244: {  	s20 =	simm.s32 $0xF000  }
0x245: {  	[tilespmem:s20], [sflag:$0x2] =	stream.indirect_vreg.gather [hbm4b:s16+s2], $0x80, v27, vm0, $0xb8;
	[tilespmem:$0x18B00] =	vst v63  }
0x246: {  	s20 =	simm.s32 $0xF800  }
0x247: {  	[tilespmem:s20], [sflag:$0x2] =	stream.indirect_vreg.gather [hbm4b:s17+s2], $0x80, v27, vm0, $0xb8;
	[tilespmem:$0x18B00] =	vst v63  }
0x248: {  	_ =	swait.ge [sflag:s8], $0x8000  }
0x249: {  	[sflag:s8] =	ssyncset.done $0x0  }
0x24a: {  	[sflag:s8] =	ssyncadd.s32 $0xFFFF8000  }
.LBB2_32:
0x24b: {  	s0 =	rddreg [dreg:$0x13]  }
0x24c: {  	[hbm4b:s0+s2] =	stream.linear.scatter [tilespmem:s9], [sflag:$0x4], $0x8000, $0x38;
	[tilespmem:$0x18B00] =	vst v63  }
.LBB2_33:
0x24d: {  	s9 =	simm.s32 @p1 $0x3  }
0x24e: {  	_ =	swait.ge @p1 [sflag:s9], $0x8000  }
0x24f: {  	s0 =	rddreg [dreg:$0x12]  }
0x250: {  	p4 =	sge.s32 s0, s5  }
.Ltmp18:
0x251: {  	_ = 	snop;
	(pc) =	sbr.rel @p4 .LBB2_36-.Ltmp18, $3  }
0x252: {  	_ =	sdelay $0x1  }
0x253: {  	p3 =	sgt.s32 s19, s3;
	[sflag:s9] =	ssyncset.done @p1 $0x0;
	p2 =	slt.s32 s0, s7  }
0x254: {  	[sflag:s9] =	ssyncadd.s32 @p1 $0xFFFF8000;
	s9 =	simm.s32 $0x10000;
	p1 =	por p2, p3  }
.Ltmp19:
0x255: {  	(pc) =	sbr.rel @!p1 .LBB2_37-.Ltmp19, $1  }
0x256: {  	_ =	sdelay $0x3  }
0x257: {  	v27 =	vsub.s32 v12, v23  }
0x258: {  	v27 =	vadd.s32 $0xFFFFFDBE, v27  }
0x259: {  	v28 =	vadd.s32 v26, v27  }
0x25a: {  	v29 =	vadd.s32 v12, v25;
	vm1 =	vgt.s32 v28, $0x0  }
0x25b: {  	vm2 =	vgt.s32 v29, $0x0;
	v28 =	vnsel vm1, $0x0, v28  }
0x25c: {  	v29 =	vnsel vm2, $0x0, v29;
	v28 =	vmin.u32 v28, $0x40F  }
0x25d: {  	v29 =	vmin.u32 v29, $0x5BF;
	_ =	sdelay $0x2  }
0x25e: {  	s0 =	simm.s32 $0x18600  }
0x25f: {  	s9 =	simm.s32 $0x18000;
	v28 =	vld.idx.msk [tilespmem:v28+s0+$0x0], $0xffff  }
0x260: {  	v29 =	vld.idx.msk [tilespmem:v29+s9+$0x0], $0xffff;
	_ =	sdelay $0x1  }
0x261: {  	vm2 =	vlt.s32 v27, v24;
	vm1 =	vgt.s32 v27, $0xFFFFFFFF  }
0x262: {  	vm1 =	vmand vm1, vm2  }
0x263: {  	vm2 =	vlt.s32 v12, v23;
	v27 =	vnsel vm1, $0x0, v28  }
0x264: {  	v27 =	vsel vm2, v29, v27  }
0x265: {  	v63 =	vshll.u32 v27, $0x4  }
0x266: {  	v27 =	vand.u32 $0x7, v27;
	v28 =	vand.u32 $0xFFFFFF80, v63  }
0x267: {  	v27 =	vor.u32 v27, v28  }
0x268: {  	v28 =	vperm.xlane v27, v20;
	_ =	sdelay $0x1  }
0x269: {  	v28 =	vadd.s32 v21, v28;
	_ =	sdelay $0x3  }
0x26a: {  	s9 =	simm.s32 $0x0  }
0x26b: {  	[tilespmem:s9], [sflag:$0x1] =	stream.indirect_vreg.gather [hbm4b:s1+s9], $0x80, v28, vm0, $0xb8;
	[tilespmem:$0x18B00] =	vst v63  }
0x26c: {  	s20 =	simm.s32 $0x800  }
0x26d: {  	[tilespmem:s20], [sflag:$0x1] =	stream.indirect_vreg.gather [hbm4b:s11+s9], $0x80, v28, vm0, $0xb8;
	[tilespmem:$0x18B00] =	vst v63  }
0x26e: {  	s20 =	simm.s32 $0x1000  }
0x26f: {  	[tilespmem:s20], [sflag:$0x1] =	stream.indirect_vreg.gather [hbm4b:s12+s9], $0x80, v28, vm0, $0xb8;
	[tilespmem:$0x18B00] =	vst v63  }
0x270: {  	s20 =	simm.s32 $0x1800  }
0x271: {  	[tilespmem:s20], [sflag:$0x1] =	stream.indirect_vreg.gather [hbm4b:s13+s9], $0x80, v28, vm0, $0xb8;
	[tilespmem:$0x18B00] =	vst v63  }
0x272: {  	s20 =	simm.s32 $0x2000  }
0x273: {  	[tilespmem:s20], [sflag:$0x1] =	stream.indirect_vreg.gather [hbm4b:s14+s9], $0x80, v28, vm0, $0xb8;
	[tilespmem:$0x18B00] =	vst v63  }
0x274: {  	v27 =	vperm.xlane v27, v22;
	s20 =	simm.s32 $0x2800  }
0x275: {  	[tilespmem:s20], [sflag:$0x1] =	stream.indirect_vreg.gather [hbm4b:s15+s9], $0x80, v28, vm0, $0xb8;
	[tilespmem:$0x18B00] =	vst v63  }
0x276: {  	v27 =	vadd.s32 v21, v27;
	s20 =	simm.s32 $0x3000  }
0x277: {  	[tilespmem:s20], [sflag:$0x1] =	stream.indirect_vreg.gather [hbm4b:s16+s9], $0x80, v28, vm0, $0xb8;
	[tilespmem:$0x18B00] =	vst v63  }
0x278: {  	s20 =	simm.s32 $0x3800  }
0x279: {  	[tilespmem:s20], [sflag:$0x1] =	stream.indirect_vreg.gather [hbm4b:s17+s9], $0x80, v28, vm0, $0xb8;
	[tilespmem:$0x18B00] =	vst v63  }
0x27a: {  	s20 =	simm.s32 $0x4000  }
0x27b: {  	[tilespmem:s20], [sflag:$0x1] =	stream.indirect_vreg.gather [hbm4b:s1+s9], $0x80, v27, vm0, $0xb8;
	[tilespmem:$0x18B00] =	vst v63  }
0x27c: {  	s20 =	simm.s32 $0x4800  }
0x27d: {  	[tilespmem:s20], [sflag:$0x1] =	stream.indirect_vreg.gather [hbm4b:s11+s9], $0x80, v27, vm0, $0xb8;
	[tilespmem:$0x18B00] =	vst v63  }
0x27e: {  	s20 =	simm.s32 $0x5000  }
0x27f: {  	[tilespmem:s20], [sflag:$0x1] =	stream.indirect_vreg.gather [hbm4b:s12+s9], $0x80, v27, vm0, $0xb8;
	[tilespmem:$0x18B00] =	vst v63  }
0x280: {  	s20 =	simm.s32 $0x5800  }
0x281: {  	[tilespmem:s20], [sflag:$0x1] =	stream.indirect_vreg.gather [hbm4b:s13+s9], $0x80, v27, vm0, $0xb8;
	[tilespmem:$0x18B00] =	vst v63  }
0x282: {  	s20 =	simm.s32 $0x6000  }
0x283: {  	[tilespmem:s20], [sflag:$0x1] =	stream.indirect_vreg.gather [hbm4b:s14+s9], $0x80, v27, vm0, $0xb8;
	[tilespmem:$0x18B00] =	vst v63  }
0x284: {  	s20 =	simm.s32 $0x6800  }
0x285: {  	[tilespmem:s20], [sflag:$0x1] =	stream.indirect_vreg.gather [hbm4b:s15+s9], $0x80, v27, vm0, $0xb8;
	[tilespmem:$0x18B00] =	vst v63  }
0x286: {  	s20 =	simm.s32 $0x7000  }
0x287: {  	[tilespmem:s20], [sflag:$0x1] =	stream.indirect_vreg.gather [hbm4b:s16+s9], $0x80, v27, vm0, $0xb8;
	[tilespmem:$0x18B00] =	vst v63  }
0x288: {  	s20 =	simm.s32 $0x7800  }
0x289: {  	[tilespmem:s20], [sflag:$0x1] =	stream.indirect_vreg.gather [hbm4b:s17+s9], $0x80, v27, vm0, $0xb8;
	[tilespmem:$0x18B00] =	vst v63  }
0x28a: {  	_ =	swait.ge [sflag:s10], $0x8000  }
0x28b: {  	[sflag:s10] =	ssyncset.done $0x0  }
0x28c: {  	[sflag:s10] =	ssyncadd.s32 $0xFFFF8000  }
.LBB2_36:
0x28d: {  	s0 =	rddreg [dreg:$0x14]  }
0x28e: {  	[hbm4b:s0+s2] =	stream.linear.scatter [tilespmem:s9], [sflag:$0x3], $0x8000, $0x38;
	[tilespmem:$0x18B00] =	vst v63  }
.LBB2_37:
0x28f: {  	p4 =	sge.s32 s19, s5  }
.Ltmp20:
0x290: {  	_ = 	snop;
	(pc) =	sbr.rel @p4 .LBB2_40-.Ltmp20, $4  }
0x291: {  	s9 =	simm.s32 @p0 $0x4  }
0x292: {  	_ =	swait.ge @p0 [sflag:s9], $0x8000  }
0x293: {  	p2 =	slt.s32 s19, s7;
	p3 =	sgt.s32 s23, s3;
	[sflag:s9] =	ssyncset.done @p0 $0x0  }
0x294: {  	[sflag:s9] =	ssyncadd.s32 @p0 $0xFFFF8000;
	p0 =	por p2, p3;
	s9 =	simm.s32 $0x10000  }
.Ltmp21:
0x295: {  	(pc) =	sbr.rel @!p0 .LBB2_41-.Ltmp21, $1  }
0x296: {  	_ =	sdelay $0x3  }
0x297: {  	v27 =	vsub.s32 v13, v23  }
0x298: {  	v27 =	vadd.s32 $0xFFFFFDBE, v27  }
0x299: {  	v28 =	vadd.s32 v26, v27  }
0x29a: {  	v29 =	vadd.s32 v13, v25;
	vm1 =	vgt.s32 v28, $0x0  }
0x29b: {  	vm2 =	vgt.s32 v29, $0x0;
	v28 =	vnsel vm1, $0x0, v28  }
0x29c: {  	v29 =	vnsel vm2, $0x0, v29;
	v28 =	vmin.u32 v28, $0x40F  }
0x29d: {  	v29 =	vmin.u32 v29, $0x5BF;
	_ =	sdelay $0x2  }
0x29e: {  	s0 =	simm.s32 $0x18600  }
0x29f: {  	s9 =	simm.s32 $0x18000;
	v28 =	vld.idx.msk [tilespmem:v28+s0+$0x0], $0xffff  }
0x2a0: {  	v29 =	vld.idx.msk [tilespmem:v29+s9+$0x0], $0xffff;
	_ =	sdelay $0x1  }
0x2a1: {  	vm2 =	vlt.s32 v27, v24;
	vm1 =	vgt.s32 v27, $0xFFFFFFFF  }
0x2a2: {  	vm1 =	vmand vm1, vm2  }
0x2a3: {  	vm2 =	vlt.s32 v13, v23;
	v27 =	vnsel vm1, $0x0, v28  }
0x2a4: {  	v27 =	vsel vm2, v29, v27  }
0x2a5: {  	v63 =	vshll.u32 v27, $0x4  }
0x2a6: {  	v27 =	vand.u32 $0x7, v27;
	v28 =	vand.u32 $0xFFFFFF80, v63  }
0x2a7: {  	v27 =	vor.u32 v27, v28  }
0x2a8: {  	v28 =	vperm.xlane v27, v20;
	_ =	sdelay $0x1  }
0x2a9: {  	v28 =	vadd.s32 v21, v28;
	_ =	sdelay $0x3  }
0x2aa: {  	s9 =	simm.s32 $0x8000  }
0x2ab: {  	[tilespmem:s9], [sflag:$0x2] =	stream.indirect_vreg.gather [hbm4b:s1+s2], $0x80, v28, vm0, $0xb8;
	[tilespmem:$0x18B00] =	vst v63  }
0x2ac: {  	s20 =	simm.s32 $0x8800  }
0x2ad: {  	[tilespmem:s20], [sflag:$0x2] =	stream.indirect_vreg.gather [hbm4b:s11+s2], $0x80, v28, vm0, $0xb8;
	[tilespmem:$0x18B00] =	vst v63  }
0x2ae: {  	s20 =	simm.s32 $0x9000  }
0x2af: {  	[tilespmem:s20], [sflag:$0x2] =	stream.indirect_vreg.gather [hbm4b:s12+s2], $0x80, v28, vm0, $0xb8;
	[tilespmem:$0x18B00] =	vst v63  }
0x2b0: {  	s20 =	simm.s32 $0x9800  }
0x2b1: {  	[tilespmem:s20], [sflag:$0x2] =	stream.indirect_vreg.gather [hbm4b:s13+s2], $0x80, v28, vm0, $0xb8;
	[tilespmem:$0x18B00] =	vst v63  }
0x2b2: {  	s20 =	simm.s32 $0xA000  }
0x2b3: {  	[tilespmem:s20], [sflag:$0x2] =	stream.indirect_vreg.gather [hbm4b:s14+s2], $0x80, v28, vm0, $0xb8;
	[tilespmem:$0x18B00] =	vst v63  }
0x2b4: {  	v27 =	vperm.xlane v27, v22;
	s20 =	simm.s32 $0xA800  }
0x2b5: {  	[tilespmem:s20], [sflag:$0x2] =	stream.indirect_vreg.gather [hbm4b:s15+s2], $0x80, v28, vm0, $0xb8;
	[tilespmem:$0x18B00] =	vst v63  }
0x2b6: {  	v27 =	vadd.s32 v21, v27;
	s20 =	simm.s32 $0xB000  }
0x2b7: {  	[tilespmem:s20], [sflag:$0x2] =	stream.indirect_vreg.gather [hbm4b:s16+s2], $0x80, v28, vm0, $0xb8;
	[tilespmem:$0x18B00] =	vst v63  }
0x2b8: {  	s20 =	simm.s32 $0xB800  }
0x2b9: {  	[tilespmem:s20], [sflag:$0x2] =	stream.indirect_vreg.gather [hbm4b:s17+s2], $0x80, v28, vm0, $0xb8;
	[tilespmem:$0x18B00] =	vst v63  }
0x2ba: {  	s20 =	simm.s32 $0xC000  }
0x2bb: {  	[tilespmem:s20], [sflag:$0x2] =	stream.indirect_vreg.gather [hbm4b:s1+s2], $0x80, v27, vm0, $0xb8;
	[tilespmem:$0x18B00] =	vst v63  }
0x2bc: {  	s20 =	simm.s32 $0xC800  }
0x2bd: {  	[tilespmem:s20], [sflag:$0x2] =	stream.indirect_vreg.gather [hbm4b:s11+s2], $0x80, v27, vm0, $0xb8;
	[tilespmem:$0x18B00] =	vst v63  }
0x2be: {  	s20 =	simm.s32 $0xD000  }
0x2bf: {  	[tilespmem:s20], [sflag:$0x2] =	stream.indirect_vreg.gather [hbm4b:s12+s2], $0x80, v27, vm0, $0xb8;
	[tilespmem:$0x18B00] =	vst v63  }
0x2c0: {  	s20 =	simm.s32 $0xD800  }
0x2c1: {  	[tilespmem:s20], [sflag:$0x2] =	stream.indirect_vreg.gather [hbm4b:s13+s2], $0x80, v27, vm0, $0xb8;
	[tilespmem:$0x18B00] =	vst v63  }
0x2c2: {  	s20 =	simm.s32 $0xE000  }
0x2c3: {  	[tilespmem:s20], [sflag:$0x2] =	stream.indirect_vreg.gather [hbm4b:s14+s2], $0x80, v27, vm0, $0xb8;
	[tilespmem:$0x18B00] =	vst v63  }
0x2c4: {  	s20 =	simm.s32 $0xE800  }
0x2c5: {  	[tilespmem:s20], [sflag:$0x2] =	stream.indirect_vreg.gather [hbm4b:s15+s2], $0x80, v27, vm0, $0xb8;
	[tilespmem:$0x18B00] =	vst v63  }
0x2c6: {  	s20 =	simm.s32 $0xF000  }
0x2c7: {  	[tilespmem:s20], [sflag:$0x2] =	stream.indirect_vreg.gather [hbm4b:s16+s2], $0x80, v27, vm0, $0xb8;
	[tilespmem:$0x18B00] =	vst v63  }
0x2c8: {  	s20 =	simm.s32 $0xF800  }
0x2c9: {  	[tilespmem:s20], [sflag:$0x2] =	stream.indirect_vreg.gather [hbm4b:s17+s2], $0x80, v27, vm0, $0xb8;
	[tilespmem:$0x18B00] =	vst v63  }
0x2ca: {  	_ =	swait.ge [sflag:s8], $0x8000  }
0x2cb: {  	[sflag:s8] =	ssyncset.done $0x0  }
0x2cc: {  	[sflag:s8] =	ssyncadd.s32 $0xFFFF8000  }
.LBB2_40:
0x2cd: {  	s0 =	rddreg [dreg:$0x15]  }
0x2ce: {  	[hbm4b:s0+s2] =	stream.linear.scatter [tilespmem:s9], [sflag:$0x4], $0x8000, $0x38;
	[tilespmem:$0x18B00] =	vst v63  }
.LBB2_41:
0x2cf: {  	p4 =	sge.s32 s23, s5  }
.Ltmp22:
0x2d0: {  	_ = 	snop;
	(pc) =	sbr.rel @p4 .LBB2_44-.Ltmp22, $4  }
0x2d1: {  	s9 =	simm.s32 @p1 $0x3  }
0x2d2: {  	_ =	swait.ge @p1 [sflag:s9], $0x8000  }
0x2d3: {  	p2 =	slt.s32 s23, s7;
	p3 =	sgt.s32 s29, s3;
	[sflag:s9] =	ssyncset.done @p1 $0x0  }
0x2d4: {  	[sflag:s9] =	ssyncadd.s32 @p1 $0xFFFF8000;
	p1 =	por p2, p3;
	s9 =	simm.s32 $0x10000  }
.Ltmp23:
0x2d5: {  	(pc) =	sbr.rel @!p1 .LBB2_45-.Ltmp23, $1  }
0x2d6: {  	_ =	sdelay $0x3  }
0x2d7: {  	v27 =	vsub.s32 v14, v23  }
0x2d8: {  	v27 =	vadd.s32 $0xFFFFFDBE, v27  }
0x2d9: {  	v28 =	vadd.s32 v26, v27  }
0x2da: {  	v29 =	vadd.s32 v14, v25;
	vm1 =	vgt.s32 v28, $0x0  }
0x2db: {  	vm2 =	vgt.s32 v29, $0x0;
	v28 =	vnsel vm1, $0x0, v28  }
0x2dc: {  	v29 =	vnsel vm2, $0x0, v29;
	v28 =	vmin.u32 v28, $0x40F  }
0x2dd: {  	v29 =	vmin.u32 v29, $0x5BF;
	_ =	sdelay $0x2  }
0x2de: {  	s0 =	simm.s32 $0x18600  }
0x2df: {  	s9 =	simm.s32 $0x18000;
	v28 =	vld.idx.msk [tilespmem:v28+s0+$0x0], $0xffff  }
0x2e0: {  	v29 =	vld.idx.msk [tilespmem:v29+s9+$0x0], $0xffff;
	_ =	sdelay $0x1  }
0x2e1: {  	vm2 =	vlt.s32 v27, v24;
	vm1 =	vgt.s32 v27, $0xFFFFFFFF  }
0x2e2: {  	vm1 =	vmand vm1, vm2  }
0x2e3: {  	vm2 =	vlt.s32 v14, v23;
	v27 =	vnsel vm1, $0x0, v28  }
0x2e4: {  	v27 =	vsel vm2, v29, v27  }
0x2e5: {  	v63 =	vshll.u32 v27, $0x4  }
0x2e6: {  	v27 =	vand.u32 $0x7, v27;
	v28 =	vand.u32 $0xFFFFFF80, v63  }
0x2e7: {  	v27 =	vor.u32 v27, v28  }
0x2e8: {  	v28 =	vperm.xlane v27, v20;
	_ =	sdelay $0x1  }
0x2e9: {  	v28 =	vadd.s32 v21, v28;
	_ =	sdelay $0x3  }
0x2ea: {  	s9 =	simm.s32 $0x0  }
0x2eb: {  	[tilespmem:s9], [sflag:$0x1] =	stream.indirect_vreg.gather [hbm4b:s1+s9], $0x80, v28, vm0, $0xb8;
	[tilespmem:$0x18B00] =	vst v63  }
0x2ec: {  	s20 =	simm.s32 $0x800  }
0x2ed: {  	[tilespmem:s20], [sflag:$0x1] =	stream.indirect_vreg.gather [hbm4b:s11+s9], $0x80, v28, vm0, $0xb8;
	[tilespmem:$0x18B00] =	vst v63  }
0x2ee: {  	s20 =	simm.s32 $0x1000  }
0x2ef: {  	[tilespmem:s20], [sflag:$0x1] =	stream.indirect_vreg.gather [hbm4b:s12+s9], $0x80, v28, vm0, $0xb8;
	[tilespmem:$0x18B00] =	vst v63  }
0x2f0: {  	s20 =	simm.s32 $0x1800  }
0x2f1: {  	[tilespmem:s20], [sflag:$0x1] =	stream.indirect_vreg.gather [hbm4b:s13+s9], $0x80, v28, vm0, $0xb8;
	[tilespmem:$0x18B00] =	vst v63  }
0x2f2: {  	s20 =	simm.s32 $0x2000  }
0x2f3: {  	[tilespmem:s20], [sflag:$0x1] =	stream.indirect_vreg.gather [hbm4b:s14+s9], $0x80, v28, vm0, $0xb8;
	[tilespmem:$0x18B00] =	vst v63  }
0x2f4: {  	v27 =	vperm.xlane v27, v22;
	s20 =	simm.s32 $0x2800  }
0x2f5: {  	[tilespmem:s20], [sflag:$0x1] =	stream.indirect_vreg.gather [hbm4b:s15+s9], $0x80, v28, vm0, $0xb8;
	[tilespmem:$0x18B00] =	vst v63  }
0x2f6: {  	v27 =	vadd.s32 v21, v27;
	s20 =	simm.s32 $0x3000  }
0x2f7: {  	[tilespmem:s20], [sflag:$0x1] =	stream.indirect_vreg.gather [hbm4b:s16+s9], $0x80, v28, vm0, $0xb8;
	[tilespmem:$0x18B00] =	vst v63  }
0x2f8: {  	s20 =	simm.s32 $0x3800  }
0x2f9: {  	[tilespmem:s20], [sflag:$0x1] =	stream.indirect_vreg.gather [hbm4b:s17+s9], $0x80, v28, vm0, $0xb8;
	[tilespmem:$0x18B00] =	vst v63  }
0x2fa: {  	s20 =	simm.s32 $0x4000  }
0x2fb: {  	[tilespmem:s20], [sflag:$0x1] =	stream.indirect_vreg.gather [hbm4b:s1+s9], $0x80, v27, vm0, $0xb8;
	[tilespmem:$0x18B00] =	vst v63  }
0x2fc: {  	s20 =	simm.s32 $0x4800  }
0x2fd: {  	[tilespmem:s20], [sflag:$0x1] =	stream.indirect_vreg.gather [hbm4b:s11+s9], $0x80, v27, vm0, $0xb8;
	[tilespmem:$0x18B00] =	vst v63  }
0x2fe: {  	s20 =	simm.s32 $0x5000  }
0x2ff: {  	[tilespmem:s20], [sflag:$0x1] =	stream.indirect_vreg.gather [hbm4b:s12+s9], $0x80, v27, vm0, $0xb8;
	[tilespmem:$0x18B00] =	vst v63  }
0x300: {  	s20 =	simm.s32 $0x5800  }
0x301: {  	[tilespmem:s20], [sflag:$0x1] =	stream.indirect_vreg.gather [hbm4b:s13+s9], $0x80, v27, vm0, $0xb8;
	[tilespmem:$0x18B00] =	vst v63  }
0x302: {  	s20 =	simm.s32 $0x6000  }
0x303: {  	[tilespmem:s20], [sflag:$0x1] =	stream.indirect_vreg.gather [hbm4b:s14+s9], $0x80, v27, vm0, $0xb8;
	[tilespmem:$0x18B00] =	vst v63  }
0x304: {  	s20 =	simm.s32 $0x6800  }
0x305: {  	[tilespmem:s20], [sflag:$0x1] =	stream.indirect_vreg.gather [hbm4b:s15+s9], $0x80, v27, vm0, $0xb8;
	[tilespmem:$0x18B00] =	vst v63  }
0x306: {  	s20 =	simm.s32 $0x7000  }
0x307: {  	[tilespmem:s20], [sflag:$0x1] =	stream.indirect_vreg.gather [hbm4b:s16+s9], $0x80, v27, vm0, $0xb8;
	[tilespmem:$0x18B00] =	vst v63  }
0x308: {  	s20 =	simm.s32 $0x7800  }
0x309: {  	[tilespmem:s20], [sflag:$0x1] =	stream.indirect_vreg.gather [hbm4b:s17+s9], $0x80, v27, vm0, $0xb8;
	[tilespmem:$0x18B00] =	vst v63  }
0x30a: {  	_ =	swait.ge [sflag:s10], $0x8000  }
0x30b: {  	[sflag:s10] =	ssyncset.done $0x0  }
0x30c: {  	[sflag:s10] =	ssyncadd.s32 $0xFFFF8000  }
.LBB2_44:
0x30d: {  	s0 =	rddreg [dreg:$0x16]  }
0x30e: {  	[hbm4b:s0+s2] =	stream.linear.scatter [tilespmem:s9], [sflag:$0x3], $0x8000, $0x38;
	[tilespmem:$0x18B00] =	vst v63  }
.LBB2_45:
0x30f: {  	p4 =	sge.s32 s29, s5  }
.Ltmp24:
0x310: {  	_ = 	snop;
	(pc) =	sbr.rel @p4 .LBB2_48-.Ltmp24, $4  }
0x311: {  	s9 =	simm.s32 @p0 $0x4  }
0x312: {  	_ =	swait.ge @p0 [sflag:s9], $0x8000  }
0x313: {  	p2 =	slt.s32 s29, s7;
	p3 =	sgt.s32 s4, s3;
	[sflag:s9] =	ssyncset.done @p0 $0x0  }
0x314: {  	[sflag:s9] =	ssyncadd.s32 @p0 $0xFFFF8000;
	p0 =	por p2, p3;
	s9 =	simm.s32 $0x10000  }
.Ltmp25:
0x315: {  	(pc) =	sbr.rel @!p0 .LBB2_49-.Ltmp25, $1  }
0x316: {  	_ =	sdelay $0x3  }
0x317: {  	v27 =	vsub.s32 v15, v23  }
0x318: {  	v27 =	vadd.s32 $0xFFFFFDBE, v27  }
0x319: {  	v28 =	vadd.s32 v26, v27  }
0x31a: {  	v29 =	vadd.s32 v15, v25;
	vm1 =	vgt.s32 v28, $0x0  }
0x31b: {  	vm2 =	vgt.s32 v29, $0x0;
	v28 =	vnsel vm1, $0x0, v28  }
0x31c: {  	v29 =	vnsel vm2, $0x0, v29;
	v28 =	vmin.u32 v28, $0x40F  }
0x31d: {  	v29 =	vmin.u32 v29, $0x5BF;
	_ =	sdelay $0x2  }
0x31e: {  	s0 =	simm.s32 $0x18600  }
0x31f: {  	s9 =	simm.s32 $0x18000;
	v28 =	vld.idx.msk [tilespmem:v28+s0+$0x0], $0xffff  }
0x320: {  	v29 =	vld.idx.msk [tilespmem:v29+s9+$0x0], $0xffff;
	_ =	sdelay $0x1  }
0x321: {  	vm2 =	vlt.s32 v27, v24;
	vm1 =	vgt.s32 v27, $0xFFFFFFFF  }
0x322: {  	vm1 =	vmand vm1, vm2  }
0x323: {  	vm2 =	vlt.s32 v15, v23;
	v27 =	vnsel vm1, $0x0, v28  }
0x324: {  	v27 =	vsel vm2, v29, v27  }
0x325: {  	v63 =	vshll.u32 v27, $0x4  }
0x326: {  	v27 =	vand.u32 $0x7, v27;
	v28 =	vand.u32 $0xFFFFFF80, v63  }
0x327: {  	v27 =	vor.u32 v27, v28  }
0x328: {  	v28 =	vperm.xlane v27, v20;
	_ =	sdelay $0x1  }
0x329: {  	v28 =	vadd.s32 v21, v28;
	_ =	sdelay $0x3  }
0x32a: {  	s9 =	simm.s32 $0x8000  }
0x32b: {  	[tilespmem:s9], [sflag:$0x2] =	stream.indirect_vreg.gather [hbm4b:s1+s2], $0x80, v28, vm0, $0xb8;
	[tilespmem:$0x18B00] =	vst v63  }
0x32c: {  	s20 =	simm.s32 $0x8800  }
0x32d: {  	[tilespmem:s20], [sflag:$0x2] =	stream.indirect_vreg.gather [hbm4b:s11+s2], $0x80, v28, vm0, $0xb8;
	[tilespmem:$0x18B00] =	vst v63  }
0x32e: {  	s20 =	simm.s32 $0x9000  }
0x32f: {  	[tilespmem:s20], [sflag:$0x2] =	stream.indirect_vreg.gather [hbm4b:s12+s2], $0x80, v28, vm0, $0xb8;
	[tilespmem:$0x18B00] =	vst v63  }
0x330: {  	s20 =	simm.s32 $0x9800  }
0x331: {  	[tilespmem:s20], [sflag:$0x2] =	stream.indirect_vreg.gather [hbm4b:s13+s2], $0x80, v28, vm0, $0xb8;
	[tilespmem:$0x18B00] =	vst v63  }
0x332: {  	s20 =	simm.s32 $0xA000  }
0x333: {  	[tilespmem:s20], [sflag:$0x2] =	stream.indirect_vreg.gather [hbm4b:s14+s2], $0x80, v28, vm0, $0xb8;
	[tilespmem:$0x18B00] =	vst v63  }
0x334: {  	v27 =	vperm.xlane v27, v22;
	s20 =	simm.s32 $0xA800  }
0x335: {  	[tilespmem:s20], [sflag:$0x2] =	stream.indirect_vreg.gather [hbm4b:s15+s2], $0x80, v28, vm0, $0xb8;
	[tilespmem:$0x18B00] =	vst v63  }
0x336: {  	v27 =	vadd.s32 v21, v27;
	s20 =	simm.s32 $0xB000  }
0x337: {  	[tilespmem:s20], [sflag:$0x2] =	stream.indirect_vreg.gather [hbm4b:s16+s2], $0x80, v28, vm0, $0xb8;
	[tilespmem:$0x18B00] =	vst v63  }
0x338: {  	s20 =	simm.s32 $0xB800  }
0x339: {  	[tilespmem:s20], [sflag:$0x2] =	stream.indirect_vreg.gather [hbm4b:s17+s2], $0x80, v28, vm0, $0xb8;
	[tilespmem:$0x18B00] =	vst v63  }
0x33a: {  	s20 =	simm.s32 $0xC000  }
0x33b: {  	[tilespmem:s20], [sflag:$0x2] =	stream.indirect_vreg.gather [hbm4b:s1+s2], $0x80, v27, vm0, $0xb8;
	[tilespmem:$0x18B00] =	vst v63  }
0x33c: {  	s20 =	simm.s32 $0xC800  }
0x33d: {  	[tilespmem:s20], [sflag:$0x2] =	stream.indirect_vreg.gather [hbm4b:s11+s2], $0x80, v27, vm0, $0xb8;
	[tilespmem:$0x18B00] =	vst v63  }
0x33e: {  	s20 =	simm.s32 $0xD000  }
0x33f: {  	[tilespmem:s20], [sflag:$0x2] =	stream.indirect_vreg.gather [hbm4b:s12+s2], $0x80, v27, vm0, $0xb8;
	[tilespmem:$0x18B00] =	vst v63  }
0x340: {  	s20 =	simm.s32 $0xD800  }
0x341: {  	[tilespmem:s20], [sflag:$0x2] =	stream.indirect_vreg.gather [hbm4b:s13+s2], $0x80, v27, vm0, $0xb8;
	[tilespmem:$0x18B00] =	vst v63  }
0x342: {  	s20 =	simm.s32 $0xE000  }
0x343: {  	[tilespmem:s20], [sflag:$0x2] =	stream.indirect_vreg.gather [hbm4b:s14+s2], $0x80, v27, vm0, $0xb8;
	[tilespmem:$0x18B00] =	vst v63  }
0x344: {  	s20 =	simm.s32 $0xE800  }
0x345: {  	[tilespmem:s20], [sflag:$0x2] =	stream.indirect_vreg.gather [hbm4b:s15+s2], $0x80, v27, vm0, $0xb8;
	[tilespmem:$0x18B00] =	vst v63  }
0x346: {  	s20 =	simm.s32 $0xF000  }
0x347: {  	[tilespmem:s20], [sflag:$0x2] =	stream.indirect_vreg.gather [hbm4b:s16+s2], $0x80, v27, vm0, $0xb8;
	[tilespmem:$0x18B00] =	vst v63  }
0x348: {  	s20 =	simm.s32 $0xF800  }
0x349: {  	[tilespmem:s20], [sflag:$0x2] =	stream.indirect_vreg.gather [hbm4b:s17+s2], $0x80, v27, vm0, $0xb8;
	[tilespmem:$0x18B00] =	vst v63  }
0x34a: {  	_ =	swait.ge [sflag:s8], $0x8000  }
0x34b: {  	[sflag:s8] =	ssyncset.done $0x0  }
0x34c: {  	[sflag:s8] =	ssyncadd.s32 $0xFFFF8000  }
.LBB2_48:
0x34d: {  	s0 =	rddreg [dreg:$0x17]  }
0x34e: {  	[hbm4b:s0+s2] =	stream.linear.scatter [tilespmem:s9], [sflag:$0x4], $0x8000, $0x38;
	[tilespmem:$0x18B00] =	vst v63  }
.LBB2_49:
0x34f: {  	p4 =	sge.s32 s4, s5  }
.Ltmp26:
0x350: {  	_ = 	snop;
	(pc) =	sbr.rel @p4 .LBB2_52-.Ltmp26, $4  }
0x351: {  	s9 =	simm.s32 @p1 $0x3  }
0x352: {  	_ =	swait.ge @p1 [sflag:s9], $0x8000  }
0x353: {  	p2 =	slt.s32 s4, s7;
	p3 =	sgt.s32 s26, s3;
	[sflag:s9] =	ssyncset.done @p1 $0x0  }
0x354: {  	[sflag:s9] =	ssyncadd.s32 @p1 $0xFFFF8000;
	p1 =	por p2, p3;
	s9 =	simm.s32 $0x10000  }
.Ltmp27:
0x355: {  	(pc) =	sbr.rel @!p1 .LBB2_53-.Ltmp27, $1  }
0x356: {  	_ =	sdelay $0x3  }
0x357: {  	v27 =	vsub.s32 v16, v23  }
0x358: {  	v27 =	vadd.s32 $0xFFFFFDBE, v27  }
0x359: {  	v28 =	vadd.s32 v26, v27  }
0x35a: {  	v29 =	vadd.s32 v16, v25;
	vm1 =	vgt.s32 v28, $0x0  }
0x35b: {  	vm2 =	vgt.s32 v29, $0x0;
	v28 =	vnsel vm1, $0x0, v28  }
0x35c: {  	v29 =	vnsel vm2, $0x0, v29;
	v28 =	vmin.u32 v28, $0x40F  }
0x35d: {  	v29 =	vmin.u32 v29, $0x5BF;
	_ =	sdelay $0x2  }
0x35e: {  	s0 =	simm.s32 $0x18600  }
0x35f: {  	s9 =	simm.s32 $0x18000;
	v28 =	vld.idx.msk [tilespmem:v28+s0+$0x0], $0xffff  }
0x360: {  	v29 =	vld.idx.msk [tilespmem:v29+s9+$0x0], $0xffff;
	_ =	sdelay $0x1  }
0x361: {  	vm2 =	vlt.s32 v27, v24;
	vm1 =	vgt.s32 v27, $0xFFFFFFFF  }
0x362: {  	vm1 =	vmand vm1, vm2  }
0x363: {  	vm2 =	vlt.s32 v16, v23;
	v27 =	vnsel vm1, $0x0, v28  }
0x364: {  	v27 =	vsel vm2, v29, v27  }
0x365: {  	v63 =	vshll.u32 v27, $0x4  }
0x366: {  	v27 =	vand.u32 $0x7, v27;
	v28 =	vand.u32 $0xFFFFFF80, v63  }
0x367: {  	v27 =	vor.u32 v27, v28  }
0x368: {  	v28 =	vperm.xlane v27, v20;
	_ =	sdelay $0x1  }
0x369: {  	v28 =	vadd.s32 v21, v28;
	_ =	sdelay $0x3  }
0x36a: {  	s9 =	simm.s32 $0x0  }
0x36b: {  	[tilespmem:s9], [sflag:$0x1] =	stream.indirect_vreg.gather [hbm4b:s1+s9], $0x80, v28, vm0, $0xb8;
	[tilespmem:$0x18B00] =	vst v63  }
0x36c: {  	s20 =	simm.s32 $0x800  }
0x36d: {  	[tilespmem:s20], [sflag:$0x1] =	stream.indirect_vreg.gather [hbm4b:s11+s9], $0x80, v28, vm0, $0xb8;
	[tilespmem:$0x18B00] =	vst v63  }
0x36e: {  	s20 =	simm.s32 $0x1000  }
0x36f: {  	[tilespmem:s20], [sflag:$0x1] =	stream.indirect_vreg.gather [hbm4b:s12+s9], $0x80, v28, vm0, $0xb8;
	[tilespmem:$0x18B00] =	vst v63  }
0x370: {  	s20 =	simm.s32 $0x1800  }
0x371: {  	[tilespmem:s20], [sflag:$0x1] =	stream.indirect_vreg.gather [hbm4b:s13+s9], $0x80, v28, vm0, $0xb8;
	[tilespmem:$0x18B00] =	vst v63  }
0x372: {  	s20 =	simm.s32 $0x2000  }
0x373: {  	[tilespmem:s20], [sflag:$0x1] =	stream.indirect_vreg.gather [hbm4b:s14+s9], $0x80, v28, vm0, $0xb8;
	[tilespmem:$0x18B00] =	vst v63  }
0x374: {  	v27 =	vperm.xlane v27, v22;
	s20 =	simm.s32 $0x2800  }
0x375: {  	[tilespmem:s20], [sflag:$0x1] =	stream.indirect_vreg.gather [hbm4b:s15+s9], $0x80, v28, vm0, $0xb8;
	[tilespmem:$0x18B00] =	vst v63  }
0x376: {  	v27 =	vadd.s32 v21, v27;
	s20 =	simm.s32 $0x3000  }
0x377: {  	[tilespmem:s20], [sflag:$0x1] =	stream.indirect_vreg.gather [hbm4b:s16+s9], $0x80, v28, vm0, $0xb8;
	[tilespmem:$0x18B00] =	vst v63  }
0x378: {  	s20 =	simm.s32 $0x3800  }
0x379: {  	[tilespmem:s20], [sflag:$0x1] =	stream.indirect_vreg.gather [hbm4b:s17+s9], $0x80, v28, vm0, $0xb8;
	[tilespmem:$0x18B00] =	vst v63  }
0x37a: {  	s20 =	simm.s32 $0x4000  }
0x37b: {  	[tilespmem:s20], [sflag:$0x1] =	stream.indirect_vreg.gather [hbm4b:s1+s9], $0x80, v27, vm0, $0xb8;
	[tilespmem:$0x18B00] =	vst v63  }
0x37c: {  	s20 =	simm.s32 $0x4800  }
0x37d: {  	[tilespmem:s20], [sflag:$0x1] =	stream.indirect_vreg.gather [hbm4b:s11+s9], $0x80, v27, vm0, $0xb8;
	[tilespmem:$0x18B00] =	vst v63  }
0x37e: {  	s20 =	simm.s32 $0x5000  }
0x37f: {  	[tilespmem:s20], [sflag:$0x1] =	stream.indirect_vreg.gather [hbm4b:s12+s9], $0x80, v27, vm0, $0xb8;
	[tilespmem:$0x18B00] =	vst v63  }
0x380: {  	s20 =	simm.s32 $0x5800  }
0x381: {  	[tilespmem:s20], [sflag:$0x1] =	stream.indirect_vreg.gather [hbm4b:s13+s9], $0x80, v27, vm0, $0xb8;
	[tilespmem:$0x18B00] =	vst v63  }
0x382: {  	s20 =	simm.s32 $0x6000  }
0x383: {  	[tilespmem:s20], [sflag:$0x1] =	stream.indirect_vreg.gather [hbm4b:s14+s9], $0x80, v27, vm0, $0xb8;
	[tilespmem:$0x18B00] =	vst v63  }
0x384: {  	s20 =	simm.s32 $0x6800  }
0x385: {  	[tilespmem:s20], [sflag:$0x1] =	stream.indirect_vreg.gather [hbm4b:s15+s9], $0x80, v27, vm0, $0xb8;
	[tilespmem:$0x18B00] =	vst v63  }
0x386: {  	s20 =	simm.s32 $0x7000  }
0x387: {  	[tilespmem:s20], [sflag:$0x1] =	stream.indirect_vreg.gather [hbm4b:s16+s9], $0x80, v27, vm0, $0xb8;
	[tilespmem:$0x18B00] =	vst v63  }
0x388: {  	s20 =	simm.s32 $0x7800  }
0x389: {  	[tilespmem:s20], [sflag:$0x1] =	stream.indirect_vreg.gather [hbm4b:s17+s9], $0x80, v27, vm0, $0xb8;
	[tilespmem:$0x18B00] =	vst v63  }
0x38a: {  	_ =	swait.ge [sflag:s10], $0x8000  }
0x38b: {  	[sflag:s10] =	ssyncset.done $0x0  }
0x38c: {  	[sflag:s10] =	ssyncadd.s32 $0xFFFF8000  }
.LBB2_52:
0x38d: {  	s0 =	rddreg [dreg:$0x18]  }
0x38e: {  	[hbm4b:s0+s2] =	stream.linear.scatter [tilespmem:s9], [sflag:$0x3], $0x8000, $0x38;
	[tilespmem:$0x18B00] =	vst v63  }
.LBB2_53:
0x38f: {  	p4 =	sge.s32 s26, s5  }
.Ltmp28:
0x390: {  	_ = 	snop;
	(pc) =	sbr.rel @p4 .LBB2_56-.Ltmp28, $4  }
0x391: {  	s9 =	simm.s32 @p0 $0x4  }
0x392: {  	_ =	swait.ge @p0 [sflag:s9], $0x8000  }
0x393: {  	p2 =	slt.s32 s26, s7;
	p3 =	sgt.s32 s21, s3;
	[sflag:s9] =	ssyncset.done @p0 $0x0  }
0x394: {  	[sflag:s9] =	ssyncadd.s32 @p0 $0xFFFF8000;
	p0 =	por p2, p3;
	s9 =	simm.s32 $0x10000  }
.Ltmp29:
0x395: {  	(pc) =	sbr.rel @!p0 .LBB2_57-.Ltmp29, $1  }
0x396: {  	_ =	sdelay $0x3  }
0x397: {  	v27 =	vsub.s32 v17, v23  }
0x398: {  	v27 =	vadd.s32 $0xFFFFFDBE, v27  }
0x399: {  	v28 =	vadd.s32 v26, v27  }
0x39a: {  	v29 =	vadd.s32 v17, v25;
	vm1 =	vgt.s32 v28, $0x0  }
0x39b: {  	vm2 =	vgt.s32 v29, $0x0;
	v28 =	vnsel vm1, $0x0, v28  }
0x39c: {  	v29 =	vnsel vm2, $0x0, v29;
	v28 =	vmin.u32 v28, $0x40F  }
0x39d: {  	v29 =	vmin.u32 v29, $0x5BF;
	_ =	sdelay $0x2  }
0x39e: {  	s0 =	simm.s32 $0x18600  }
0x39f: {  	s9 =	simm.s32 $0x18000;
	v28 =	vld.idx.msk [tilespmem:v28+s0+$0x0], $0xffff  }
0x3a0: {  	v29 =	vld.idx.msk [tilespmem:v29+s9+$0x0], $0xffff;
	_ =	sdelay $0x1  }
0x3a1: {  	vm2 =	vlt.s32 v27, v24;
	vm1 =	vgt.s32 v27, $0xFFFFFFFF  }
0x3a2: {  	vm1 =	vmand vm1, vm2  }
0x3a3: {  	vm2 =	vlt.s32 v17, v23;
	v27 =	vnsel vm1, $0x0, v28  }
0x3a4: {  	v27 =	vsel vm2, v29, v27  }
0x3a5: {  	v63 =	vshll.u32 v27, $0x4  }
0x3a6: {  	v27 =	vand.u32 $0x7, v27;
	v28 =	vand.u32 $0xFFFFFF80, v63  }
0x3a7: {  	v27 =	vor.u32 v27, v28  }
0x3a8: {  	v28 =	vperm.xlane v27, v20;
	_ =	sdelay $0x1  }
0x3a9: {  	v28 =	vadd.s32 v21, v28;
	_ =	sdelay $0x3  }
0x3aa: {  	s9 =	simm.s32 $0x8000  }
0x3ab: {  	[tilespmem:s9], [sflag:$0x2] =	stream.indirect_vreg.gather [hbm4b:s1+s2], $0x80, v28, vm0, $0xb8;
	[tilespmem:$0x18B00] =	vst v63  }
0x3ac: {  	s20 =	simm.s32 $0x8800  }
0x3ad: {  	[tilespmem:s20], [sflag:$0x2] =	stream.indirect_vreg.gather [hbm4b:s11+s2], $0x80, v28, vm0, $0xb8;
	[tilespmem:$0x18B00] =	vst v63  }
0x3ae: {  	s20 =	simm.s32 $0x9000  }
0x3af: {  	[tilespmem:s20], [sflag:$0x2] =	stream.indirect_vreg.gather [hbm4b:s12+s2], $0x80, v28, vm0, $0xb8;
	[tilespmem:$0x18B00] =	vst v63  }
0x3b0: {  	s20 =	simm.s32 $0x9800  }
0x3b1: {  	[tilespmem:s20], [sflag:$0x2] =	stream.indirect_vreg.gather [hbm4b:s13+s2], $0x80, v28, vm0, $0xb8;
	[tilespmem:$0x18B00] =	vst v63  }
0x3b2: {  	s20 =	simm.s32 $0xA000  }
0x3b3: {  	[tilespmem:s20], [sflag:$0x2] =	stream.indirect_vreg.gather [hbm4b:s14+s2], $0x80, v28, vm0, $0xb8;
	[tilespmem:$0x18B00] =	vst v63  }
0x3b4: {  	v27 =	vperm.xlane v27, v22;
	s20 =	simm.s32 $0xA800  }
0x3b5: {  	[tilespmem:s20], [sflag:$0x2] =	stream.indirect_vreg.gather [hbm4b:s15+s2], $0x80, v28, vm0, $0xb8;
	[tilespmem:$0x18B00] =	vst v63  }
0x3b6: {  	v27 =	vadd.s32 v21, v27;
	s20 =	simm.s32 $0xB000  }
0x3b7: {  	[tilespmem:s20], [sflag:$0x2] =	stream.indirect_vreg.gather [hbm4b:s16+s2], $0x80, v28, vm0, $0xb8;
	[tilespmem:$0x18B00] =	vst v63  }
0x3b8: {  	s20 =	simm.s32 $0xB800  }
0x3b9: {  	[tilespmem:s20], [sflag:$0x2] =	stream.indirect_vreg.gather [hbm4b:s17+s2], $0x80, v28, vm0, $0xb8;
	[tilespmem:$0x18B00] =	vst v63  }
0x3ba: {  	s20 =	simm.s32 $0xC000  }
0x3bb: {  	[tilespmem:s20], [sflag:$0x2] =	stream.indirect_vreg.gather [hbm4b:s1+s2], $0x80, v27, vm0, $0xb8;
	[tilespmem:$0x18B00] =	vst v63  }
0x3bc: {  	s20 =	simm.s32 $0xC800  }
0x3bd: {  	[tilespmem:s20], [sflag:$0x2] =	stream.indirect_vreg.gather [hbm4b:s11+s2], $0x80, v27, vm0, $0xb8;
	[tilespmem:$0x18B00] =	vst v63  }
0x3be: {  	s20 =	simm.s32 $0xD000  }
0x3bf: {  	[tilespmem:s20], [sflag:$0x2] =	stream.indirect_vreg.gather [hbm4b:s12+s2], $0x80, v27, vm0, $0xb8;
	[tilespmem:$0x18B00] =	vst v63  }
0x3c0: {  	s20 =	simm.s32 $0xD800  }
0x3c1: {  	[tilespmem:s20], [sflag:$0x2] =	stream.indirect_vreg.gather [hbm4b:s13+s2], $0x80, v27, vm0, $0xb8;
	[tilespmem:$0x18B00] =	vst v63  }
0x3c2: {  	s20 =	simm.s32 $0xE000  }
0x3c3: {  	[tilespmem:s20], [sflag:$0x2] =	stream.indirect_vreg.gather [hbm4b:s14+s2], $0x80, v27, vm0, $0xb8;
	[tilespmem:$0x18B00] =	vst v63  }
0x3c4: {  	s20 =	simm.s32 $0xE800  }
0x3c5: {  	[tilespmem:s20], [sflag:$0x2] =	stream.indirect_vreg.gather [hbm4b:s15+s2], $0x80, v27, vm0, $0xb8;
	[tilespmem:$0x18B00] =	vst v63  }
0x3c6: {  	s20 =	simm.s32 $0xF000  }
0x3c7: {  	[tilespmem:s20], [sflag:$0x2] =	stream.indirect_vreg.gather [hbm4b:s16+s2], $0x80, v27, vm0, $0xb8;
	[tilespmem:$0x18B00] =	vst v63  }
0x3c8: {  	s20 =	simm.s32 $0xF800  }
0x3c9: {  	[tilespmem:s20], [sflag:$0x2] =	stream.indirect_vreg.gather [hbm4b:s17+s2], $0x80, v27, vm0, $0xb8;
	[tilespmem:$0x18B00] =	vst v63  }
0x3ca: {  	_ =	swait.ge [sflag:s8], $0x8000  }
0x3cb: {  	[sflag:s8] =	ssyncset.done $0x0  }
0x3cc: {  	[sflag:s8] =	ssyncadd.s32 $0xFFFF8000  }
.LBB2_56:
0x3cd: {  	s0 =	rddreg [dreg:$0x19]  }
0x3ce: {  	[hbm4b:s0+s2] =	stream.linear.scatter [tilespmem:s9], [sflag:$0x4], $0x8000, $0x38;
	[tilespmem:$0x18B00] =	vst v63  }
.LBB2_57:
0x3cf: {  	p4 =	sge.s32 s21, s5  }
.Ltmp30:
0x3d0: {  	_ = 	snop;
	(pc) =	sbr.rel @p4 .LBB2_60-.Ltmp30, $4  }
0x3d1: {  	s9 =	simm.s32 @p1 $0x3  }
0x3d2: {  	_ =	swait.ge @p1 [sflag:s9], $0x8000  }
0x3d3: {  	p2 =	slt.s32 s21, s7;
	p3 =	sgt.s32 s31, s3;
	[sflag:s9] =	ssyncset.done @p1 $0x0  }
0x3d4: {  	[sflag:s9] =	ssyncadd.s32 @p1 $0xFFFF8000;
	p1 =	por p2, p3;
	s9 =	simm.s32 $0x10000  }
.Ltmp31:
0x3d5: {  	(pc) =	sbr.rel @!p1 .LBB2_61-.Ltmp31, $1  }
0x3d6: {  	_ =	sdelay $0x3  }
0x3d7: {  	v27 =	vsub.s32 v18, v23  }
0x3d8: {  	v27 =	vadd.s32 $0xFFFFFDBE, v27  }
0x3d9: {  	v28 =	vadd.s32 v26, v27  }
0x3da: {  	v29 =	vadd.s32 v18, v25;
	vm1 =	vgt.s32 v28, $0x0  }
0x3db: {  	vm2 =	vgt.s32 v29, $0x0;
	v28 =	vnsel vm1, $0x0, v28  }
0x3dc: {  	v29 =	vnsel vm2, $0x0, v29;
	v28 =	vmin.u32 v28, $0x40F  }
0x3dd: {  	v29 =	vmin.u32 v29, $0x5BF;
	_ =	sdelay $0x2  }
0x3de: {  	s0 =	simm.s32 $0x18600  }
0x3df: {  	s9 =	simm.s32 $0x18000;
	v28 =	vld.idx.msk [tilespmem:v28+s0+$0x0], $0xffff  }
0x3e0: {  	v29 =	vld.idx.msk [tilespmem:v29+s9+$0x0], $0xffff;
	_ =	sdelay $0x1  }
0x3e1: {  	vm2 =	vlt.s32 v27, v24;
	vm1 =	vgt.s32 v27, $0xFFFFFFFF  }
0x3e2: {  	vm1 =	vmand vm1, vm2  }
0x3e3: {  	vm2 =	vlt.s32 v18, v23;
	v27 =	vnsel vm1, $0x0, v28  }
0x3e4: {  	v27 =	vsel vm2, v29, v27  }
0x3e5: {  	v63 =	vshll.u32 v27, $0x4  }
0x3e6: {  	v27 =	vand.u32 $0x7, v27;
	v28 =	vand.u32 $0xFFFFFF80, v63  }
0x3e7: {  	v27 =	vor.u32 v27, v28  }
0x3e8: {  	v28 =	vperm.xlane v27, v20;
	_ =	sdelay $0x1  }
0x3e9: {  	v28 =	vadd.s32 v21, v28;
	_ =	sdelay $0x3  }
0x3ea: {  	s9 =	simm.s32 $0x0  }
0x3eb: {  	[tilespmem:s9], [sflag:$0x1] =	stream.indirect_vreg.gather [hbm4b:s1+s9], $0x80, v28, vm0, $0xb8;
	[tilespmem:$0x18B00] =	vst v63  }
0x3ec: {  	s20 =	simm.s32 $0x800  }
0x3ed: {  	[tilespmem:s20], [sflag:$0x1] =	stream.indirect_vreg.gather [hbm4b:s11+s9], $0x80, v28, vm0, $0xb8;
	[tilespmem:$0x18B00] =	vst v63  }
0x3ee: {  	s20 =	simm.s32 $0x1000  }
0x3ef: {  	[tilespmem:s20], [sflag:$0x1] =	stream.indirect_vreg.gather [hbm4b:s12+s9], $0x80, v28, vm0, $0xb8;
	[tilespmem:$0x18B00] =	vst v63  }
0x3f0: {  	s20 =	simm.s32 $0x1800  }
0x3f1: {  	[tilespmem:s20], [sflag:$0x1] =	stream.indirect_vreg.gather [hbm4b:s13+s9], $0x80, v28, vm0, $0xb8;
	[tilespmem:$0x18B00] =	vst v63  }
0x3f2: {  	s20 =	simm.s32 $0x2000  }
0x3f3: {  	[tilespmem:s20], [sflag:$0x1] =	stream.indirect_vreg.gather [hbm4b:s14+s9], $0x80, v28, vm0, $0xb8;
	[tilespmem:$0x18B00] =	vst v63  }
0x3f4: {  	v27 =	vperm.xlane v27, v22;
	s20 =	simm.s32 $0x2800  }
0x3f5: {  	[tilespmem:s20], [sflag:$0x1] =	stream.indirect_vreg.gather [hbm4b:s15+s9], $0x80, v28, vm0, $0xb8;
	[tilespmem:$0x18B00] =	vst v63  }
0x3f6: {  	v27 =	vadd.s32 v21, v27;
	s20 =	simm.s32 $0x3000  }
0x3f7: {  	[tilespmem:s20], [sflag:$0x1] =	stream.indirect_vreg.gather [hbm4b:s16+s9], $0x80, v28, vm0, $0xb8;
	[tilespmem:$0x18B00] =	vst v63  }
0x3f8: {  	s20 =	simm.s32 $0x3800  }
0x3f9: {  	[tilespmem:s20], [sflag:$0x1] =	stream.indirect_vreg.gather [hbm4b:s17+s9], $0x80, v28, vm0, $0xb8;
	[tilespmem:$0x18B00] =	vst v63  }
0x3fa: {  	s20 =	simm.s32 $0x4000  }
0x3fb: {  	[tilespmem:s20], [sflag:$0x1] =	stream.indirect_vreg.gather [hbm4b:s1+s9], $0x80, v27, vm0, $0xb8;
	[tilespmem:$0x18B00] =	vst v63  }
0x3fc: {  	s20 =	simm.s32 $0x4800  }
0x3fd: {  	[tilespmem:s20], [sflag:$0x1] =	stream.indirect_vreg.gather [hbm4b:s11+s9], $0x80, v27, vm0, $0xb8;
	[tilespmem:$0x18B00] =	vst v63  }
0x3fe: {  	s20 =	simm.s32 $0x5000  }
0x3ff: {  	[tilespmem:s20], [sflag:$0x1] =	stream.indirect_vreg.gather [hbm4b:s12+s9], $0x80, v27, vm0, $0xb8;
	[tilespmem:$0x18B00] =	vst v63  }
0x400: {  	s20 =	simm.s32 $0x5800  }
0x401: {  	[tilespmem:s20], [sflag:$0x1] =	stream.indirect_vreg.gather [hbm4b:s13+s9], $0x80, v27, vm0, $0xb8;
	[tilespmem:$0x18B00] =	vst v63  }
0x402: {  	s20 =	simm.s32 $0x6000  }
0x403: {  	[tilespmem:s20], [sflag:$0x1] =	stream.indirect_vreg.gather [hbm4b:s14+s9], $0x80, v27, vm0, $0xb8;
	[tilespmem:$0x18B00] =	vst v63  }
0x404: {  	s20 =	simm.s32 $0x6800  }
0x405: {  	[tilespmem:s20], [sflag:$0x1] =	stream.indirect_vreg.gather [hbm4b:s15+s9], $0x80, v27, vm0, $0xb8;
	[tilespmem:$0x18B00] =	vst v63  }
0x406: {  	s20 =	simm.s32 $0x7000  }
0x407: {  	[tilespmem:s20], [sflag:$0x1] =	stream.indirect_vreg.gather [hbm4b:s16+s9], $0x80, v27, vm0, $0xb8;
	[tilespmem:$0x18B00] =	vst v63  }
0x408: {  	s20 =	simm.s32 $0x7800  }
0x409: {  	[tilespmem:s20], [sflag:$0x1] =	stream.indirect_vreg.gather [hbm4b:s17+s9], $0x80, v27, vm0, $0xb8;
	[tilespmem:$0x18B00] =	vst v63  }
0x40a: {  	_ =	swait.ge [sflag:s10], $0x8000  }
0x40b: {  	[sflag:s10] =	ssyncset.done $0x0  }
0x40c: {  	[sflag:s10] =	ssyncadd.s32 $0xFFFF8000  }
.LBB2_60:
0x40d: {  	s0 =	rddreg [dreg:$0x1a]  }
0x40e: {  	[hbm4b:s0+s2] =	stream.linear.scatter [tilespmem:s9], [sflag:$0x3], $0x8000, $0x38;
	[tilespmem:$0x18B00] =	vst v63  }
.LBB2_61:
0x40f: {  	p4 =	sge.s32 s31, s5  }
.Ltmp32:
0x410: {  	s9 =	simm.s32 @p0 $0x4;
	(pc) =	sbr.rel @p4 .LBB2_64-.Ltmp32, $4  }
0x411: {  	_ =	swait.ge @p0 [sflag:s9], $0x8000  }
0x412: {  	s0 =	rddreg [dreg:$0x1b]  }
0x413: {  	p2 =	slt.s32 s31, s7;
	[sflag:s9] =	ssyncset.done @p0 $0x0;
	p3 =	sgt.s32 s0, s3  }
0x414: {  	[sflag:s9] =	ssyncadd.s32 @p0 $0xFFFF8000;
	s3 =	simm.s32 $0x10000;
	p0 =	por p2, p3  }
.Ltmp33:
0x415: {  	(pc) =	sbr.rel @!p0 .LBB2_65-.Ltmp33, $1  }
0x416: {  	_ =	sdelay $0x3  }
0x417: {  	v27 =	vsub.s32 v19, v23  }
0x418: {  	v27 =	vadd.s32 $0xFFFFFDBE, v27  }
0x419: {  	v26 =	vadd.s32 v26, v27  }
0x41a: {  	v25 =	vadd.s32 v19, v25;
	vm1 =	vgt.s32 v26, $0x0  }
0x41b: {  	v26 =	vnsel vm1, $0x0, v26;
	vm1 =	vgt.s32 v25, $0x0  }
0x41c: {  	v25 =	vnsel vm1, $0x0, v25;
	v26 =	vmin.u32 v26, $0x40F  }
0x41d: {  	v25 =	vmin.u32 v25, $0x5BF;
	_ =	sdelay $0x2  }
0x41e: {  	s0 =	simm.s32 $0x18600  }
0x41f: {  	s5 =	simm.s32 $0x18000;
	v26 =	vld.idx.msk [tilespmem:v26+s0+$0x0], $0xffff  }
0x420: {  	v25 =	vld.idx.msk [tilespmem:v25+s5+$0x0], $0xffff;
	_ =	sdelay $0x1  }
0x421: {  	vm2 =	vlt.s32 v27, v24;
	vm1 =	vgt.s32 v27, $0xFFFFFFFF  }
0x422: {  	vm1 =	vmand vm1, vm2  }
0x423: {  	vm2 =	vlt.s32 v19, v23;
	v23 =	vnsel vm1, $0x0, v26  }
0x424: {  	v23 =	vsel vm2, v25, v23  }
0x425: {  	v63 =	vshll.u32 v23, $0x4  }
0x426: {  	v23 =	vand.u32 $0x7, v23;
	v24 =	vand.u32 $0xFFFFFF80, v63  }
0x427: {  	v23 =	vor.u32 v23, v24  }
0x428: {  	v24 =	vperm.xlane v23, v20;
	_ =	sdelay $0x1  }
0x429: {  	v24 =	vadd.s32 v21, v24;
	_ =	sdelay $0x3  }
0x42a: {  	s3 =	simm.s32 $0x8000  }
0x42b: {  	[tilespmem:s3], [sflag:$0x2] =	stream.indirect_vreg.gather [hbm4b:s1+s2], $0x80, v24, vm0, $0xb8;
	[tilespmem:$0x18B00] =	vst v63  }
0x42c: {  	s7 =	simm.s32 $0x8800  }
0x42d: {  	[tilespmem:s7], [sflag:$0x2] =	stream.indirect_vreg.gather [hbm4b:s11+s2], $0x80, v24, vm0, $0xb8;
	[tilespmem:$0x18B00] =	vst v63  }
0x42e: {  	s9 =	simm.s32 $0x9000  }
0x42f: {  	[tilespmem:s9], [sflag:$0x2] =	stream.indirect_vreg.gather [hbm4b:s12+s2], $0x80, v24, vm0, $0xb8;
	[tilespmem:$0x18B00] =	vst v63  }
0x430: {  	s20 =	simm.s32 $0x9800  }
0x431: {  	[tilespmem:s20], [sflag:$0x2] =	stream.indirect_vreg.gather [hbm4b:s13+s2], $0x80, v24, vm0, $0xb8;
	[tilespmem:$0x18B00] =	vst v63  }
0x432: {  	s5 =	simm.s32 $0xA000  }
0x433: {  	[tilespmem:s5], [sflag:$0x2] =	stream.indirect_vreg.gather [hbm4b:s14+s2], $0x80, v24, vm0, $0xb8;
	[tilespmem:$0x18B00] =	vst v63  }
0x434: {  	v23 =	vperm.xlane v23, v22;
	s7 =	simm.s32 $0xA800  }
0x435: {  	[tilespmem:s7], [sflag:$0x2] =	stream.indirect_vreg.gather [hbm4b:s15+s2], $0x80, v24, vm0, $0xb8;
	[tilespmem:$0x18B00] =	vst v63  }
0x436: {  	v23 =	vadd.s32 v21, v23;
	s9 =	simm.s32 $0xB000  }
0x437: {  	[tilespmem:s9], [sflag:$0x2] =	stream.indirect_vreg.gather [hbm4b:s16+s2], $0x80, v24, vm0, $0xb8;
	[tilespmem:$0x18B00] =	vst v63  }
0x438: {  	s20 =	simm.s32 $0xB800  }
0x439: {  	[tilespmem:s20], [sflag:$0x2] =	stream.indirect_vreg.gather [hbm4b:s17+s2], $0x80, v24, vm0, $0xb8;
	[tilespmem:$0x18B00] =	vst v63  }
0x43a: {  	s5 =	simm.s32 $0xC000  }
0x43b: {  	[tilespmem:s5], [sflag:$0x2] =	stream.indirect_vreg.gather [hbm4b:s1+s2], $0x80, v23, vm0, $0xb8;
	[tilespmem:$0x18B00] =	vst v63  }
0x43c: {  	s7 =	simm.s32 $0xC800  }
0x43d: {  	[tilespmem:s7], [sflag:$0x2] =	stream.indirect_vreg.gather [hbm4b:s11+s2], $0x80, v23, vm0, $0xb8;
	[tilespmem:$0x18B00] =	vst v63  }
0x43e: {  	s9 =	simm.s32 $0xD000  }
0x43f: {  	[tilespmem:s9], [sflag:$0x2] =	stream.indirect_vreg.gather [hbm4b:s12+s2], $0x80, v23, vm0, $0xb8;
	[tilespmem:$0x18B00] =	vst v63  }
0x440: {  	s20 =	simm.s32 $0xD800  }
0x441: {  	[tilespmem:s20], [sflag:$0x2] =	stream.indirect_vreg.gather [hbm4b:s13+s2], $0x80, v23, vm0, $0xb8;
	[tilespmem:$0x18B00] =	vst v63  }
0x442: {  	s5 =	simm.s32 $0xE000  }
0x443: {  	[tilespmem:s5], [sflag:$0x2] =	stream.indirect_vreg.gather [hbm4b:s14+s2], $0x80, v23, vm0, $0xb8;
	[tilespmem:$0x18B00] =	vst v63  }
0x444: {  	s7 =	simm.s32 $0xE800  }
0x445: {  	[tilespmem:s7], [sflag:$0x2] =	stream.indirect_vreg.gather [hbm4b:s15+s2], $0x80, v23, vm0, $0xb8;
	[tilespmem:$0x18B00] =	vst v63  }
0x446: {  	s9 =	simm.s32 $0xF000  }
0x447: {  	[tilespmem:s9], [sflag:$0x2] =	stream.indirect_vreg.gather [hbm4b:s16+s2], $0x80, v23, vm0, $0xb8;
	[tilespmem:$0x18B00] =	vst v63  }
.Ltmp34:
0x448: {  	s20 =	simm.s32 $0xF800;
	(pc) =	sbr.rel .LBB2_64-.Ltmp34, $4  }
0x449: {  	[tilespmem:s20], [sflag:$0x2] =	stream.indirect_vreg.gather [hbm4b:s17+s2], $0x80, v23, vm0, $0xb8;
	[tilespmem:$0x18B00] =	vst v63  }
0x44a: {  	_ =	swait.ge [sflag:s8], $0x8000  }
0x44b: {  	[sflag:s8] =	ssyncset.done $0x0  }
0x44c: {  	[sflag:s8] =	ssyncadd.s32 $0xFFFF8000  }
.LBB2_66:
0x44d: {  	_ =	sfence.sel $0x180000  }
0x44e: {  	[bflag:$0x0] =	sbarrier.arrive $0xFFFF  }
0x44f: {  	_ =	strace $0x90000047  }
0x450: {  	s0 =	stileid.u32;
	[bflag:$0x2] =	sbarrier.arrive $0xFFFF  }
0x451: {  	p0 =	sne.s32 s0, $0x0;
	s0 =	rddreg [dreg:$0x3]  }
0x452: {  	s0 =	sadd.s32 @!p0 $0x100000, s0  }
0x453: {  	[sflag:s0] =	ssyncadd.tile.s32 @!p0 $0x1;
	_ =	shalt  }
.Lfunc_end2:
_tile_overlayer_lowered:
.L_overlay_start_2:
0x454: {  	(tag) =	ssettag $0x2  }
0x455: {  	s0 =	rddreg [dreg:$0x0];
	s2 =	stileid.u32  }
0x456: {  	s1 =	rddreg [dreg:$0x1];
	p0 =	sne.s32 s2, $0x0  }
0x457: {  	s3 =	rddreg [dreg:$0x2];
	[bflag:$0x3] =	sbarrier.arrive $0xFFFF;
	s2 =	simm.s32 @!p0 $0x1C05  }
0x458: {  	[timem:s3], [sflag:s2] =	dma.local @!p0 [hbm:s0], s1  }
0x459: {  	s0 =	simm.s32 @!p0 $0x5  }
0x45a: {  	_ =	swait.ge @!p0 [sflag:s0], s1  }
0x45b: {  	s1 =	ssub.s32 @!p0 $0x0, s1;
	[sflag:s0] =	ssyncset.done @!p0 $0x0  }
0x45c: {  	[sflag:s0] =	ssyncadd.s32 @!p0 s1  }
0x45d: {  	[bflag:$0x3] =	sbarrier.arrive $0xFFFF  }
0x45e: {  	_ =	shalt  }

</sc_bundles>
